<compile_context>
chip_gen: v7x
topology: tpu7x:2x2x1
jax: 0.10.2.dev20260603
libtpu: 0.0.44.dev20260713+nightly
codegen_flags: <defaults>
</compile_context>

<pallas_src>
import functools
import numpy as np
import jax
import jax.numpy as jnp
from jax import lax
from jax.experimental import pallas as pl
from jax.experimental.pallas import tpu as pltpu
from jax.experimental.pallas import tpu_sc as plsc

N0 = 100000
N1 = 10000
N2 = 1000
D = 128
EPS = 1e-5
BN_SCALE = np.float32(1.0 / np.sqrt(1.0 + EPS))

NC = 2
NS = 16
NW = NC * NS
CH = 64
NB = 5


def _make_segsum(num_rows, num_segs, ch, nb):
    full = num_rows // ch
    tail = num_rows - full * ch
    maxc = -(-full // NW)
    stripe = 400 if num_segs % 400 == 0 else 200
    zstripes = num_segs // stripe
    zper = -(-zstripes // NS)
    zfull = num_segs // ch
    ztail = num_segs - zfull * ch
    assert full // NW >= nb
    mesh = plsc.VectorSubcoreMesh(core_axis_name="c", subcore_axis_name="s")

    scratch = [
        pltpu.VMEM((maxc * ch,), jnp.int32),
        pltpu.VMEM((nb, ch, D), jnp.float32),
        pltpu.VMEM_SHARED((num_segs, D), jnp.float32),
    ]
    scratch += [pltpu.SemaphoreType.DMA] * (2 * nb)
    if tail:
        scratch.append(pltpu.VMEM((tail,), jnp.int32))

    @functools.partial(
        pl.kernel,
        out_type=jax.ShapeDtypeStruct((NC, num_segs, D), jnp.float32),
        mesh=mesh,
        scratch_types=scratch,
    )
    def seg_kernel(x_hbm, idx_hbm, zeros_hbm, out_hbm, idx_all, rows2, acc,
                   *sems_and_tail):
        c = lax.axis_index("c")
        s = lax.axis_index("s")
        w = s * NC + c
        sems = sems_and_tail[:nb]
        ssems = sems_and_tail[nb:2 * nb]
        maybe_tail = sems_and_tail[2 * nb:]
        lo = (w * full) // NW
        hi = ((w + 1) * full) // NW
        cnt = hi - lo

        def load(j, b):
            return pltpu.make_async_copy(
                x_hbm.at[pl.ds((lo + j) * ch, ch)], rows2.at[b], sems[b])

        def scat(j, b):
            return pltpu.make_async_copy(
                rows2.at[b], acc.at[idx_all.at[pl.ds(j * ch, ch)]], ssems[b])

        for b in range(nb - 1):
            @pl.when(b < cnt)
            def _():
                load(b, b).start()

        pltpu.sync_copy(idx_hbm.at[pl.ds(lo * ch, maxc * ch)], idx_all)

        pltpu.sync_copy(zeros_hbm, rows2.at[nb - 1])
        for t in range(-(-(zfull + (1 if ztail else 0)) // NS)):
            zc = s + NS * t

            @pl.when(zc < zfull)
            def _():
                pltpu.sync_copy(rows2.at[nb - 1], acc.at[pl.ds(zc * ch, ch)])

            if ztail:
                @pl.when(zc == zfull)
                def _():
                    pltpu.sync_copy(rows2.at[nb - 1, pl.ds(0, ztail)],
                                    acc.at[pl.ds(zfull * ch, ztail)])

        plsc.subcore_barrier()

        def body(k, carry):
            for bb in range(nb):
                j = nb * k + bb

                @pl.when(j < cnt)
                def _():
                    load(j, bb).wait()
                    pltpu.async_copy(rows2.at[bb],
                                     acc.at[idx_all.at[pl.ds(j * ch, ch)]],
                                     ssems[bb], add=True)

                    @pl.when(j + nb - 1 < cnt)
                    def _():
                        @pl.when(j >= 1)
                        def _():
                            scat(j - 1, (bb - 1) % nb).wait()

                        load(j + nb - 1, (bb - 1) % nb).start()

            return carry

        lax.fori_loop(0, -(-maxc // nb), body, 0)

        for b in range(nb):
            scat(b, b).wait()

        if tail:
            idxt_v = maybe_tail[0]

            @pl.when(w == NW - 1)
            def _():
                pltpu.sync_copy(idx_hbm.at[pl.ds(full * ch, tail)], idxt_v)
                pltpu.sync_copy(x_hbm.at[pl.ds(full * ch, tail)],
                                rows2.at[0, pl.ds(0, tail)])
                pltpu.sync_copy(rows2.at[0, pl.ds(0, tail)], acc.at[idxt_v],
                                add=True)

        plsc.subcore_barrier()

        for t in range(zper):
            st = s * zper + t

            @pl.when(st < zstripes)
            def _():
                pltpu.sync_copy(acc.at[pl.ds(st * stripe, stripe)],
                                out_hbm.at[c, pl.ds(st * stripe, stripe)])

    return seg_kernel


_segsum1 = _make_segsum(N0, N1, CH, NB)
_segsum2 = _make_segsum(N1, N2, CH, 4)


def _mlp_chain(x, w1, b1, g1, be1, w2, b2, g2, be2):
    h = jnp.dot(x, w1, preferred_element_type=jnp.float32) + b1
    h = jnp.maximum(h * (g1 * BN_SCALE) + be1, 0.0)
    h = jnp.dot(h, w2, preferred_element_type=jnp.float32) + b2
    return jnp.maximum(h * (g2 * BN_SCALE) + be2, 0.0)


RB = 5000


def _stage1_body(p_ref, w1_ref, b1_ref, g_ref, be_ref, w2_ref, b2_ref,
                 bg_ref, bb_ref, h1_ref, p0_ref, p1_ref):
    i = pl.program_id(0)

    @pl.when(i == 0)
    def _():
        p0_ref[...] = jnp.zeros_like(p0_ref)
        p1_ref[...] = jnp.zeros_like(p1_ref)

    x = p_ref[0] + p_ref[1]
    p0_ref[...] += jnp.sum(x, axis=0, keepdims=True)
    h1 = _mlp_chain(x, w1_ref[...], b1_ref[...], g_ref[...], be_ref[...],
                    w2_ref[...], b2_ref[...], bg_ref[...], bb_ref[...])
    h1_ref[...] = h1
    p1_ref[...] += jnp.sum(h1, axis=0, keepdims=True)


_stage1 = pl.pallas_call(
    _stage1_body,
    grid=(N1 // RB,),
    in_specs=[
        pl.BlockSpec((NC, RB, D), lambda i: (0, i, 0)),
        pl.BlockSpec((D, D), lambda i: (0, 0)),
        pl.BlockSpec((1, D), lambda i: (0, 0)),
        pl.BlockSpec((1, D), lambda i: (0, 0)),
        pl.BlockSpec((1, D), lambda i: (0, 0)),
        pl.BlockSpec((D, D), lambda i: (0, 0)),
        pl.BlockSpec((1, D), lambda i: (0, 0)),
        pl.BlockSpec((1, D), lambda i: (0, 0)),
        pl.BlockSpec((1, D), lambda i: (0, 0)),
    ],
    out_specs=[
        pl.BlockSpec((RB, D), lambda i: (i, 0)),
        pl.BlockSpec((1, D), lambda i: (0, 0)),
        pl.BlockSpec((1, D), lambda i: (0, 0)),
    ],
    out_shape=[
        jax.ShapeDtypeStruct((N1, D), jnp.float32),
        jax.ShapeDtypeStruct((1, D), jnp.float32),
        jax.ShapeDtypeStruct((1, D), jnp.float32),
    ],
)


def _stage2_body(p2_ref, w1_ref, b1_ref, g_ref, be_ref, w2_ref, b2_ref,
                 bg_ref, bb_ref, p0w_ref, p0b_ref, p1w_ref, p1b_ref,
                 p2w_ref, p2b_ref, pool0_ref, pool1_ref, out_ref):
    x = p2_ref[0] + p2_ref[1]
    h2 = _mlp_chain(x, w1_ref[...], b1_ref[...], g_ref[...], be_ref[...],
                    w2_ref[...], b2_ref[...], bg_ref[...], bb_ref[...])
    base = (jnp.dot(pool0_ref[...], p0w_ref[...],
                    preferred_element_type=jnp.float32) + p0b_ref[...]
            + jnp.dot(pool1_ref[...], p1w_ref[...],
                      preferred_element_type=jnp.float32) + p1b_ref[...])
    out_ref[...] = (jnp.dot(h2, p2w_ref[...],
                            preferred_element_type=jnp.float32)
                    + p2b_ref[...] + base)


_stage2 = pl.pallas_call(
    _stage2_body,
    out_shape=jax.ShapeDtypeStruct((N2, D), jnp.float32),
)


def kernel(inputs, parent_idx1, parent_idx2,
           mlp1_w1, mlp1_b1, mlp1_g, mlp1_beta, mlp1_w2, mlp1_b2, bn1_g, bn1_b,
           mlp2_w1, mlp2_b1, mlp2_g, mlp2_beta, mlp2_w2, mlp2_b2, bn2_g, bn2_b,
           pred0_w, pred0_b, pred1_w, pred1_b, pred2_w, pred2_b):
    h0 = inputs.reshape(N0, D)
    zeros = jnp.zeros((CH, D), jnp.float32)
    r = lambda v: v.reshape(1, D)

    part1 = _segsum1(h0, parent_idx1, zeros)
    h1, pool0, pool1 = _stage1(part1, mlp1_w1, r(mlp1_b1), r(mlp1_g),
                               r(mlp1_beta), mlp1_w2, r(mlp1_b2), r(bn1_g),
                               r(bn1_b))
    part2 = _segsum2(h1, parent_idx2, zeros)
    logits = _stage2(part2, mlp2_w1, r(mlp2_b1), r(mlp2_g), r(mlp2_beta),
                     mlp2_w2, r(mlp2_b2), r(bn2_g), r(bn2_b),
                     pred0_w, r(pred0_b), pred1_w, r(pred1_b),
                     pred2_w, r(pred2_b), pool0, pool1)
    return logits

# --- scband reference (transcript-rebuilt; emitter-appended) ---
"""Pipeline reference for scband-tree-isomorphism-network-2937757630885 (READ-ONLY COPY).

The authoritative reference and input builder live on the scoring server;
editing this copy changes nothing except your own understanding.
"""

import jax, jax.numpy as jnp
import numpy as np

N0 = 100000
N1 = 10000
N2 = 1000
IN_DIM = 128
HID = 128
OUT = 128
EPS = 1e-5


def setup_inputs(seed: int = 0) -> dict:
    key = jax.random.key(seed)
    ks = jax.random.split(key, 16)
    s_in = 1.0 / np.sqrt(IN_DIM)
    s_h = 1.0 / np.sqrt(HID)
    inp = {}
    inp["inputs"] = jax.random.normal(ks[0], (1, N0, IN_DIM), dtype=jnp.float32)
    inp["parent_idx1"] = jnp.sort(jax.random.randint(ks[1], (N0,), 0, N1, dtype=jnp.int32))
    inp["parent_idx2"] = jnp.sort(jax.random.randint(ks[2], (N1,), 0, N2, dtype=jnp.int32))
    inp["mlp1_w1"] = jax.random.normal(ks[3], (IN_DIM, HID), dtype=jnp.float32) * s_in
    inp["mlp1_b1"] = jnp.zeros((HID,), jnp.float32)
    inp["mlp1_g"] = jnp.ones((HID,), jnp.float32)
    inp["mlp1_beta"] = jnp.zeros((HID,), jnp.float32)
    inp["mlp1_w2"] = jax.random.normal(ks[4], (HID, HID), dtype=jnp.float32) * s_h
    inp["mlp1_b2"] = jnp.zeros((HID,), jnp.float32)
    inp["bn1_g"] = jnp.ones((HID,), jnp.float32)
    inp["bn1_b"] = jnp.zeros((HID,), jnp.float32)
    inp["mlp2_w1"] = jax.random.normal(ks[5], (HID, HID), dtype=jnp.float32) * s_h
    inp["mlp2_b1"] = jnp.zeros((HID,), jnp.float32)
    inp["mlp2_g"] = jnp.ones((HID,), jnp.float32)
    inp["mlp2_beta"] = jnp.zeros((HID,), jnp.float32)
    inp["mlp2_w2"] = jax.random.normal(ks[6], (HID, HID), dtype=jnp.float32) * s_h
    inp["mlp2_b2"] = jnp.zeros((HID,), jnp.float32)
    inp["bn2_g"] = jnp.ones((HID,), jnp.float32)
    inp["bn2_b"] = jnp.zeros((HID,), jnp.float32)
    inp["pred0_w"] = jax.random.normal(ks[7], (IN_DIM, OUT), dtype=jnp.float32) * s_in
    inp["pred0_b"] = jnp.zeros((OUT,), jnp.float32)
    inp["pred1_w"] = jax.random.normal(ks[8], (HID, OUT), dtype=jnp.float32) * s_h
    inp["pred1_b"] = jnp.zeros((OUT,), jnp.float32)
    inp["pred2_w"] = jax.random.normal(ks[9], (HID, OUT), dtype=jnp.float32) * s_h
    inp["pred2_b"] = jnp.zeros((OUT,), jnp.float32)
    return inp


def reference(inputs, parent_idx1, parent_idx2,
              mlp1_w1, mlp1_b1, mlp1_g, mlp1_beta, mlp1_w2, mlp1_b2, bn1_g, bn1_b,
              mlp2_w1, mlp2_b1, mlp2_g, mlp2_beta, mlp2_w2, mlp2_b2, bn2_g, bn2_b,
              pred0_w, pred0_b, pred1_w, pred1_b, pred2_w, pred2_b):
    # BatchNorm in eval mode with running_mean=0, running_var=1
    def bn(x, g, b):
        return x * (g / jnp.sqrt(1.0 + EPS)) + b

    # GIN-style 2-layer MLP: Linear -> BN -> ReLU -> Linear
    def mlp(x, w1, b1, g, be, w2, b2):
        h = x @ w1 + b1
        h = jax.nn.relu(bn(h, g, be))
        return h @ w2 + b2

    B = inputs.shape[0]
    h0 = inputs.reshape(-1, IN_DIM)
    # layer 1: sparse child->parent sum pooling (spmm with 0/1 adjacency)
    pooled1 = jax.ops.segment_sum(h0, parent_idx1, num_segments=N1)
    h1 = jax.nn.relu(bn(mlp(pooled1, mlp1_w1, mlp1_b1, mlp1_g, mlp1_beta, mlp1_w2, mlp1_b2), bn1_g, bn1_b))
    # layer 2
    pooled2 = jax.ops.segment_sum(h1, parent_idx2, num_segments=N2)
    h2 = jax.nn.relu(bn(mlp(pooled2, mlp2_w1, mlp2_b1, mlp2_g, mlp2_beta, mlp2_w2, mlp2_b2), bn2_g, bn2_b))
    # tree 'sum' pooling over layers 0..depth-1, plus final per-root prediction
    pool_h0 = jnp.sum(h0.reshape(B, -1, IN_DIM), axis=1)
    pool_h1 = jnp.sum(h1.reshape(B, -1, HID), axis=1)
    logits = pool_h0 @ pred0_w + pred0_b
    logits = logits + (pool_h1 @ pred1_w + pred1_b)
    logits = logits + (h2 @ pred2_w + pred2_b)
    return logits

if __name__ == "__main__":
    import jax
    _d = setup_inputs()
    print(jax.jit(kernel)(*tuple(_d.values())))

</pallas_src>

<mosaic_0001>
#map = affine_map<(d0, d1) -> (0, 0)>
#map1 = affine_map<(d0, d1) -> (0)>
#map2 = affine_map<(d0, d1) -> (0, 0, 0)>
module attributes {stable_mosaic.version = 14 : i64} {
  func.func @seg_kernel(%arg0: i32, %arg1: i32, %arg2: memref<10000x128xf32, #tpu.memory_space<hbm>>, %arg3: memref<10000xi32, #tpu.memory_space<hbm>>, %arg4: memref<64x128xf32, #tpu.memory_space<hbm>>, %arg5: memref<2x1000x128xf32, #tpu.memory_space<hbm>>, %arg6: memref<320xi32, #tpu.memory_space<vmem>>, %arg7: memref<4x64x128xf32, #tpu.memory_space<vmem>>, %arg8: memref<1000x128xf32, #tpu.memory_space<vmem_shared>>, %arg9: memref<!tpu.dma_semaphore, #tpu.memory_space<semaphore_mem>>, %arg10: memref<!tpu.dma_semaphore, #tpu.memory_space<semaphore_mem>>, %arg11: memref<!tpu.dma_semaphore, #tpu.memory_space<semaphore_mem>>, %arg12: memref<!tpu.dma_semaphore, #tpu.memory_space<semaphore_mem>>, %arg13: memref<!tpu.dma_semaphore, #tpu.memory_space<semaphore_mem>>, %arg14: memref<!tpu.dma_semaphore, #tpu.memory_space<semaphore_mem>>, %arg15: memref<!tpu.dma_semaphore, #tpu.memory_space<semaphore_mem>>, %arg16: memref<!tpu.dma_semaphore, #tpu.memory_space<semaphore_mem>>, %arg17: memref<16xi32, #tpu.memory_space<vmem>>) attributes {dimension_semantics = [#tpu.dimension_semantics<core_parallel>, #tpu.dimension_semantics<subcore_parallel>], iteration_bounds = array<i64: 2, 16>, scalar_prefetch = 0 : i64, scratch_operands = 12 : i64, tpu.core_type = #tpu.core_type<sc_vector_subcore>, window_params = [{transform_indices = #map}, {transform_indices = #map1}, {transform_indices = #map}, {transform_indices = #map2}]} {
    %mul3A = arith.constant 2 : i32
    %mul3A_0 = arith.muli %arg1, %mul3A : i32
    %add3A = arith.addi %mul3A_0, %arg0 : i32
    %mul3A_1 = arith.constant 156 : i32
    %mul3A_2 = arith.muli %add3A, %mul3A_1 : i32
    %jit3A = arith.constant 32 : i32
    %div3A = arith.divsi %mul3A_2, %jit3A : i32
    %sign3A = arith.constant 0 : i32
    %sign3A_3 = arith.cmpi sgt, %mul3A_2, %sign3A : i32
    %sign3A_4 = arith.extui %sign3A_3 : i1 to i32
    %sign3A_5 = arith.constant 0 : i32
    %sign3A_6 = arith.cmpi slt, %mul3A_2, %sign3A_5 : i32
    %sign3A_7 = arith.extui %sign3A_6 : i1 to i32
    %sign3A_8 = arith.subi %sign3A_4, %sign3A_7 : i32
    %sign3A_9 = arith.constant 0 : i32
    %sign3A_10 = arith.cmpi sgt, %jit3A, %sign3A_9 : i32
    %sign3A_11 = arith.extui %sign3A_10 : i1 to i32
    %sign3A_12 = arith.constant 0 : i32
    %sign3A_13 = arith.cmpi slt, %jit3A, %sign3A_12 : i32
    %sign3A_14 = arith.extui %sign3A_13 : i1 to i32
    %sign3A_15 = arith.subi %sign3A_11, %sign3A_14 : i32
    %ne3A = arith.cmpi ne, %sign3A_8, %sign3A_15 : i32
    %rem3A = arith.remsi %mul3A_2, %jit3A : i32
    %ne3A_16 = arith.constant 0 : i32
    %ne3A_17 = arith.cmpi ne, %rem3A, %ne3A_16 : i32
    %and3A = arith.andi %ne3A, %ne3A_17 : i1
    %sub3A = arith.constant 1 : i32
    %sub3A_18 = arith.subi %div3A, %sub3A : i32
    %select_n3A = arith.select %and3A, %sub3A_18, %div3A : i32
    %add3A_19 = arith.constant 1 : i32
    %add3A_20 = arith.addi %add3A, %add3A_19 : i32
    %mul3A_21 = arith.constant 156 : i32
    %mul3A_22 = arith.muli %add3A_20, %mul3A_21 : i32
    %jit3A_23 = arith.constant 32 : i32
    %div3A_24 = arith.divsi %mul3A_22, %jit3A_23 : i32
    %sign3A_25 = arith.constant 0 : i32
    %sign3A_26 = arith.cmpi sgt, %mul3A_22, %sign3A_25 : i32
    %sign3A_27 = arith.extui %sign3A_26 : i1 to i32
    %sign3A_28 = arith.constant 0 : i32
    %sign3A_29 = arith.cmpi slt, %mul3A_22, %sign3A_28 : i32
    %sign3A_30 = arith.extui %sign3A_29 : i1 to i32
    %sign3A_31 = arith.subi %sign3A_27, %sign3A_30 : i32
    %sign3A_32 = arith.constant 0 : i32
    %sign3A_33 = arith.cmpi sgt, %jit3A_23, %sign3A_32 : i32
    %sign3A_34 = arith.extui %sign3A_33 : i1 to i32
    %sign3A_35 = arith.constant 0 : i32
    %sign3A_36 = arith.cmpi slt, %jit3A_23, %sign3A_35 : i32
    %sign3A_37 = arith.extui %sign3A_36 : i1 to i32
    %sign3A_38 = arith.subi %sign3A_34, %sign3A_37 : i32
    %ne3A_39 = arith.cmpi ne, %sign3A_31, %sign3A_38 : i32
    %rem3A_40 = arith.remsi %mul3A_22, %jit3A_23 : i32
    %ne3A_41 = arith.constant 0 : i32
    %ne3A_42 = arith.cmpi ne, %rem3A_40, %ne3A_41 : i32
    %and3A_43 = arith.andi %ne3A_39, %ne3A_42 : i1
    %sub3A_44 = arith.constant 1 : i32
    %sub3A_45 = arith.subi %div3A_24, %sub3A_44 : i32
    %select_n3A_46 = arith.select %and3A_43, %sub3A_45, %div3A_24 : i32
    %sub3A_47 = arith.subi %select_n3A_46, %select_n3A : i32
    %gt3A = arith.constant 0 : i32
    %gt3A_48 = arith.cmpi sgt, %sub3A_47, %gt3A : i32
    %convert_element_type3A = arith.extui %gt3A_48 : i1 to i32
    %cond3A = arith.constant 0 : i32
    %cond3A_49 = arith.cmpi ne, %convert_element_type3A, %cond3A : i32
    scf.if %cond3A_49 {
      %add3A_131 = arith.constant 0 : i32
      %add3A_132 = arith.addi %select_n3A, %add3A_131 : i32
      %mul3A_133 = arith.constant 64 : i32
      %mul3A_134 = arith.muli %add3A_132, %mul3A_133 : i32
      %dma_start3A = arith.constant 0 : i32
      %dma_start3A_135 = arith.constant 0 : i32
      %dma_start3A_136 = arith.constant 0 : i32
      %dma_start3A_137 = tpu.memref_slice %arg7[%dma_start3A, %dma_start3A_135, %dma_start3A_136] : memref<4x64x128xf32, #tpu.memory_space<vmem>> -> memref<1x64x128xf32, #tpu.memory_space<vmem>>
      %dma_start3A_138 = tpu.memref_squeeze %dma_start3A_137 : memref<1x64x128xf32, #tpu.memory_space<vmem>> -> memref<64x128xf32, #tpu.memory_space<vmem>>
      %dma_start3A_139 = arith.constant 0 : i32
      %dma_start3A_140 = tpu.memref_slice %arg2[%mul3A_134, %dma_start3A_139] : memref<10000x128xf32, #tpu.memory_space<hbm>> -> memref<64x128xf32, #tpu.memory_space<hbm>>
      %dma_start3A_141 = arith.constant 0 : i32
      %dma_start3A_142 = arith.constant 0 : i32
      %dma_start3A_143 = tpu.memref_slice %arg7[%dma_start3A, %dma_start3A_141, %dma_start3A_142] : memref<4x64x128xf32, #tpu.memory_space<vmem>> -> memref<1x64x128xf32, #tpu.memory_space<vmem>>
      %dma_start3A_144 = tpu.memref_squeeze %dma_start3A_143 : memref<1x64x128xf32, #tpu.memory_space<vmem>> -> memref<64x128xf32, #tpu.memory_space<vmem>>
      %dma_start3A_145 = arith.constant 0 : i32
      %dma_start3A_146 = tpu.memref_slice %arg2[%mul3A_134, %dma_start3A_145] : memref<10000x128xf32, #tpu.memory_space<hbm>> -> memref<64x128xf32, #tpu.memory_space<hbm>>
      tpu.enqueue_dma source(%dma_start3A_146 : memref<64x128xf32, #tpu.memory_space<hbm>>) target(%dma_start3A_144 : memref<64x128xf32, #tpu.memory_space<vmem>>) target_semaphore(%arg9 : memref<!tpu.dma_semaphore, #tpu.memory_space<semaphore_mem>>)
    } else {
    }
    %gt3A_50 = arith.constant 1 : i32
    %gt3A_51 = arith.cmpi sgt, %sub3A_47, %gt3A_50 : i32
    %convert_element_type3A_52 = arith.extui %gt3A_51 : i1 to i32
    %cond3A_53 = arith.constant 0 : i32
    %cond3A_54 = arith.cmpi ne, %convert_element_type3A_52, %cond3A_53 : i32
    scf.if %cond3A_54 {
      %add3A_131 = arith.constant 1 : i32
      %add3A_132 = arith.addi %select_n3A, %add3A_131 : i32
      %mul3A_133 = arith.constant 64 : i32
      %mul3A_134 = arith.muli %add3A_132, %mul3A_133 : i32
      %dma_start3A = arith.constant 1 : i32
      %dma_start3A_135 = arith.constant 0 : i32
      %dma_start3A_136 = arith.constant 0 : i32
      %dma_start3A_137 = tpu.memref_slice %arg7[%dma_start3A, %dma_start3A_135, %dma_start3A_136] : memref<4x64x128xf32, #tpu.memory_space<vmem>> -> memref<1x64x128xf32, #tpu.memory_space<vmem>>
      %dma_start3A_138 = tpu.memref_squeeze %dma_start3A_137 : memref<1x64x128xf32, #tpu.memory_space<vmem>> -> memref<64x128xf32, #tpu.memory_space<vmem>>
      %dma_start3A_139 = arith.constant 0 : i32
      %dma_start3A_140 = tpu.memref_slice %arg2[%mul3A_134, %dma_start3A_139] : memref<10000x128xf32, #tpu.memory_space<hbm>> -> memref<64x128xf32, #tpu.memory_space<hbm>>
      %dma_start3A_141 = arith.constant 0 : i32
      %dma_start3A_142 = arith.constant 0 : i32
      %dma_start3A_143 = tpu.memref_slice %arg7[%dma_start3A, %dma_start3A_141, %dma_start3A_142] : memref<4x64x128xf32, #tpu.memory_space<vmem>> -> memref<1x64x128xf32, #tpu.memory_space<vmem>>
      %dma_start3A_144 = tpu.memref_squeeze %dma_start3A_143 : memref<1x64x128xf32, #tpu.memory_space<vmem>> -> memref<64x128xf32, #tpu.memory_space<vmem>>
      %dma_start3A_145 = arith.constant 0 : i32
      %dma_start3A_146 = tpu.memref_slice %arg2[%mul3A_134, %dma_start3A_145] : memref<10000x128xf32, #tpu.memory_space<hbm>> -> memref<64x128xf32, #tpu.memory_space<hbm>>
      tpu.enqueue_dma source(%dma_start3A_146 : memref<64x128xf32, #tpu.memory_space<hbm>>) target(%dma_start3A_144 : memref<64x128xf32, #tpu.memory_space<vmem>>) target_semaphore(%arg10 : memref<!tpu.dma_semaphore, #tpu.memory_space<semaphore_mem>>)
    } else {
    }
    %gt3A_55 = arith.constant 2 : i32
    %gt3A_56 = arith.cmpi sgt, %sub3A_47, %gt3A_55 : i32
    %convert_element_type3A_57 = arith.extui %gt3A_56 : i1 to i32
    %cond3A_58 = arith.constant 0 : i32
    %cond3A_59 = arith.cmpi ne, %convert_element_type3A_57, %cond3A_58 : i32
    scf.if %cond3A_59 {
      %add3A_131 = arith.constant 2 : i32
      %add3A_132 = arith.addi %select_n3A, %add3A_131 : i32
      %mul3A_133 = arith.constant 64 : i32
      %mul3A_134 = arith.muli %add3A_132, %mul3A_133 : i32
      %dma_start3A = arith.constant 2 : i32
      %dma_start3A_135 = arith.constant 0 : i32
      %dma_start3A_136 = arith.constant 0 : i32
      %dma_start3A_137 = tpu.memref_slice %arg7[%dma_start3A, %dma_start3A_135, %dma_start3A_136] : memref<4x64x128xf32, #tpu.memory_space<vmem>> -> memref<1x64x128xf32, #tpu.memory_space<vmem>>
      %dma_start3A_138 = tpu.memref_squeeze %dma_start3A_137 : memref<1x64x128xf32, #tpu.memory_space<vmem>> -> memref<64x128xf32, #tpu.memory_space<vmem>>
      %dma_start3A_139 = arith.constant 0 : i32
      %dma_start3A_140 = tpu.memref_slice %arg2[%mul3A_134, %dma_start3A_139] : memref<10000x128xf32, #tpu.memory_space<hbm>> -> memref<64x128xf32, #tpu.memory_space<hbm>>
      %dma_start3A_141 = arith.constant 0 : i32
      %dma_start3A_142 = arith.constant 0 : i32
      %dma_start3A_143 = tpu.memref_slice %arg7[%dma_start3A, %dma_start3A_141, %dma_start3A_142] : memref<4x64x128xf32, #tpu.memory_space<vmem>> -> memref<1x64x128xf32, #tpu.memory_space<vmem>>
      %dma_start3A_144 = tpu.memref_squeeze %dma_start3A_143 : memref<1x64x128xf32, #tpu.memory_space<vmem>> -> memref<64x128xf32, #tpu.memory_space<vmem>>
      %dma_start3A_145 = arith.constant 0 : i32
      %dma_start3A_146 = tpu.memref_slice %arg2[%mul3A_134, %dma_start3A_145] : memref<10000x128xf32, #tpu.memory_space<hbm>> -> memref<64x128xf32, #tpu.memory_space<hbm>>
      tpu.enqueue_dma source(%dma_start3A_146 : memref<64x128xf32, #tpu.memory_space<hbm>>) target(%dma_start3A_144 : memref<64x128xf32, #tpu.memory_space<vmem>>) target_semaphore(%arg11 : memref<!tpu.dma_semaphore, #tpu.memory_space<semaphore_mem>>)
    } else {
    }
    %mul3A_60 = arith.constant 64 : i32
    %mul3A_61 = arith.muli %select_n3A, %mul3A_60 : i32
    "tpu.region"() ({
      %run_scoped3A_131 = tpu.sem_alloc : memref<!tpu.dma_semaphore, #tpu.memory_space<semaphore_mem>>
      %dma_start3A = tpu.memref_slice %arg3[%mul3A_61] : memref<10000xi32, #tpu.memory_space<hbm>> -> memref<320xi32, #tpu.memory_space<hbm>>
      %dma_start3A_132 = tpu.memref_slice %arg3[%mul3A_61] : memref<10000xi32, #tpu.memory_space<hbm>> -> memref<320xi32, #tpu.memory_space<hbm>>
      tpu.enqueue_dma source(%dma_start3A_132 : memref<320xi32, #tpu.memory_space<hbm>>) target(%arg6 : memref<320xi32, #tpu.memory_space<vmem>>) target_semaphore(%run_scoped3A_131 : memref<!tpu.dma_semaphore, #tpu.memory_space<semaphore_mem>>)
      %dma_wait3A_133 = tpu.memref_slice %arg3[%mul3A_61] : memref<10000xi32, #tpu.memory_space<hbm>> -> memref<320xi32, #tpu.memory_space<hbm>>
      %dma_wait3A_134 = tpu.memref_slice %arg3[%mul3A_61] : memref<10000xi32, #tpu.memory_space<hbm>> -> memref<320xi32, #tpu.memory_space<hbm>>
      tpu.wait_dma2 semaphore(%run_scoped3A_131 : memref<!tpu.dma_semaphore, #tpu.memory_space<semaphore_mem>>) src(%dma_wait3A_134 : memref<320xi32, #tpu.memory_space<hbm>>) dst(%arg6 : memref<320xi32, #tpu.memory_space<vmem>>)
      tpu.yield
    }) : () -> ()
    %run_scoped3A = arith.constant 3 : i32
    "tpu.region"() ({
      %run_scoped3A_131 = tpu.sem_alloc : memref<!tpu.dma_semaphore, #tpu.memory_space<semaphore_mem>>
      %dma_start3A = arith.constant 0 : i32
      %dma_start3A_132 = arith.constant 0 : i32
      %dma_start3A_133 = tpu.memref_slice %arg7[%run_scoped3A, %dma_start3A, %dma_start3A_132] : memref<4x64x128xf32, #tpu.memory_space<vmem>> -> memref<1x64x128xf32, #tpu.memory_space<vmem>>
      %dma_start3A_134 = tpu.memref_squeeze %dma_start3A_133 : memref<1x64x128xf32, #tpu.memory_space<vmem>> -> memref<64x128xf32, #tpu.memory_space<vmem>>
      %dma_start3A_135 = arith.constant 0 : i32
      %dma_start3A_136 = arith.constant 0 : i32
      %dma_start3A_137 = tpu.memref_slice %arg7[%run_scoped3A, %dma_start3A_135, %dma_start3A_136] : memref<4x64x128xf32, #tpu.memory_space<vmem>> -> memref<1x64x128xf32, #tpu.memory_space<vmem>>
      %dma_start3A_138 = tpu.memref_squeeze %dma_start3A_137 : memref<1x64x128xf32, #tpu.memory_space<vmem>> -> memref<64x128xf32, #tpu.memory_space<vmem>>
      tpu.enqueue_dma source(%arg4 : memref<64x128xf32, #tpu.memory_space<hbm>>) target(%dma_start3A_138 : memref<64x128xf32, #tpu.memory_space<vmem>>) target_semaphore(%run_scoped3A_131 : memref<!tpu.dma_semaphore, #tpu.memory_space<semaphore_mem>>)
      %dma_wait3A_139 = arith.constant 0 : i32
      %dma_wait3A_140 = arith.constant 0 : i32
      %dma_wait3A_141 = tpu.memref_slice %arg7[%run_scoped3A, %dma_wait3A_139, %dma_wait3A_140] : memref<4x64x128xf32, #tpu.memory_space<vmem>> -> memref<1x64x128xf32, #tpu.memory_space<vmem>>
      %dma_wait3A_142 = tpu.memref_squeeze %dma_wait3A_141 : memref<1x64x128xf32, #tpu.memory_space<vmem>> -> memref<64x128xf32, #tpu.memory_space<vmem>>
      %dma_wait3A_143 = arith.constant 0 : i32
      %dma_wait3A_144 = arith.constant 0 : i32
      %dma_wait3A_145 = tpu.memref_slice %arg7[%run_scoped3A, %dma_wait3A_143, %dma_wait3A_144] : memref<4x64x128xf32, #tpu.memory_space<vmem>> -> memref<1x64x128xf32, #tpu.memory_space<vmem>>
      %dma_wait3A_146 = tpu.memref_squeeze %dma_wait3A_145 : memref<1x64x128xf32, #tpu.memory_space<vmem>> -> memref<64x128xf32, #tpu.memory_space<vmem>>
      tpu.wait_dma2 semaphore(%run_scoped3A_131 : memref<!tpu.dma_semaphore, #tpu.memory_space<semaphore_mem>>) src(%arg4 : memref<64x128xf32, #tpu.memory_space<hbm>>) dst(%dma_wait3A_146 : memref<64x128xf32, #tpu.memory_space<vmem>>)
      tpu.yield
    }) : () -> ()
    %add3A_62 = arith.constant 0 : i32
    %add3A_63 = arith.addi %arg1, %add3A_62 : i32
    %lt3A = arith.constant 15 : i32
    %lt3A_64 = arith.cmpi slt, %add3A_63, %lt3A : i32
    %convert_element_type3A_65 = arith.extui %lt3A_64 : i1 to i32
    %cond3A_66 = arith.constant 0 : i32
    %cond3A_67 = arith.cmpi ne, %convert_element_type3A_65, %cond3A_66 : i32
    scf.if %cond3A_67 {
      %mul3A_131 = arith.constant 64 : i32
      %mul3A_132 = arith.muli %add3A_63, %mul3A_131 : i32
      %run_scoped3A_133 = arith.constant 3 : i32
      "tpu.region"() ({
        %run_scoped3A_134 = tpu.sem_alloc : memref<!tpu.dma_semaphore, #tpu.memory_space<semaphore_mem>>
        %dma_start3A = arith.constant 0 : i32
        %dma_start3A_135 = arith.constant 0 : i32
        %dma_start3A_136 = tpu.memref_slice %arg7[%run_scoped3A_133, %dma_start3A, %dma_start3A_135] : memref<4x64x128xf32, #tpu.memory_space<vmem>> -> memref<1x64x128xf32, #tpu.memory_space<vmem>>
        %dma_start3A_137 = tpu.memref_squeeze %dma_start3A_136 : memref<1x64x128xf32, #tpu.memory_space<vmem>> -> memref<64x128xf32, #tpu.memory_space<vmem>>
        %dma_start3A_138 = arith.constant 0 : i32
        %dma_start3A_139 = tpu.memref_slice %arg8[%mul3A_132, %dma_start3A_138] : memref<1000x128xf32, #tpu.memory_space<vmem_shared>> -> memref<64x128xf32, #tpu.memory_space<vmem_shared>>
        %dma_start3A_140 = arith.constant 0 : i32
        %dma_start3A_141 = tpu.memref_slice %arg8[%mul3A_132, %dma_start3A_140] : memref<1000x128xf32, #tpu.memory_space<vmem_shared>> -> memref<64x128xf32, #tpu.memory_space<vmem_shared>>
        %dma_start3A_142 = arith.constant 0 : i32
        %dma_start3A_143 = arith.constant 0 : i32
        %dma_start3A_144 = tpu.memref_slice %arg7[%run_scoped3A_133, %dma_start3A_142, %dma_start3A_143] : memref<4x64x128xf32, #tpu.memory_space<vmem>> -> memref<1x64x128xf32, #tpu.memory_space<vmem>>
        %dma_start3A_145 = tpu.memref_squeeze %dma_start3A_144 : memref<1x64x128xf32, #tpu.memory_space<vmem>> -> memref<64x128xf32, #tpu.memory_space<vmem>>
        tpu.enqueue_dma source(%dma_start3A_145 : memref<64x128xf32, #tpu.memory_space<vmem>>) target(%dma_start3A_141 : memref<64x128xf32, #tpu.memory_space<vmem_shared>>) target_semaphore(%run_scoped3A_134 : memref<!tpu.dma_semaphore, #tpu.memory_space<semaphore_mem>>)
        %dma_wait3A_146 = arith.constant 0 : i32
        %dma_wait3A_147 = arith.constant 0 : i32
        %dma_wait3A_148 = tpu.memref_slice %arg7[%run_scoped3A_133, %dma_wait3A_146, %dma_wait3A_147] : memref<4x64x128xf32, #tpu.memory_space<vmem>> -> memref<1x64x128xf32, #tpu.memory_space<vmem>>
        %dma_wait3A_149 = tpu.memref_squeeze %dma_wait3A_148 : memref<1x64x128xf32, #tpu.memory_space<vmem>> -> memref<64x128xf32, #tpu.memory_space<vmem>>
        %dma_wait3A_150 = arith.constant 0 : i32
        %dma_wait3A_151 = tpu.memref_slice %arg8[%mul3A_132, %dma_wait3A_150] : memref<1000x128xf32, #tpu.memory_space<vmem_shared>> -> memref<64x128xf32, #tpu.memory_space<vmem_shared>>
        %dma_wait3A_152 = arith.constant 0 : i32
        %dma_wait3A_153 = tpu.memref_slice %arg8[%mul3A_132, %dma_wait3A_152] : memref<1000x128xf32, #tpu.memory_space<vmem_shared>> -> memref<64x128xf32, #tpu.memory_space<vmem_shared>>
        %dma_wait3A_154 = arith.constant 0 : i32
        %dma_wait3A_155 = arith.constant 0 : i32
        %dma_wait3A_156 = tpu.memref_slice %arg7[%run_scoped3A_133, %dma_wait3A_154, %dma_wait3A_155] : memref<4x64x128xf32, #tpu.memory_space<vmem>> -> memref<1x64x128xf32, #tpu.memory_space<vmem>>
        %dma_wait3A_157 = tpu.memref_squeeze %dma_wait3A_156 : memref<1x64x128xf32, #tpu.memory_space<vmem>> -> memref<64x128xf32, #tpu.memory_space<vmem>>
        tpu.wait_dma2 semaphore(%run_scoped3A_134 : memref<!tpu.dma_semaphore, #tpu.memory_space<semaphore_mem>>) src(%dma_wait3A_157 : memref<64x128xf32, #tpu.memory_space<vmem>>) dst(%dma_wait3A_153 : memref<64x128xf32, #tpu.memory_space<vmem_shared>>)
        tpu.yield
      }) : () -> ()
    } else {
    }
    %eq3A = arith.constant 15 : i32
    %eq3A_68 = arith.cmpi eq, %add3A_63, %eq3A : i32
    %convert_element_type3A_69 = arith.extui %eq3A_68 : i1 to i32
    %cond3A_70 = arith.constant 0 : i32
    %cond3A_71 = arith.cmpi ne, %convert_element_type3A_69, %cond3A_70 : i32
    scf.if %cond3A_71 {
      %run_scoped3A_131 = arith.constant 3 : i32
      "tpu.region"() ({
        %run_scoped3A_132 = tpu.sem_alloc : memref<!tpu.dma_semaphore, #tpu.memory_space<semaphore_mem>>
        %dma_start3A = arith.constant 0 : i32
        %dma_start3A_133 = arith.constant 0 : i32
        %dma_start3A_134 = tpu.memref_slice %arg7[%run_scoped3A_131, %dma_start3A, %dma_start3A_133] : memref<4x64x128xf32, #tpu.memory_space<vmem>> -> memref<1x40x128xf32, #tpu.memory_space<vmem>>
        %dma_start3A_135 = tpu.memref_squeeze %dma_start3A_134 : memref<1x40x128xf32, #tpu.memory_space<vmem>> -> memref<40x128xf32, #tpu.memory_space<vmem>>
        %dma_start3A_136 = arith.constant 960 : i32
        %dma_start3A_137 = arith.constant 0 : i32
        %dma_start3A_138 = tpu.memref_slice %arg8[%dma_start3A_136, %dma_start3A_137] : memref<1000x128xf32, #tpu.memory_space<vmem_shared>> -> memref<40x128xf32, #tpu.memory_space<vmem_shared>>
        %dma_start3A_139 = arith.constant 960 : i32
        %dma_start3A_140 = arith.constant 0 : i32
        %dma_start3A_141 = tpu.memref_slice %arg8[%dma_start3A_139, %dma_start3A_140] : memref<1000x128xf32, #tpu.memory_space<vmem_shared>> -> memref<40x128xf32, #tpu.memory_space<vmem_shared>>
        %dma_start3A_142 = arith.constant 0 : i32
        %dma_start3A_143 = arith.constant 0 : i32
        %dma_start3A_144 = tpu.memref_slice %arg7[%run_scoped3A_131, %dma_start3A_142, %dma_start3A_143] : memref<4x64x128xf32, #tpu.memory_space<vmem>> -> memref<1x40x128xf32, #tpu.memory_space<vmem>>
        %dma_start3A_145 = tpu.memref_squeeze %dma_start3A_144 : memref<1x40x128xf32, #tpu.memory_space<vmem>> -> memref<40x128xf32, #tpu.memory_space<vmem>>
        tpu.enqueue_dma source(%dma_start3A_145 : memref<40x128xf32, #tpu.memory_space<vmem>>) target(%dma_start3A_141 : memref<40x128xf32, #tpu.memory_space<vmem_shared>>) target_semaphore(%run_scoped3A_132 : memref<!tpu.dma_semaphore, #tpu.memory_space<semaphore_mem>>)
        %dma_wait3A_146 = arith.constant 0 : i32
        %dma_wait3A_147 = arith.constant 0 : i32
        %dma_wait3A_148 = tpu.memref_slice %arg7[%run_scoped3A_131, %dma_wait3A_146, %dma_wait3A_147] : memref<4x64x128xf32, #tpu.memory_space<vmem>> -> memref<1x40x128xf32, #tpu.memory_space<vmem>>
        %dma_wait3A_149 = tpu.memref_squeeze %dma_wait3A_148 : memref<1x40x128xf32, #tpu.memory_space<vmem>> -> memref<40x128xf32, #tpu.memory_space<vmem>>
        %dma_wait3A_150 = arith.constant 960 : i32
        %dma_wait3A_151 = arith.constant 0 : i32
        %dma_wait3A_152 = tpu.memref_slice %arg8[%dma_wait3A_150, %dma_wait3A_151] : memref<1000x128xf32, #tpu.memory_space<vmem_shared>> -> memref<40x128xf32, #tpu.memory_space<vmem_shared>>
        %dma_wait3A_153 = arith.constant 960 : i32
        %dma_wait3A_154 = arith.constant 0 : i32
        %dma_wait3A_155 = tpu.memref_slice %arg8[%dma_wait3A_153, %dma_wait3A_154] : memref<1000x128xf32, #tpu.memory_space<vmem_shared>> -> memref<40x128xf32, #tpu.memory_space<vmem_shared>>
        %dma_wait3A_156 = arith.constant 0 : i32
        %dma_wait3A_157 = arith.constant 0 : i32
        %dma_wait3A_158 = tpu.memref_slice %arg7[%run_scoped3A_131, %dma_wait3A_156, %dma_wait3A_157] : memref<4x64x128xf32, #tpu.memory_space<vmem>> -> memref<1x40x128xf32, #tpu.memory_space<vmem>>
        %dma_wait3A_159 = tpu.memref_squeeze %dma_wait3A_158 : memref<1x40x128xf32, #tpu.memory_space<vmem>> -> memref<40x128xf32, #tpu.memory_space<vmem>>
        tpu.wait_dma2 semaphore(%run_scoped3A_132 : memref<!tpu.dma_semaphore, #tpu.memory_space<semaphore_mem>>) src(%dma_wait3A_159 : memref<40x128xf32, #tpu.memory_space<vmem>>) dst(%dma_wait3A_155 : memref<40x128xf32, #tpu.memory_space<vmem_shared>>)
        tpu.yield
      }) : () -> ()
    } else {
    }
    %barrier3A = arith.constant 0 : index
    tpu.barrier barrier_id(%barrier3A)
    %scan3A = arith.constant 0 : i32
    %scan3A_72 = arith.constant 0 : i32
    %scan3A_73 = arith.constant 2 : i32
    %scan3A_74 = arith.addi %scan3A_72, %scan3A_73 : i32
    %scan3A_75 = arith.constant 1 : i32
    scf.for %scan3A_131 = %scan3A_72 to %scan3A_74 step %scan3A_75  : i32 {
      %mul3A_132 = arith.constant 4 : i32
      %mul3A_133 = arith.muli %mul3A_132, %scan3A_131 : i32
      %add3A_134 = arith.constant 0 : i32
      %add3A_135 = arith.addi %mul3A_133, %add3A_134 : i32
      %lt3A_136 = arith.cmpi slt, %add3A_135, %sub3A_47 : i32
      %convert_element_type3A_137 = arith.extui %lt3A_136 : i1 to i32
      %cond3A_138 = arith.constant 0 : i32
      %cond3A_139 = arith.cmpi ne, %convert_element_type3A_137, %cond3A_138 : i32
      scf.if %cond3A_139 {
        %add3A_164 = arith.addi %select_n3A, %add3A_135 : i32
        %mul3A_165 = arith.constant 64 : i32
        %mul3A_166 = arith.muli %add3A_164, %mul3A_165 : i32
        %dma_wait3A_167 = arith.constant 0 : i32
        %dma_wait3A_168 = arith.constant 0 : i32
        %dma_wait3A_169 = arith.constant 0 : i32
        %dma_wait3A_170 = tpu.memref_slice %arg7[%dma_wait3A_167, %dma_wait3A_168, %dma_wait3A_169] : memref<4x64x128xf32, #tpu.memory_space<vmem>> -> memref<1x64x128xf32, #tpu.memory_space<vmem>>
        %dma_wait3A_171 = tpu.memref_squeeze %dma_wait3A_170 : memref<1x64x128xf32, #tpu.memory_space<vmem>> -> memref<64x128xf32, #tpu.memory_space<vmem>>
        %dma_wait3A_172 = arith.constant 0 : i32
        %dma_wait3A_173 = tpu.memref_slice %arg2[%mul3A_166, %dma_wait3A_172] : memref<10000x128xf32, #tpu.memory_space<hbm>> -> memref<64x128xf32, #tpu.memory_space<hbm>>
        %dma_wait3A_174 = arith.constant 0 : i32
        %dma_wait3A_175 = arith.constant 0 : i32
        %dma_wait3A_176 = tpu.memref_slice %arg7[%dma_wait3A_167, %dma_wait3A_174, %dma_wait3A_175] : memref<4x64x128xf32, #tpu.memory_space<vmem>> -> memref<1x64x128xf32, #tpu.memory_space<vmem>>
        %dma_wait3A_177 = tpu.memref_squeeze %dma_wait3A_176 : memref<1x64x128xf32, #tpu.memory_space<vmem>> -> memref<64x128xf32, #tpu.memory_space<vmem>>
        %dma_wait3A_178 = arith.constant 0 : i32
        %dma_wait3A_179 = tpu.memref_slice %arg2[%mul3A_166, %dma_wait3A_178] : memref<10000x128xf32, #tpu.memory_space<hbm>> -> memref<64x128xf32, #tpu.memory_space<hbm>>
        tpu.wait_dma2 semaphore(%arg9 : memref<!tpu.dma_semaphore, #tpu.memory_space<semaphore_mem>>) src(%dma_wait3A_179 : memref<64x128xf32, #tpu.memory_space<hbm>>) dst(%dma_wait3A_177 : memref<64x128xf32, #tpu.memory_space<vmem>>)
        %mul3A_180 = arith.constant 64 : i32
        %mul3A_181 = arith.muli %add3A_135, %mul3A_180 : i32
        %dma_start3A = arith.constant 0 : i32
        %dma_start3A_182 = arith.constant 0 : i32
        %dma_start3A_183 = arith.constant 0 : i32
        %dma_start3A_184 = tpu.memref_slice %arg7[%dma_start3A, %dma_start3A_182, %dma_start3A_183] : memref<4x64x128xf32, #tpu.memory_space<vmem>> -> memref<1x64x128xf32, #tpu.memory_space<vmem>>
        %dma_start3A_185 = tpu.memref_squeeze %dma_start3A_184 : memref<1x64x128xf32, #tpu.memory_space<vmem>> -> memref<64x128xf32, #tpu.memory_space<vmem>>
        %dma_start3A_186 = tpu.memref_slice %arg6[%mul3A_181] : memref<320xi32, #tpu.memory_space<vmem>> -> memref<64xi32, #tpu.memory_space<vmem>>
        %dma_start3A_187 = arith.constant 0 : i32
        %dma_start3A_188 = arith.constant 0 : i32
        %dma_start3A_189 = tpu.memref_slice %arg8[%dma_start3A_187, %dma_start3A_188] : memref<1000x128xf32, #tpu.memory_space<vmem_shared>> -> memref<1000x128xf32, #tpu.memory_space<vmem_shared>>
        tpu.enqueue_indirect_dma source(%dma_start3A_185 : memref<64x128xf32, #tpu.memory_space<vmem>>) target(%dma_start3A_189 : memref<1000x128xf32, #tpu.memory_space<vmem_shared>>) offsets(%dma_start3A_186 : memref<64xi32, #tpu.memory_space<vmem>>) semaphore(%arg13 : memref<!tpu.dma_semaphore, #tpu.memory_space<semaphore_mem>>) {add = true}
        %add3A_190 = arith.constant 4 : i32
        %add3A_191 = arith.addi %add3A_135, %add3A_190 : i32
        %sub3A_192 = arith.constant 1 : i32
        %sub3A_193 = arith.subi %add3A_191, %sub3A_192 : i32
        %lt3A_194 = arith.cmpi slt, %sub3A_193, %sub3A_47 : i32
        %convert_element_type3A_195 = arith.extui %lt3A_194 : i1 to i32
        %cond3A_196 = arith.constant 0 : i32
        %cond3A_197 = arith.cmpi ne, %convert_element_type3A_195, %cond3A_196 : i32
        scf.if %cond3A_197 {
          %ge3A = arith.constant 1 : i32
          %ge3A_198 = arith.cmpi sge, %add3A_135, %ge3A : i32
          %convert_element_type3A_199 = arith.extui %ge3A_198 : i1 to i32
          %cond3A_200 = arith.constant 0 : i32
          %cond3A_201 = arith.cmpi ne, %convert_element_type3A_199, %cond3A_200 : i32
          scf.if %cond3A_201 {
            %sub3A_222 = arith.constant 1 : i32
            %sub3A_223 = arith.subi %add3A_135, %sub3A_222 : i32
            %mul3A_224 = arith.constant 64 : i32
            %mul3A_225 = arith.muli %sub3A_223, %mul3A_224 : i32
            %dma_wait3A_226 = arith.constant 3 : i32
            %dma_wait3A_227 = arith.constant 0 : i32
            %dma_wait3A_228 = arith.constant 0 : i32
            %dma_wait3A_229 = tpu.memref_slice %arg7[%dma_wait3A_226, %dma_wait3A_227, %dma_wait3A_228] : memref<4x64x128xf32, #tpu.memory_space<vmem>> -> memref<1x64x128xf32, #tpu.memory_space<vmem>>
            %dma_wait3A_230 = tpu.memref_squeeze %dma_wait3A_229 : memref<1x64x128xf32, #tpu.memory_space<vmem>> -> memref<64x128xf32, #tpu.memory_space<vmem>>
            %dma_wait3A_231 = tpu.memref_slice %arg6[%mul3A_225] : memref<320xi32, #tpu.memory_space<vmem>> -> memref<64xi32, #tpu.memory_space<vmem>>
            %dma_wait3A_232 = arith.constant 0 : i32
            %dma_wait3A_233 = arith.constant 0 : i32
            %dma_wait3A_234 = tpu.memref_slice %arg8[%dma_wait3A_232, %dma_wait3A_233] : memref<1000x128xf32, #tpu.memory_space<vmem_shared>> -> memref<1000x128xf32, #tpu.memory_space<vmem_shared>>
            tpu.wait_indirect_dma semaphore(%arg16 : memref<!tpu.dma_semaphore, #tpu.memory_space<semaphore_mem>>) src(%dma_wait3A_230 : memref<64x128xf32, #tpu.memory_space<vmem>>) dst(%dma_wait3A_234 : memref<1000x128xf32, #tpu.memory_space<vmem_shared>>)
          } else {
          }
          %add3A_202 = arith.constant 4 : i32
          %add3A_203 = arith.addi %add3A_135, %add3A_202 : i32
          %sub3A_204 = arith.constant 1 : i32
          %sub3A_205 = arith.subi %add3A_203, %sub3A_204 : i32
          %add3A_206 = arith.addi %select_n3A, %sub3A_205 : i32
          %mul3A_207 = arith.constant 64 : i32
          %mul3A_208 = arith.muli %add3A_206, %mul3A_207 : i32
          %dma_start3A_209 = arith.constant 3 : i32
          %dma_start3A_210 = arith.constant 0 : i32
          %dma_start3A_211 = arith.constant 0 : i32
          %dma_start3A_212 = tpu.memref_slice %arg7[%dma_start3A_209, %dma_start3A_210, %dma_start3A_211] : memref<4x64x128xf32, #tpu.memory_space<vmem>> -> memref<1x64x128xf32, #tpu.memory_space<vmem>>
          %dma_start3A_213 = tpu.memref_squeeze %dma_start3A_212 : memref<1x64x128xf32, #tpu.memory_space<vmem>> -> memref<64x128xf32, #tpu.memory_space<vmem>>
          %dma_start3A_214 = arith.constant 0 : i32
          %dma_start3A_215 = tpu.memref_slice %arg2[%mul3A_208, %dma_start3A_214] : memref<10000x128xf32, #tpu.memory_space<hbm>> -> memref<64x128xf32, #tpu.memory_space<hbm>>
          %dma_start3A_216 = arith.constant 0 : i32
          %dma_start3A_217 = arith.constant 0 : i32
          %dma_start3A_218 = tpu.memref_slice %arg7[%dma_start3A_209, %dma_start3A_216, %dma_start3A_217] : memref<4x64x128xf32, #tpu.memory_space<vmem>> -> memref<1x64x128xf32, #tpu.memory_space<vmem>>
          %dma_start3A_219 = tpu.memref_squeeze %dma_start3A_218 : memref<1x64x128xf32, #tpu.memory_space<vmem>> -> memref<64x128xf32, #tpu.memory_space<vmem>>
          %dma_start3A_220 = arith.constant 0 : i32
          %dma_start3A_221 = tpu.memref_slice %arg2[%mul3A_208, %dma_start3A_220] : memref<10000x128xf32, #tpu.memory_space<hbm>> -> memref<64x128xf32, #tpu.memory_space<hbm>>
          tpu.enqueue_dma source(%dma_start3A_221 : memref<64x128xf32, #tpu.memory_space<hbm>>) target(%dma_start3A_219 : memref<64x128xf32, #tpu.memory_space<vmem>>) target_semaphore(%arg12 : memref<!tpu.dma_semaphore, #tpu.memory_space<semaphore_mem>>)
        } else {
        }
      } else {
      }
      %mul3A_140 = arith.constant 4 : i32
      %mul3A_141 = arith.muli %mul3A_140, %scan3A_131 : i32
      %add3A_142 = arith.constant 1 : i32
      %add3A_143 = arith.addi %mul3A_141, %add3A_142 : i32
      %lt3A_144 = arith.cmpi slt, %add3A_143, %sub3A_47 : i32
      %convert_element_type3A_145 = arith.extui %lt3A_144 : i1 to i32
      %cond3A_146 = arith.constant 0 : i32
      %cond3A_147 = arith.cmpi ne, %convert_element_type3A_145, %cond3A_146 : i32
      scf.if %cond3A_147 {
        %add3A_164 = arith.addi %select_n3A, %add3A_143 : i32
        %mul3A_165 = arith.constant 64 : i32
        %mul3A_166 = arith.muli %add3A_164, %mul3A_165 : i32
        %dma_wait3A_167 = arith.constant 1 : i32
        %dma_wait3A_168 = arith.constant 0 : i32
        %dma_wait3A_169 = arith.constant 0 : i32
        %dma_wait3A_170 = tpu.memref_slice %arg7[%dma_wait3A_167, %dma_wait3A_168, %dma_wait3A_169] : memref<4x64x128xf32, #tpu.memory_space<vmem>> -> memref<1x64x128xf32, #tpu.memory_space<vmem>>
        %dma_wait3A_171 = tpu.memref_squeeze %dma_wait3A_170 : memref<1x64x128xf32, #tpu.memory_space<vmem>> -> memref<64x128xf32, #tpu.memory_space<vmem>>
        %dma_wait3A_172 = arith.constant 0 : i32
        %dma_wait3A_173 = tpu.memref_slice %arg2[%mul3A_166, %dma_wait3A_172] : memref<10000x128xf32, #tpu.memory_space<hbm>> -> memref<64x128xf32, #tpu.memory_space<hbm>>
        %dma_wait3A_174 = arith.constant 0 : i32
        %dma_wait3A_175 = arith.constant 0 : i32
        %dma_wait3A_176 = tpu.memref_slice %arg7[%dma_wait3A_167, %dma_wait3A_174, %dma_wait3A_175] : memref<4x64x128xf32, #tpu.memory_space<vmem>> -> memref<1x64x128xf32, #tpu.memory_space<vmem>>
        %dma_wait3A_177 = tpu.memref_squeeze %dma_wait3A_176 : memref<1x64x128xf32, #tpu.memory_space<vmem>> -> memref<64x128xf32, #tpu.memory_space<vmem>>
        %dma_wait3A_178 = arith.constant 0 : i32
        %dma_wait3A_179 = tpu.memref_slice %arg2[%mul3A_166, %dma_wait3A_178] : memref<10000x128xf32, #tpu.memory_space<hbm>> -> memref<64x128xf32, #tpu.memory_space<hbm>>
        tpu.wait_dma2 semaphore(%arg10 : memref<!tpu.dma_semaphore, #tpu.memory_space<semaphore_mem>>) src(%dma_wait3A_179 : memref<64x128xf32, #tpu.memory_space<hbm>>) dst(%dma_wait3A_177 : memref<64x128xf32, #tpu.memory_space<vmem>>)
        %mul3A_180 = arith.constant 64 : i32
        %mul3A_181 = arith.muli %add3A_143, %mul3A_180 : i32
        %dma_start3A = arith.constant 1 : i32
        %dma_start3A_182 = arith.constant 0 : i32
        %dma_start3A_183 = arith.constant 0 : i32
        %dma_start3A_184 = tpu.memref_slice %arg7[%dma_start3A, %dma_start3A_182, %dma_start3A_183] : memref<4x64x128xf32, #tpu.memory_space<vmem>> -> memref<1x64x128xf32, #tpu.memory_space<vmem>>
        %dma_start3A_185 = tpu.memref_squeeze %dma_start3A_184 : memref<1x64x128xf32, #tpu.memory_space<vmem>> -> memref<64x128xf32, #tpu.memory_space<vmem>>
        %dma_start3A_186 = tpu.memref_slice %arg6[%mul3A_181] : memref<320xi32, #tpu.memory_space<vmem>> -> memref<64xi32, #tpu.memory_space<vmem>>
        %dma_start3A_187 = arith.constant 0 : i32
        %dma_start3A_188 = arith.constant 0 : i32
        %dma_start3A_189 = tpu.memref_slice %arg8[%dma_start3A_187, %dma_start3A_188] : memref<1000x128xf32, #tpu.memory_space<vmem_shared>> -> memref<1000x128xf32, #tpu.memory_space<vmem_shared>>
        tpu.enqueue_indirect_dma source(%dma_start3A_185 : memref<64x128xf32, #tpu.memory_space<vmem>>) target(%dma_start3A_189 : memref<1000x128xf32, #tpu.memory_space<vmem_shared>>) offsets(%dma_start3A_186 : memref<64xi32, #tpu.memory_space<vmem>>) semaphore(%arg14 : memref<!tpu.dma_semaphore, #tpu.memory_space<semaphore_mem>>) {add = true}
        %add3A_190 = arith.constant 4 : i32
        %add3A_191 = arith.addi %add3A_143, %add3A_190 : i32
        %sub3A_192 = arith.constant 1 : i32
        %sub3A_193 = arith.subi %add3A_191, %sub3A_192 : i32
        %lt3A_194 = arith.cmpi slt, %sub3A_193, %sub3A_47 : i32
        %convert_element_type3A_195 = arith.extui %lt3A_194 : i1 to i32
        %cond3A_196 = arith.constant 0 : i32
        %cond3A_197 = arith.cmpi ne, %convert_element_type3A_195, %cond3A_196 : i32
        scf.if %cond3A_197 {
          %ge3A = arith.constant 1 : i32
          %ge3A_198 = arith.cmpi sge, %add3A_143, %ge3A : i32
          %convert_element_type3A_199 = arith.extui %ge3A_198 : i1 to i32
          %cond3A_200 = arith.constant 0 : i32
          %cond3A_201 = arith.cmpi ne, %convert_element_type3A_199, %cond3A_200 : i32
          scf.if %cond3A_201 {
            %sub3A_222 = arith.constant 1 : i32
            %sub3A_223 = arith.subi %add3A_143, %sub3A_222 : i32
            %mul3A_224 = arith.constant 64 : i32
            %mul3A_225 = arith.muli %sub3A_223, %mul3A_224 : i32
            %dma_wait3A_226 = arith.constant 0 : i32
            %dma_wait3A_227 = arith.constant 0 : i32
            %dma_wait3A_228 = arith.constant 0 : i32
            %dma_wait3A_229 = tpu.memref_slice %arg7[%dma_wait3A_226, %dma_wait3A_227, %dma_wait3A_228] : memref<4x64x128xf32, #tpu.memory_space<vmem>> -> memref<1x64x128xf32, #tpu.memory_space<vmem>>
            %dma_wait3A_230 = tpu.memref_squeeze %dma_wait3A_229 : memref<1x64x128xf32, #tpu.memory_space<vmem>> -> memref<64x128xf32, #tpu.memory_space<vmem>>
            %dma_wait3A_231 = tpu.memref_slice %arg6[%mul3A_225] : memref<320xi32, #tpu.memory_space<vmem>> -> memref<64xi32, #tpu.memory_space<vmem>>
            %dma_wait3A_232 = arith.constant 0 : i32
            %dma_wait3A_233 = arith.constant 0 : i32
            %dma_wait3A_234 = tpu.memref_slice %arg8[%dma_wait3A_232, %dma_wait3A_233] : memref<1000x128xf32, #tpu.memory_space<vmem_shared>> -> memref<1000x128xf32, #tpu.memory_space<vmem_shared>>
            tpu.wait_indirect_dma semaphore(%arg13 : memref<!tpu.dma_semaphore, #tpu.memory_space<semaphore_mem>>) src(%dma_wait3A_230 : memref<64x128xf32, #tpu.memory_space<vmem>>) dst(%dma_wait3A_234 : memref<1000x128xf32, #tpu.memory_space<vmem_shared>>)
          } else {
          }
          %add3A_202 = arith.constant 4 : i32
          %add3A_203 = arith.addi %add3A_143, %add3A_202 : i32
          %sub3A_204 = arith.constant 1 : i32
          %sub3A_205 = arith.subi %add3A_203, %sub3A_204 : i32
          %add3A_206 = arith.addi %select_n3A, %sub3A_205 : i32
          %mul3A_207 = arith.constant 64 : i32
          %mul3A_208 = arith.muli %add3A_206, %mul3A_207 : i32
          %dma_start3A_209 = arith.constant 0 : i32
          %dma_start3A_210 = arith.constant 0 : i32
          %dma_start3A_211 = arith.constant 0 : i32
          %dma_start3A_212 = tpu.memref_slice %arg7[%dma_start3A_209, %dma_start3A_210, %dma_start3A_211] : memref<4x64x128xf32, #tpu.memory_space<vmem>> -> memref<1x64x128xf32, #tpu.memory_space<vmem>>
          %dma_start3A_213 = tpu.memref_squeeze %dma_start3A_212 : memref<1x64x128xf32, #tpu.memory_space<vmem>> -> memref<64x128xf32, #tpu.memory_space<vmem>>
          %dma_start3A_214 = arith.constant 0 : i32
          %dma_start3A_215 = tpu.memref_slice %arg2[%mul3A_208, %dma_start3A_214] : memref<10000x128xf32, #tpu.memory_space<hbm>> -> memref<64x128xf32, #tpu.memory_space<hbm>>
          %dma_start3A_216 = arith.constant 0 : i32
          %dma_start3A_217 = arith.constant 0 : i32
          %dma_start3A_218 = tpu.memref_slice %arg7[%dma_start3A_209, %dma_start3A_216, %dma_start3A_217] : memref<4x64x128xf32, #tpu.memory_space<vmem>> -> memref<1x64x128xf32, #tpu.memory_space<vmem>>
          %dma_start3A_219 = tpu.memref_squeeze %dma_start3A_218 : memref<1x64x128xf32, #tpu.memory_space<vmem>> -> memref<64x128xf32, #tpu.memory_space<vmem>>
          %dma_start3A_220 = arith.constant 0 : i32
          %dma_start3A_221 = tpu.memref_slice %arg2[%mul3A_208, %dma_start3A_220] : memref<10000x128xf32, #tpu.memory_space<hbm>> -> memref<64x128xf32, #tpu.memory_space<hbm>>
          tpu.enqueue_dma source(%dma_start3A_221 : memref<64x128xf32, #tpu.memory_space<hbm>>) target(%dma_start3A_219 : memref<64x128xf32, #tpu.memory_space<vmem>>) target_semaphore(%arg9 : memref<!tpu.dma_semaphore, #tpu.memory_space<semaphore_mem>>)
        } else {
        }
      } else {
      }
      %mul3A_148 = arith.constant 4 : i32
      %mul3A_149 = arith.muli %mul3A_148, %scan3A_131 : i32
      %add3A_150 = arith.constant 2 : i32
      %add3A_151 = arith.addi %mul3A_149, %add3A_150 : i32
      %lt3A_152 = arith.cmpi slt, %add3A_151, %sub3A_47 : i32
      %convert_element_type3A_153 = arith.extui %lt3A_152 : i1 to i32
      %cond3A_154 = arith.constant 0 : i32
      %cond3A_155 = arith.cmpi ne, %convert_element_type3A_153, %cond3A_154 : i32
      scf.if %cond3A_155 {
        %add3A_164 = arith.addi %select_n3A, %add3A_151 : i32
        %mul3A_165 = arith.constant 64 : i32
        %mul3A_166 = arith.muli %add3A_164, %mul3A_165 : i32
        %dma_wait3A_167 = arith.constant 2 : i32
        %dma_wait3A_168 = arith.constant 0 : i32
        %dma_wait3A_169 = arith.constant 0 : i32
        %dma_wait3A_170 = tpu.memref_slice %arg7[%dma_wait3A_167, %dma_wait3A_168, %dma_wait3A_169] : memref<4x64x128xf32, #tpu.memory_space<vmem>> -> memref<1x64x128xf32, #tpu.memory_space<vmem>>
        %dma_wait3A_171 = tpu.memref_squeeze %dma_wait3A_170 : memref<1x64x128xf32, #tpu.memory_space<vmem>> -> memref<64x128xf32, #tpu.memory_space<vmem>>
        %dma_wait3A_172 = arith.constant 0 : i32
        %dma_wait3A_173 = tpu.memref_slice %arg2[%mul3A_166, %dma_wait3A_172] : memref<10000x128xf32, #tpu.memory_space<hbm>> -> memref<64x128xf32, #tpu.memory_space<hbm>>
        %dma_wait3A_174 = arith.constant 0 : i32
        %dma_wait3A_175 = arith.constant 0 : i32
        %dma_wait3A_176 = tpu.memref_slice %arg7[%dma_wait3A_167, %dma_wait3A_174, %dma_wait3A_175] : memref<4x64x128xf32, #tpu.memory_space<vmem>> -> memref<1x64x128xf32, #tpu.memory_space<vmem>>
        %dma_wait3A_177 = tpu.memref_squeeze %dma_wait3A_176 : memref<1x64x128xf32, #tpu.memory_space<vmem>> -> memref<64x128xf32, #tpu.memory_space<vmem>>
        %dma_wait3A_178 = arith.constant 0 : i32
        %dma_wait3A_179 = tpu.memref_slice %arg2[%mul3A_166, %dma_wait3A_178] : memref<10000x128xf32, #tpu.memory_space<hbm>> -> memref<64x128xf32, #tpu.memory_space<hbm>>
        tpu.wait_dma2 semaphore(%arg11 : memref<!tpu.dma_semaphore, #tpu.memory_space<semaphore_mem>>) src(%dma_wait3A_179 : memref<64x128xf32, #tpu.memory_space<hbm>>) dst(%dma_wait3A_177 : memref<64x128xf32, #tpu.memory_space<vmem>>)
        %mul3A_180 = arith.constant 64 : i32
        %mul3A_181 = arith.muli %add3A_151, %mul3A_180 : i32
        %dma_start3A = arith.constant 2 : i32
        %dma_start3A_182 = arith.constant 0 : i32
        %dma_start3A_183 = arith.constant 0 : i32
        %dma_start3A_184 = tpu.memref_slice %arg7[%dma_start3A, %dma_start3A_182, %dma_start3A_183] : memref<4x64x128xf32, #tpu.memory_space<vmem>> -> memref<1x64x128xf32, #tpu.memory_space<vmem>>
        %dma_start3A_185 = tpu.memref_squeeze %dma_start3A_184 : memref<1x64x128xf32, #tpu.memory_space<vmem>> -> memref<64x128xf32, #tpu.memory_space<vmem>>
        %dma_start3A_186 = tpu.memref_slice %arg6[%mul3A_181] : memref<320xi32, #tpu.memory_space<vmem>> -> memref<64xi32, #tpu.memory_space<vmem>>
        %dma_start3A_187 = arith.constant 0 : i32
        %dma_start3A_188 = arith.constant 0 : i32
        %dma_start3A_189 = tpu.memref_slice %arg8[%dma_start3A_187, %dma_start3A_188] : memref<1000x128xf32, #tpu.memory_space<vmem_shared>> -> memref<1000x128xf32, #tpu.memory_space<vmem_shared>>
        tpu.enqueue_indirect_dma source(%dma_start3A_185 : memref<64x128xf32, #tpu.memory_space<vmem>>) target(%dma_start3A_189 : memref<1000x128xf32, #tpu.memory_space<vmem_shared>>) offsets(%dma_start3A_186 : memref<64xi32, #tpu.memory_space<vmem>>) semaphore(%arg15 : memref<!tpu.dma_semaphore, #tpu.memory_space<semaphore_mem>>) {add = true}
        %add3A_190 = arith.constant 4 : i32
        %add3A_191 = arith.addi %add3A_151, %add3A_190 : i32
        %sub3A_192 = arith.constant 1 : i32
        %sub3A_193 = arith.subi %add3A_191, %sub3A_192 : i32
        %lt3A_194 = arith.cmpi slt, %sub3A_193, %sub3A_47 : i32
        %convert_element_type3A_195 = arith.extui %lt3A_194 : i1 to i32
        %cond3A_196 = arith.constant 0 : i32
        %cond3A_197 = arith.cmpi ne, %convert_element_type3A_195, %cond3A_196 : i32
        scf.if %cond3A_197 {
          %ge3A = arith.constant 1 : i32
          %ge3A_198 = arith.cmpi sge, %add3A_151, %ge3A : i32
          %convert_element_type3A_199 = arith.extui %ge3A_198 : i1 to i32
          %cond3A_200 = arith.constant 0 : i32
          %cond3A_201 = arith.cmpi ne, %convert_element_type3A_199, %cond3A_200 : i32
          scf.if %cond3A_201 {
            %sub3A_222 = arith.constant 1 : i32
            %sub3A_223 = arith.subi %add3A_151, %sub3A_222 : i32
            %mul3A_224 = arith.constant 64 : i32
            %mul3A_225 = arith.muli %sub3A_223, %mul3A_224 : i32
            %dma_wait3A_226 = arith.constant 1 : i32
            %dma_wait3A_227 = arith.constant 0 : i32
            %dma_wait3A_228 = arith.constant 0 : i32
            %dma_wait3A_229 = tpu.memref_slice %arg7[%dma_wait3A_226, %dma_wait3A_227, %dma_wait3A_228] : memref<4x64x128xf32, #tpu.memory_space<vmem>> -> memref<1x64x128xf32, #tpu.memory_space<vmem>>
            %dma_wait3A_230 = tpu.memref_squeeze %dma_wait3A_229 : memref<1x64x128xf32, #tpu.memory_space<vmem>> -> memref<64x128xf32, #tpu.memory_space<vmem>>
            %dma_wait3A_231 = tpu.memref_slice %arg6[%mul3A_225] : memref<320xi32, #tpu.memory_space<vmem>> -> memref<64xi32, #tpu.memory_space<vmem>>
            %dma_wait3A_232 = arith.constant 0 : i32
            %dma_wait3A_233 = arith.constant 0 : i32
            %dma_wait3A_234 = tpu.memref_slice %arg8[%dma_wait3A_232, %dma_wait3A_233] : memref<1000x128xf32, #tpu.memory_space<vmem_shared>> -> memref<1000x128xf32, #tpu.memory_space<vmem_shared>>
            tpu.wait_indirect_dma semaphore(%arg14 : memref<!tpu.dma_semaphore, #tpu.memory_space<semaphore_mem>>) src(%dma_wait3A_230 : memref<64x128xf32, #tpu.memory_space<vmem>>) dst(%dma_wait3A_234 : memref<1000x128xf32, #tpu.memory_space<vmem_shared>>)
          } else {
          }
          %add3A_202 = arith.constant 4 : i32
          %add3A_203 = arith.addi %add3A_151, %add3A_202 : i32
          %sub3A_204 = arith.constant 1 : i32
          %sub3A_205 = arith.subi %add3A_203, %sub3A_204 : i32
          %add3A_206 = arith.addi %select_n3A, %sub3A_205 : i32
          %mul3A_207 = arith.constant 64 : i32
          %mul3A_208 = arith.muli %add3A_206, %mul3A_207 : i32
          %dma_start3A_209 = arith.constant 1 : i32
          %dma_start3A_210 = arith.constant 0 : i32
          %dma_start3A_211 = arith.constant 0 : i32
          %dma_start3A_212 = tpu.memref_slice %arg7[%dma_start3A_209, %dma_start3A_210, %dma_start3A_211] : memref<4x64x128xf32, #tpu.memory_space<vmem>> -> memref<1x64x128xf32, #tpu.memory_space<vmem>>
          %dma_start3A_213 = tpu.memref_squeeze %dma_start3A_212 : memref<1x64x128xf32, #tpu.memory_space<vmem>> -> memref<64x128xf32, #tpu.memory_space<vmem>>
          %dma_start3A_214 = arith.constant 0 : i32
          %dma_start3A_215 = tpu.memref_slice %arg2[%mul3A_208, %dma_start3A_214] : memref<10000x128xf32, #tpu.memory_space<hbm>> -> memref<64x128xf32, #tpu.memory_space<hbm>>
          %dma_start3A_216 = arith.constant 0 : i32
          %dma_start3A_217 = arith.constant 0 : i32
          %dma_start3A_218 = tpu.memref_slice %arg7[%dma_start3A_209, %dma_start3A_216, %dma_start3A_217] : memref<4x64x128xf32, #tpu.memory_space<vmem>> -> memref<1x64x128xf32, #tpu.memory_space<vmem>>
          %dma_start3A_219 = tpu.memref_squeeze %dma_start3A_218 : memref<1x64x128xf32, #tpu.memory_space<vmem>> -> memref<64x128xf32, #tpu.memory_space<vmem>>
          %dma_start3A_220 = arith.constant 0 : i32
          %dma_start3A_221 = tpu.memref_slice %arg2[%mul3A_208, %dma_start3A_220] : memref<10000x128xf32, #tpu.memory_space<hbm>> -> memref<64x128xf32, #tpu.memory_space<hbm>>
          tpu.enqueue_dma source(%dma_start3A_221 : memref<64x128xf32, #tpu.memory_space<hbm>>) target(%dma_start3A_219 : memref<64x128xf32, #tpu.memory_space<vmem>>) target_semaphore(%arg10 : memref<!tpu.dma_semaphore, #tpu.memory_space<semaphore_mem>>)
        } else {
        }
      } else {
      }
      %mul3A_156 = arith.constant 4 : i32
      %mul3A_157 = arith.muli %mul3A_156, %scan3A_131 : i32
      %add3A_158 = arith.constant 3 : i32
      %add3A_159 = arith.addi %mul3A_157, %add3A_158 : i32
      %lt3A_160 = arith.cmpi slt, %add3A_159, %sub3A_47 : i32
      %convert_element_type3A_161 = arith.extui %lt3A_160 : i1 to i32
      %cond3A_162 = arith.constant 0 : i32
      %cond3A_163 = arith.cmpi ne, %convert_element_type3A_161, %cond3A_162 : i32
      scf.if %cond3A_163 {
        %add3A_164 = arith.addi %select_n3A, %add3A_159 : i32
        %mul3A_165 = arith.constant 64 : i32
        %mul3A_166 = arith.muli %add3A_164, %mul3A_165 : i32
        %dma_wait3A_167 = arith.constant 3 : i32
        %dma_wait3A_168 = arith.constant 0 : i32
        %dma_wait3A_169 = arith.constant 0 : i32
        %dma_wait3A_170 = tpu.memref_slice %arg7[%dma_wait3A_167, %dma_wait3A_168, %dma_wait3A_169] : memref<4x64x128xf32, #tpu.memory_space<vmem>> -> memref<1x64x128xf32, #tpu.memory_space<vmem>>
        %dma_wait3A_171 = tpu.memref_squeeze %dma_wait3A_170 : memref<1x64x128xf32, #tpu.memory_space<vmem>> -> memref<64x128xf32, #tpu.memory_space<vmem>>
        %dma_wait3A_172 = arith.constant 0 : i32
        %dma_wait3A_173 = tpu.memref_slice %arg2[%mul3A_166, %dma_wait3A_172] : memref<10000x128xf32, #tpu.memory_space<hbm>> -> memref<64x128xf32, #tpu.memory_space<hbm>>
        %dma_wait3A_174 = arith.constant 0 : i32
        %dma_wait3A_175 = arith.constant 0 : i32
        %dma_wait3A_176 = tpu.memref_slice %arg7[%dma_wait3A_167, %dma_wait3A_174, %dma_wait3A_175] : memref<4x64x128xf32, #tpu.memory_space<vmem>> -> memref<1x64x128xf32, #tpu.memory_space<vmem>>
        %dma_wait3A_177 = tpu.memref_squeeze %dma_wait3A_176 : memref<1x64x128xf32, #tpu.memory_space<vmem>> -> memref<64x128xf32, #tpu.memory_space<vmem>>
        %dma_wait3A_178 = arith.constant 0 : i32
        %dma_wait3A_179 = tpu.memref_slice %arg2[%mul3A_166, %dma_wait3A_178] : memref<10000x128xf32, #tpu.memory_space<hbm>> -> memref<64x128xf32, #tpu.memory_space<hbm>>
        tpu.wait_dma2 semaphore(%arg12 : memref<!tpu.dma_semaphore, #tpu.memory_space<semaphore_mem>>) src(%dma_wait3A_179 : memref<64x128xf32, #tpu.memory_space<hbm>>) dst(%dma_wait3A_177 : memref<64x128xf32, #tpu.memory_space<vmem>>)
        %mul3A_180 = arith.constant 64 : i32
        %mul3A_181 = arith.muli %add3A_159, %mul3A_180 : i32
        %dma_start3A = arith.constant 3 : i32
        %dma_start3A_182 = arith.constant 0 : i32
        %dma_start3A_183 = arith.constant 0 : i32
        %dma_start3A_184 = tpu.memref_slice %arg7[%dma_start3A, %dma_start3A_182, %dma_start3A_183] : memref<4x64x128xf32, #tpu.memory_space<vmem>> -> memref<1x64x128xf32, #tpu.memory_space<vmem>>
        %dma_start3A_185 = tpu.memref_squeeze %dma_start3A_184 : memref<1x64x128xf32, #tpu.memory_space<vmem>> -> memref<64x128xf32, #tpu.memory_space<vmem>>
        %dma_start3A_186 = tpu.memref_slice %arg6[%mul3A_181] : memref<320xi32, #tpu.memory_space<vmem>> -> memref<64xi32, #tpu.memory_space<vmem>>
        %dma_start3A_187 = arith.constant 0 : i32
        %dma_start3A_188 = arith.constant 0 : i32
        %dma_start3A_189 = tpu.memref_slice %arg8[%dma_start3A_187, %dma_start3A_188] : memref<1000x128xf32, #tpu.memory_space<vmem_shared>> -> memref<1000x128xf32, #tpu.memory_space<vmem_shared>>
        tpu.enqueue_indirect_dma source(%dma_start3A_185 : memref<64x128xf32, #tpu.memory_space<vmem>>) target(%dma_start3A_189 : memref<1000x128xf32, #tpu.memory_space<vmem_shared>>) offsets(%dma_start3A_186 : memref<64xi32, #tpu.memory_space<vmem>>) semaphore(%arg16 : memref<!tpu.dma_semaphore, #tpu.memory_space<semaphore_mem>>) {add = true}
        %add3A_190 = arith.constant 4 : i32
        %add3A_191 = arith.addi %add3A_159, %add3A_190 : i32
        %sub3A_192 = arith.constant 1 : i32
        %sub3A_193 = arith.subi %add3A_191, %sub3A_192 : i32
        %lt3A_194 = arith.cmpi slt, %sub3A_193, %sub3A_47 : i32
        %convert_element_type3A_195 = arith.extui %lt3A_194 : i1 to i32
        %cond3A_196 = arith.constant 0 : i32
        %cond3A_197 = arith.cmpi ne, %convert_element_type3A_195, %cond3A_196 : i32
        scf.if %cond3A_197 {
          %ge3A = arith.constant 1 : i32
          %ge3A_198 = arith.cmpi sge, %add3A_159, %ge3A : i32
          %convert_element_type3A_199 = arith.extui %ge3A_198 : i1 to i32
          %cond3A_200 = arith.constant 0 : i32
          %cond3A_201 = arith.cmpi ne, %convert_element_type3A_199, %cond3A_200 : i32
          scf.if %cond3A_201 {
            %sub3A_222 = arith.constant 1 : i32
            %sub3A_223 = arith.subi %add3A_159, %sub3A_222 : i32
            %mul3A_224 = arith.constant 64 : i32
            %mul3A_225 = arith.muli %sub3A_223, %mul3A_224 : i32
            %dma_wait3A_226 = arith.constant 2 : i32
            %dma_wait3A_227 = arith.constant 0 : i32
            %dma_wait3A_228 = arith.constant 0 : i32
            %dma_wait3A_229 = tpu.memref_slice %arg7[%dma_wait3A_226, %dma_wait3A_227, %dma_wait3A_228] : memref<4x64x128xf32, #tpu.memory_space<vmem>> -> memref<1x64x128xf32, #tpu.memory_space<vmem>>
            %dma_wait3A_230 = tpu.memref_squeeze %dma_wait3A_229 : memref<1x64x128xf32, #tpu.memory_space<vmem>> -> memref<64x128xf32, #tpu.memory_space<vmem>>
            %dma_wait3A_231 = tpu.memref_slice %arg6[%mul3A_225] : memref<320xi32, #tpu.memory_space<vmem>> -> memref<64xi32, #tpu.memory_space<vmem>>
            %dma_wait3A_232 = arith.constant 0 : i32
            %dma_wait3A_233 = arith.constant 0 : i32
            %dma_wait3A_234 = tpu.memref_slice %arg8[%dma_wait3A_232, %dma_wait3A_233] : memref<1000x128xf32, #tpu.memory_space<vmem_shared>> -> memref<1000x128xf32, #tpu.memory_space<vmem_shared>>
            tpu.wait_indirect_dma semaphore(%arg15 : memref<!tpu.dma_semaphore, #tpu.memory_space<semaphore_mem>>) src(%dma_wait3A_230 : memref<64x128xf32, #tpu.memory_space<vmem>>) dst(%dma_wait3A_234 : memref<1000x128xf32, #tpu.memory_space<vmem_shared>>)
          } else {
          }
          %add3A_202 = arith.constant 4 : i32
          %add3A_203 = arith.addi %add3A_159, %add3A_202 : i32
          %sub3A_204 = arith.constant 1 : i32
          %sub3A_205 = arith.subi %add3A_203, %sub3A_204 : i32
          %add3A_206 = arith.addi %select_n3A, %sub3A_205 : i32
          %mul3A_207 = arith.constant 64 : i32
          %mul3A_208 = arith.muli %add3A_206, %mul3A_207 : i32
          %dma_start3A_209 = arith.constant 2 : i32
          %dma_start3A_210 = arith.constant 0 : i32
          %dma_start3A_211 = arith.constant 0 : i32
          %dma_start3A_212 = tpu.memref_slice %arg7[%dma_start3A_209, %dma_start3A_210, %dma_start3A_211] : memref<4x64x128xf32, #tpu.memory_space<vmem>> -> memref<1x64x128xf32, #tpu.memory_space<vmem>>
          %dma_start3A_213 = tpu.memref_squeeze %dma_start3A_212 : memref<1x64x128xf32, #tpu.memory_space<vmem>> -> memref<64x128xf32, #tpu.memory_space<vmem>>
          %dma_start3A_214 = arith.constant 0 : i32
          %dma_start3A_215 = tpu.memref_slice %arg2[%mul3A_208, %dma_start3A_214] : memref<10000x128xf32, #tpu.memory_space<hbm>> -> memref<64x128xf32, #tpu.memory_space<hbm>>
          %dma_start3A_216 = arith.constant 0 : i32
          %dma_start3A_217 = arith.constant 0 : i32
          %dma_start3A_218 = tpu.memref_slice %arg7[%dma_start3A_209, %dma_start3A_216, %dma_start3A_217] : memref<4x64x128xf32, #tpu.memory_space<vmem>> -> memref<1x64x128xf32, #tpu.memory_space<vmem>>
          %dma_start3A_219 = tpu.memref_squeeze %dma_start3A_218 : memref<1x64x128xf32, #tpu.memory_space<vmem>> -> memref<64x128xf32, #tpu.memory_space<vmem>>
          %dma_start3A_220 = arith.constant 0 : i32
          %dma_start3A_221 = tpu.memref_slice %arg2[%mul3A_208, %dma_start3A_220] : memref<10000x128xf32, #tpu.memory_space<hbm>> -> memref<64x128xf32, #tpu.memory_space<hbm>>
          tpu.enqueue_dma source(%dma_start3A_221 : memref<64x128xf32, #tpu.memory_space<hbm>>) target(%dma_start3A_219 : memref<64x128xf32, #tpu.memory_space<vmem>>) target_semaphore(%arg11 : memref<!tpu.dma_semaphore, #tpu.memory_space<semaphore_mem>>)
        } else {
        }
      } else {
      }
    }
    %scan3A_76 = arith.constant 2 : i32
    %dma_wait3A = arith.constant 0 : i32
    %dma_wait3A_77 = arith.constant 0 : i32
    %dma_wait3A_78 = arith.constant 0 : i32
    %dma_wait3A_79 = tpu.memref_slice %arg7[%dma_wait3A, %dma_wait3A_77, %dma_wait3A_78] : memref<4x64x128xf32, #tpu.memory_space<vmem>> -> memref<1x64x128xf32, #tpu.memory_space<vmem>>
    %dma_wait3A_80 = tpu.memref_squeeze %dma_wait3A_79 : memref<1x64x128xf32, #tpu.memory_space<vmem>> -> memref<64x128xf32, #tpu.memory_space<vmem>>
    %dma_wait3A_81 = arith.constant 0 : i32
    %dma_wait3A_82 = tpu.memref_slice %arg6[%dma_wait3A_81] : memref<320xi32, #tpu.memory_space<vmem>> -> memref<64xi32, #tpu.memory_space<vmem>>
    %dma_wait3A_83 = arith.constant 0 : i32
    %dma_wait3A_84 = arith.constant 0 : i32
    %dma_wait3A_85 = tpu.memref_slice %arg8[%dma_wait3A_83, %dma_wait3A_84] : memref<1000x128xf32, #tpu.memory_space<vmem_shared>> -> memref<1000x128xf32, #tpu.memory_space<vmem_shared>>
    tpu.wait_indirect_dma semaphore(%arg13 : memref<!tpu.dma_semaphore, #tpu.memory_space<semaphore_mem>>) src(%dma_wait3A_80 : memref<64x128xf32, #tpu.memory_space<vmem>>) dst(%dma_wait3A_85 : memref<1000x128xf32, #tpu.memory_space<vmem_shared>>)
    %dma_wait3A_86 = arith.constant 1 : i32
    %dma_wait3A_87 = arith.constant 0 : i32
    %dma_wait3A_88 = arith.constant 0 : i32
    %dma_wait3A_89 = tpu.memref_slice %arg7[%dma_wait3A_86, %dma_wait3A_87, %dma_wait3A_88] : memref<4x64x128xf32, #tpu.memory_space<vmem>> -> memref<1x64x128xf32, #tpu.memory_space<vmem>>
    %dma_wait3A_90 = tpu.memref_squeeze %dma_wait3A_89 : memref<1x64x128xf32, #tpu.memory_space<vmem>> -> memref<64x128xf32, #tpu.memory_space<vmem>>
    %dma_wait3A_91 = arith.constant 64 : i32
    %dma_wait3A_92 = tpu.memref_slice %arg6[%dma_wait3A_91] : memref<320xi32, #tpu.memory_space<vmem>> -> memref<64xi32, #tpu.memory_space<vmem>>
    %dma_wait3A_93 = arith.constant 0 : i32
    %dma_wait3A_94 = arith.constant 0 : i32
    %dma_wait3A_95 = tpu.memref_slice %arg8[%dma_wait3A_93, %dma_wait3A_94] : memref<1000x128xf32, #tpu.memory_space<vmem_shared>> -> memref<1000x128xf32, #tpu.memory_space<vmem_shared>>
    tpu.wait_indirect_dma semaphore(%arg14 : memref<!tpu.dma_semaphore, #tpu.memory_space<semaphore_mem>>) src(%dma_wait3A_90 : memref<64x128xf32, #tpu.memory_space<vmem>>) dst(%dma_wait3A_95 : memref<1000x128xf32, #tpu.memory_space<vmem_shared>>)
    %dma_wait3A_96 = arith.constant 2 : i32
    %dma_wait3A_97 = arith.constant 0 : i32
    %dma_wait3A_98 = arith.constant 0 : i32
    %dma_wait3A_99 = tpu.memref_slice %arg7[%dma_wait3A_96, %dma_wait3A_97, %dma_wait3A_98] : memref<4x64x128xf32, #tpu.memory_space<vmem>> -> memref<1x64x128xf32, #tpu.memory_space<vmem>>
    %dma_wait3A_100 = tpu.memref_squeeze %dma_wait3A_99 : memref<1x64x128xf32, #tpu.memory_space<vmem>> -> memref<64x128xf32, #tpu.memory_space<vmem>>
    %dma_wait3A_101 = arith.constant 128 : i32
    %dma_wait3A_102 = tpu.memref_slice %arg6[%dma_wait3A_101] : memref<320xi32, #tpu.memory_space<vmem>> -> memref<64xi32, #tpu.memory_space<vmem>>
    %dma_wait3A_103 = arith.constant 0 : i32
    %dma_wait3A_104 = arith.constant 0 : i32
    %dma_wait3A_105 = tpu.memref_slice %arg8[%dma_wait3A_103, %dma_wait3A_104] : memref<1000x128xf32, #tpu.memory_space<vmem_shared>> -> memref<1000x128xf32, #tpu.memory_space<vmem_shared>>
    tpu.wait_indirect_dma semaphore(%arg15 : memref<!tpu.dma_semaphore, #tpu.memory_space<semaphore_mem>>) src(%dma_wait3A_100 : memref<64x128xf32, #tpu.memory_space<vmem>>) dst(%dma_wait3A_105 : memref<1000x128xf32, #tpu.memory_space<vmem_shared>>)
    %dma_wait3A_106 = arith.constant 3 : i32
    %dma_wait3A_107 = arith.constant 0 : i32
    %dma_wait3A_108 = arith.constant 0 : i32
    %dma_wait3A_109 = tpu.memref_slice %arg7[%dma_wait3A_106, %dma_wait3A_107, %dma_wait3A_108] : memref<4x64x128xf32, #tpu.memory_space<vmem>> -> memref<1x64x128xf32, #tpu.memory_space<vmem>>
    %dma_wait3A_110 = tpu.memref_squeeze %dma_wait3A_109 : memref<1x64x128xf32, #tpu.memory_space<vmem>> -> memref<64x128xf32, #tpu.memory_space<vmem>>
    %dma_wait3A_111 = arith.constant 192 : i32
    %dma_wait3A_112 = tpu.memref_slice %arg6[%dma_wait3A_111] : memref<320xi32, #tpu.memory_space<vmem>> -> memref<64xi32, #tpu.memory_space<vmem>>
    %dma_wait3A_113 = arith.constant 0 : i32
    %dma_wait3A_114 = arith.constant 0 : i32
    %dma_wait3A_115 = tpu.memref_slice %arg8[%dma_wait3A_113, %dma_wait3A_114] : memref<1000x128xf32, #tpu.memory_space<vmem_shared>> -> memref<1000x128xf32, #tpu.memory_space<vmem_shared>>
    tpu.wait_indirect_dma semaphore(%arg16 : memref<!tpu.dma_semaphore, #tpu.memory_space<semaphore_mem>>) src(%dma_wait3A_110 : memref<64x128xf32, #tpu.memory_space<vmem>>) dst(%dma_wait3A_115 : memref<1000x128xf32, #tpu.memory_space<vmem_shared>>)
    %eq3A_116 = arith.constant 31 : i32
    %eq3A_117 = arith.cmpi eq, %add3A, %eq3A_116 : i32
    %convert_element_type3A_118 = arith.extui %eq3A_117 : i1 to i32
    %cond3A_119 = arith.constant 0 : i32
    %cond3A_120 = arith.cmpi ne, %convert_element_type3A_118, %cond3A_119 : i32
    scf.if %cond3A_120 {
      "tpu.region"() ({
        %run_scoped3A_133 = tpu.sem_alloc : memref<!tpu.dma_semaphore, #tpu.memory_space<semaphore_mem>>
        %dma_start3A = arith.constant 9984 : i32
        %dma_start3A_134 = tpu.memref_slice %arg3[%dma_start3A] : memref<10000xi32, #tpu.memory_space<hbm>> -> memref<16xi32, #tpu.memory_space<hbm>>
        %dma_start3A_135 = arith.constant 9984 : i32
        %dma_start3A_136 = tpu.memref_slice %arg3[%dma_start3A_135] : memref<10000xi32, #tpu.memory_space<hbm>> -> memref<16xi32, #tpu.memory_space<hbm>>
        tpu.enqueue_dma source(%dma_start3A_136 : memref<16xi32, #tpu.memory_space<hbm>>) target(%arg17 : memref<16xi32, #tpu.memory_space<vmem>>) target_semaphore(%run_scoped3A_133 : memref<!tpu.dma_semaphore, #tpu.memory_space<semaphore_mem>>)
        %dma_wait3A_137 = arith.constant 9984 : i32
        %dma_wait3A_138 = tpu.memref_slice %arg3[%dma_wait3A_137] : memref<10000xi32, #tpu.memory_space<hbm>> -> memref<16xi32, #tpu.memory_space<hbm>>
        %dma_wait3A_139 = arith.constant 9984 : i32
        %dma_wait3A_140 = tpu.memref_slice %arg3[%dma_wait3A_139] : memref<10000xi32, #tpu.memory_space<hbm>> -> memref<16xi32, #tpu.memory_space<hbm>>
        tpu.wait_dma2 semaphore(%run_scoped3A_133 : memref<!tpu.dma_semaphore, #tpu.memory_space<semaphore_mem>>) src(%dma_wait3A_140 : memref<16xi32, #tpu.memory_space<hbm>>) dst(%arg17 : memref<16xi32, #tpu.memory_space<vmem>>)
        tpu.yield
      }) : () -> ()
      %run_scoped3A_131 = arith.constant 0 : i32
      "tpu.region"() ({
        %run_scoped3A_133 = tpu.sem_alloc : memref<!tpu.dma_semaphore, #tpu.memory_space<semaphore_mem>>
        %dma_start3A = arith.constant 0 : i32
        %dma_start3A_134 = arith.constant 0 : i32
        %dma_start3A_135 = tpu.memref_slice %arg7[%run_scoped3A_131, %dma_start3A, %dma_start3A_134] : memref<4x64x128xf32, #tpu.memory_space<vmem>> -> memref<1x16x128xf32, #tpu.memory_space<vmem>>
        %dma_start3A_136 = tpu.memref_squeeze %dma_start3A_135 : memref<1x16x128xf32, #tpu.memory_space<vmem>> -> memref<16x128xf32, #tpu.memory_space<vmem>>
        %dma_start3A_137 = arith.constant 9984 : i32
        %dma_start3A_138 = arith.constant 0 : i32
        %dma_start3A_139 = tpu.memref_slice %arg2[%dma_start3A_137, %dma_start3A_138] : memref<10000x128xf32, #tpu.memory_space<hbm>> -> memref<16x128xf32, #tpu.memory_space<hbm>>
        %dma_start3A_140 = arith.constant 0 : i32
        %dma_start3A_141 = arith.constant 0 : i32
        %dma_start3A_142 = tpu.memref_slice %arg7[%run_scoped3A_131, %dma_start3A_140, %dma_start3A_141] : memref<4x64x128xf32, #tpu.memory_space<vmem>> -> memref<1x16x128xf32, #tpu.memory_space<vmem>>
        %dma_start3A_143 = tpu.memref_squeeze %dma_start3A_142 : memref<1x16x128xf32, #tpu.memory_space<vmem>> -> memref<16x128xf32, #tpu.memory_space<vmem>>
        %dma_start3A_144 = arith.constant 9984 : i32
        %dma_start3A_145 = arith.constant 0 : i32
        %dma_start3A_146 = tpu.memref_slice %arg2[%dma_start3A_144, %dma_start3A_145] : memref<10000x128xf32, #tpu.memory_space<hbm>> -> memref<16x128xf32, #tpu.memory_space<hbm>>
        tpu.enqueue_dma source(%dma_start3A_146 : memref<16x128xf32, #tpu.memory_space<hbm>>) target(%dma_start3A_143 : memref<16x128xf32, #tpu.memory_space<vmem>>) target_semaphore(%run_scoped3A_133 : memref<!tpu.dma_semaphore, #tpu.memory_space<semaphore_mem>>)
        %dma_wait3A_147 = arith.constant 0 : i32
        %dma_wait3A_148 = arith.constant 0 : i32
        %dma_wait3A_149 = tpu.memref_slice %arg7[%run_scoped3A_131, %dma_wait3A_147, %dma_wait3A_148] : memref<4x64x128xf32, #tpu.memory_space<vmem>> -> memref<1x16x128xf32, #tpu.memory_space<vmem>>
        %dma_wait3A_150 = tpu.memref_squeeze %dma_wait3A_149 : memref<1x16x128xf32, #tpu.memory_space<vmem>> -> memref<16x128xf32, #tpu.memory_space<vmem>>
        %dma_wait3A_151 = arith.constant 9984 : i32
        %dma_wait3A_152 = arith.constant 0 : i32
        %dma_wait3A_153 = tpu.memref_slice %arg2[%dma_wait3A_151, %dma_wait3A_152] : memref<10000x128xf32, #tpu.memory_space<hbm>> -> memref<16x128xf32, #tpu.memory_space<hbm>>
        %dma_wait3A_154 = arith.constant 0 : i32
        %dma_wait3A_155 = arith.constant 0 : i32
        %dma_wait3A_156 = tpu.memref_slice %arg7[%run_scoped3A_131, %dma_wait3A_154, %dma_wait3A_155] : memref<4x64x128xf32, #tpu.memory_space<vmem>> -> memref<1x16x128xf32, #tpu.memory_space<vmem>>
        %dma_wait3A_157 = tpu.memref_squeeze %dma_wait3A_156 : memref<1x16x128xf32, #tpu.memory_space<vmem>> -> memref<16x128xf32, #tpu.memory_space<vmem>>
        %dma_wait3A_158 = arith.constant 9984 : i32
        %dma_wait3A_159 = arith.constant 0 : i32
        %dma_wait3A_160 = tpu.memref_slice %arg2[%dma_wait3A_158, %dma_wait3A_159] : memref<10000x128xf32, #tpu.memory_space<hbm>> -> memref<16x128xf32, #tpu.memory_space<hbm>>
        tpu.wait_dma2 semaphore(%run_scoped3A_133 : memref<!tpu.dma_semaphore, #tpu.memory_space<semaphore_mem>>) src(%dma_wait3A_160 : memref<16x128xf32, #tpu.memory_space<hbm>>) dst(%dma_wait3A_157 : memref<16x128xf32, #tpu.memory_space<vmem>>)
        tpu.yield
      }) : () -> ()
      %run_scoped3A_132 = arith.constant 0 : i32
      "tpu.region"() ({
        %run_scoped3A_133 = tpu.sem_alloc : memref<!tpu.dma_semaphore, #tpu.memory_space<semaphore_mem>>
        %dma_start3A = arith.constant 0 : i32
        %dma_start3A_134 = arith.constant 0 : i32
        %dma_start3A_135 = tpu.memref_slice %arg7[%run_scoped3A_132, %dma_start3A, %dma_start3A_134] : memref<4x64x128xf32, #tpu.memory_space<vmem>> -> memref<1x16x128xf32, #tpu.memory_space<vmem>>
        %dma_start3A_136 = tpu.memref_squeeze %dma_start3A_135 : memref<1x16x128xf32, #tpu.memory_space<vmem>> -> memref<16x128xf32, #tpu.memory_space<vmem>>
        %dma_start3A_137 = arith.constant 0 : i32
        %dma_start3A_138 = arith.constant 0 : i32
        %dma_start3A_139 = tpu.memref_slice %arg8[%dma_start3A_137, %dma_start3A_138] : memref<1000x128xf32, #tpu.memory_space<vmem_shared>> -> memref<1000x128xf32, #tpu.memory_space<vmem_shared>>
        tpu.enqueue_indirect_dma source(%dma_start3A_136 : memref<16x128xf32, #tpu.memory_space<vmem>>) target(%dma_start3A_139 : memref<1000x128xf32, #tpu.memory_space<vmem_shared>>) offsets(%arg17 : memref<16xi32, #tpu.memory_space<vmem>>) semaphore(%run_scoped3A_133 : memref<!tpu.dma_semaphore, #tpu.memory_space<semaphore_mem>>) {add = true}
        %dma_wait3A_140 = arith.constant 0 : i32
        %dma_wait3A_141 = arith.constant 0 : i32
        %dma_wait3A_142 = tpu.memref_slice %arg7[%run_scoped3A_132, %dma_wait3A_140, %dma_wait3A_141] : memref<4x64x128xf32, #tpu.memory_space<vmem>> -> memref<1x16x128xf32, #tpu.memory_space<vmem>>
        %dma_wait3A_143 = tpu.memref_squeeze %dma_wait3A_142 : memref<1x16x128xf32, #tpu.memory_space<vmem>> -> memref<16x128xf32, #tpu.memory_space<vmem>>
        %dma_wait3A_144 = arith.constant 0 : i32
        %dma_wait3A_145 = arith.constant 0 : i32
        %dma_wait3A_146 = tpu.memref_slice %arg8[%dma_wait3A_144, %dma_wait3A_145] : memref<1000x128xf32, #tpu.memory_space<vmem_shared>> -> memref<1000x128xf32, #tpu.memory_space<vmem_shared>>
        tpu.wait_indirect_dma semaphore(%run_scoped3A_133 : memref<!tpu.dma_semaphore, #tpu.memory_space<semaphore_mem>>) src(%dma_wait3A_143 : memref<16x128xf32, #tpu.memory_space<vmem>>) dst(%dma_wait3A_146 : memref<1000x128xf32, #tpu.memory_space<vmem_shared>>)
        tpu.yield
      }) : () -> ()
    } else {
    }
    %barrier3A_121 = arith.constant 0 : index
    tpu.barrier barrier_id(%barrier3A_121)
    %mul3A_122 = arith.constant 1 : i32
    %mul3A_123 = arith.muli %arg1, %mul3A_122 : i32
    %add3A_124 = arith.constant 0 : i32
    %add3A_125 = arith.addi %mul3A_123, %add3A_124 : i32
    %lt3A_126 = arith.constant 5 : i32
    %lt3A_127 = arith.cmpi slt, %add3A_125, %lt3A_126 : i32
    %convert_element_type3A_128 = arith.extui %lt3A_127 : i1 to i32
    %cond3A_129 = arith.constant 0 : i32
    %cond3A_130 = arith.cmpi ne, %convert_element_type3A_128, %cond3A_129 : i32
    scf.if %cond3A_130 {
      %mul3A_131 = arith.constant 200 : i32
      %mul3A_132 = arith.muli %add3A_125, %mul3A_131 : i32
      %mul3A_133 = arith.constant 200 : i32
      %mul3A_134 = arith.muli %add3A_125, %mul3A_133 : i32
      "tpu.region"() ({
        %run_scoped3A_135 = tpu.sem_alloc : memref<!tpu.dma_semaphore, #tpu.memory_space<semaphore_mem>>
        %dma_start3A = arith.constant 0 : i32
        %dma_start3A_136 = tpu.memref_slice %arg5[%arg0, %mul3A_134, %dma_start3A] : memref<2x1000x128xf32, #tpu.memory_space<hbm>> -> memref<1x200x128xf32, #tpu.memory_space<hbm>>
        %dma_start3A_137 = tpu.memref_squeeze %dma_start3A_136 : memref<1x200x128xf32, #tpu.memory_space<hbm>> -> memref<200x128xf32, #tpu.memory_space<hbm>>
        %dma_start3A_138 = arith.constant 0 : i32
        %dma_start3A_139 = tpu.memref_slice %arg8[%mul3A_132, %dma_start3A_138] : memref<1000x128xf32, #tpu.memory_space<vmem_shared>> -> memref<200x128xf32, #tpu.memory_space<vmem_shared>>
        tpu.enqueue_dma source(%dma_start3A_139 : memref<200x128xf32, #tpu.memory_space<vmem_shared>>) target(%dma_start3A_137 : memref<200x128xf32, #tpu.memory_space<hbm>>) target_semaphore(%run_scoped3A_135 : memref<!tpu.dma_semaphore, #tpu.memory_space<semaphore_mem>>)
        %dma_wait3A_140 = arith.constant 0 : i32
        %dma_wait3A_141 = tpu.memref_slice %arg5[%arg0, %mul3A_134, %dma_wait3A_140] : memref<2x1000x128xf32, #tpu.memory_space<hbm>> -> memref<1x200x128xf32, #tpu.memory_space<hbm>>
        %dma_wait3A_142 = tpu.memref_squeeze %dma_wait3A_141 : memref<1x200x128xf32, #tpu.memory_space<hbm>> -> memref<200x128xf32, #tpu.memory_space<hbm>>
        %dma_wait3A_143 = arith.constant 0 : i32
        %dma_wait3A_144 = tpu.memref_slice %arg8[%mul3A_132, %dma_wait3A_143] : memref<1000x128xf32, #tpu.memory_space<vmem_shared>> -> memref<200x128xf32, #tpu.memory_space<vmem_shared>>
        tpu.wait_dma2 semaphore(%run_scoped3A_135 : memref<!tpu.dma_semaphore, #tpu.memory_space<semaphore_mem>>) src(%dma_wait3A_144 : memref<200x128xf32, #tpu.memory_space<vmem_shared>>) dst(%dma_wait3A_142 : memref<200x128xf32, #tpu.memory_space<hbm>>)
        tpu.yield
      }) : () -> ()
    } else {
    }
    return
  }
}

#map = affine_map<(d0, d1) -> (0, 0)>
#map1 = affine_map<(d0, d1) -> (0)>
#map2 = affine_map<(d0, d1) -> (0, 0, 0)>
module attributes {stable_mosaic.version = 14 : i64} {
  func.func @seg_kernel(%arg0: i32, %arg1: i32, %arg2: memref<100000x128xf32, #tpu.memory_space<hbm>>, %arg3: memref<100000xi32, #tpu.memory_space<hbm>>, %arg4: memref<64x128xf32, #tpu.memory_space<hbm>>, %arg5: memref<2x10000x128xf32, #tpu.memory_space<hbm>>, %arg6: memref<3136xi32, #tpu.memory_space<vmem>>, %arg7: memref<5x64x128xf32, #tpu.memory_space<vmem>>, %arg8: memref<10000x128xf32, #tpu.memory_space<vmem_shared>>, %arg9: memref<!tpu.dma_semaphore, #tpu.memory_space<semaphore_mem>>, %arg10: memref<!tpu.dma_semaphore, #tpu.memory_space<semaphore_mem>>, %arg11: memref<!tpu.dma_semaphore, #tpu.memory_space<semaphore_mem>>, %arg12: memref<!tpu.dma_semaphore, #tpu.memory_space<semaphore_mem>>, %arg13: memref<!tpu.dma_semaphore, #tpu.memory_space<semaphore_mem>>, %arg14: memref<!tpu.dma_semaphore, #tpu.memory_space<semaphore_mem>>, %arg15: memref<!tpu.dma_semaphore, #tpu.memory_space<semaphore_mem>>, %arg16: memref<!tpu.dma_semaphore, #tpu.memory_space<semaphore_mem>>, %arg17: memref<!tpu.dma_semaphore, #tpu.memory_space<semaphore_mem>>, %arg18: memref<!tpu.dma_semaphore, #tpu.memory_space<semaphore_mem>>, %arg19: memref<32xi32, #tpu.memory_space<vmem>>) attributes {dimension_semantics = [#tpu.dimension_semantics<core_parallel>, #tpu.dimension_semantics<subcore_parallel>], iteration_bounds = array<i64: 2, 16>, scalar_prefetch = 0 : i64, scratch_operands = 14 : i64, tpu.core_type = #tpu.core_type<sc_vector_subcore>, window_params = [{transform_indices = #map}, {transform_indices = #map1}, {transform_indices = #map}, {transform_indices = #map2}]} {
    %mul3A = arith.constant 2 : i32
    %mul3A_0 = arith.muli %arg1, %mul3A : i32
    %add3A = arith.addi %mul3A_0, %arg0 : i32
    %mul3A_1 = arith.constant 1562 : i32
    %mul3A_2 = arith.muli %add3A, %mul3A_1 : i32
    %jit3A = arith.constant 32 : i32
    %div3A = arith.divsi %mul3A_2, %jit3A : i32
    %sign3A = arith.constant 0 : i32
    %sign3A_3 = arith.cmpi sgt, %mul3A_2, %sign3A : i32
    %sign3A_4 = arith.extui %sign3A_3 : i1 to i32
    %sign3A_5 = arith.constant 0 : i32
    %sign3A_6 = arith.cmpi slt, %mul3A_2, %sign3A_5 : i32
    %sign3A_7 = arith.extui %sign3A_6 : i1 to i32
    %sign3A_8 = arith.subi %sign3A_4, %sign3A_7 : i32
    %sign3A_9 = arith.constant 0 : i32
    %sign3A_10 = arith.cmpi sgt, %jit3A, %sign3A_9 : i32
    %sign3A_11 = arith.extui %sign3A_10 : i1 to i32
    %sign3A_12 = arith.constant 0 : i32
    %sign3A_13 = arith.cmpi slt, %jit3A, %sign3A_12 : i32
    %sign3A_14 = arith.extui %sign3A_13 : i1 to i32
    %sign3A_15 = arith.subi %sign3A_11, %sign3A_14 : i32
    %ne3A = arith.cmpi ne, %sign3A_8, %sign3A_15 : i32
    %rem3A = arith.remsi %mul3A_2, %jit3A : i32
    %ne3A_16 = arith.constant 0 : i32
    %ne3A_17 = arith.cmpi ne, %rem3A, %ne3A_16 : i32
    %and3A = arith.andi %ne3A, %ne3A_17 : i1
    %sub3A = arith.constant 1 : i32
    %sub3A_18 = arith.subi %div3A, %sub3A : i32
    %select_n3A = arith.select %and3A, %sub3A_18, %div3A : i32
    %add3A_19 = arith.constant 1 : i32
    %add3A_20 = arith.addi %add3A, %add3A_19 : i32
    %mul3A_21 = arith.constant 1562 : i32
    %mul3A_22 = arith.muli %add3A_20, %mul3A_21 : i32
    %jit3A_23 = arith.constant 32 : i32
    %div3A_24 = arith.divsi %mul3A_22, %jit3A_23 : i32
    %sign3A_25 = arith.constant 0 : i32
    %sign3A_26 = arith.cmpi sgt, %mul3A_22, %sign3A_25 : i32
    %sign3A_27 = arith.extui %sign3A_26 : i1 to i32
    %sign3A_28 = arith.constant 0 : i32
    %sign3A_29 = arith.cmpi slt, %mul3A_22, %sign3A_28 : i32
    %sign3A_30 = arith.extui %sign3A_29 : i1 to i32
    %sign3A_31 = arith.subi %sign3A_27, %sign3A_30 : i32
    %sign3A_32 = arith.constant 0 : i32
    %sign3A_33 = arith.cmpi sgt, %jit3A_23, %sign3A_32 : i32
    %sign3A_34 = arith.extui %sign3A_33 : i1 to i32
    %sign3A_35 = arith.constant 0 : i32
    %sign3A_36 = arith.cmpi slt, %jit3A_23, %sign3A_35 : i32
    %sign3A_37 = arith.extui %sign3A_36 : i1 to i32
    %sign3A_38 = arith.subi %sign3A_34, %sign3A_37 : i32
    %ne3A_39 = arith.cmpi ne, %sign3A_31, %sign3A_38 : i32
    %rem3A_40 = arith.remsi %mul3A_22, %jit3A_23 : i32
    %ne3A_41 = arith.constant 0 : i32
    %ne3A_42 = arith.cmpi ne, %rem3A_40, %ne3A_41 : i32
    %and3A_43 = arith.andi %ne3A_39, %ne3A_42 : i1
    %sub3A_44 = arith.constant 1 : i32
    %sub3A_45 = arith.subi %div3A_24, %sub3A_44 : i32
    %select_n3A_46 = arith.select %and3A_43, %sub3A_45, %div3A_24 : i32
    %sub3A_47 = arith.subi %select_n3A_46, %select_n3A : i32
    %gt3A = arith.constant 0 : i32
    %gt3A_48 = arith.cmpi sgt, %sub3A_47, %gt3A : i32
    %convert_element_type3A = arith.extui %gt3A_48 : i1 to i32
    %cond3A = arith.constant 0 : i32
    %cond3A_49 = arith.cmpi ne, %convert_element_type3A, %cond3A : i32
    scf.if %cond3A_49 {
      %add3A_263 = arith.constant 0 : i32
      %add3A_264 = arith.addi %select_n3A, %add3A_263 : i32
      %mul3A_265 = arith.constant 64 : i32
      %mul3A_266 = arith.muli %add3A_264, %mul3A_265 : i32
      %dma_start3A = arith.constant 0 : i32
      %dma_start3A_267 = arith.constant 0 : i32
      %dma_start3A_268 = arith.constant 0 : i32
      %dma_start3A_269 = tpu.memref_slice %arg7[%dma_start3A, %dma_start3A_267, %dma_start3A_268] : memref<5x64x128xf32, #tpu.memory_space<vmem>> -> memref<1x64x128xf32, #tpu.memory_space<vmem>>
      %dma_start3A_270 = tpu.memref_squeeze %dma_start3A_269 : memref<1x64x128xf32, #tpu.memory_space<vmem>> -> memref<64x128xf32, #tpu.memory_space<vmem>>
      %dma_start3A_271 = arith.constant 0 : i32
      %dma_start3A_272 = tpu.memref_slice %arg2[%mul3A_266, %dma_start3A_271] : memref<100000x128xf32, #tpu.memory_space<hbm>> -> memref<64x128xf32, #tpu.memory_space<hbm>>
      %dma_start3A_273 = arith.constant 0 : i32
      %dma_start3A_274 = arith.constant 0 : i32
      %dma_start3A_275 = tpu.memref_slice %arg7[%dma_start3A, %dma_start3A_273, %dma_start3A_274] : memref<5x64x128xf32, #tpu.memory_space<vmem>> -> memref<1x64x128xf32, #tpu.memory_space<vmem>>
      %dma_start3A_276 = tpu.memref_squeeze %dma_start3A_275 : memref<1x64x128xf32, #tpu.memory_space<vmem>> -> memref<64x128xf32, #tpu.memory_space<vmem>>
      %dma_start3A_277 = arith.constant 0 : i32
      %dma_start3A_278 = tpu.memref_slice %arg2[%mul3A_266, %dma_start3A_277] : memref<100000x128xf32, #tpu.memory_space<hbm>> -> memref<64x128xf32, #tpu.memory_space<hbm>>
      tpu.enqueue_dma source(%dma_start3A_278 : memref<64x128xf32, #tpu.memory_space<hbm>>) target(%dma_start3A_276 : memref<64x128xf32, #tpu.memory_space<vmem>>) target_semaphore(%arg9 : memref<!tpu.dma_semaphore, #tpu.memory_space<semaphore_mem>>)
    } else {
    }
    %gt3A_50 = arith.constant 1 : i32
    %gt3A_51 = arith.cmpi sgt, %sub3A_47, %gt3A_50 : i32
    %convert_element_type3A_52 = arith.extui %gt3A_51 : i1 to i32
    %cond3A_53 = arith.constant 0 : i32
    %cond3A_54 = arith.cmpi ne, %convert_element_type3A_52, %cond3A_53 : i32
    scf.if %cond3A_54 {
      %add3A_263 = arith.constant 1 : i32
      %add3A_264 = arith.addi %select_n3A, %add3A_263 : i32
      %mul3A_265 = arith.constant 64 : i32
      %mul3A_266 = arith.muli %add3A_264, %mul3A_265 : i32
      %dma_start3A = arith.constant 1 : i32
      %dma_start3A_267 = arith.constant 0 : i32
      %dma_start3A_268 = arith.constant 0 : i32
      %dma_start3A_269 = tpu.memref_slice %arg7[%dma_start3A, %dma_start3A_267, %dma_start3A_268] : memref<5x64x128xf32, #tpu.memory_space<vmem>> -> memref<1x64x128xf32, #tpu.memory_space<vmem>>
      %dma_start3A_270 = tpu.memref_squeeze %dma_start3A_269 : memref<1x64x128xf32, #tpu.memory_space<vmem>> -> memref<64x128xf32, #tpu.memory_space<vmem>>
      %dma_start3A_271 = arith.constant 0 : i32
      %dma_start3A_272 = tpu.memref_slice %arg2[%mul3A_266, %dma_start3A_271] : memref<100000x128xf32, #tpu.memory_space<hbm>> -> memref<64x128xf32, #tpu.memory_space<hbm>>
      %dma_start3A_273 = arith.constant 0 : i32
      %dma_start3A_274 = arith.constant 0 : i32
      %dma_start3A_275 = tpu.memref_slice %arg7[%dma_start3A, %dma_start3A_273, %dma_start3A_274] : memref<5x64x128xf32, #tpu.memory_space<vmem>> -> memref<1x64x128xf32, #tpu.memory_space<vmem>>
      %dma_start3A_276 = tpu.memref_squeeze %dma_start3A_275 : memref<1x64x128xf32, #tpu.memory_space<vmem>> -> memref<64x128xf32, #tpu.memory_space<vmem>>
      %dma_start3A_277 = arith.constant 0 : i32
      %dma_start3A_278 = tpu.memref_slice %arg2[%mul3A_266, %dma_start3A_277] : memref<100000x128xf32, #tpu.memory_space<hbm>> -> memref<64x128xf32, #tpu.memory_space<hbm>>
      tpu.enqueue_dma source(%dma_start3A_278 : memref<64x128xf32, #tpu.memory_space<hbm>>) target(%dma_start3A_276 : memref<64x128xf32, #tpu.memory_space<vmem>>) target_semaphore(%arg10 : memref<!tpu.dma_semaphore, #tpu.memory_space<semaphore_mem>>)
    } else {
    }
    %gt3A_55 = arith.constant 2 : i32
    %gt3A_56 = arith.cmpi sgt, %sub3A_47, %gt3A_55 : i32
    %convert_element_type3A_57 = arith.extui %gt3A_56 : i1 to i32
    %cond3A_58 = arith.constant 0 : i32
    %cond3A_59 = arith.cmpi ne, %convert_element_type3A_57, %cond3A_58 : i32
    scf.if %cond3A_59 {
      %add3A_263 = arith.constant 2 : i32
      %add3A_264 = arith.addi %select_n3A, %add3A_263 : i32
      %mul3A_265 = arith.constant 64 : i32
      %mul3A_266 = arith.muli %add3A_264, %mul3A_265 : i32
      %dma_start3A = arith.constant 2 : i32
      %dma_start3A_267 = arith.constant 0 : i32
      %dma_start3A_268 = arith.constant 0 : i32
      %dma_start3A_269 = tpu.memref_slice %arg7[%dma_start3A, %dma_start3A_267, %dma_start3A_268] : memref<5x64x128xf32, #tpu.memory_space<vmem>> -> memref<1x64x128xf32, #tpu.memory_space<vmem>>
      %dma_start3A_270 = tpu.memref_squeeze %dma_start3A_269 : memref<1x64x128xf32, #tpu.memory_space<vmem>> -> memref<64x128xf32, #tpu.memory_space<vmem>>
      %dma_start3A_271 = arith.constant 0 : i32
      %dma_start3A_272 = tpu.memref_slice %arg2[%mul3A_266, %dma_start3A_271] : memref<100000x128xf32, #tpu.memory_space<hbm>> -> memref<64x128xf32, #tpu.memory_space<hbm>>
      %dma_start3A_273 = arith.constant 0 : i32
      %dma_start3A_274 = arith.constant 0 : i32
      %dma_start3A_275 = tpu.memref_slice %arg7[%dma_start3A, %dma_start3A_273, %dma_start3A_274] : memref<5x64x128xf32, #tpu.memory_space<vmem>> -> memref<1x64x128xf32, #tpu.memory_space<vmem>>
      %dma_start3A_276 = tpu.memref_squeeze %dma_start3A_275 : memref<1x64x128xf32, #tpu.memory_space<vmem>> -> memref<64x128xf32, #tpu.memory_space<vmem>>
      %dma_start3A_277 = arith.constant 0 : i32
      %dma_start3A_278 = tpu.memref_slice %arg2[%mul3A_266, %dma_start3A_277] : memref<100000x128xf32, #tpu.memory_space<hbm>> -> memref<64x128xf32, #tpu.memory_space<hbm>>
      tpu.enqueue_dma source(%dma_start3A_278 : memref<64x128xf32, #tpu.memory_space<hbm>>) target(%dma_start3A_276 : memref<64x128xf32, #tpu.memory_space<vmem>>) target_semaphore(%arg11 : memref<!tpu.dma_semaphore, #tpu.memory_space<semaphore_mem>>)
    } else {
    }
    %gt3A_60 = arith.constant 3 : i32
    %gt3A_61 = arith.cmpi sgt, %sub3A_47, %gt3A_60 : i32
    %convert_element_type3A_62 = arith.extui %gt3A_61 : i1 to i32
    %cond3A_63 = arith.constant 0 : i32
    %cond3A_64 = arith.cmpi ne, %convert_element_type3A_62, %cond3A_63 : i32
    scf.if %cond3A_64 {
      %add3A_263 = arith.constant 3 : i32
      %add3A_264 = arith.addi %select_n3A, %add3A_263 : i32
      %mul3A_265 = arith.constant 64 : i32
      %mul3A_266 = arith.muli %add3A_264, %mul3A_265 : i32
      %dma_start3A = arith.constant 3 : i32
      %dma_start3A_267 = arith.constant 0 : i32
      %dma_start3A_268 = arith.constant 0 : i32
      %dma_start3A_269 = tpu.memref_slice %arg7[%dma_start3A, %dma_start3A_267, %dma_start3A_268] : memref<5x64x128xf32, #tpu.memory_space<vmem>> -> memref<1x64x128xf32, #tpu.memory_space<vmem>>
      %dma_start3A_270 = tpu.memref_squeeze %dma_start3A_269 : memref<1x64x128xf32, #tpu.memory_space<vmem>> -> memref<64x128xf32, #tpu.memory_space<vmem>>
      %dma_start3A_271 = arith.constant 0 : i32
      %dma_start3A_272 = tpu.memref_slice %arg2[%mul3A_266, %dma_start3A_271] : memref<100000x128xf32, #tpu.memory_space<hbm>> -> memref<64x128xf32, #tpu.memory_space<hbm>>
      %dma_start3A_273 = arith.constant 0 : i32
      %dma_start3A_274 = arith.constant 0 : i32
      %dma_start3A_275 = tpu.memref_slice %arg7[%dma_start3A, %dma_start3A_273, %dma_start3A_274] : memref<5x64x128xf32, #tpu.memory_space<vmem>> -> memref<1x64x128xf32, #tpu.memory_space<vmem>>
      %dma_start3A_276 = tpu.memref_squeeze %dma_start3A_275 : memref<1x64x128xf32, #tpu.memory_space<vmem>> -> memref<64x128xf32, #tpu.memory_space<vmem>>
      %dma_start3A_277 = arith.constant 0 : i32
      %dma_start3A_278 = tpu.memref_slice %arg2[%mul3A_266, %dma_start3A_277] : memref<100000x128xf32, #tpu.memory_space<hbm>> -> memref<64x128xf32, #tpu.memory_space<hbm>>
      tpu.enqueue_dma source(%dma_start3A_278 : memref<64x128xf32, #tpu.memory_space<hbm>>) target(%dma_start3A_276 : memref<64x128xf32, #tpu.memory_space<vmem>>) target_semaphore(%arg12 : memref<!tpu.dma_semaphore, #tpu.memory_space<semaphore_mem>>)
    } else {
    }
    %mul3A_65 = arith.constant 64 : i32
    %mul3A_66 = arith.muli %select_n3A, %mul3A_65 : i32
    "tpu.region"() ({
      %run_scoped3A_263 = tpu.sem_alloc : memref<!tpu.dma_semaphore, #tpu.memory_space<semaphore_mem>>
      %dma_start3A = tpu.memref_slice %arg3[%mul3A_66] : memref<100000xi32, #tpu.memory_space<hbm>> -> memref<3136xi32, #tpu.memory_space<hbm>>
      %dma_start3A_264 = tpu.memref_slice %arg3[%mul3A_66] : memref<100000xi32, #tpu.memory_space<hbm>> -> memref<3136xi32, #tpu.memory_space<hbm>>
      tpu.enqueue_dma source(%dma_start3A_264 : memref<3136xi32, #tpu.memory_space<hbm>>) target(%arg6 : memref<3136xi32, #tpu.memory_space<vmem>>) target_semaphore(%run_scoped3A_263 : memref<!tpu.dma_semaphore, #tpu.memory_space<semaphore_mem>>)
      %dma_wait3A_265 = tpu.memref_slice %arg3[%mul3A_66] : memref<100000xi32, #tpu.memory_space<hbm>> -> memref<3136xi32, #tpu.memory_space<hbm>>
      %dma_wait3A_266 = tpu.memref_slice %arg3[%mul3A_66] : memref<100000xi32, #tpu.memory_space<hbm>> -> memref<3136xi32, #tpu.memory_space<hbm>>
      tpu.wait_dma2 semaphore(%run_scoped3A_263 : memref<!tpu.dma_semaphore, #tpu.memory_space<semaphore_mem>>) src(%dma_wait3A_266 : memref<3136xi32, #tpu.memory_space<hbm>>) dst(%arg6 : memref<3136xi32, #tpu.memory_space<vmem>>)
      tpu.yield
    }) : () -> ()
    %run_scoped3A = arith.constant 4 : i32
    "tpu.region"() ({
      %run_scoped3A_263 = tpu.sem_alloc : memref<!tpu.dma_semaphore, #tpu.memory_space<semaphore_mem>>
      %dma_start3A = arith.constant 0 : i32
      %dma_start3A_264 = arith.constant 0 : i32
      %dma_start3A_265 = tpu.memref_slice %arg7[%run_scoped3A, %dma_start3A, %dma_start3A_264] : memref<5x64x128xf32, #tpu.memory_space<vmem>> -> memref<1x64x128xf32, #tpu.memory_space<vmem>>
      %dma_start3A_266 = tpu.memref_squeeze %dma_start3A_265 : memref<1x64x128xf32, #tpu.memory_space<vmem>> -> memref<64x128xf32, #tpu.memory_space<vmem>>
      %dma_start3A_267 = arith.constant 0 : i32
      %dma_start3A_268 = arith.constant 0 : i32
      %dma_start3A_269 = tpu.memref_slice %arg7[%run_scoped3A, %dma_start3A_267, %dma_start3A_268] : memref<5x64x128xf32, #tpu.memory_space<vmem>> -> memref<1x64x128xf32, #tpu.memory_space<vmem>>
      %dma_start3A_270 = tpu.memref_squeeze %dma_start3A_269 : memref<1x64x128xf32, #tpu.memory_space<vmem>> -> memref<64x128xf32, #tpu.memory_space<vmem>>
      tpu.enqueue_dma source(%arg4 : memref<64x128xf32, #tpu.memory_space<hbm>>) target(%dma_start3A_270 : memref<64x128xf32, #tpu.memory_space<vmem>>) target_semaphore(%run_scoped3A_263 : memref<!tpu.dma_semaphore, #tpu.memory_space<semaphore_mem>>)
      %dma_wait3A_271 = arith.constant 0 : i32
      %dma_wait3A_272 = arith.constant 0 : i32
      %dma_wait3A_273 = tpu.memref_slice %arg7[%run_scoped3A, %dma_wait3A_271, %dma_wait3A_272] : memref<5x64x128xf32, #tpu.memory_space<vmem>> -> memref<1x64x128xf32, #tpu.memory_space<vmem>>
      %dma_wait3A_274 = tpu.memref_squeeze %dma_wait3A_273 : memref<1x64x128xf32, #tpu.memory_space<vmem>> -> memref<64x128xf32, #tpu.memory_space<vmem>>
      %dma_wait3A_275 = arith.constant 0 : i32
      %dma_wait3A_276 = arith.constant 0 : i32
      %dma_wait3A_277 = tpu.memref_slice %arg7[%run_scoped3A, %dma_wait3A_275, %dma_wait3A_276] : memref<5x64x128xf32, #tpu.memory_space<vmem>> -> memref<1x64x128xf32, #tpu.memory_space<vmem>>
      %dma_wait3A_278 = tpu.memref_squeeze %dma_wait3A_277 : memref<1x64x128xf32, #tpu.memory_space<vmem>> -> memref<64x128xf32, #tpu.memory_space<vmem>>
      tpu.wait_dma2 semaphore(%run_scoped3A_263 : memref<!tpu.dma_semaphore, #tpu.memory_space<semaphore_mem>>) src(%arg4 : memref<64x128xf32, #tpu.memory_space<hbm>>) dst(%dma_wait3A_278 : memref<64x128xf32, #tpu.memory_space<vmem>>)
      tpu.yield
    }) : () -> ()
    %add3A_67 = arith.constant 0 : i32
    %add3A_68 = arith.addi %arg1, %add3A_67 : i32
    %lt3A = arith.constant 156 : i32
    %lt3A_69 = arith.cmpi slt, %add3A_68, %lt3A : i32
    %convert_element_type3A_70 = arith.extui %lt3A_69 : i1 to i32
    %cond3A_71 = arith.constant 0 : i32
    %cond3A_72 = arith.cmpi ne, %convert_element_type3A_70, %cond3A_71 : i32
    scf.if %cond3A_72 {
      %mul3A_263 = arith.constant 64 : i32
      %mul3A_264 = arith.muli %add3A_68, %mul3A_263 : i32
      %run_scoped3A_265 = arith.constant 4 : i32
      "tpu.region"() ({
        %run_scoped3A_266 = tpu.sem_alloc : memref<!tpu.dma_semaphore, #tpu.memory_space<semaphore_mem>>
        %dma_start3A = arith.constant 0 : i32
        %dma_start3A_267 = arith.constant 0 : i32
        %dma_start3A_268 = tpu.memref_slice %arg7[%run_scoped3A_265, %dma_start3A, %dma_start3A_267] : memref<5x64x128xf32, #tpu.memory_space<vmem>> -> memref<1x64x128xf32, #tpu.memory_space<vmem>>
        %dma_start3A_269 = tpu.memref_squeeze %dma_start3A_268 : memref<1x64x128xf32, #tpu.memory_space<vmem>> -> memref<64x128xf32, #tpu.memory_space<vmem>>
        %dma_start3A_270 = arith.constant 0 : i32
        %dma_start3A_271 = tpu.memref_slice %arg8[%mul3A_264, %dma_start3A_270] : memref<10000x128xf32, #tpu.memory_space<vmem_shared>> -> memref<64x128xf32, #tpu.memory_space<vmem_shared>>
        %dma_start3A_272 = arith.constant 0 : i32
        %dma_start3A_273 = tpu.memref_slice %arg8[%mul3A_264, %dma_start3A_272] : memref<10000x128xf32, #tpu.memory_space<vmem_shared>> -> memref<64x128xf32, #tpu.memory_space<vmem_shared>>
        %dma_start3A_274 = arith.constant 0 : i32
        %dma_start3A_275 = arith.constant 0 : i32
        %dma_start3A_276 = tpu.memref_slice %arg7[%run_scoped3A_265, %dma_start3A_274, %dma_start3A_275] : memref<5x64x128xf32, #tpu.memory_space<vmem>> -> memref<1x64x128xf32, #tpu.memory_space<vmem>>
        %dma_start3A_277 = tpu.memref_squeeze %dma_start3A_276 : memref<1x64x128xf32, #tpu.memory_space<vmem>> -> memref<64x128xf32, #tpu.memory_space<vmem>>
        tpu.enqueue_dma source(%dma_start3A_277 : memref<64x128xf32, #tpu.memory_space<vmem>>) target(%dma_start3A_273 : memref<64x128xf32, #tpu.memory_space<vmem_shared>>) target_semaphore(%run_scoped3A_266 : memref<!tpu.dma_semaphore, #tpu.memory_space<semaphore_mem>>)
        %dma_wait3A_278 = arith.constant 0 : i32
        %dma_wait3A_279 = arith.constant 0 : i32
        %dma_wait3A_280 = tpu.memref_slice %arg7[%run_scoped3A_265, %dma_wait3A_278, %dma_wait3A_279] : memref<5x64x128xf32, #tpu.memory_space<vmem>> -> memref<1x64x128xf32, #tpu.memory_space<vmem>>
        %dma_wait3A_281 = tpu.memref_squeeze %dma_wait3A_280 : memref<1x64x128xf32, #tpu.memory_space<vmem>> -> memref<64x128xf32, #tpu.memory_space<vmem>>
        %dma_wait3A_282 = arith.constant 0 : i32
        %dma_wait3A_283 = tpu.memref_slice %arg8[%mul3A_264, %dma_wait3A_282] : memref<10000x128xf32, #tpu.memory_space<vmem_shared>> -> memref<64x128xf32, #tpu.memory_space<vmem_shared>>
        %dma_wait3A_284 = arith.constant 0 : i32
        %dma_wait3A_285 = tpu.memref_slice %arg8[%mul3A_264, %dma_wait3A_284] : memref<10000x128xf32, #tpu.memory_space<vmem_shared>> -> memref<64x128xf32, #tpu.memory_space<vmem_shared>>
        %dma_wait3A_286 = arith.constant 0 : i32
        %dma_wait3A_287 = arith.constant 0 : i32
        %dma_wait3A_288 = tpu.memref_slice %arg7[%run_scoped3A_265, %dma_wait3A_286, %dma_wait3A_287] : memref<5x64x128xf32, #tpu.memory_space<vmem>> -> memref<1x64x128xf32, #tpu.memory_space<vmem>>
        %dma_wait3A_289 = tpu.memref_squeeze %dma_wait3A_288 : memref<1x64x128xf32, #tpu.memory_space<vmem>> -> memref<64x128xf32, #tpu.memory_space<vmem>>
        tpu.wait_dma2 semaphore(%run_scoped3A_266 : memref<!tpu.dma_semaphore, #tpu.memory_space<semaphore_mem>>) src(%dma_wait3A_289 : memref<64x128xf32, #tpu.memory_space<vmem>>) dst(%dma_wait3A_285 : memref<64x128xf32, #tpu.memory_space<vmem_shared>>)
        tpu.yield
      }) : () -> ()
    } else {
    }
    %eq3A = arith.constant 156 : i32
    %eq3A_73 = arith.cmpi eq, %add3A_68, %eq3A : i32
    %convert_element_type3A_74 = arith.extui %eq3A_73 : i1 to i32
    %cond3A_75 = arith.constant 0 : i32
    %cond3A_76 = arith.cmpi ne, %convert_element_type3A_74, %cond3A_75 : i32
    scf.if %cond3A_76 {
      %run_scoped3A_263 = arith.constant 4 : i32
      "tpu.region"() ({
        %run_scoped3A_264 = tpu.sem_alloc : memref<!tpu.dma_semaphore, #tpu.memory_space<semaphore_mem>>
        %dma_start3A = arith.constant 0 : i32
        %dma_start3A_265 = arith.constant 0 : i32
        %dma_start3A_266 = tpu.memref_slice %arg7[%run_scoped3A_263, %dma_start3A, %dma_start3A_265] : memref<5x64x128xf32, #tpu.memory_space<vmem>> -> memref<1x16x128xf32, #tpu.memory_space<vmem>>
        %dma_start3A_267 = tpu.memref_squeeze %dma_start3A_266 : memref<1x16x128xf32, #tpu.memory_space<vmem>> -> memref<16x128xf32, #tpu.memory_space<vmem>>
        %dma_start3A_268 = arith.constant 9984 : i32
        %dma_start3A_269 = arith.constant 0 : i32
        %dma_start3A_270 = tpu.memref_slice %arg8[%dma_start3A_268, %dma_start3A_269] : memref<10000x128xf32, #tpu.memory_space<vmem_shared>> -> memref<16x128xf32, #tpu.memory_space<vmem_shared>>
        %dma_start3A_271 = arith.constant 9984 : i32
        %dma_start3A_272 = arith.constant 0 : i32
        %dma_start3A_273 = tpu.memref_slice %arg8[%dma_start3A_271, %dma_start3A_272] : memref<10000x128xf32, #tpu.memory_space<vmem_shared>> -> memref<16x128xf32, #tpu.memory_space<vmem_shared>>
        %dma_start3A_274 = arith.constant 0 : i32
        %dma_start3A_275 = arith.constant 0 : i32
        %dma_start3A_276 = tpu.memref_slice %arg7[%run_scoped3A_263, %dma_start3A_274, %dma_start3A_275] : memref<5x64x128xf32, #tpu.memory_space<vmem>> -> memref<1x16x128xf32, #tpu.memory_space<vmem>>
        %dma_start3A_277 = tpu.memref_squeeze %dma_start3A_276 : memref<1x16x128xf32, #tpu.memory_space<vmem>> -> memref<16x128xf32, #tpu.memory_space<vmem>>
        tpu.enqueue_dma source(%dma_start3A_277 : memref<16x128xf32, #tpu.memory_space<vmem>>) target(%dma_start3A_273 : memref<16x128xf32, #tpu.memory_space<vmem_shared>>) target_semaphore(%run_scoped3A_264 : memref<!tpu.dma_semaphore, #tpu.memory_space<semaphore_mem>>)
        %dma_wait3A_278 = arith.constant 0 : i32
        %dma_wait3A_279 = arith.constant 0 : i32
        %dma_wait3A_280 = tpu.memref_slice %arg7[%run_scoped3A_263, %dma_wait3A_278, %dma_wait3A_279] : memref<5x64x128xf32, #tpu.memory_space<vmem>> -> memref<1x16x128xf32, #tpu.memory_space<vmem>>
        %dma_wait3A_281 = tpu.memref_squeeze %dma_wait3A_280 : memref<1x16x128xf32, #tpu.memory_space<vmem>> -> memref<16x128xf32, #tpu.memory_space<vmem>>
        %dma_wait3A_282 = arith.constant 9984 : i32
        %dma_wait3A_283 = arith.constant 0 : i32
        %dma_wait3A_284 = tpu.memref_slice %arg8[%dma_wait3A_282, %dma_wait3A_283] : memref<10000x128xf32, #tpu.memory_space<vmem_shared>> -> memref<16x128xf32, #tpu.memory_space<vmem_shared>>
        %dma_wait3A_285 = arith.constant 9984 : i32
        %dma_wait3A_286 = arith.constant 0 : i32
        %dma_wait3A_287 = tpu.memref_slice %arg8[%dma_wait3A_285, %dma_wait3A_286] : memref<10000x128xf32, #tpu.memory_space<vmem_shared>> -> memref<16x128xf32, #tpu.memory_space<vmem_shared>>
        %dma_wait3A_288 = arith.constant 0 : i32
        %dma_wait3A_289 = arith.constant 0 : i32
        %dma_wait3A_290 = tpu.memref_slice %arg7[%run_scoped3A_263, %dma_wait3A_288, %dma_wait3A_289] : memref<5x64x128xf32, #tpu.memory_space<vmem>> -> memref<1x16x128xf32, #tpu.memory_space<vmem>>
        %dma_wait3A_291 = tpu.memref_squeeze %dma_wait3A_290 : memref<1x16x128xf32, #tpu.memory_space<vmem>> -> memref<16x128xf32, #tpu.memory_space<vmem>>
        tpu.wait_dma2 semaphore(%run_scoped3A_264 : memref<!tpu.dma_semaphore, #tpu.memory_space<semaphore_mem>>) src(%dma_wait3A_291 : memref<16x128xf32, #tpu.memory_space<vmem>>) dst(%dma_wait3A_287 : memref<16x128xf32, #tpu.memory_space<vmem_shared>>)
        tpu.yield
      }) : () -> ()
    } else {
    }
    %add3A_77 = arith.constant 16 : i32
    %add3A_78 = arith.addi %arg1, %add3A_77 : i32
    %lt3A_79 = arith.constant 156 : i32
    %lt3A_80 = arith.cmpi slt, %add3A_78, %lt3A_79 : i32
    %convert_element_type3A_81 = arith.extui %lt3A_80 : i1 to i32
    %cond3A_82 = arith.constant 0 : i32
    %cond3A_83 = arith.cmpi ne, %convert_element_type3A_81, %cond3A_82 : i32
    scf.if %cond3A_83 {
      %mul3A_263 = arith.constant 64 : i32
      %mul3A_264 = arith.muli %add3A_78, %mul3A_263 : i32
      %run_scoped3A_265 = arith.constant 4 : i32
      "tpu.region"() ({
        %run_scoped3A_266 = tpu.sem_alloc : memref<!tpu.dma_semaphore, #tpu.memory_space<semaphore_mem>>
        %dma_start3A = arith.constant 0 : i32
        %dma_start3A_267 = arith.constant 0 : i32
        %dma_start3A_268 = tpu.memref_slice %arg7[%run_scoped3A_265, %dma_start3A, %dma_start3A_267] : memref<5x64x128xf32, #tpu.memory_space<vmem>> -> memref<1x64x128xf32, #tpu.memory_space<vmem>>
        %dma_start3A_269 = tpu.memref_squeeze %dma_start3A_268 : memref<1x64x128xf32, #tpu.memory_space<vmem>> -> memref<64x128xf32, #tpu.memory_space<vmem>>
        %dma_start3A_270 = arith.constant 0 : i32
        %dma_start3A_271 = tpu.memref_slice %arg8[%mul3A_264, %dma_start3A_270] : memref<10000x128xf32, #tpu.memory_space<vmem_shared>> -> memref<64x128xf32, #tpu.memory_space<vmem_shared>>
        %dma_start3A_272 = arith.constant 0 : i32
        %dma_start3A_273 = tpu.memref_slice %arg8[%mul3A_264, %dma_start3A_272] : memref<10000x128xf32, #tpu.memory_space<vmem_shared>> -> memref<64x128xf32, #tpu.memory_space<vmem_shared>>
        %dma_start3A_274 = arith.constant 0 : i32
        %dma_start3A_275 = arith.constant 0 : i32
        %dma_start3A_276 = tpu.memref_slice %arg7[%run_scoped3A_265, %dma_start3A_274, %dma_start3A_275] : memref<5x64x128xf32, #tpu.memory_space<vmem>> -> memref<1x64x128xf32, #tpu.memory_space<vmem>>
        %dma_start3A_277 = tpu.memref_squeeze %dma_start3A_276 : memref<1x64x128xf32, #tpu.memory_space<vmem>> -> memref<64x128xf32, #tpu.memory_space<vmem>>
        tpu.enqueue_dma source(%dma_start3A_277 : memref<64x128xf32, #tpu.memory_space<vmem>>) target(%dma_start3A_273 : memref<64x128xf32, #tpu.memory_space<vmem_shared>>) target_semaphore(%run_scoped3A_266 : memref<!tpu.dma_semaphore, #tpu.memory_space<semaphore_mem>>)
        %dma_wait3A_278 = arith.constant 0 : i32
        %dma_wait3A_279 = arith.constant 0 : i32
        %dma_wait3A_280 = tpu.memref_slice %arg7[%run_scoped3A_265, %dma_wait3A_278, %dma_wait3A_279] : memref<5x64x128xf32, #tpu.memory_space<vmem>> -> memref<1x64x128xf32, #tpu.memory_space<vmem>>
        %dma_wait3A_281 = tpu.memref_squeeze %dma_wait3A_280 : memref<1x64x128xf32, #tpu.memory_space<vmem>> -> memref<64x128xf32, #tpu.memory_space<vmem>>
        %dma_wait3A_282 = arith.constant 0 : i32
        %dma_wait3A_283 = tpu.memref_slice %arg8[%mul3A_264, %dma_wait3A_282] : memref<10000x128xf32, #tpu.memory_space<vmem_shared>> -> memref<64x128xf32, #tpu.memory_space<vmem_shared>>
        %dma_wait3A_284 = arith.constant 0 : i32
        %dma_wait3A_285 = tpu.memref_slice %arg8[%mul3A_264, %dma_wait3A_284] : memref<10000x128xf32, #tpu.memory_space<vmem_shared>> -> memref<64x128xf32, #tpu.memory_space<vmem_shared>>
        %dma_wait3A_286 = arith.constant 0 : i32
        %dma_wait3A_287 = arith.constant 0 : i32
        %dma_wait3A_288 = tpu.memref_slice %arg7[%run_scoped3A_265, %dma_wait3A_286, %dma_wait3A_287] : memref<5x64x128xf32, #tpu.memory_space<vmem>> -> memref<1x64x128xf32, #tpu.memory_space<vmem>>
        %dma_wait3A_289 = tpu.memref_squeeze %dma_wait3A_288 : memref<1x64x128xf32, #tpu.memory_space<vmem>> -> memref<64x128xf32, #tpu.memory_space<vmem>>
        tpu.wait_dma2 semaphore(%run_scoped3A_266 : memref<!tpu.dma_semaphore, #tpu.memory_space<semaphore_mem>>) src(%dma_wait3A_289 : memref<64x128xf32, #tpu.memory_space<vmem>>) dst(%dma_wait3A_285 : memref<64x128xf32, #tpu.memory_space<vmem_shared>>)
        tpu.yield
      }) : () -> ()
    } else {
    }
    %eq3A_84 = arith.constant 156 : i32
    %eq3A_85 = arith.cmpi eq, %add3A_78, %eq3A_84 : i32
    %convert_element_type3A_86 = arith.extui %eq3A_85 : i1 to i32
    %cond3A_87 = arith.constant 0 : i32
    %cond3A_88 = arith.cmpi ne, %convert_element_type3A_86, %cond3A_87 : i32
    scf.if %cond3A_88 {
      %run_scoped3A_263 = arith.constant 4 : i32
      "tpu.region"() ({
        %run_scoped3A_264 = tpu.sem_alloc : memref<!tpu.dma_semaphore, #tpu.memory_space<semaphore_mem>>
        %dma_start3A = arith.constant 0 : i32
        %dma_start3A_265 = arith.constant 0 : i32
        %dma_start3A_266 = tpu.memref_slice %arg7[%run_scoped3A_263, %dma_start3A, %dma_start3A_265] : memref<5x64x128xf32, #tpu.memory_space<vmem>> -> memref<1x16x128xf32, #tpu.memory_space<vmem>>
        %dma_start3A_267 = tpu.memref_squeeze %dma_start3A_266 : memref<1x16x128xf32, #tpu.memory_space<vmem>> -> memref<16x128xf32, #tpu.memory_space<vmem>>
        %dma_start3A_268 = arith.constant 9984 : i32
        %dma_start3A_269 = arith.constant 0 : i32
        %dma_start3A_270 = tpu.memref_slice %arg8[%dma_start3A_268, %dma_start3A_269] : memref<10000x128xf32, #tpu.memory_space<vmem_shared>> -> memref<16x128xf32, #tpu.memory_space<vmem_shared>>
        %dma_start3A_271 = arith.constant 9984 : i32
        %dma_start3A_272 = arith.constant 0 : i32
        %dma_start3A_273 = tpu.memref_slice %arg8[%dma_start3A_271, %dma_start3A_272] : memref<10000x128xf32, #tpu.memory_space<vmem_shared>> -> memref<16x128xf32, #tpu.memory_space<vmem_shared>>
        %dma_start3A_274 = arith.constant 0 : i32
        %dma_start3A_275 = arith.constant 0 : i32
        %dma_start3A_276 = tpu.memref_slice %arg7[%run_scoped3A_263, %dma_start3A_274, %dma_start3A_275] : memref<5x64x128xf32, #tpu.memory_space<vmem>> -> memref<1x16x128xf32, #tpu.memory_space<vmem>>
        %dma_start3A_277 = tpu.memref_squeeze %dma_start3A_276 : memref<1x16x128xf32, #tpu.memory_space<vmem>> -> memref<16x128xf32, #tpu.memory_space<vmem>>
        tpu.enqueue_dma source(%dma_start3A_277 : memref<16x128xf32, #tpu.memory_space<vmem>>) target(%dma_start3A_273 : memref<16x128xf32, #tpu.memory_space<vmem_shared>>) target_semaphore(%run_scoped3A_264 : memref<!tpu.dma_semaphore, #tpu.memory_space<semaphore_mem>>)
        %dma_wait3A_278 = arith.constant 0 : i32
        %dma_wait3A_279 = arith.constant 0 : i32
        %dma_wait3A_280 = tpu.memref_slice %arg7[%run_scoped3A_263, %dma_wait3A_278, %dma_wait3A_279] : memref<5x64x128xf32, #tpu.memory_space<vmem>> -> memref<1x16x128xf32, #tpu.memory_space<vmem>>
        %dma_wait3A_281 = tpu.memref_squeeze %dma_wait3A_280 : memref<1x16x128xf32, #tpu.memory_space<vmem>> -> memref<16x128xf32, #tpu.memory_space<vmem>>
        %dma_wait3A_282 = arith.constant 9984 : i32
        %dma_wait3A_283 = arith.constant 0 : i32
        %dma_wait3A_284 = tpu.memref_slice %arg8[%dma_wait3A_282, %dma_wait3A_283] : memref<10000x128xf32, #tpu.memory_space<vmem_shared>> -> memref<16x128xf32, #tpu.memory_space<vmem_shared>>
        %dma_wait3A_285 = arith.constant 9984 : i32
        %dma_wait3A_286 = arith.constant 0 : i32
        %dma_wait3A_287 = tpu.memref_slice %arg8[%dma_wait3A_285, %dma_wait3A_286] : memref<10000x128xf32, #tpu.memory_space<vmem_shared>> -> memref<16x128xf32, #tpu.memory_space<vmem_shared>>
        %dma_wait3A_288 = arith.constant 0 : i32
        %dma_wait3A_289 = arith.constant 0 : i32
        %dma_wait3A_290 = tpu.memref_slice %arg7[%run_scoped3A_263, %dma_wait3A_288, %dma_wait3A_289] : memref<5x64x128xf32, #tpu.memory_space<vmem>> -> memref<1x16x128xf32, #tpu.memory_space<vmem>>
        %dma_wait3A_291 = tpu.memref_squeeze %dma_wait3A_290 : memref<1x16x128xf32, #tpu.memory_space<vmem>> -> memref<16x128xf32, #tpu.memory_space<vmem>>
        tpu.wait_dma2 semaphore(%run_scoped3A_264 : memref<!tpu.dma_semaphore, #tpu.memory_space<semaphore_mem>>) src(%dma_wait3A_291 : memref<16x128xf32, #tpu.memory_space<vmem>>) dst(%dma_wait3A_287 : memref<16x128xf32, #tpu.memory_space<vmem_shared>>)
        tpu.yield
      }) : () -> ()
    } else {
    }
    %add3A_89 = arith.constant 32 : i32
    %add3A_90 = arith.addi %arg1, %add3A_89 : i32
    %lt3A_91 = arith.constant 156 : i32
    %lt3A_92 = arith.cmpi slt, %add3A_90, %lt3A_91 : i32
    %convert_element_type3A_93 = arith.extui %lt3A_92 : i1 to i32
    %cond3A_94 = arith.constant 0 : i32
    %cond3A_95 = arith.cmpi ne, %convert_element_type3A_93, %cond3A_94 : i32
    scf.if %cond3A_95 {
      %mul3A_263 = arith.constant 64 : i32
      %mul3A_264 = arith.muli %add3A_90, %mul3A_263 : i32
      %run_scoped3A_265 = arith.constant 4 : i32
      "tpu.region"() ({
        %run_scoped3A_266 = tpu.sem_alloc : memref<!tpu.dma_semaphore, #tpu.memory_space<semaphore_mem>>
        %dma_start3A = arith.constant 0 : i32
        %dma_start3A_267 = arith.constant 0 : i32
        %dma_start3A_268 = tpu.memref_slice %arg7[%run_scoped3A_265, %dma_start3A, %dma_start3A_267] : memref<5x64x128xf32, #tpu.memory_space<vmem>> -> memref<1x64x128xf32, #tpu.memory_space<vmem>>
        %dma_start3A_269 = tpu.memref_squeeze %dma_start3A_268 : memref<1x64x128xf32, #tpu.memory_space<vmem>> -> memref<64x128xf32, #tpu.memory_space<vmem>>
        %dma_start3A_270 = arith.constant 0 : i32
        %dma_start3A_271 = tpu.memref_slice %arg8[%mul3A_264, %dma_start3A_270] : memref<10000x128xf32, #tpu.memory_space<vmem_shared>> -> memref<64x128xf32, #tpu.memory_space<vmem_shared>>
        %dma_start3A_272 = arith.constant 0 : i32
        %dma_start3A_273 = tpu.memref_slice %arg8[%mul3A_264, %dma_start3A_272] : memref<10000x128xf32, #tpu.memory_space<vmem_shared>> -> memref<64x128xf32, #tpu.memory_space<vmem_shared>>
        %dma_start3A_274 = arith.constant 0 : i32
        %dma_start3A_275 = arith.constant 0 : i32
        %dma_start3A_276 = tpu.memref_slice %arg7[%run_scoped3A_265, %dma_start3A_274, %dma_start3A_275] : memref<5x64x128xf32, #tpu.memory_space<vmem>> -> memref<1x64x128xf32, #tpu.memory_space<vmem>>
        %dma_start3A_277 = tpu.memref_squeeze %dma_start3A_276 : memref<1x64x128xf32, #tpu.memory_space<vmem>> -> memref<64x128xf32, #tpu.memory_space<vmem>>
        tpu.enqueue_dma source(%dma_start3A_277 : memref<64x128xf32, #tpu.memory_space<vmem>>) target(%dma_start3A_273 : memref<64x128xf32, #tpu.memory_space<vmem_shared>>) target_semaphore(%run_scoped3A_266 : memref<!tpu.dma_semaphore, #tpu.memory_space<semaphore_mem>>)
        %dma_wait3A_278 = arith.constant 0 : i32
        %dma_wait3A_279 = arith.constant 0 : i32
        %dma_wait3A_280 = tpu.memref_slice %arg7[%run_scoped3A_265, %dma_wait3A_278, %dma_wait3A_279] : memref<5x64x128xf32, #tpu.memory_space<vmem>> -> memref<1x64x128xf32, #tpu.memory_space<vmem>>
        %dma_wait3A_281 = tpu.memref_squeeze %dma_wait3A_280 : memref<1x64x128xf32, #tpu.memory_space<vmem>> -> memref<64x128xf32, #tpu.memory_space<vmem>>
        %dma_wait3A_282 = arith.constant 0 : i32
        %dma_wait3A_283 = tpu.memref_slice %arg8[%mul3A_264, %dma_wait3A_282] : memref<10000x128xf32, #tpu.memory_space<vmem_shared>> -> memref<64x128xf32, #tpu.memory_space<vmem_shared>>
        %dma_wait3A_284 = arith.constant 0 : i32
        %dma_wait3A_285 = tpu.memref_slice %arg8[%mul3A_264, %dma_wait3A_284] : memref<10000x128xf32, #tpu.memory_space<vmem_shared>> -> memref<64x128xf32, #tpu.memory_space<vmem_shared>>
        %dma_wait3A_286 = arith.constant 0 : i32
        %dma_wait3A_287 = arith.constant 0 : i32
        %dma_wait3A_288 = tpu.memref_slice %arg7[%run_scoped3A_265, %dma_wait3A_286, %dma_wait3A_287] : memref<5x64x128xf32, #tpu.memory_space<vmem>> -> memref<1x64x128xf32, #tpu.memory_space<vmem>>
        %dma_wait3A_289 = tpu.memref_squeeze %dma_wait3A_288 : memref<1x64x128xf32, #tpu.memory_space<vmem>> -> memref<64x128xf32, #tpu.memory_space<vmem>>
        tpu.wait_dma2 semaphore(%run_scoped3A_266 : memref<!tpu.dma_semaphore, #tpu.memory_space<semaphore_mem>>) src(%dma_wait3A_289 : memref<64x128xf32, #tpu.memory_space<vmem>>) dst(%dma_wait3A_285 : memref<64x128xf32, #tpu.memory_space<vmem_shared>>)
        tpu.yield
      }) : () -> ()
    } else {
    }
    %eq3A_96 = arith.constant 156 : i32
    %eq3A_97 = arith.cmpi eq, %add3A_90, %eq3A_96 : i32
    %convert_element_type3A_98 = arith.extui %eq3A_97 : i1 to i32
    %cond3A_99 = arith.constant 0 : i32
    %cond3A_100 = arith.cmpi ne, %convert_element_type3A_98, %cond3A_99 : i32
    scf.if %cond3A_100 {
      %run_scoped3A_263 = arith.constant 4 : i32
      "tpu.region"() ({
        %run_scoped3A_264 = tpu.sem_alloc : memref<!tpu.dma_semaphore, #tpu.memory_space<semaphore_mem>>
        %dma_start3A = arith.constant 0 : i32
        %dma_start3A_265 = arith.constant 0 : i32
        %dma_start3A_266 = tpu.memref_slice %arg7[%run_scoped3A_263, %dma_start3A, %dma_start3A_265] : memref<5x64x128xf32, #tpu.memory_space<vmem>> -> memref<1x16x128xf32, #tpu.memory_space<vmem>>
        %dma_start3A_267 = tpu.memref_squeeze %dma_start3A_266 : memref<1x16x128xf32, #tpu.memory_space<vmem>> -> memref<16x128xf32, #tpu.memory_space<vmem>>
        %dma_start3A_268 = arith.constant 9984 : i32
        %dma_start3A_269 = arith.constant 0 : i32
        %dma_start3A_270 = tpu.memref_slice %arg8[%dma_start3A_268, %dma_start3A_269] : memref<10000x128xf32, #tpu.memory_space<vmem_shared>> -> memref<16x128xf32, #tpu.memory_space<vmem_shared>>
        %dma_start3A_271 = arith.constant 9984 : i32
        %dma_start3A_272 = arith.constant 0 : i32
        %dma_start3A_273 = tpu.memref_slice %arg8[%dma_start3A_271, %dma_start3A_272] : memref<10000x128xf32, #tpu.memory_space<vmem_shared>> -> memref<16x128xf32, #tpu.memory_space<vmem_shared>>
        %dma_start3A_274 = arith.constant 0 : i32
        %dma_start3A_275 = arith.constant 0 : i32
        %dma_start3A_276 = tpu.memref_slice %arg7[%run_scoped3A_263, %dma_start3A_274, %dma_start3A_275] : memref<5x64x128xf32, #tpu.memory_space<vmem>> -> memref<1x16x128xf32, #tpu.memory_space<vmem>>
        %dma_start3A_277 = tpu.memref_squeeze %dma_start3A_276 : memref<1x16x128xf32, #tpu.memory_space<vmem>> -> memref<16x128xf32, #tpu.memory_space<vmem>>
        tpu.enqueue_dma source(%dma_start3A_277 : memref<16x128xf32, #tpu.memory_space<vmem>>) target(%dma_start3A_273 : memref<16x128xf32, #tpu.memory_space<vmem_shared>>) target_semaphore(%run_scoped3A_264 : memref<!tpu.dma_semaphore, #tpu.memory_space<semaphore_mem>>)
        %dma_wait3A_278 = arith.constant 0 : i32
        %dma_wait3A_279 = arith.constant 0 : i32
        %dma_wait3A_280 = tpu.memref_slice %arg7[%run_scoped3A_263, %dma_wait3A_278, %dma_wait3A_279] : memref<5x64x128xf32, #tpu.memory_space<vmem>> -> memref<1x16x128xf32, #tpu.memory_space<vmem>>
        %dma_wait3A_281 = tpu.memref_squeeze %dma_wait3A_280 : memref<1x16x128xf32, #tpu.memory_space<vmem>> -> memref<16x128xf32, #tpu.memory_space<vmem>>
        %dma_wait3A_282 = arith.constant 9984 : i32
        %dma_wait3A_283 = arith.constant 0 : i32
        %dma_wait3A_284 = tpu.memref_slice %arg8[%dma_wait3A_282, %dma_wait3A_283] : memref<10000x128xf32, #tpu.memory_space<vmem_shared>> -> memref<16x128xf32, #tpu.memory_space<vmem_shared>>
        %dma_wait3A_285 = arith.constant 9984 : i32
        %dma_wait3A_286 = arith.constant 0 : i32
        %dma_wait3A_287 = tpu.memref_slice %arg8[%dma_wait3A_285, %dma_wait3A_286] : memref<10000x128xf32, #tpu.memory_space<vmem_shared>> -> memref<16x128xf32, #tpu.memory_space<vmem_shared>>
        %dma_wait3A_288 = arith.constant 0 : i32
        %dma_wait3A_289 = arith.constant 0 : i32
        %dma_wait3A_290 = tpu.memref_slice %arg7[%run_scoped3A_263, %dma_wait3A_288, %dma_wait3A_289] : memref<5x64x128xf32, #tpu.memory_space<vmem>> -> memref<1x16x128xf32, #tpu.memory_space<vmem>>
        %dma_wait3A_291 = tpu.memref_squeeze %dma_wait3A_290 : memref<1x16x128xf32, #tpu.memory_space<vmem>> -> memref<16x128xf32, #tpu.memory_space<vmem>>
        tpu.wait_dma2 semaphore(%run_scoped3A_264 : memref<!tpu.dma_semaphore, #tpu.memory_space<semaphore_mem>>) src(%dma_wait3A_291 : memref<16x128xf32, #tpu.memory_space<vmem>>) dst(%dma_wait3A_287 : memref<16x128xf32, #tpu.memory_space<vmem_shared>>)
        tpu.yield
      }) : () -> ()
    } else {
    }
    %add3A_101 = arith.constant 48 : i32
    %add3A_102 = arith.addi %arg1, %add3A_101 : i32
    %lt3A_103 = arith.constant 156 : i32
    %lt3A_104 = arith.cmpi slt, %add3A_102, %lt3A_103 : i32
    %convert_element_type3A_105 = arith.extui %lt3A_104 : i1 to i32
    %cond3A_106 = arith.constant 0 : i32
    %cond3A_107 = arith.cmpi ne, %convert_element_type3A_105, %cond3A_106 : i32
    scf.if %cond3A_107 {
      %mul3A_263 = arith.constant 64 : i32
      %mul3A_264 = arith.muli %add3A_102, %mul3A_263 : i32
      %run_scoped3A_265 = arith.constant 4 : i32
      "tpu.region"() ({
        %run_scoped3A_266 = tpu.sem_alloc : memref<!tpu.dma_semaphore, #tpu.memory_space<semaphore_mem>>
        %dma_start3A = arith.constant 0 : i32
        %dma_start3A_267 = arith.constant 0 : i32
        %dma_start3A_268 = tpu.memref_slice %arg7[%run_scoped3A_265, %dma_start3A, %dma_start3A_267] : memref<5x64x128xf32, #tpu.memory_space<vmem>> -> memref<1x64x128xf32, #tpu.memory_space<vmem>>
        %dma_start3A_269 = tpu.memref_squeeze %dma_start3A_268 : memref<1x64x128xf32, #tpu.memory_space<vmem>> -> memref<64x128xf32, #tpu.memory_space<vmem>>
        %dma_start3A_270 = arith.constant 0 : i32
        %dma_start3A_271 = tpu.memref_slice %arg8[%mul3A_264, %dma_start3A_270] : memref<10000x128xf32, #tpu.memory_space<vmem_shared>> -> memref<64x128xf32, #tpu.memory_space<vmem_shared>>
        %dma_start3A_272 = arith.constant 0 : i32
        %dma_start3A_273 = tpu.memref_slice %arg8[%mul3A_264, %dma_start3A_272] : memref<10000x128xf32, #tpu.memory_space<vmem_shared>> -> memref<64x128xf32, #tpu.memory_space<vmem_shared>>
        %dma_start3A_274 = arith.constant 0 : i32
        %dma_start3A_275 = arith.constant 0 : i32
        %dma_start3A_276 = tpu.memref_slice %arg7[%run_scoped3A_265, %dma_start3A_274, %dma_start3A_275] : memref<5x64x128xf32, #tpu.memory_space<vmem>> -> memref<1x64x128xf32, #tpu.memory_space<vmem>>
        %dma_start3A_277 = tpu.memref_squeeze %dma_start3A_276 : memref<1x64x128xf32, #tpu.memory_space<vmem>> -> memref<64x128xf32, #tpu.memory_space<vmem>>
        tpu.enqueue_dma source(%dma_start3A_277 : memref<64x128xf32, #tpu.memory_space<vmem>>) target(%dma_start3A_273 : memref<64x128xf32, #tpu.memory_space<vmem_shared>>) target_semaphore(%run_scoped3A_266 : memref<!tpu.dma_semaphore, #tpu.memory_space<semaphore_mem>>)
        %dma_wait3A_278 = arith.constant 0 : i32
        %dma_wait3A_279 = arith.constant 0 : i32
        %dma_wait3A_280 = tpu.memref_slice %arg7[%run_scoped3A_265, %dma_wait3A_278, %dma_wait3A_279] : memref<5x64x128xf32, #tpu.memory_space<vmem>> -> memref<1x64x128xf32, #tpu.memory_space<vmem>>
        %dma_wait3A_281 = tpu.memref_squeeze %dma_wait3A_280 : memref<1x64x128xf32, #tpu.memory_space<vmem>> -> memref<64x128xf32, #tpu.memory_space<vmem>>
        %dma_wait3A_282 = arith.constant 0 : i32
        %dma_wait3A_283 = tpu.memref_slice %arg8[%mul3A_264, %dma_wait3A_282] : memref<10000x128xf32, #tpu.memory_space<vmem_shared>> -> memref<64x128xf32, #tpu.memory_space<vmem_shared>>
        %dma_wait3A_284 = arith.constant 0 : i32
        %dma_wait3A_285 = tpu.memref_slice %arg8[%mul3A_264, %dma_wait3A_284] : memref<10000x128xf32, #tpu.memory_space<vmem_shared>> -> memref<64x128xf32, #tpu.memory_space<vmem_shared>>
        %dma_wait3A_286 = arith.constant 0 : i32
        %dma_wait3A_287 = arith.constant 0 : i32
        %dma_wait3A_288 = tpu.memref_slice %arg7[%run_scoped3A_265, %dma_wait3A_286, %dma_wait3A_287] : memref<5x64x128xf32, #tpu.memory_space<vmem>> -> memref<1x64x128xf32, #tpu.memory_space<vmem>>
        %dma_wait3A_289 = tpu.memref_squeeze %dma_wait3A_288 : memref<1x64x128xf32, #tpu.memory_space<vmem>> -> memref<64x128xf32, #tpu.memory_space<vmem>>
        tpu.wait_dma2 semaphore(%run_scoped3A_266 : memref<!tpu.dma_semaphore, #tpu.memory_space<semaphore_mem>>) src(%dma_wait3A_289 : memref<64x128xf32, #tpu.memory_space<vmem>>) dst(%dma_wait3A_285 : memref<64x128xf32, #tpu.memory_space<vmem_shared>>)
        tpu.yield
      }) : () -> ()
    } else {
    }
    %eq3A_108 = arith.constant 156 : i32
    %eq3A_109 = arith.cmpi eq, %add3A_102, %eq3A_108 : i32
    %convert_element_type3A_110 = arith.extui %eq3A_109 : i1 to i32
    %cond3A_111 = arith.constant 0 : i32
    %cond3A_112 = arith.cmpi ne, %convert_element_type3A_110, %cond3A_111 : i32
    scf.if %cond3A_112 {
      %run_scoped3A_263 = arith.constant 4 : i32
      "tpu.region"() ({
        %run_scoped3A_264 = tpu.sem_alloc : memref<!tpu.dma_semaphore, #tpu.memory_space<semaphore_mem>>
        %dma_start3A = arith.constant 0 : i32
        %dma_start3A_265 = arith.constant 0 : i32
        %dma_start3A_266 = tpu.memref_slice %arg7[%run_scoped3A_263, %dma_start3A, %dma_start3A_265] : memref<5x64x128xf32, #tpu.memory_space<vmem>> -> memref<1x16x128xf32, #tpu.memory_space<vmem>>
        %dma_start3A_267 = tpu.memref_squeeze %dma_start3A_266 : memref<1x16x128xf32, #tpu.memory_space<vmem>> -> memref<16x128xf32, #tpu.memory_space<vmem>>
        %dma_start3A_268 = arith.constant 9984 : i32
        %dma_start3A_269 = arith.constant 0 : i32
        %dma_start3A_270 = tpu.memref_slice %arg8[%dma_start3A_268, %dma_start3A_269] : memref<10000x128xf32, #tpu.memory_space<vmem_shared>> -> memref<16x128xf32, #tpu.memory_space<vmem_shared>>
        %dma_start3A_271 = arith.constant 9984 : i32
        %dma_start3A_272 = arith.constant 0 : i32
        %dma_start3A_273 = tpu.memref_slice %arg8[%dma_start3A_271, %dma_start3A_272] : memref<10000x128xf32, #tpu.memory_space<vmem_shared>> -> memref<16x128xf32, #tpu.memory_space<vmem_shared>>
        %dma_start3A_274 = arith.constant 0 : i32
        %dma_start3A_275 = arith.constant 0 : i32
        %dma_start3A_276 = tpu.memref_slice %arg7[%run_scoped3A_263, %dma_start3A_274, %dma_start3A_275] : memref<5x64x128xf32, #tpu.memory_space<vmem>> -> memref<1x16x128xf32, #tpu.memory_space<vmem>>
        %dma_start3A_277 = tpu.memref_squeeze %dma_start3A_276 : memref<1x16x128xf32, #tpu.memory_space<vmem>> -> memref<16x128xf32, #tpu.memory_space<vmem>>
        tpu.enqueue_dma source(%dma_start3A_277 : memref<16x128xf32, #tpu.memory_space<vmem>>) target(%dma_start3A_273 : memref<16x128xf32, #tpu.memory_space<vmem_shared>>) target_semaphore(%run_scoped3A_264 : memref<!tpu.dma_semaphore, #tpu.memory_space<semaphore_mem>>)
        %dma_wait3A_278 = arith.constant 0 : i32
        %dma_wait3A_279 = arith.constant 0 : i32
        %dma_wait3A_280 = tpu.memref_slice %arg7[%run_scoped3A_263, %dma_wait3A_278, %dma_wait3A_279] : memref<5x64x128xf32, #tpu.memory_space<vmem>> -> memref<1x16x128xf32, #tpu.memory_space<vmem>>
        %dma_wait3A_281 = tpu.memref_squeeze %dma_wait3A_280 : memref<1x16x128xf32, #tpu.memory_space<vmem>> -> memref<16x128xf32, #tpu.memory_space<vmem>>
        %dma_wait3A_282 = arith.constant 9984 : i32
        %dma_wait3A_283 = arith.constant 0 : i32
        %dma_wait3A_284 = tpu.memref_slice %arg8[%dma_wait3A_282, %dma_wait3A_283] : memref<10000x128xf32, #tpu.memory_space<vmem_shared>> -> memref<16x128xf32, #tpu.memory_space<vmem_shared>>
        %dma_wait3A_285 = arith.constant 9984 : i32
        %dma_wait3A_286 = arith.constant 0 : i32
        %dma_wait3A_287 = tpu.memref_slice %arg8[%dma_wait3A_285, %dma_wait3A_286] : memref<10000x128xf32, #tpu.memory_space<vmem_shared>> -> memref<16x128xf32, #tpu.memory_space<vmem_shared>>
        %dma_wait3A_288 = arith.constant 0 : i32
        %dma_wait3A_289 = arith.constant 0 : i32
        %dma_wait3A_290 = tpu.memref_slice %arg7[%run_scoped3A_263, %dma_wait3A_288, %dma_wait3A_289] : memref<5x64x128xf32, #tpu.memory_space<vmem>> -> memref<1x16x128xf32, #tpu.memory_space<vmem>>
        %dma_wait3A_291 = tpu.memref_squeeze %dma_wait3A_290 : memref<1x16x128xf32, #tpu.memory_space<vmem>> -> memref<16x128xf32, #tpu.memory_space<vmem>>
        tpu.wait_dma2 semaphore(%run_scoped3A_264 : memref<!tpu.dma_semaphore, #tpu.memory_space<semaphore_mem>>) src(%dma_wait3A_291 : memref<16x128xf32, #tpu.memory_space<vmem>>) dst(%dma_wait3A_287 : memref<16x128xf32, #tpu.memory_space<vmem_shared>>)
        tpu.yield
      }) : () -> ()
    } else {
    }
    %add3A_113 = arith.constant 64 : i32
    %add3A_114 = arith.addi %arg1, %add3A_113 : i32
    %lt3A_115 = arith.constant 156 : i32
    %lt3A_116 = arith.cmpi slt, %add3A_114, %lt3A_115 : i32
    %convert_element_type3A_117 = arith.extui %lt3A_116 : i1 to i32
    %cond3A_118 = arith.constant 0 : i32
    %cond3A_119 = arith.cmpi ne, %convert_element_type3A_117, %cond3A_118 : i32
    scf.if %cond3A_119 {
      %mul3A_263 = arith.constant 64 : i32
      %mul3A_264 = arith.muli %add3A_114, %mul3A_263 : i32
      %run_scoped3A_265 = arith.constant 4 : i32
      "tpu.region"() ({
        %run_scoped3A_266 = tpu.sem_alloc : memref<!tpu.dma_semaphore, #tpu.memory_space<semaphore_mem>>
        %dma_start3A = arith.constant 0 : i32
        %dma_start3A_267 = arith.constant 0 : i32
        %dma_start3A_268 = tpu.memref_slice %arg7[%run_scoped3A_265, %dma_start3A, %dma_start3A_267] : memref<5x64x128xf32, #tpu.memory_space<vmem>> -> memref<1x64x128xf32, #tpu.memory_space<vmem>>
        %dma_start3A_269 = tpu.memref_squeeze %dma_start3A_268 : memref<1x64x128xf32, #tpu.memory_space<vmem>> -> memref<64x128xf32, #tpu.memory_space<vmem>>
        %dma_start3A_270 = arith.constant 0 : i32
        %dma_start3A_271 = tpu.memref_slice %arg8[%mul3A_264, %dma_start3A_270] : memref<10000x128xf32, #tpu.memory_space<vmem_shared>> -> memref<64x128xf32, #tpu.memory_space<vmem_shared>>
        %dma_start3A_272 = arith.constant 0 : i32
        %dma_start3A_273 = tpu.memref_slice %arg8[%mul3A_264, %dma_start3A_272] : memref<10000x128xf32, #tpu.memory_space<vmem_shared>> -> memref<64x128xf32, #tpu.memory_space<vmem_shared>>
        %dma_start3A_274 = arith.constant 0 : i32
        %dma_start3A_275 = arith.constant 0 : i32
        %dma_start3A_276 = tpu.memref_slice %arg7[%run_scoped3A_265, %dma_start3A_274, %dma_start3A_275] : memref<5x64x128xf32, #tpu.memory_space<vmem>> -> memref<1x64x128xf32, #tpu.memory_space<vmem>>
        %dma_start3A_277 = tpu.memref_squeeze %dma_start3A_276 : memref<1x64x128xf32, #tpu.memory_space<vmem>> -> memref<64x128xf32, #tpu.memory_space<vmem>>
        tpu.enqueue_dma source(%dma_start3A_277 : memref<64x128xf32, #tpu.memory_space<vmem>>) target(%dma_start3A_273 : memref<64x128xf32, #tpu.memory_space<vmem_shared>>) target_semaphore(%run_scoped3A_266 : memref<!tpu.dma_semaphore, #tpu.memory_space<semaphore_mem>>)
        %dma_wait3A_278 = arith.constant 0 : i32
        %dma_wait3A_279 = arith.constant 0 : i32
        %dma_wait3A_280 = tpu.memref_slice %arg7[%run_scoped3A_265, %dma_wait3A_278, %dma_wait3A_279] : memref<5x64x128xf32, #tpu.memory_space<vmem>> -> memref<1x64x128xf32, #tpu.memory_space<vmem>>
        %dma_wait3A_281 = tpu.memref_squeeze %dma_wait3A_280 : memref<1x64x128xf32, #tpu.memory_space<vmem>> -> memref<64x128xf32, #tpu.memory_space<vmem>>
        %dma_wait3A_282 = arith.constant 0 : i32
        %dma_wait3A_283 = tpu.memref_slice %arg8[%mul3A_264, %dma_wait3A_282] : memref<10000x128xf32, #tpu.memory_space<vmem_shared>> -> memref<64x128xf32, #tpu.memory_space<vmem_shared>>
        %dma_wait3A_284 = arith.constant 0 : i32
        %dma_wait3A_285 = tpu.memref_slice %arg8[%mul3A_264, %dma_wait3A_284] : memref<10000x128xf32, #tpu.memory_space<vmem_shared>> -> memref<64x128xf32, #tpu.memory_space<vmem_shared>>
        %dma_wait3A_286 = arith.constant 0 : i32
        %dma_wait3A_287 = arith.constant 0 : i32
        %dma_wait3A_288 = tpu.memref_slice %arg7[%run_scoped3A_265, %dma_wait3A_286, %dma_wait3A_287] : memref<5x64x128xf32, #tpu.memory_space<vmem>> -> memref<1x64x128xf32, #tpu.memory_space<vmem>>
        %dma_wait3A_289 = tpu.memref_squeeze %dma_wait3A_288 : memref<1x64x128xf32, #tpu.memory_space<vmem>> -> memref<64x128xf32, #tpu.memory_space<vmem>>
        tpu.wait_dma2 semaphore(%run_scoped3A_266 : memref<!tpu.dma_semaphore, #tpu.memory_space<semaphore_mem>>) src(%dma_wait3A_289 : memref<64x128xf32, #tpu.memory_space<vmem>>) dst(%dma_wait3A_285 : memref<64x128xf32, #tpu.memory_space<vmem_shared>>)
        tpu.yield
      }) : () -> ()
    } else {
    }
    %eq3A_120 = arith.constant 156 : i32
    %eq3A_121 = arith.cmpi eq, %add3A_114, %eq3A_120 : i32
    %convert_element_type3A_122 = arith.extui %eq3A_121 : i1 to i32
    %cond3A_123 = arith.constant 0 : i32
    %cond3A_124 = arith.cmpi ne, %convert_element_type3A_122, %cond3A_123 : i32
    scf.if %cond3A_124 {
      %run_scoped3A_263 = arith.constant 4 : i32
      "tpu.region"() ({
        %run_scoped3A_264 = tpu.sem_alloc : memref<!tpu.dma_semaphore, #tpu.memory_space<semaphore_mem>>
        %dma_start3A = arith.constant 0 : i32
        %dma_start3A_265 = arith.constant 0 : i32
        %dma_start3A_266 = tpu.memref_slice %arg7[%run_scoped3A_263, %dma_start3A, %dma_start3A_265] : memref<5x64x128xf32, #tpu.memory_space<vmem>> -> memref<1x16x128xf32, #tpu.memory_space<vmem>>
        %dma_start3A_267 = tpu.memref_squeeze %dma_start3A_266 : memref<1x16x128xf32, #tpu.memory_space<vmem>> -> memref<16x128xf32, #tpu.memory_space<vmem>>
        %dma_start3A_268 = arith.constant 9984 : i32
        %dma_start3A_269 = arith.constant 0 : i32
        %dma_start3A_270 = tpu.memref_slice %arg8[%dma_start3A_268, %dma_start3A_269] : memref<10000x128xf32, #tpu.memory_space<vmem_shared>> -> memref<16x128xf32, #tpu.memory_space<vmem_shared>>
        %dma_start3A_271 = arith.constant 9984 : i32
        %dma_start3A_272 = arith.constant 0 : i32
        %dma_start3A_273 = tpu.memref_slice %arg8[%dma_start3A_271, %dma_start3A_272] : memref<10000x128xf32, #tpu.memory_space<vmem_shared>> -> memref<16x128xf32, #tpu.memory_space<vmem_shared>>
        %dma_start3A_274 = arith.constant 0 : i32
        %dma_start3A_275 = arith.constant 0 : i32
        %dma_start3A_276 = tpu.memref_slice %arg7[%run_scoped3A_263, %dma_start3A_274, %dma_start3A_275] : memref<5x64x128xf32, #tpu.memory_space<vmem>> -> memref<1x16x128xf32, #tpu.memory_space<vmem>>
        %dma_start3A_277 = tpu.memref_squeeze %dma_start3A_276 : memref<1x16x128xf32, #tpu.memory_space<vmem>> -> memref<16x128xf32, #tpu.memory_space<vmem>>
        tpu.enqueue_dma source(%dma_start3A_277 : memref<16x128xf32, #tpu.memory_space<vmem>>) target(%dma_start3A_273 : memref<16x128xf32, #tpu.memory_space<vmem_shared>>) target_semaphore(%run_scoped3A_264 : memref<!tpu.dma_semaphore, #tpu.memory_space<semaphore_mem>>)
        %dma_wait3A_278 = arith.constant 0 : i32
        %dma_wait3A_279 = arith.constant 0 : i32
        %dma_wait3A_280 = tpu.memref_slice %arg7[%run_scoped3A_263, %dma_wait3A_278, %dma_wait3A_279] : memref<5x64x128xf32, #tpu.memory_space<vmem>> -> memref<1x16x128xf32, #tpu.memory_space<vmem>>
        %dma_wait3A_281 = tpu.memref_squeeze %dma_wait3A_280 : memref<1x16x128xf32, #tpu.memory_space<vmem>> -> memref<16x128xf32, #tpu.memory_space<vmem>>
        %dma_wait3A_282 = arith.constant 9984 : i32
        %dma_wait3A_283 = arith.constant 0 : i32
        %dma_wait3A_284 = tpu.memref_slice %arg8[%dma_wait3A_282, %dma_wait3A_283] : memref<10000x128xf32, #tpu.memory_space<vmem_shared>> -> memref<16x128xf32, #tpu.memory_space<vmem_shared>>
        %dma_wait3A_285 = arith.constant 9984 : i32
        %dma_wait3A_286 = arith.constant 0 : i32
        %dma_wait3A_287 = tpu.memref_slice %arg8[%dma_wait3A_285, %dma_wait3A_286] : memref<10000x128xf32, #tpu.memory_space<vmem_shared>> -> memref<16x128xf32, #tpu.memory_space<vmem_shared>>
        %dma_wait3A_288 = arith.constant 0 : i32
        %dma_wait3A_289 = arith.constant 0 : i32
        %dma_wait3A_290 = tpu.memref_slice %arg7[%run_scoped3A_263, %dma_wait3A_288, %dma_wait3A_289] : memref<5x64x128xf32, #tpu.memory_space<vmem>> -> memref<1x16x128xf32, #tpu.memory_space<vmem>>
        %dma_wait3A_291 = tpu.memref_squeeze %dma_wait3A_290 : memref<1x16x128xf32, #tpu.memory_space<vmem>> -> memref<16x128xf32, #tpu.memory_space<vmem>>
        tpu.wait_dma2 semaphore(%run_scoped3A_264 : memref<!tpu.dma_semaphore, #tpu.memory_space<semaphore_mem>>) src(%dma_wait3A_291 : memref<16x128xf32, #tpu.memory_space<vmem>>) dst(%dma_wait3A_287 : memref<16x128xf32, #tpu.memory_space<vmem_shared>>)
        tpu.yield
      }) : () -> ()
    } else {
    }
    %add3A_125 = arith.constant 80 : i32
    %add3A_126 = arith.addi %arg1, %add3A_125 : i32
    %lt3A_127 = arith.constant 156 : i32
    %lt3A_128 = arith.cmpi slt, %add3A_126, %lt3A_127 : i32
    %convert_element_type3A_129 = arith.extui %lt3A_128 : i1 to i32
    %cond3A_130 = arith.constant 0 : i32
    %cond3A_131 = arith.cmpi ne, %convert_element_type3A_129, %cond3A_130 : i32
    scf.if %cond3A_131 {
      %mul3A_263 = arith.constant 64 : i32
      %mul3A_264 = arith.muli %add3A_126, %mul3A_263 : i32
      %run_scoped3A_265 = arith.constant 4 : i32
      "tpu.region"() ({
        %run_scoped3A_266 = tpu.sem_alloc : memref<!tpu.dma_semaphore, #tpu.memory_space<semaphore_mem>>
        %dma_start3A = arith.constant 0 : i32
        %dma_start3A_267 = arith.constant 0 : i32
        %dma_start3A_268 = tpu.memref_slice %arg7[%run_scoped3A_265, %dma_start3A, %dma_start3A_267] : memref<5x64x128xf32, #tpu.memory_space<vmem>> -> memref<1x64x128xf32, #tpu.memory_space<vmem>>
        %dma_start3A_269 = tpu.memref_squeeze %dma_start3A_268 : memref<1x64x128xf32, #tpu.memory_space<vmem>> -> memref<64x128xf32, #tpu.memory_space<vmem>>
        %dma_start3A_270 = arith.constant 0 : i32
        %dma_start3A_271 = tpu.memref_slice %arg8[%mul3A_264, %dma_start3A_270] : memref<10000x128xf32, #tpu.memory_space<vmem_shared>> -> memref<64x128xf32, #tpu.memory_space<vmem_shared>>
        %dma_start3A_272 = arith.constant 0 : i32
        %dma_start3A_273 = tpu.memref_slice %arg8[%mul3A_264, %dma_start3A_272] : memref<10000x128xf32, #tpu.memory_space<vmem_shared>> -> memref<64x128xf32, #tpu.memory_space<vmem_shared>>
        %dma_start3A_274 = arith.constant 0 : i32
        %dma_start3A_275 = arith.constant 0 : i32
        %dma_start3A_276 = tpu.memref_slice %arg7[%run_scoped3A_265, %dma_start3A_274, %dma_start3A_275] : memref<5x64x128xf32, #tpu.memory_space<vmem>> -> memref<1x64x128xf32, #tpu.memory_space<vmem>>
        %dma_start3A_277 = tpu.memref_squeeze %dma_start3A_276 : memref<1x64x128xf32, #tpu.memory_space<vmem>> -> memref<64x128xf32, #tpu.memory_space<vmem>>
        tpu.enqueue_dma source(%dma_start3A_277 : memref<64x128xf32, #tpu.memory_space<vmem>>) target(%dma_start3A_273 : memref<64x128xf32, #tpu.memory_space<vmem_shared>>) target_semaphore(%run_scoped3A_266 : memref<!tpu.dma_semaphore, #tpu.memory_space<semaphore_mem>>)
        %dma_wait3A_278 = arith.constant 0 : i32
        %dma_wait3A_279 = arith.constant 0 : i32
        %dma_wait3A_280 = tpu.memref_slice %arg7[%run_scoped3A_265, %dma_wait3A_278, %dma_wait3A_279] : memref<5x64x128xf32, #tpu.memory_space<vmem>> -> memref<1x64x128xf32, #tpu.memory_space<vmem>>
        %dma_wait3A_281 = tpu.memref_squeeze %dma_wait3A_280 : memref<1x64x128xf32, #tpu.memory_space<vmem>> -> memref<64x128xf32, #tpu.memory_space<vmem>>
        %dma_wait3A_282 = arith.constant 0 : i32
        %dma_wait3A_283 = tpu.memref_slice %arg8[%mul3A_264, %dma_wait3A_282] : memref<10000x128xf32, #tpu.memory_space<vmem_shared>> -> memref<64x128xf32, #tpu.memory_space<vmem_shared>>
        %dma_wait3A_284 = arith.constant 0 : i32
        %dma_wait3A_285 = tpu.memref_slice %arg8[%mul3A_264, %dma_wait3A_284] : memref<10000x128xf32, #tpu.memory_space<vmem_shared>> -> memref<64x128xf32, #tpu.memory_space<vmem_shared>>
        %dma_wait3A_286 = arith.constant 0 : i32
        %dma_wait3A_287 = arith.constant 0 : i32
        %dma_wait3A_288 = tpu.memref_slice %arg7[%run_scoped3A_265, %dma_wait3A_286, %dma_wait3A_287] : memref<5x64x128xf32, #tpu.memory_space<vmem>> -> memref<1x64x128xf32, #tpu.memory_space<vmem>>
        %dma_wait3A_289 = tpu.memref_squeeze %dma_wait3A_288 : memref<1x64x128xf32, #tpu.memory_space<vmem>> -> memref<64x128xf32, #tpu.memory_space<vmem>>
        tpu.wait_dma2 semaphore(%run_scoped3A_266 : memref<!tpu.dma_semaphore, #tpu.memory_space<semaphore_mem>>) src(%dma_wait3A_289 : memref<64x128xf32, #tpu.memory_space<vmem>>) dst(%dma_wait3A_285 : memref<64x128xf32, #tpu.memory_space<vmem_shared>>)
        tpu.yield
      }) : () -> ()
    } else {
    }
    %eq3A_132 = arith.constant 156 : i32
    %eq3A_133 = arith.cmpi eq, %add3A_126, %eq3A_132 : i32
    %convert_element_type3A_134 = arith.extui %eq3A_133 : i1 to i32
    %cond3A_135 = arith.constant 0 : i32
    %cond3A_136 = arith.cmpi ne, %convert_element_type3A_134, %cond3A_135 : i32
    scf.if %cond3A_136 {
      %run_scoped3A_263 = arith.constant 4 : i32
      "tpu.region"() ({
        %run_scoped3A_264 = tpu.sem_alloc : memref<!tpu.dma_semaphore, #tpu.memory_space<semaphore_mem>>
        %dma_start3A = arith.constant 0 : i32
        %dma_start3A_265 = arith.constant 0 : i32
        %dma_start3A_266 = tpu.memref_slice %arg7[%run_scoped3A_263, %dma_start3A, %dma_start3A_265] : memref<5x64x128xf32, #tpu.memory_space<vmem>> -> memref<1x16x128xf32, #tpu.memory_space<vmem>>
        %dma_start3A_267 = tpu.memref_squeeze %dma_start3A_266 : memref<1x16x128xf32, #tpu.memory_space<vmem>> -> memref<16x128xf32, #tpu.memory_space<vmem>>
        %dma_start3A_268 = arith.constant 9984 : i32
        %dma_start3A_269 = arith.constant 0 : i32
        %dma_start3A_270 = tpu.memref_slice %arg8[%dma_start3A_268, %dma_start3A_269] : memref<10000x128xf32, #tpu.memory_space<vmem_shared>> -> memref<16x128xf32, #tpu.memory_space<vmem_shared>>
        %dma_start3A_271 = arith.constant 9984 : i32
        %dma_start3A_272 = arith.constant 0 : i32
        %dma_start3A_273 = tpu.memref_slice %arg8[%dma_start3A_271, %dma_start3A_272] : memref<10000x128xf32, #tpu.memory_space<vmem_shared>> -> memref<16x128xf32, #tpu.memory_space<vmem_shared>>
        %dma_start3A_274 = arith.constant 0 : i32
        %dma_start3A_275 = arith.constant 0 : i32
        %dma_start3A_276 = tpu.memref_slice %arg7[%run_scoped3A_263, %dma_start3A_274, %dma_start3A_275] : memref<5x64x128xf32, #tpu.memory_space<vmem>> -> memref<1x16x128xf32, #tpu.memory_space<vmem>>
        %dma_start3A_277 = tpu.memref_squeeze %dma_start3A_276 : memref<1x16x128xf32, #tpu.memory_space<vmem>> -> memref<16x128xf32, #tpu.memory_space<vmem>>
        tpu.enqueue_dma source(%dma_start3A_277 : memref<16x128xf32, #tpu.memory_space<vmem>>) target(%dma_start3A_273 : memref<16x128xf32, #tpu.memory_space<vmem_shared>>) target_semaphore(%run_scoped3A_264 : memref<!tpu.dma_semaphore, #tpu.memory_space<semaphore_mem>>)
        %dma_wait3A_278 = arith.constant 0 : i32
        %dma_wait3A_279 = arith.constant 0 : i32
        %dma_wait3A_280 = tpu.memref_slice %arg7[%run_scoped3A_263, %dma_wait3A_278, %dma_wait3A_279] : memref<5x64x128xf32, #tpu.memory_space<vmem>> -> memref<1x16x128xf32, #tpu.memory_space<vmem>>
        %dma_wait3A_281 = tpu.memref_squeeze %dma_wait3A_280 : memref<1x16x128xf32, #tpu.memory_space<vmem>> -> memref<16x128xf32, #tpu.memory_space<vmem>>
        %dma_wait3A_282 = arith.constant 9984 : i32
        %dma_wait3A_283 = arith.constant 0 : i32
        %dma_wait3A_284 = tpu.memref_slice %arg8[%dma_wait3A_282, %dma_wait3A_283] : memref<10000x128xf32, #tpu.memory_space<vmem_shared>> -> memref<16x128xf32, #tpu.memory_space<vmem_shared>>
        %dma_wait3A_285 = arith.constant 9984 : i32
        %dma_wait3A_286 = arith.constant 0 : i32
        %dma_wait3A_287 = tpu.memref_slice %arg8[%dma_wait3A_285, %dma_wait3A_286] : memref<10000x128xf32, #tpu.memory_space<vmem_shared>> -> memref<16x128xf32, #tpu.memory_space<vmem_shared>>
        %dma_wait3A_288 = arith.constant 0 : i32
        %dma_wait3A_289 = arith.constant 0 : i32
        %dma_wait3A_290 = tpu.memref_slice %arg7[%run_scoped3A_263, %dma_wait3A_288, %dma_wait3A_289] : memref<5x64x128xf32, #tpu.memory_space<vmem>> -> memref<1x16x128xf32, #tpu.memory_space<vmem>>
        %dma_wait3A_291 = tpu.memref_squeeze %dma_wait3A_290 : memref<1x16x128xf32, #tpu.memory_space<vmem>> -> memref<16x128xf32, #tpu.memory_space<vmem>>
        tpu.wait_dma2 semaphore(%run_scoped3A_264 : memref<!tpu.dma_semaphore, #tpu.memory_space<semaphore_mem>>) src(%dma_wait3A_291 : memref<16x128xf32, #tpu.memory_space<vmem>>) dst(%dma_wait3A_287 : memref<16x128xf32, #tpu.memory_space<vmem_shared>>)
        tpu.yield
      }) : () -> ()
    } else {
    }
    %add3A_137 = arith.constant 96 : i32
    %add3A_138 = arith.addi %arg1, %add3A_137 : i32
    %lt3A_139 = arith.constant 156 : i32
    %lt3A_140 = arith.cmpi slt, %add3A_138, %lt3A_139 : i32
    %convert_element_type3A_141 = arith.extui %lt3A_140 : i1 to i32
    %cond3A_142 = arith.constant 0 : i32
    %cond3A_143 = arith.cmpi ne, %convert_element_type3A_141, %cond3A_142 : i32
    scf.if %cond3A_143 {
      %mul3A_263 = arith.constant 64 : i32
      %mul3A_264 = arith.muli %add3A_138, %mul3A_263 : i32
      %run_scoped3A_265 = arith.constant 4 : i32
      "tpu.region"() ({
        %run_scoped3A_266 = tpu.sem_alloc : memref<!tpu.dma_semaphore, #tpu.memory_space<semaphore_mem>>
        %dma_start3A = arith.constant 0 : i32
        %dma_start3A_267 = arith.constant 0 : i32
        %dma_start3A_268 = tpu.memref_slice %arg7[%run_scoped3A_265, %dma_start3A, %dma_start3A_267] : memref<5x64x128xf32, #tpu.memory_space<vmem>> -> memref<1x64x128xf32, #tpu.memory_space<vmem>>
        %dma_start3A_269 = tpu.memref_squeeze %dma_start3A_268 : memref<1x64x128xf32, #tpu.memory_space<vmem>> -> memref<64x128xf32, #tpu.memory_space<vmem>>
        %dma_start3A_270 = arith.constant 0 : i32
        %dma_start3A_271 = tpu.memref_slice %arg8[%mul3A_264, %dma_start3A_270] : memref<10000x128xf32, #tpu.memory_space<vmem_shared>> -> memref<64x128xf32, #tpu.memory_space<vmem_shared>>
        %dma_start3A_272 = arith.constant 0 : i32
        %dma_start3A_273 = tpu.memref_slice %arg8[%mul3A_264, %dma_start3A_272] : memref<10000x128xf32, #tpu.memory_space<vmem_shared>> -> memref<64x128xf32, #tpu.memory_space<vmem_shared>>
        %dma_start3A_274 = arith.constant 0 : i32
        %dma_start3A_275 = arith.constant 0 : i32
        %dma_start3A_276 = tpu.memref_slice %arg7[%run_scoped3A_265, %dma_start3A_274, %dma_start3A_275] : memref<5x64x128xf32, #tpu.memory_space<vmem>> -> memref<1x64x128xf32, #tpu.memory_space<vmem>>
        %dma_start3A_277 = tpu.memref_squeeze %dma_start3A_276 : memref<1x64x128xf32, #tpu.memory_space<vmem>> -> memref<64x128xf32, #tpu.memory_space<vmem>>
        tpu.enqueue_dma source(%dma_start3A_277 : memref<64x128xf32, #tpu.memory_space<vmem>>) target(%dma_start3A_273 : memref<64x128xf32, #tpu.memory_space<vmem_shared>>) target_semaphore(%run_scoped3A_266 : memref<!tpu.dma_semaphore, #tpu.memory_space<semaphore_mem>>)
        %dma_wait3A_278 = arith.constant 0 : i32
        %dma_wait3A_279 = arith.constant 0 : i32
        %dma_wait3A_280 = tpu.memref_slice %arg7[%run_scoped3A_265, %dma_wait3A_278, %dma_wait3A_279] : memref<5x64x128xf32, #tpu.memory_space<vmem>> -> memref<1x64x128xf32, #tpu.memory_space<vmem>>
        %dma_wait3A_281 = tpu.memref_squeeze %dma_wait3A_280 : memref<1x64x128xf32, #tpu.memory_space<vmem>> -> memref<64x128xf32, #tpu.memory_space<vmem>>
        %dma_wait3A_282 = arith.constant 0 : i32
        %dma_wait3A_283 = tpu.memref_slice %arg8[%mul3A_264, %dma_wait3A_282] : memref<10000x128xf32, #tpu.memory_space<vmem_shared>> -> memref<64x128xf32, #tpu.memory_space<vmem_shared>>
        %dma_wait3A_284 = arith.constant 0 : i32
        %dma_wait3A_285 = tpu.memref_slice %arg8[%mul3A_264, %dma_wait3A_284] : memref<10000x128xf32, #tpu.memory_space<vmem_shared>> -> memref<64x128xf32, #tpu.memory_space<vmem_shared>>
        %dma_wait3A_286 = arith.constant 0 : i32
        %dma_wait3A_287 = arith.constant 0 : i32
        %dma_wait3A_288 = tpu.memref_slice %arg7[%run_scoped3A_265, %dma_wait3A_286, %dma_wait3A_287] : memref<5x64x128xf32, #tpu.memory_space<vmem>> -> memref<1x64x128xf32, #tpu.memory_space<vmem>>
        %dma_wait3A_289 = tpu.memref_squeeze %dma_wait3A_288 : memref<1x64x128xf32, #tpu.memory_space<vmem>> -> memref<64x128xf32, #tpu.memory_space<vmem>>
        tpu.wait_dma2 semaphore(%run_scoped3A_266 : memref<!tpu.dma_semaphore, #tpu.memory_space<semaphore_mem>>) src(%dma_wait3A_289 : memref<64x128xf32, #tpu.memory_space<vmem>>) dst(%dma_wait3A_285 : memref<64x128xf32, #tpu.memory_space<vmem_shared>>)
        tpu.yield
      }) : () -> ()
    } else {
    }
    %eq3A_144 = arith.constant 156 : i32
    %eq3A_145 = arith.cmpi eq, %add3A_138, %eq3A_144 : i32
    %convert_element_type3A_146 = arith.extui %eq3A_145 : i1 to i32
    %cond3A_147 = arith.constant 0 : i32
    %cond3A_148 = arith.cmpi ne, %convert_element_type3A_146, %cond3A_147 : i32
    scf.if %cond3A_148 {
      %run_scoped3A_263 = arith.constant 4 : i32
      "tpu.region"() ({
        %run_scoped3A_264 = tpu.sem_alloc : memref<!tpu.dma_semaphore, #tpu.memory_space<semaphore_mem>>
        %dma_start3A = arith.constant 0 : i32
        %dma_start3A_265 = arith.constant 0 : i32
        %dma_start3A_266 = tpu.memref_slice %arg7[%run_scoped3A_263, %dma_start3A, %dma_start3A_265] : memref<5x64x128xf32, #tpu.memory_space<vmem>> -> memref<1x16x128xf32, #tpu.memory_space<vmem>>
        %dma_start3A_267 = tpu.memref_squeeze %dma_start3A_266 : memref<1x16x128xf32, #tpu.memory_space<vmem>> -> memref<16x128xf32, #tpu.memory_space<vmem>>
        %dma_start3A_268 = arith.constant 9984 : i32
        %dma_start3A_269 = arith.constant 0 : i32
        %dma_start3A_270 = tpu.memref_slice %arg8[%dma_start3A_268, %dma_start3A_269] : memref<10000x128xf32, #tpu.memory_space<vmem_shared>> -> memref<16x128xf32, #tpu.memory_space<vmem_shared>>
        %dma_start3A_271 = arith.constant 9984 : i32
        %dma_start3A_272 = arith.constant 0 : i32
        %dma_start3A_273 = tpu.memref_slice %arg8[%dma_start3A_271, %dma_start3A_272] : memref<10000x128xf32, #tpu.memory_space<vmem_shared>> -> memref<16x128xf32, #tpu.memory_space<vmem_shared>>
        %dma_start3A_274 = arith.constant 0 : i32
        %dma_start3A_275 = arith.constant 0 : i32
        %dma_start3A_276 = tpu.memref_slice %arg7[%run_scoped3A_263, %dma_start3A_274, %dma_start3A_275] : memref<5x64x128xf32, #tpu.memory_space<vmem>> -> memref<1x16x128xf32, #tpu.memory_space<vmem>>
        %dma_start3A_277 = tpu.memref_squeeze %dma_start3A_276 : memref<1x16x128xf32, #tpu.memory_space<vmem>> -> memref<16x128xf32, #tpu.memory_space<vmem>>
        tpu.enqueue_dma source(%dma_start3A_277 : memref<16x128xf32, #tpu.memory_space<vmem>>) target(%dma_start3A_273 : memref<16x128xf32, #tpu.memory_space<vmem_shared>>) target_semaphore(%run_scoped3A_264 : memref<!tpu.dma_semaphore, #tpu.memory_space<semaphore_mem>>)
        %dma_wait3A_278 = arith.constant 0 : i32
        %dma_wait3A_279 = arith.constant 0 : i32
        %dma_wait3A_280 = tpu.memref_slice %arg7[%run_scoped3A_263, %dma_wait3A_278, %dma_wait3A_279] : memref<5x64x128xf32, #tpu.memory_space<vmem>> -> memref<1x16x128xf32, #tpu.memory_space<vmem>>
        %dma_wait3A_281 = tpu.memref_squeeze %dma_wait3A_280 : memref<1x16x128xf32, #tpu.memory_space<vmem>> -> memref<16x128xf32, #tpu.memory_space<vmem>>
        %dma_wait3A_282 = arith.constant 9984 : i32
        %dma_wait3A_283 = arith.constant 0 : i32
        %dma_wait3A_284 = tpu.memref_slice %arg8[%dma_wait3A_282, %dma_wait3A_283] : memref<10000x128xf32, #tpu.memory_space<vmem_shared>> -> memref<16x128xf32, #tpu.memory_space<vmem_shared>>
        %dma_wait3A_285 = arith.constant 9984 : i32
        %dma_wait3A_286 = arith.constant 0 : i32
        %dma_wait3A_287 = tpu.memref_slice %arg8[%dma_wait3A_285, %dma_wait3A_286] : memref<10000x128xf32, #tpu.memory_space<vmem_shared>> -> memref<16x128xf32, #tpu.memory_space<vmem_shared>>
        %dma_wait3A_288 = arith.constant 0 : i32
        %dma_wait3A_289 = arith.constant 0 : i32
        %dma_wait3A_290 = tpu.memref_slice %arg7[%run_scoped3A_263, %dma_wait3A_288, %dma_wait3A_289] : memref<5x64x128xf32, #tpu.memory_space<vmem>> -> memref<1x16x128xf32, #tpu.memory_space<vmem>>
        %dma_wait3A_291 = tpu.memref_squeeze %dma_wait3A_290 : memref<1x16x128xf32, #tpu.memory_space<vmem>> -> memref<16x128xf32, #tpu.memory_space<vmem>>
        tpu.wait_dma2 semaphore(%run_scoped3A_264 : memref<!tpu.dma_semaphore, #tpu.memory_space<semaphore_mem>>) src(%dma_wait3A_291 : memref<16x128xf32, #tpu.memory_space<vmem>>) dst(%dma_wait3A_287 : memref<16x128xf32, #tpu.memory_space<vmem_shared>>)
        tpu.yield
      }) : () -> ()
    } else {
    }
    %add3A_149 = arith.constant 112 : i32
    %add3A_150 = arith.addi %arg1, %add3A_149 : i32
    %lt3A_151 = arith.constant 156 : i32
    %lt3A_152 = arith.cmpi slt, %add3A_150, %lt3A_151 : i32
    %convert_element_type3A_153 = arith.extui %lt3A_152 : i1 to i32
    %cond3A_154 = arith.constant 0 : i32
    %cond3A_155 = arith.cmpi ne, %convert_element_type3A_153, %cond3A_154 : i32
    scf.if %cond3A_155 {
      %mul3A_263 = arith.constant 64 : i32
      %mul3A_264 = arith.muli %add3A_150, %mul3A_263 : i32
      %run_scoped3A_265 = arith.constant 4 : i32
      "tpu.region"() ({
        %run_scoped3A_266 = tpu.sem_alloc : memref<!tpu.dma_semaphore, #tpu.memory_space<semaphore_mem>>
        %dma_start3A = arith.constant 0 : i32
        %dma_start3A_267 = arith.constant 0 : i32
        %dma_start3A_268 = tpu.memref_slice %arg7[%run_scoped3A_265, %dma_start3A, %dma_start3A_267] : memref<5x64x128xf32, #tpu.memory_space<vmem>> -> memref<1x64x128xf32, #tpu.memory_space<vmem>>
        %dma_start3A_269 = tpu.memref_squeeze %dma_start3A_268 : memref<1x64x128xf32, #tpu.memory_space<vmem>> -> memref<64x128xf32, #tpu.memory_space<vmem>>
        %dma_start3A_270 = arith.constant 0 : i32
        %dma_start3A_271 = tpu.memref_slice %arg8[%mul3A_264, %dma_start3A_270] : memref<10000x128xf32, #tpu.memory_space<vmem_shared>> -> memref<64x128xf32, #tpu.memory_space<vmem_shared>>
        %dma_start3A_272 = arith.constant 0 : i32
        %dma_start3A_273 = tpu.memref_slice %arg8[%mul3A_264, %dma_start3A_272] : memref<10000x128xf32, #tpu.memory_space<vmem_shared>> -> memref<64x128xf32, #tpu.memory_space<vmem_shared>>
        %dma_start3A_274 = arith.constant 0 : i32
        %dma_start3A_275 = arith.constant 0 : i32
        %dma_start3A_276 = tpu.memref_slice %arg7[%run_scoped3A_265, %dma_start3A_274, %dma_start3A_275] : memref<5x64x128xf32, #tpu.memory_space<vmem>> -> memref<1x64x128xf32, #tpu.memory_space<vmem>>
        %dma_start3A_277 = tpu.memref_squeeze %dma_start3A_276 : memref<1x64x128xf32, #tpu.memory_space<vmem>> -> memref<64x128xf32, #tpu.memory_space<vmem>>
        tpu.enqueue_dma source(%dma_start3A_277 : memref<64x128xf32, #tpu.memory_space<vmem>>) target(%dma_start3A_273 : memref<64x128xf32, #tpu.memory_space<vmem_shared>>) target_semaphore(%run_scoped3A_266 : memref<!tpu.dma_semaphore, #tpu.memory_space<semaphore_mem>>)
        %dma_wait3A_278 = arith.constant 0 : i32
        %dma_wait3A_279 = arith.constant 0 : i32
        %dma_wait3A_280 = tpu.memref_slice %arg7[%run_scoped3A_265, %dma_wait3A_278, %dma_wait3A_279] : memref<5x64x128xf32, #tpu.memory_space<vmem>> -> memref<1x64x128xf32, #tpu.memory_space<vmem>>
        %dma_wait3A_281 = tpu.memref_squeeze %dma_wait3A_280 : memref<1x64x128xf32, #tpu.memory_space<vmem>> -> memref<64x128xf32, #tpu.memory_space<vmem>>
        %dma_wait3A_282 = arith.constant 0 : i32
        %dma_wait3A_283 = tpu.memref_slice %arg8[%mul3A_264, %dma_wait3A_282] : memref<10000x128xf32, #tpu.memory_space<vmem_shared>> -> memref<64x128xf32, #tpu.memory_space<vmem_shared>>
        %dma_wait3A_284 = arith.constant 0 : i32
        %dma_wait3A_285 = tpu.memref_slice %arg8[%mul3A_264, %dma_wait3A_284] : memref<10000x128xf32, #tpu.memory_space<vmem_shared>> -> memref<64x128xf32, #tpu.memory_space<vmem_shared>>
        %dma_wait3A_286 = arith.constant 0 : i32
        %dma_wait3A_287 = arith.constant 0 : i32
        %dma_wait3A_288 = tpu.memref_slice %arg7[%run_scoped3A_265, %dma_wait3A_286, %dma_wait3A_287] : memref<5x64x128xf32, #tpu.memory_space<vmem>> -> memref<1x64x128xf32, #tpu.memory_space<vmem>>
        %dma_wait3A_289 = tpu.memref_squeeze %dma_wait3A_288 : memref<1x64x128xf32, #tpu.memory_space<vmem>> -> memref<64x128xf32, #tpu.memory_space<vmem>>
        tpu.wait_dma2 semaphore(%run_scoped3A_266 : memref<!tpu.dma_semaphore, #tpu.memory_space<semaphore_mem>>) src(%dma_wait3A_289 : memref<64x128xf32, #tpu.memory_space<vmem>>) dst(%dma_wait3A_285 : memref<64x128xf32, #tpu.memory_space<vmem_shared>>)
        tpu.yield
      }) : () -> ()
    } else {
    }
    %eq3A_156 = arith.constant 156 : i32
    %eq3A_157 = arith.cmpi eq, %add3A_150, %eq3A_156 : i32
    %convert_element_type3A_158 = arith.extui %eq3A_157 : i1 to i32
    %cond3A_159 = arith.constant 0 : i32
    %cond3A_160 = arith.cmpi ne, %convert_element_type3A_158, %cond3A_159 : i32
    scf.if %cond3A_160 {
      %run_scoped3A_263 = arith.constant 4 : i32
      "tpu.region"() ({
        %run_scoped3A_264 = tpu.sem_alloc : memref<!tpu.dma_semaphore, #tpu.memory_space<semaphore_mem>>
        %dma_start3A = arith.constant 0 : i32
        %dma_start3A_265 = arith.constant 0 : i32
        %dma_start3A_266 = tpu.memref_slice %arg7[%run_scoped3A_263, %dma_start3A, %dma_start3A_265] : memref<5x64x128xf32, #tpu.memory_space<vmem>> -> memref<1x16x128xf32, #tpu.memory_space<vmem>>
        %dma_start3A_267 = tpu.memref_squeeze %dma_start3A_266 : memref<1x16x128xf32, #tpu.memory_space<vmem>> -> memref<16x128xf32, #tpu.memory_space<vmem>>
        %dma_start3A_268 = arith.constant 9984 : i32
        %dma_start3A_269 = arith.constant 0 : i32
        %dma_start3A_270 = tpu.memref_slice %arg8[%dma_start3A_268, %dma_start3A_269] : memref<10000x128xf32, #tpu.memory_space<vmem_shared>> -> memref<16x128xf32, #tpu.memory_space<vmem_shared>>
        %dma_start3A_271 = arith.constant 9984 : i32
        %dma_start3A_272 = arith.constant 0 : i32
        %dma_start3A_273 = tpu.memref_slice %arg8[%dma_start3A_271, %dma_start3A_272] : memref<10000x128xf32, #tpu.memory_space<vmem_shared>> -> memref<16x128xf32, #tpu.memory_space<vmem_shared>>
        %dma_start3A_274 = arith.constant 0 : i32
        %dma_start3A_275 = arith.constant 0 : i32
        %dma_start3A_276 = tpu.memref_slice %arg7[%run_scoped3A_263, %dma_start3A_274, %dma_start3A_275] : memref<5x64x128xf32, #tpu.memory_space<vmem>> -> memref<1x16x128xf32, #tpu.memory_space<vmem>>
        %dma_start3A_277 = tpu.memref_squeeze %dma_start3A_276 : memref<1x16x128xf32, #tpu.memory_space<vmem>> -> memref<16x128xf32, #tpu.memory_space<vmem>>
        tpu.enqueue_dma source(%dma_start3A_277 : memref<16x128xf32, #tpu.memory_space<vmem>>) target(%dma_start3A_273 : memref<16x128xf32, #tpu.memory_space<vmem_shared>>) target_semaphore(%run_scoped3A_264 : memref<!tpu.dma_semaphore, #tpu.memory_space<semaphore_mem>>)
        %dma_wait3A_278 = arith.constant 0 : i32
        %dma_wait3A_279 = arith.constant 0 : i32
        %dma_wait3A_280 = tpu.memref_slice %arg7[%run_scoped3A_263, %dma_wait3A_278, %dma_wait3A_279] : memref<5x64x128xf32, #tpu.memory_space<vmem>> -> memref<1x16x128xf32, #tpu.memory_space<vmem>>
        %dma_wait3A_281 = tpu.memref_squeeze %dma_wait3A_280 : memref<1x16x128xf32, #tpu.memory_space<vmem>> -> memref<16x128xf32, #tpu.memory_space<vmem>>
        %dma_wait3A_282 = arith.constant 9984 : i32
        %dma_wait3A_283 = arith.constant 0 : i32
        %dma_wait3A_284 = tpu.memref_slice %arg8[%dma_wait3A_282, %dma_wait3A_283] : memref<10000x128xf32, #tpu.memory_space<vmem_shared>> -> memref<16x128xf32, #tpu.memory_space<vmem_shared>>
        %dma_wait3A_285 = arith.constant 9984 : i32
        %dma_wait3A_286 = arith.constant 0 : i32
        %dma_wait3A_287 = tpu.memref_slice %arg8[%dma_wait3A_285, %dma_wait3A_286] : memref<10000x128xf32, #tpu.memory_space<vmem_shared>> -> memref<16x128xf32, #tpu.memory_space<vmem_shared>>
        %dma_wait3A_288 = arith.constant 0 : i32
        %dma_wait3A_289 = arith.constant 0 : i32
        %dma_wait3A_290 = tpu.memref_slice %arg7[%run_scoped3A_263, %dma_wait3A_288, %dma_wait3A_289] : memref<5x64x128xf32, #tpu.memory_space<vmem>> -> memref<1x16x128xf32, #tpu.memory_space<vmem>>
        %dma_wait3A_291 = tpu.memref_squeeze %dma_wait3A_290 : memref<1x16x128xf32, #tpu.memory_space<vmem>> -> memref<16x128xf32, #tpu.memory_space<vmem>>
        tpu.wait_dma2 semaphore(%run_scoped3A_264 : memref<!tpu.dma_semaphore, #tpu.memory_space<semaphore_mem>>) src(%dma_wait3A_291 : memref<16x128xf32, #tpu.memory_space<vmem>>) dst(%dma_wait3A_287 : memref<16x128xf32, #tpu.memory_space<vmem_shared>>)
        tpu.yield
      }) : () -> ()
    } else {
    }
    %add3A_161 = arith.constant 128 : i32
    %add3A_162 = arith.addi %arg1, %add3A_161 : i32
    %lt3A_163 = arith.constant 156 : i32
    %lt3A_164 = arith.cmpi slt, %add3A_162, %lt3A_163 : i32
    %convert_element_type3A_165 = arith.extui %lt3A_164 : i1 to i32
    %cond3A_166 = arith.constant 0 : i32
    %cond3A_167 = arith.cmpi ne, %convert_element_type3A_165, %cond3A_166 : i32
    scf.if %cond3A_167 {
      %mul3A_263 = arith.constant 64 : i32
      %mul3A_264 = arith.muli %add3A_162, %mul3A_263 : i32
      %run_scoped3A_265 = arith.constant 4 : i32
      "tpu.region"() ({
        %run_scoped3A_266 = tpu.sem_alloc : memref<!tpu.dma_semaphore, #tpu.memory_space<semaphore_mem>>
        %dma_start3A = arith.constant 0 : i32
        %dma_start3A_267 = arith.constant 0 : i32
        %dma_start3A_268 = tpu.memref_slice %arg7[%run_scoped3A_265, %dma_start3A, %dma_start3A_267] : memref<5x64x128xf32, #tpu.memory_space<vmem>> -> memref<1x64x128xf32, #tpu.memory_space<vmem>>
        %dma_start3A_269 = tpu.memref_squeeze %dma_start3A_268 : memref<1x64x128xf32, #tpu.memory_space<vmem>> -> memref<64x128xf32, #tpu.memory_space<vmem>>
        %dma_start3A_270 = arith.constant 0 : i32
        %dma_start3A_271 = tpu.memref_slice %arg8[%mul3A_264, %dma_start3A_270] : memref<10000x128xf32, #tpu.memory_space<vmem_shared>> -> memref<64x128xf32, #tpu.memory_space<vmem_shared>>
        %dma_start3A_272 = arith.constant 0 : i32
        %dma_start3A_273 = tpu.memref_slice %arg8[%mul3A_264, %dma_start3A_272] : memref<10000x128xf32, #tpu.memory_space<vmem_shared>> -> memref<64x128xf32, #tpu.memory_space<vmem_shared>>
        %dma_start3A_274 = arith.constant 0 : i32
        %dma_start3A_275 = arith.constant 0 : i32
        %dma_start3A_276 = tpu.memref_slice %arg7[%run_scoped3A_265, %dma_start3A_274, %dma_start3A_275] : memref<5x64x128xf32, #tpu.memory_space<vmem>> -> memref<1x64x128xf32, #tpu.memory_space<vmem>>
        %dma_start3A_277 = tpu.memref_squeeze %dma_start3A_276 : memref<1x64x128xf32, #tpu.memory_space<vmem>> -> memref<64x128xf32, #tpu.memory_space<vmem>>
        tpu.enqueue_dma source(%dma_start3A_277 : memref<64x128xf32, #tpu.memory_space<vmem>>) target(%dma_start3A_273 : memref<64x128xf32, #tpu.memory_space<vmem_shared>>) target_semaphore(%run_scoped3A_266 : memref<!tpu.dma_semaphore, #tpu.memory_space<semaphore_mem>>)
        %dma_wait3A_278 = arith.constant 0 : i32
        %dma_wait3A_279 = arith.constant 0 : i32
        %dma_wait3A_280 = tpu.memref_slice %arg7[%run_scoped3A_265, %dma_wait3A_278, %dma_wait3A_279] : memref<5x64x128xf32, #tpu.memory_space<vmem>> -> memref<1x64x128xf32, #tpu.memory_space<vmem>>
        %dma_wait3A_281 = tpu.memref_squeeze %dma_wait3A_280 : memref<1x64x128xf32, #tpu.memory_space<vmem>> -> memref<64x128xf32, #tpu.memory_space<vmem>>
        %dma_wait3A_282 = arith.constant 0 : i32
        %dma_wait3A_283 = tpu.memref_slice %arg8[%mul3A_264, %dma_wait3A_282] : memref<10000x128xf32, #tpu.memory_space<vmem_shared>> -> memref<64x128xf32, #tpu.memory_space<vmem_shared>>
        %dma_wait3A_284 = arith.constant 0 : i32
        %dma_wait3A_285 = tpu.memref_slice %arg8[%mul3A_264, %dma_wait3A_284] : memref<10000x128xf32, #tpu.memory_space<vmem_shared>> -> memref<64x128xf32, #tpu.memory_space<vmem_shared>>
        %dma_wait3A_286 = arith.constant 0 : i32
        %dma_wait3A_287 = arith.constant 0 : i32
        %dma_wait3A_288 = tpu.memref_slice %arg7[%run_scoped3A_265, %dma_wait3A_286, %dma_wait3A_287] : memref<5x64x128xf32, #tpu.memory_space<vmem>> -> memref<1x64x128xf32, #tpu.memory_space<vmem>>
        %dma_wait3A_289 = tpu.memref_squeeze %dma_wait3A_288 : memref<1x64x128xf32, #tpu.memory_space<vmem>> -> memref<64x128xf32, #tpu.memory_space<vmem>>
        tpu.wait_dma2 semaphore(%run_scoped3A_266 : memref<!tpu.dma_semaphore, #tpu.memory_space<semaphore_mem>>) src(%dma_wait3A_289 : memref<64x128xf32, #tpu.memory_space<vmem>>) dst(%dma_wait3A_285 : memref<64x128xf32, #tpu.memory_space<vmem_shared>>)
        tpu.yield
      }) : () -> ()
    } else {
    }
    %eq3A_168 = arith.constant 156 : i32
    %eq3A_169 = arith.cmpi eq, %add3A_162, %eq3A_168 : i32
    %convert_element_type3A_170 = arith.extui %eq3A_169 : i1 to i32
    %cond3A_171 = arith.constant 0 : i32
    %cond3A_172 = arith.cmpi ne, %convert_element_type3A_170, %cond3A_171 : i32
    scf.if %cond3A_172 {
      %run_scoped3A_263 = arith.constant 4 : i32
      "tpu.region"() ({
        %run_scoped3A_264 = tpu.sem_alloc : memref<!tpu.dma_semaphore, #tpu.memory_space<semaphore_mem>>
        %dma_start3A = arith.constant 0 : i32
        %dma_start3A_265 = arith.constant 0 : i32
        %dma_start3A_266 = tpu.memref_slice %arg7[%run_scoped3A_263, %dma_start3A, %dma_start3A_265] : memref<5x64x128xf32, #tpu.memory_space<vmem>> -> memref<1x16x128xf32, #tpu.memory_space<vmem>>
        %dma_start3A_267 = tpu.memref_squeeze %dma_start3A_266 : memref<1x16x128xf32, #tpu.memory_space<vmem>> -> memref<16x128xf32, #tpu.memory_space<vmem>>
        %dma_start3A_268 = arith.constant 9984 : i32
        %dma_start3A_269 = arith.constant 0 : i32
        %dma_start3A_270 = tpu.memref_slice %arg8[%dma_start3A_268, %dma_start3A_269] : memref<10000x128xf32, #tpu.memory_space<vmem_shared>> -> memref<16x128xf32, #tpu.memory_space<vmem_shared>>
        %dma_start3A_271 = arith.constant 9984 : i32
        %dma_start3A_272 = arith.constant 0 : i32
        %dma_start3A_273 = tpu.memref_slice %arg8[%dma_start3A_271, %dma_start3A_272] : memref<10000x128xf32, #tpu.memory_space<vmem_shared>> -> memref<16x128xf32, #tpu.memory_space<vmem_shared>>
        %dma_start3A_274 = arith.constant 0 : i32
        %dma_start3A_275 = arith.constant 0 : i32
        %dma_start3A_276 = tpu.memref_slice %arg7[%run_scoped3A_263, %dma_start3A_274, %dma_start3A_275] : memref<5x64x128xf32, #tpu.memory_space<vmem>> -> memref<1x16x128xf32, #tpu.memory_space<vmem>>
        %dma_start3A_277 = tpu.memref_squeeze %dma_start3A_276 : memref<1x16x128xf32, #tpu.memory_space<vmem>> -> memref<16x128xf32, #tpu.memory_space<vmem>>
        tpu.enqueue_dma source(%dma_start3A_277 : memref<16x128xf32, #tpu.memory_space<vmem>>) target(%dma_start3A_273 : memref<16x128xf32, #tpu.memory_space<vmem_shared>>) target_semaphore(%run_scoped3A_264 : memref<!tpu.dma_semaphore, #tpu.memory_space<semaphore_mem>>)
        %dma_wait3A_278 = arith.constant 0 : i32
        %dma_wait3A_279 = arith.constant 0 : i32
        %dma_wait3A_280 = tpu.memref_slice %arg7[%run_scoped3A_263, %dma_wait3A_278, %dma_wait3A_279] : memref<5x64x128xf32, #tpu.memory_space<vmem>> -> memref<1x16x128xf32, #tpu.memory_space<vmem>>
        %dma_wait3A_281 = tpu.memref_squeeze %dma_wait3A_280 : memref<1x16x128xf32, #tpu.memory_space<vmem>> -> memref<16x128xf32, #tpu.memory_space<vmem>>
        %dma_wait3A_282 = arith.constant 9984 : i32
        %dma_wait3A_283 = arith.constant 0 : i32
        %dma_wait3A_284 = tpu.memref_slice %arg8[%dma_wait3A_282, %dma_wait3A_283] : memref<10000x128xf32, #tpu.memory_space<vmem_shared>> -> memref<16x128xf32, #tpu.memory_space<vmem_shared>>
        %dma_wait3A_285 = arith.constant 9984 : i32
        %dma_wait3A_286 = arith.constant 0 : i32
        %dma_wait3A_287 = tpu.memref_slice %arg8[%dma_wait3A_285, %dma_wait3A_286] : memref<10000x128xf32, #tpu.memory_space<vmem_shared>> -> memref<16x128xf32, #tpu.memory_space<vmem_shared>>
        %dma_wait3A_288 = arith.constant 0 : i32
        %dma_wait3A_289 = arith.constant 0 : i32
        %dma_wait3A_290 = tpu.memref_slice %arg7[%run_scoped3A_263, %dma_wait3A_288, %dma_wait3A_289] : memref<5x64x128xf32, #tpu.memory_space<vmem>> -> memref<1x16x128xf32, #tpu.memory_space<vmem>>
        %dma_wait3A_291 = tpu.memref_squeeze %dma_wait3A_290 : memref<1x16x128xf32, #tpu.memory_space<vmem>> -> memref<16x128xf32, #tpu.memory_space<vmem>>
        tpu.wait_dma2 semaphore(%run_scoped3A_264 : memref<!tpu.dma_semaphore, #tpu.memory_space<semaphore_mem>>) src(%dma_wait3A_291 : memref<16x128xf32, #tpu.memory_space<vmem>>) dst(%dma_wait3A_287 : memref<16x128xf32, #tpu.memory_space<vmem_shared>>)
        tpu.yield
      }) : () -> ()
    } else {
    }
    %add3A_173 = arith.constant 144 : i32
    %add3A_174 = arith.addi %arg1, %add3A_173 : i32
    %lt3A_175 = arith.constant 156 : i32
    %lt3A_176 = arith.cmpi slt, %add3A_174, %lt3A_175 : i32
    %convert_element_type3A_177 = arith.extui %lt3A_176 : i1 to i32
    %cond3A_178 = arith.constant 0 : i32
    %cond3A_179 = arith.cmpi ne, %convert_element_type3A_177, %cond3A_178 : i32
    scf.if %cond3A_179 {
      %mul3A_263 = arith.constant 64 : i32
      %mul3A_264 = arith.muli %add3A_174, %mul3A_263 : i32
      %run_scoped3A_265 = arith.constant 4 : i32
      "tpu.region"() ({
        %run_scoped3A_266 = tpu.sem_alloc : memref<!tpu.dma_semaphore, #tpu.memory_space<semaphore_mem>>
        %dma_start3A = arith.constant 0 : i32
        %dma_start3A_267 = arith.constant 0 : i32
        %dma_start3A_268 = tpu.memref_slice %arg7[%run_scoped3A_265, %dma_start3A, %dma_start3A_267] : memref<5x64x128xf32, #tpu.memory_space<vmem>> -> memref<1x64x128xf32, #tpu.memory_space<vmem>>
        %dma_start3A_269 = tpu.memref_squeeze %dma_start3A_268 : memref<1x64x128xf32, #tpu.memory_space<vmem>> -> memref<64x128xf32, #tpu.memory_space<vmem>>
        %dma_start3A_270 = arith.constant 0 : i32
        %dma_start3A_271 = tpu.memref_slice %arg8[%mul3A_264, %dma_start3A_270] : memref<10000x128xf32, #tpu.memory_space<vmem_shared>> -> memref<64x128xf32, #tpu.memory_space<vmem_shared>>
        %dma_start3A_272 = arith.constant 0 : i32
        %dma_start3A_273 = tpu.memref_slice %arg8[%mul3A_264, %dma_start3A_272] : memref<10000x128xf32, #tpu.memory_space<vmem_shared>> -> memref<64x128xf32, #tpu.memory_space<vmem_shared>>
        %dma_start3A_274 = arith.constant 0 : i32
        %dma_start3A_275 = arith.constant 0 : i32
        %dma_start3A_276 = tpu.memref_slice %arg7[%run_scoped3A_265, %dma_start3A_274, %dma_start3A_275] : memref<5x64x128xf32, #tpu.memory_space<vmem>> -> memref<1x64x128xf32, #tpu.memory_space<vmem>>
        %dma_start3A_277 = tpu.memref_squeeze %dma_start3A_276 : memref<1x64x128xf32, #tpu.memory_space<vmem>> -> memref<64x128xf32, #tpu.memory_space<vmem>>
        tpu.enqueue_dma source(%dma_start3A_277 : memref<64x128xf32, #tpu.memory_space<vmem>>) target(%dma_start3A_273 : memref<64x128xf32, #tpu.memory_space<vmem_shared>>) target_semaphore(%run_scoped3A_266 : memref<!tpu.dma_semaphore, #tpu.memory_space<semaphore_mem>>)
        %dma_wait3A_278 = arith.constant 0 : i32
        %dma_wait3A_279 = arith.constant 0 : i32
        %dma_wait3A_280 = tpu.memref_slice %arg7[%run_scoped3A_265, %dma_wait3A_278, %dma_wait3A_279] : memref<5x64x128xf32, #tpu.memory_space<vmem>> -> memref<1x64x128xf32, #tpu.memory_space<vmem>>
        %dma_wait3A_281 = tpu.memref_squeeze %dma_wait3A_280 : memref<1x64x128xf32, #tpu.memory_space<vmem>> -> memref<64x128xf32, #tpu.memory_space<vmem>>
        %dma_wait3A_282 = arith.constant 0 : i32
        %dma_wait3A_283 = tpu.memref_slice %arg8[%mul3A_264, %dma_wait3A_282] : memref<10000x128xf32, #tpu.memory_space<vmem_shared>> -> memref<64x128xf32, #tpu.memory_space<vmem_shared>>
        %dma_wait3A_284 = arith.constant 0 : i32
        %dma_wait3A_285 = tpu.memref_slice %arg8[%mul3A_264, %dma_wait3A_284] : memref<10000x128xf32, #tpu.memory_space<vmem_shared>> -> memref<64x128xf32, #tpu.memory_space<vmem_shared>>
        %dma_wait3A_286 = arith.constant 0 : i32
        %dma_wait3A_287 = arith.constant 0 : i32
        %dma_wait3A_288 = tpu.memref_slice %arg7[%run_scoped3A_265, %dma_wait3A_286, %dma_wait3A_287] : memref<5x64x128xf32, #tpu.memory_space<vmem>> -> memref<1x64x128xf32, #tpu.memory_space<vmem>>
        %dma_wait3A_289 = tpu.memref_squeeze %dma_wait3A_288 : memref<1x64x128xf32, #tpu.memory_space<vmem>> -> memref<64x128xf32, #tpu.memory_space<vmem>>
        tpu.wait_dma2 semaphore(%run_scoped3A_266 : memref<!tpu.dma_semaphore, #tpu.memory_space<semaphore_mem>>) src(%dma_wait3A_289 : memref<64x128xf32, #tpu.memory_space<vmem>>) dst(%dma_wait3A_285 : memref<64x128xf32, #tpu.memory_space<vmem_shared>>)
        tpu.yield
      }) : () -> ()
    } else {
    }
    %eq3A_180 = arith.constant 156 : i32
    %eq3A_181 = arith.cmpi eq, %add3A_174, %eq3A_180 : i32
    %convert_element_type3A_182 = arith.extui %eq3A_181 : i1 to i32
    %cond3A_183 = arith.constant 0 : i32
    %cond3A_184 = arith.cmpi ne, %convert_element_type3A_182, %cond3A_183 : i32
    scf.if %cond3A_184 {
      %run_scoped3A_263 = arith.constant 4 : i32
      "tpu.region"() ({
        %run_scoped3A_264 = tpu.sem_alloc : memref<!tpu.dma_semaphore, #tpu.memory_space<semaphore_mem>>
        %dma_start3A = arith.constant 0 : i32
        %dma_start3A_265 = arith.constant 0 : i32
        %dma_start3A_266 = tpu.memref_slice %arg7[%run_scoped3A_263, %dma_start3A, %dma_start3A_265] : memref<5x64x128xf32, #tpu.memory_space<vmem>> -> memref<1x16x128xf32, #tpu.memory_space<vmem>>
        %dma_start3A_267 = tpu.memref_squeeze %dma_start3A_266 : memref<1x16x128xf32, #tpu.memory_space<vmem>> -> memref<16x128xf32, #tpu.memory_space<vmem>>
        %dma_start3A_268 = arith.constant 9984 : i32
        %dma_start3A_269 = arith.constant 0 : i32
        %dma_start3A_270 = tpu.memref_slice %arg8[%dma_start3A_268, %dma_start3A_269] : memref<10000x128xf32, #tpu.memory_space<vmem_shared>> -> memref<16x128xf32, #tpu.memory_space<vmem_shared>>
        %dma_start3A_271 = arith.constant 9984 : i32
        %dma_start3A_272 = arith.constant 0 : i32
        %dma_start3A_273 = tpu.memref_slice %arg8[%dma_start3A_271, %dma_start3A_272] : memref<10000x128xf32, #tpu.memory_space<vmem_shared>> -> memref<16x128xf32, #tpu.memory_space<vmem_shared>>
        %dma_start3A_274 = arith.constant 0 : i32
        %dma_start3A_275 = arith.constant 0 : i32
        %dma_start3A_276 = tpu.memref_slice %arg7[%run_scoped3A_263, %dma_start3A_274, %dma_start3A_275] : memref<5x64x128xf32, #tpu.memory_space<vmem>> -> memref<1x16x128xf32, #tpu.memory_space<vmem>>
        %dma_start3A_277 = tpu.memref_squeeze %dma_start3A_276 : memref<1x16x128xf32, #tpu.memory_space<vmem>> -> memref<16x128xf32, #tpu.memory_space<vmem>>
        tpu.enqueue_dma source(%dma_start3A_277 : memref<16x128xf32, #tpu.memory_space<vmem>>) target(%dma_start3A_273 : memref<16x128xf32, #tpu.memory_space<vmem_shared>>) target_semaphore(%run_scoped3A_264 : memref<!tpu.dma_semaphore, #tpu.memory_space<semaphore_mem>>)
        %dma_wait3A_278 = arith.constant 0 : i32
        %dma_wait3A_279 = arith.constant 0 : i32
        %dma_wait3A_280 = tpu.memref_slice %arg7[%run_scoped3A_263, %dma_wait3A_278, %dma_wait3A_279] : memref<5x64x128xf32, #tpu.memory_space<vmem>> -> memref<1x16x128xf32, #tpu.memory_space<vmem>>
        %dma_wait3A_281 = tpu.memref_squeeze %dma_wait3A_280 : memref<1x16x128xf32, #tpu.memory_space<vmem>> -> memref<16x128xf32, #tpu.memory_space<vmem>>
        %dma_wait3A_282 = arith.constant 9984 : i32
        %dma_wait3A_283 = arith.constant 0 : i32
        %dma_wait3A_284 = tpu.memref_slice %arg8[%dma_wait3A_282, %dma_wait3A_283] : memref<10000x128xf32, #tpu.memory_space<vmem_shared>> -> memref<16x128xf32, #tpu.memory_space<vmem_shared>>
        %dma_wait3A_285 = arith.constant 9984 : i32
        %dma_wait3A_286 = arith.constant 0 : i32
        %dma_wait3A_287 = tpu.memref_slice %arg8[%dma_wait3A_285, %dma_wait3A_286] : memref<10000x128xf32, #tpu.memory_space<vmem_shared>> -> memref<16x128xf32, #tpu.memory_space<vmem_shared>>
        %dma_wait3A_288 = arith.constant 0 : i32
        %dma_wait3A_289 = arith.constant 0 : i32
        %dma_wait3A_290 = tpu.memref_slice %arg7[%run_scoped3A_263, %dma_wait3A_288, %dma_wait3A_289] : memref<5x64x128xf32, #tpu.memory_space<vmem>> -> memref<1x16x128xf32, #tpu.memory_space<vmem>>
        %dma_wait3A_291 = tpu.memref_squeeze %dma_wait3A_290 : memref<1x16x128xf32, #tpu.memory_space<vmem>> -> memref<16x128xf32, #tpu.memory_space<vmem>>
        tpu.wait_dma2 semaphore(%run_scoped3A_264 : memref<!tpu.dma_semaphore, #tpu.memory_space<semaphore_mem>>) src(%dma_wait3A_291 : memref<16x128xf32, #tpu.memory_space<vmem>>) dst(%dma_wait3A_287 : memref<16x128xf32, #tpu.memory_space<vmem_shared>>)
        tpu.yield
      }) : () -> ()
    } else {
    }
    %barrier3A = arith.constant 0 : index
    tpu.barrier barrier_id(%barrier3A)
    %scan3A = arith.constant 0 : i32
    %scan3A_185 = arith.constant 0 : i32
    %scan3A_186 = arith.constant 10 : i32
    %scan3A_187 = arith.addi %scan3A_185, %scan3A_186 : i32
    %scan3A_188 = arith.constant 1 : i32
    scf.for %scan3A_263 = %scan3A_185 to %scan3A_187 step %scan3A_188  : i32 {
      %mul3A_264 = arith.constant 5 : i32
      %mul3A_265 = arith.muli %mul3A_264, %scan3A_263 : i32
      %add3A_266 = arith.constant 0 : i32
      %add3A_267 = arith.addi %mul3A_265, %add3A_266 : i32
      %lt3A_268 = arith.cmpi slt, %add3A_267, %sub3A_47 : i32
      %convert_element_type3A_269 = arith.extui %lt3A_268 : i1 to i32
      %cond3A_270 = arith.constant 0 : i32
      %cond3A_271 = arith.cmpi ne, %convert_element_type3A_269, %cond3A_270 : i32
      scf.if %cond3A_271 {
        %add3A_304 = arith.addi %select_n3A, %add3A_267 : i32
        %mul3A_305 = arith.constant 64 : i32
        %mul3A_306 = arith.muli %add3A_304, %mul3A_305 : i32
        %dma_wait3A_307 = arith.constant 0 : i32
        %dma_wait3A_308 = arith.constant 0 : i32
        %dma_wait3A_309 = arith.constant 0 : i32
        %dma_wait3A_310 = tpu.memref_slice %arg7[%dma_wait3A_307, %dma_wait3A_308, %dma_wait3A_309] : memref<5x64x128xf32, #tpu.memory_space<vmem>> -> memref<1x64x128xf32, #tpu.memory_space<vmem>>
        %dma_wait3A_311 = tpu.memref_squeeze %dma_wait3A_310 : memref<1x64x128xf32, #tpu.memory_space<vmem>> -> memref<64x128xf32, #tpu.memory_space<vmem>>
        %dma_wait3A_312 = arith.constant 0 : i32
        %dma_wait3A_313 = tpu.memref_slice %arg2[%mul3A_306, %dma_wait3A_312] : memref<100000x128xf32, #tpu.memory_space<hbm>> -> memref<64x128xf32, #tpu.memory_space<hbm>>
        %dma_wait3A_314 = arith.constant 0 : i32
        %dma_wait3A_315 = arith.constant 0 : i32
        %dma_wait3A_316 = tpu.memref_slice %arg7[%dma_wait3A_307, %dma_wait3A_314, %dma_wait3A_315] : memref<5x64x128xf32, #tpu.memory_space<vmem>> -> memref<1x64x128xf32, #tpu.memory_space<vmem>>
        %dma_wait3A_317 = tpu.memref_squeeze %dma_wait3A_316 : memref<1x64x128xf32, #tpu.memory_space<vmem>> -> memref<64x128xf32, #tpu.memory_space<vmem>>
        %dma_wait3A_318 = arith.constant 0 : i32
        %dma_wait3A_319 = tpu.memref_slice %arg2[%mul3A_306, %dma_wait3A_318] : memref<100000x128xf32, #tpu.memory_space<hbm>> -> memref<64x128xf32, #tpu.memory_space<hbm>>
        tpu.wait_dma2 semaphore(%arg9 : memref<!tpu.dma_semaphore, #tpu.memory_space<semaphore_mem>>) src(%dma_wait3A_319 : memref<64x128xf32, #tpu.memory_space<hbm>>) dst(%dma_wait3A_317 : memref<64x128xf32, #tpu.memory_space<vmem>>)
        %mul3A_320 = arith.constant 64 : i32
        %mul3A_321 = arith.muli %add3A_267, %mul3A_320 : i32
        %dma_start3A = arith.constant 0 : i32
        %dma_start3A_322 = arith.constant 0 : i32
        %dma_start3A_323 = arith.constant 0 : i32
        %dma_start3A_324 = tpu.memref_slice %arg7[%dma_start3A, %dma_start3A_322, %dma_start3A_323] : memref<5x64x128xf32, #tpu.memory_space<vmem>> -> memref<1x64x128xf32, #tpu.memory_space<vmem>>
        %dma_start3A_325 = tpu.memref_squeeze %dma_start3A_324 : memref<1x64x128xf32, #tpu.memory_space<vmem>> -> memref<64x128xf32, #tpu.memory_space<vmem>>
        %dma_start3A_326 = tpu.memref_slice %arg6[%mul3A_321] : memref<3136xi32, #tpu.memory_space<vmem>> -> memref<64xi32, #tpu.memory_space<vmem>>
        %dma_start3A_327 = arith.constant 0 : i32
        %dma_start3A_328 = arith.constant 0 : i32
        %dma_start3A_329 = tpu.memref_slice %arg8[%dma_start3A_327, %dma_start3A_328] : memref<10000x128xf32, #tpu.memory_space<vmem_shared>> -> memref<10000x128xf32, #tpu.memory_space<vmem_shared>>
        tpu.enqueue_indirect_dma source(%dma_start3A_325 : memref<64x128xf32, #tpu.memory_space<vmem>>) target(%dma_start3A_329 : memref<10000x128xf32, #tpu.memory_space<vmem_shared>>) offsets(%dma_start3A_326 : memref<64xi32, #tpu.memory_space<vmem>>) semaphore(%arg14 : memref<!tpu.dma_semaphore, #tpu.memory_space<semaphore_mem>>) {add = true}
        %add3A_330 = arith.constant 5 : i32
        %add3A_331 = arith.addi %add3A_267, %add3A_330 : i32
        %sub3A_332 = arith.constant 1 : i32
        %sub3A_333 = arith.subi %add3A_331, %sub3A_332 : i32
        %lt3A_334 = arith.cmpi slt, %sub3A_333, %sub3A_47 : i32
        %convert_element_type3A_335 = arith.extui %lt3A_334 : i1 to i32
        %cond3A_336 = arith.constant 0 : i32
        %cond3A_337 = arith.cmpi ne, %convert_element_type3A_335, %cond3A_336 : i32
        scf.if %cond3A_337 {
          %ge3A = arith.constant 1 : i32
          %ge3A_338 = arith.cmpi sge, %add3A_267, %ge3A : i32
          %convert_element_type3A_339 = arith.extui %ge3A_338 : i1 to i32
          %cond3A_340 = arith.constant 0 : i32
          %cond3A_341 = arith.cmpi ne, %convert_element_type3A_339, %cond3A_340 : i32
          scf.if %cond3A_341 {
            %sub3A_362 = arith.constant 1 : i32
            %sub3A_363 = arith.subi %add3A_267, %sub3A_362 : i32
            %mul3A_364 = arith.constant 64 : i32
            %mul3A_365 = arith.muli %sub3A_363, %mul3A_364 : i32
            %dma_wait3A_366 = arith.constant 4 : i32
            %dma_wait3A_367 = arith.constant 0 : i32
            %dma_wait3A_368 = arith.constant 0 : i32
            %dma_wait3A_369 = tpu.memref_slice %arg7[%dma_wait3A_366, %dma_wait3A_367, %dma_wait3A_368] : memref<5x64x128xf32, #tpu.memory_space<vmem>> -> memref<1x64x128xf32, #tpu.memory_space<vmem>>
            %dma_wait3A_370 = tpu.memref_squeeze %dma_wait3A_369 : memref<1x64x128xf32, #tpu.memory_space<vmem>> -> memref<64x128xf32, #tpu.memory_space<vmem>>
            %dma_wait3A_371 = tpu.memref_slice %arg6[%mul3A_365] : memref<3136xi32, #tpu.memory_space<vmem>> -> memref<64xi32, #tpu.memory_space<vmem>>
            %dma_wait3A_372 = arith.constant 0 : i32
            %dma_wait3A_373 = arith.constant 0 : i32
            %dma_wait3A_374 = tpu.memref_slice %arg8[%dma_wait3A_372, %dma_wait3A_373] : memref<10000x128xf32, #tpu.memory_space<vmem_shared>> -> memref<10000x128xf32, #tpu.memory_space<vmem_shared>>
            tpu.wait_indirect_dma semaphore(%arg18 : memref<!tpu.dma_semaphore, #tpu.memory_space<semaphore_mem>>) src(%dma_wait3A_370 : memref<64x128xf32, #tpu.memory_space<vmem>>) dst(%dma_wait3A_374 : memref<10000x128xf32, #tpu.memory_space<vmem_shared>>)
          } else {
          }
          %add3A_342 = arith.constant 5 : i32
          %add3A_343 = arith.addi %add3A_267, %add3A_342 : i32
          %sub3A_344 = arith.constant 1 : i32
          %sub3A_345 = arith.subi %add3A_343, %sub3A_344 : i32
          %add3A_346 = arith.addi %select_n3A, %sub3A_345 : i32
          %mul3A_347 = arith.constant 64 : i32
          %mul3A_348 = arith.muli %add3A_346, %mul3A_347 : i32
          %dma_start3A_349 = arith.constant 4 : i32
          %dma_start3A_350 = arith.constant 0 : i32
          %dma_start3A_351 = arith.constant 0 : i32
          %dma_start3A_352 = tpu.memref_slice %arg7[%dma_start3A_349, %dma_start3A_350, %dma_start3A_351] : memref<5x64x128xf32, #tpu.memory_space<vmem>> -> memref<1x64x128xf32, #tpu.memory_space<vmem>>
          %dma_start3A_353 = tpu.memref_squeeze %dma_start3A_352 : memref<1x64x128xf32, #tpu.memory_space<vmem>> -> memref<64x128xf32, #tpu.memory_space<vmem>>
          %dma_start3A_354 = arith.constant 0 : i32
          %dma_start3A_355 = tpu.memref_slice %arg2[%mul3A_348, %dma_start3A_354] : memref<100000x128xf32, #tpu.memory_space<hbm>> -> memref<64x128xf32, #tpu.memory_space<hbm>>
          %dma_start3A_356 = arith.constant 0 : i32
          %dma_start3A_357 = arith.constant 0 : i32
          %dma_start3A_358 = tpu.memref_slice %arg7[%dma_start3A_349, %dma_start3A_356, %dma_start3A_357] : memref<5x64x128xf32, #tpu.memory_space<vmem>> -> memref<1x64x128xf32, #tpu.memory_space<vmem>>
          %dma_start3A_359 = tpu.memref_squeeze %dma_start3A_358 : memref<1x64x128xf32, #tpu.memory_space<vmem>> -> memref<64x128xf32, #tpu.memory_space<vmem>>
          %dma_start3A_360 = arith.constant 0 : i32
          %dma_start3A_361 = tpu.memref_slice %arg2[%mul3A_348, %dma_start3A_360] : memref<100000x128xf32, #tpu.memory_space<hbm>> -> memref<64x128xf32, #tpu.memory_space<hbm>>
          tpu.enqueue_dma source(%dma_start3A_361 : memref<64x128xf32, #tpu.memory_space<hbm>>) target(%dma_start3A_359 : memref<64x128xf32, #tpu.memory_space<vmem>>) target_semaphore(%arg13 : memref<!tpu.dma_semaphore, #tpu.memory_space<semaphore_mem>>)
        } else {
        }
      } else {
      }
      %mul3A_272 = arith.constant 5 : i32
      %mul3A_273 = arith.muli %mul3A_272, %scan3A_263 : i32
      %add3A_274 = arith.constant 1 : i32
      %add3A_275 = arith.addi %mul3A_273, %add3A_274 : i32
      %lt3A_276 = arith.cmpi slt, %add3A_275, %sub3A_47 : i32
      %convert_element_type3A_277 = arith.extui %lt3A_276 : i1 to i32
      %cond3A_278 = arith.constant 0 : i32
      %cond3A_279 = arith.cmpi ne, %convert_element_type3A_277, %cond3A_278 : i32
      scf.if %cond3A_279 {
        %add3A_304 = arith.addi %select_n3A, %add3A_275 : i32
        %mul3A_305 = arith.constant 64 : i32
        %mul3A_306 = arith.muli %add3A_304, %mul3A_305 : i32
        %dma_wait3A_307 = arith.constant 1 : i32
        %dma_wait3A_308 = arith.constant 0 : i32
        %dma_wait3A_309 = arith.constant 0 : i32
        %dma_wait3A_310 = tpu.memref_slice %arg7[%dma_wait3A_307, %dma_wait3A_308, %dma_wait3A_309] : memref<5x64x128xf32, #tpu.memory_space<vmem>> -> memref<1x64x128xf32, #tpu.memory_space<vmem>>
        %dma_wait3A_311 = tpu.memref_squeeze %dma_wait3A_310 : memref<1x64x128xf32, #tpu.memory_space<vmem>> -> memref<64x128xf32, #tpu.memory_space<vmem>>
        %dma_wait3A_312 = arith.constant 0 : i32
        %dma_wait3A_313 = tpu.memref_slice %arg2[%mul3A_306, %dma_wait3A_312] : memref<100000x128xf32, #tpu.memory_space<hbm>> -> memref<64x128xf32, #tpu.memory_space<hbm>>
        %dma_wait3A_314 = arith.constant 0 : i32
        %dma_wait3A_315 = arith.constant 0 : i32
        %dma_wait3A_316 = tpu.memref_slice %arg7[%dma_wait3A_307, %dma_wait3A_314, %dma_wait3A_315] : memref<5x64x128xf32, #tpu.memory_space<vmem>> -> memref<1x64x128xf32, #tpu.memory_space<vmem>>
        %dma_wait3A_317 = tpu.memref_squeeze %dma_wait3A_316 : memref<1x64x128xf32, #tpu.memory_space<vmem>> -> memref<64x128xf32, #tpu.memory_space<vmem>>
        %dma_wait3A_318 = arith.constant 0 : i32
        %dma_wait3A_319 = tpu.memref_slice %arg2[%mul3A_306, %dma_wait3A_318] : memref<100000x128xf32, #tpu.memory_space<hbm>> -> memref<64x128xf32, #tpu.memory_space<hbm>>
        tpu.wait_dma2 semaphore(%arg10 : memref<!tpu.dma_semaphore, #tpu.memory_space<semaphore_mem>>) src(%dma_wait3A_319 : memref<64x128xf32, #tpu.memory_space<hbm>>) dst(%dma_wait3A_317 : memref<64x128xf32, #tpu.memory_space<vmem>>)
        %mul3A_320 = arith.constant 64 : i32
        %mul3A_321 = arith.muli %add3A_275, %mul3A_320 : i32
        %dma_start3A = arith.constant 1 : i32
        %dma_start3A_322 = arith.constant 0 : i32
        %dma_start3A_323 = arith.constant 0 : i32
        %dma_start3A_324 = tpu.memref_slice %arg7[%dma_start3A, %dma_start3A_322, %dma_start3A_323] : memref<5x64x128xf32, #tpu.memory_space<vmem>> -> memref<1x64x128xf32, #tpu.memory_space<vmem>>
        %dma_start3A_325 = tpu.memref_squeeze %dma_start3A_324 : memref<1x64x128xf32, #tpu.memory_space<vmem>> -> memref<64x128xf32, #tpu.memory_space<vmem>>
        %dma_start3A_326 = tpu.memref_slice %arg6[%mul3A_321] : memref<3136xi32, #tpu.memory_space<vmem>> -> memref<64xi32, #tpu.memory_space<vmem>>
        %dma_start3A_327 = arith.constant 0 : i32
        %dma_start3A_328 = arith.constant 0 : i32
        %dma_start3A_329 = tpu.memref_slice %arg8[%dma_start3A_327, %dma_start3A_328] : memref<10000x128xf32, #tpu.memory_space<vmem_shared>> -> memref<10000x128xf32, #tpu.memory_space<vmem_shared>>
        tpu.enqueue_indirect_dma source(%dma_start3A_325 : memref<64x128xf32, #tpu.memory_space<vmem>>) target(%dma_start3A_329 : memref<10000x128xf32, #tpu.memory_space<vmem_shared>>) offsets(%dma_start3A_326 : memref<64xi32, #tpu.memory_space<vmem>>) semaphore(%arg15 : memref<!tpu.dma_semaphore, #tpu.memory_space<semaphore_mem>>) {add = true}
        %add3A_330 = arith.constant 5 : i32
        %add3A_331 = arith.addi %add3A_275, %add3A_330 : i32
        %sub3A_332 = arith.constant 1 : i32
        %sub3A_333 = arith.subi %add3A_331, %sub3A_332 : i32
        %lt3A_334 = arith.cmpi slt, %sub3A_333, %sub3A_47 : i32
        %convert_element_type3A_335 = arith.extui %lt3A_334 : i1 to i32
        %cond3A_336 = arith.constant 0 : i32
        %cond3A_337 = arith.cmpi ne, %convert_element_type3A_335, %cond3A_336 : i32
        scf.if %cond3A_337 {
          %ge3A = arith.constant 1 : i32
          %ge3A_338 = arith.cmpi sge, %add3A_275, %ge3A : i32
          %convert_element_type3A_339 = arith.extui %ge3A_338 : i1 to i32
          %cond3A_340 = arith.constant 0 : i32
          %cond3A_341 = arith.cmpi ne, %convert_element_type3A_339, %cond3A_340 : i32
          scf.if %cond3A_341 {
            %sub3A_362 = arith.constant 1 : i32
            %sub3A_363 = arith.subi %add3A_275, %sub3A_362 : i32
            %mul3A_364 = arith.constant 64 : i32
            %mul3A_365 = arith.muli %sub3A_363, %mul3A_364 : i32
            %dma_wait3A_366 = arith.constant 0 : i32
            %dma_wait3A_367 = arith.constant 0 : i32
            %dma_wait3A_368 = arith.constant 0 : i32
            %dma_wait3A_369 = tpu.memref_slice %arg7[%dma_wait3A_366, %dma_wait3A_367, %dma_wait3A_368] : memref<5x64x128xf32, #tpu.memory_space<vmem>> -> memref<1x64x128xf32, #tpu.memory_space<vmem>>
            %dma_wait3A_370 = tpu.memref_squeeze %dma_wait3A_369 : memref<1x64x128xf32, #tpu.memory_space<vmem>> -> memref<64x128xf32, #tpu.memory_space<vmem>>
            %dma_wait3A_371 = tpu.memref_slice %arg6[%mul3A_365] : memref<3136xi32, #tpu.memory_space<vmem>> -> memref<64xi32, #tpu.memory_space<vmem>>
            %dma_wait3A_372 = arith.constant 0 : i32
            %dma_wait3A_373 = arith.constant 0 : i32
            %dma_wait3A_374 = tpu.memref_slice %arg8[%dma_wait3A_372, %dma_wait3A_373] : memref<10000x128xf32, #tpu.memory_space<vmem_shared>> -> memref<10000x128xf32, #tpu.memory_space<vmem_shared>>
            tpu.wait_indirect_dma semaphore(%arg14 : memref<!tpu.dma_semaphore, #tpu.memory_space<semaphore_mem>>) src(%dma_wait3A_370 : memref<64x128xf32, #tpu.memory_space<vmem>>) dst(%dma_wait3A_374 : memref<10000x128xf32, #tpu.memory_space<vmem_shared>>)
          } else {
          }
          %add3A_342 = arith.constant 5 : i32
          %add3A_343 = arith.addi %add3A_275, %add3A_342 : i32
          %sub3A_344 = arith.constant 1 : i32
          %sub3A_345 = arith.subi %add3A_343, %sub3A_344 : i32
          %add3A_346 = arith.addi %select_n3A, %sub3A_345 : i32
          %mul3A_347 = arith.constant 64 : i32
          %mul3A_348 = arith.muli %add3A_346, %mul3A_347 : i32
          %dma_start3A_349 = arith.constant 0 : i32
          %dma_start3A_350 = arith.constant 0 : i32
          %dma_start3A_351 = arith.constant 0 : i32
          %dma_start3A_352 = tpu.memref_slice %arg7[%dma_start3A_349, %dma_start3A_350, %dma_start3A_351] : memref<5x64x128xf32, #tpu.memory_space<vmem>> -> memref<1x64x128xf32, #tpu.memory_space<vmem>>
          %dma_start3A_353 = tpu.memref_squeeze %dma_start3A_352 : memref<1x64x128xf32, #tpu.memory_space<vmem>> -> memref<64x128xf32, #tpu.memory_space<vmem>>
          %dma_start3A_354 = arith.constant 0 : i32
          %dma_start3A_355 = tpu.memref_slice %arg2[%mul3A_348, %dma_start3A_354] : memref<100000x128xf32, #tpu.memory_space<hbm>> -> memref<64x128xf32, #tpu.memory_space<hbm>>
          %dma_start3A_356 = arith.constant 0 : i32
          %dma_start3A_357 = arith.constant 0 : i32
          %dma_start3A_358 = tpu.memref_slice %arg7[%dma_start3A_349, %dma_start3A_356, %dma_start3A_357] : memref<5x64x128xf32, #tpu.memory_space<vmem>> -> memref<1x64x128xf32, #tpu.memory_space<vmem>>
          %dma_start3A_359 = tpu.memref_squeeze %dma_start3A_358 : memref<1x64x128xf32, #tpu.memory_space<vmem>> -> memref<64x128xf32, #tpu.memory_space<vmem>>
          %dma_start3A_360 = arith.constant 0 : i32
          %dma_start3A_361 = tpu.memref_slice %arg2[%mul3A_348, %dma_start3A_360] : memref<100000x128xf32, #tpu.memory_space<hbm>> -> memref<64x128xf32, #tpu.memory_space<hbm>>
          tpu.enqueue_dma source(%dma_start3A_361 : memref<64x128xf32, #tpu.memory_space<hbm>>) target(%dma_start3A_359 : memref<64x128xf32, #tpu.memory_space<vmem>>) target_semaphore(%arg9 : memref<!tpu.dma_semaphore, #tpu.memory_space<semaphore_mem>>)
        } else {
        }
      } else {
      }
      %mul3A_280 = arith.constant 5 : i32
      %mul3A_281 = arith.muli %mul3A_280, %scan3A_263 : i32
      %add3A_282 = arith.constant 2 : i32
      %add3A_283 = arith.addi %mul3A_281, %add3A_282 : i32
      %lt3A_284 = arith.cmpi slt, %add3A_283, %sub3A_47 : i32
      %convert_element_type3A_285 = arith.extui %lt3A_284 : i1 to i32
      %cond3A_286 = arith.constant 0 : i32
      %cond3A_287 = arith.cmpi ne, %convert_element_type3A_285, %cond3A_286 : i32
      scf.if %cond3A_287 {
        %add3A_304 = arith.addi %select_n3A, %add3A_283 : i32
        %mul3A_305 = arith.constant 64 : i32
        %mul3A_306 = arith.muli %add3A_304, %mul3A_305 : i32
        %dma_wait3A_307 = arith.constant 2 : i32
        %dma_wait3A_308 = arith.constant 0 : i32
        %dma_wait3A_309 = arith.constant 0 : i32
        %dma_wait3A_310 = tpu.memref_slice %arg7[%dma_wait3A_307, %dma_wait3A_308, %dma_wait3A_309] : memref<5x64x128xf32, #tpu.memory_space<vmem>> -> memref<1x64x128xf32, #tpu.memory_space<vmem>>
        %dma_wait3A_311 = tpu.memref_squeeze %dma_wait3A_310 : memref<1x64x128xf32, #tpu.memory_space<vmem>> -> memref<64x128xf32, #tpu.memory_space<vmem>>
        %dma_wait3A_312 = arith.constant 0 : i32
        %dma_wait3A_313 = tpu.memref_slice %arg2[%mul3A_306, %dma_wait3A_312] : memref<100000x128xf32, #tpu.memory_space<hbm>> -> memref<64x128xf32, #tpu.memory_space<hbm>>
        %dma_wait3A_314 = arith.constant 0 : i32
        %dma_wait3A_315 = arith.constant 0 : i32
        %dma_wait3A_316 = tpu.memref_slice %arg7[%dma_wait3A_307, %dma_wait3A_314, %dma_wait3A_315] : memref<5x64x128xf32, #tpu.memory_space<vmem>> -> memref<1x64x128xf32, #tpu.memory_space<vmem>>
        %dma_wait3A_317 = tpu.memref_squeeze %dma_wait3A_316 : memref<1x64x128xf32, #tpu.memory_space<vmem>> -> memref<64x128xf32, #tpu.memory_space<vmem>>
        %dma_wait3A_318 = arith.constant 0 : i32
        %dma_wait3A_319 = tpu.memref_slice %arg2[%mul3A_306, %dma_wait3A_318] : memref<100000x128xf32, #tpu.memory_space<hbm>> -> memref<64x128xf32, #tpu.memory_space<hbm>>
        tpu.wait_dma2 semaphore(%arg11 : memref<!tpu.dma_semaphore, #tpu.memory_space<semaphore_mem>>) src(%dma_wait3A_319 : memref<64x128xf32, #tpu.memory_space<hbm>>) dst(%dma_wait3A_317 : memref<64x128xf32, #tpu.memory_space<vmem>>)
        %mul3A_320 = arith.constant 64 : i32
        %mul3A_321 = arith.muli %add3A_283, %mul3A_320 : i32
        %dma_start3A = arith.constant 2 : i32
        %dma_start3A_322 = arith.constant 0 : i32
        %dma_start3A_323 = arith.constant 0 : i32
        %dma_start3A_324 = tpu.memref_slice %arg7[%dma_start3A, %dma_start3A_322, %dma_start3A_323] : memref<5x64x128xf32, #tpu.memory_space<vmem>> -> memref<1x64x128xf32, #tpu.memory_space<vmem>>
        %dma_start3A_325 = tpu.memref_squeeze %dma_start3A_324 : memref<1x64x128xf32, #tpu.memory_space<vmem>> -> memref<64x128xf32, #tpu.memory_space<vmem>>
        %dma_start3A_326 = tpu.memref_slice %arg6[%mul3A_321] : memref<3136xi32, #tpu.memory_space<vmem>> -> memref<64xi32, #tpu.memory_space<vmem>>
        %dma_start3A_327 = arith.constant 0 : i32
        %dma_start3A_328 = arith.constant 0 : i32
        %dma_start3A_329 = tpu.memref_slice %arg8[%dma_start3A_327, %dma_start3A_328] : memref<10000x128xf32, #tpu.memory_space<vmem_shared>> -> memref<10000x128xf32, #tpu.memory_space<vmem_shared>>
        tpu.enqueue_indirect_dma source(%dma_start3A_325 : memref<64x128xf32, #tpu.memory_space<vmem>>) target(%dma_start3A_329 : memref<10000x128xf32, #tpu.memory_space<vmem_shared>>) offsets(%dma_start3A_326 : memref<64xi32, #tpu.memory_space<vmem>>) semaphore(%arg16 : memref<!tpu.dma_semaphore, #tpu.memory_space<semaphore_mem>>) {add = true}
        %add3A_330 = arith.constant 5 : i32
        %add3A_331 = arith.addi %add3A_283, %add3A_330 : i32
        %sub3A_332 = arith.constant 1 : i32
        %sub3A_333 = arith.subi %add3A_331, %sub3A_332 : i32
        %lt3A_334 = arith.cmpi slt, %sub3A_333, %sub3A_47 : i32
        %convert_element_type3A_335 = arith.extui %lt3A_334 : i1 to i32
        %cond3A_336 = arith.constant 0 : i32
        %cond3A_337 = arith.cmpi ne, %convert_element_type3A_335, %cond3A_336 : i32
        scf.if %cond3A_337 {
          %ge3A = arith.constant 1 : i32
          %ge3A_338 = arith.cmpi sge, %add3A_283, %ge3A : i32
          %convert_element_type3A_339 = arith.extui %ge3A_338 : i1 to i32
          %cond3A_340 = arith.constant 0 : i32
          %cond3A_341 = arith.cmpi ne, %convert_element_type3A_339, %cond3A_340 : i32
          scf.if %cond3A_341 {
            %sub3A_362 = arith.constant 1 : i32
            %sub3A_363 = arith.subi %add3A_283, %sub3A_362 : i32
            %mul3A_364 = arith.constant 64 : i32
            %mul3A_365 = arith.muli %sub3A_363, %mul3A_364 : i32
            %dma_wait3A_366 = arith.constant 1 : i32
            %dma_wait3A_367 = arith.constant 0 : i32
            %dma_wait3A_368 = arith.constant 0 : i32
            %dma_wait3A_369 = tpu.memref_slice %arg7[%dma_wait3A_366, %dma_wait3A_367, %dma_wait3A_368] : memref<5x64x128xf32, #tpu.memory_space<vmem>> -> memref<1x64x128xf32, #tpu.memory_space<vmem>>
            %dma_wait3A_370 = tpu.memref_squeeze %dma_wait3A_369 : memref<1x64x128xf32, #tpu.memory_space<vmem>> -> memref<64x128xf32, #tpu.memory_space<vmem>>
            %dma_wait3A_371 = tpu.memref_slice %arg6[%mul3A_365] : memref<3136xi32, #tpu.memory_space<vmem>> -> memref<64xi32, #tpu.memory_space<vmem>>
            %dma_wait3A_372 = arith.constant 0 : i32
            %dma_wait3A_373 = arith.constant 0 : i32
            %dma_wait3A_374 = tpu.memref_slice %arg8[%dma_wait3A_372, %dma_wait3A_373] : memref<10000x128xf32, #tpu.memory_space<vmem_shared>> -> memref<10000x128xf32, #tpu.memory_space<vmem_shared>>
            tpu.wait_indirect_dma semaphore(%arg15 : memref<!tpu.dma_semaphore, #tpu.memory_space<semaphore_mem>>) src(%dma_wait3A_370 : memref<64x128xf32, #tpu.memory_space<vmem>>) dst(%dma_wait3A_374 : memref<10000x128xf32, #tpu.memory_space<vmem_shared>>)
          } else {
          }
          %add3A_342 = arith.constant 5 : i32
          %add3A_343 = arith.addi %add3A_283, %add3A_342 : i32
          %sub3A_344 = arith.constant 1 : i32
          %sub3A_345 = arith.subi %add3A_343, %sub3A_344 : i32
          %add3A_346 = arith.addi %select_n3A, %sub3A_345 : i32
          %mul3A_347 = arith.constant 64 : i32
          %mul3A_348 = arith.muli %add3A_346, %mul3A_347 : i32
          %dma_start3A_349 = arith.constant 1 : i32
          %dma_start3A_350 = arith.constant 0 : i32
          %dma_start3A_351 = arith.constant 0 : i32
          %dma_start3A_352 = tpu.memref_slice %arg7[%dma_start3A_349, %dma_start3A_350, %dma_start3A_351] : memref<5x64x128xf32, #tpu.memory_space<vmem>> -> memref<1x64x128xf32, #tpu.memory_space<vmem>>
          %dma_start3A_353 = tpu.memref_squeeze %dma_start3A_352 : memref<1x64x128xf32, #tpu.memory_space<vmem>> -> memref<64x128xf32, #tpu.memory_space<vmem>>
          %dma_start3A_354 = arith.constant 0 : i32
          %dma_start3A_355 = tpu.memref_slice %arg2[%mul3A_348, %dma_start3A_354] : memref<100000x128xf32, #tpu.memory_space<hbm>> -> memref<64x128xf32, #tpu.memory_space<hbm>>
          %dma_start3A_356 = arith.constant 0 : i32
          %dma_start3A_357 = arith.constant 0 : i32
          %dma_start3A_358 = tpu.memref_slice %arg7[%dma_start3A_349, %dma_start3A_356, %dma_start3A_357] : memref<5x64x128xf32, #tpu.memory_space<vmem>> -> memref<1x64x128xf32, #tpu.memory_space<vmem>>
          %dma_start3A_359 = tpu.memref_squeeze %dma_start3A_358 : memref<1x64x128xf32, #tpu.memory_space<vmem>> -> memref<64x128xf32, #tpu.memory_space<vmem>>
          %dma_start3A_360 = arith.constant 0 : i32
          %dma_start3A_361 = tpu.memref_slice %arg2[%mul3A_348, %dma_start3A_360] : memref<100000x128xf32, #tpu.memory_space<hbm>> -> memref<64x128xf32, #tpu.memory_space<hbm>>
          tpu.enqueue_dma source(%dma_start3A_361 : memref<64x128xf32, #tpu.memory_space<hbm>>) target(%dma_start3A_359 : memref<64x128xf32, #tpu.memory_space<vmem>>) target_semaphore(%arg10 : memref<!tpu.dma_semaphore, #tpu.memory_space<semaphore_mem>>)
        } else {
        }
      } else {
      }
      %mul3A_288 = arith.constant 5 : i32
      %mul3A_289 = arith.muli %mul3A_288, %scan3A_263 : i32
      %add3A_290 = arith.constant 3 : i32
      %add3A_291 = arith.addi %mul3A_289, %add3A_290 : i32
      %lt3A_292 = arith.cmpi slt, %add3A_291, %sub3A_47 : i32
      %convert_element_type3A_293 = arith.extui %lt3A_292 : i1 to i32
      %cond3A_294 = arith.constant 0 : i32
      %cond3A_295 = arith.cmpi ne, %convert_element_type3A_293, %cond3A_294 : i32
      scf.if %cond3A_295 {
        %add3A_304 = arith.addi %select_n3A, %add3A_291 : i32
        %mul3A_305 = arith.constant 64 : i32
        %mul3A_306 = arith.muli %add3A_304, %mul3A_305 : i32
        %dma_wait3A_307 = arith.constant 3 : i32
        %dma_wait3A_308 = arith.constant 0 : i32
        %dma_wait3A_309 = arith.constant 0 : i32
        %dma_wait3A_310 = tpu.memref_slice %arg7[%dma_wait3A_307, %dma_wait3A_308, %dma_wait3A_309] : memref<5x64x128xf32, #tpu.memory_space<vmem>> -> memref<1x64x128xf32, #tpu.memory_space<vmem>>
        %dma_wait3A_311 = tpu.memref_squeeze %dma_wait3A_310 : memref<1x64x128xf32, #tpu.memory_space<vmem>> -> memref<64x128xf32, #tpu.memory_space<vmem>>
        %dma_wait3A_312 = arith.constant 0 : i32
        %dma_wait3A_313 = tpu.memref_slice %arg2[%mul3A_306, %dma_wait3A_312] : memref<100000x128xf32, #tpu.memory_space<hbm>> -> memref<64x128xf32, #tpu.memory_space<hbm>>
        %dma_wait3A_314 = arith.constant 0 : i32
        %dma_wait3A_315 = arith.constant 0 : i32
        %dma_wait3A_316 = tpu.memref_slice %arg7[%dma_wait3A_307, %dma_wait3A_314, %dma_wait3A_315] : memref<5x64x128xf32, #tpu.memory_space<vmem>> -> memref<1x64x128xf32, #tpu.memory_space<vmem>>
        %dma_wait3A_317 = tpu.memref_squeeze %dma_wait3A_316 : memref<1x64x128xf32, #tpu.memory_space<vmem>> -> memref<64x128xf32, #tpu.memory_space<vmem>>
        %dma_wait3A_318 = arith.constant 0 : i32
        %dma_wait3A_319 = tpu.memref_slice %arg2[%mul3A_306, %dma_wait3A_318] : memref<100000x128xf32, #tpu.memory_space<hbm>> -> memref<64x128xf32, #tpu.memory_space<hbm>>
        tpu.wait_dma2 semaphore(%arg12 : memref<!tpu.dma_semaphore, #tpu.memory_space<semaphore_mem>>) src(%dma_wait3A_319 : memref<64x128xf32, #tpu.memory_space<hbm>>) dst(%dma_wait3A_317 : memref<64x128xf32, #tpu.memory_space<vmem>>)
        %mul3A_320 = arith.constant 64 : i32
        %mul3A_321 = arith.muli %add3A_291, %mul3A_320 : i32
        %dma_start3A = arith.constant 3 : i32
        %dma_start3A_322 = arith.constant 0 : i32
        %dma_start3A_323 = arith.constant 0 : i32
        %dma_start3A_324 = tpu.memref_slice %arg7[%dma_start3A, %dma_start3A_322, %dma_start3A_323] : memref<5x64x128xf32, #tpu.memory_space<vmem>> -> memref<1x64x128xf32, #tpu.memory_space<vmem>>
        %dma_start3A_325 = tpu.memref_squeeze %dma_start3A_324 : memref<1x64x128xf32, #tpu.memory_space<vmem>> -> memref<64x128xf32, #tpu.memory_space<vmem>>
        %dma_start3A_326 = tpu.memref_slice %arg6[%mul3A_321] : memref<3136xi32, #tpu.memory_space<vmem>> -> memref<64xi32, #tpu.memory_space<vmem>>
        %dma_start3A_327 = arith.constant 0 : i32
        %dma_start3A_328 = arith.constant 0 : i32
        %dma_start3A_329 = tpu.memref_slice %arg8[%dma_start3A_327, %dma_start3A_328] : memref<10000x128xf32, #tpu.memory_space<vmem_shared>> -> memref<10000x128xf32, #tpu.memory_space<vmem_shared>>
        tpu.enqueue_indirect_dma source(%dma_start3A_325 : memref<64x128xf32, #tpu.memory_space<vmem>>) target(%dma_start3A_329 : memref<10000x128xf32, #tpu.memory_space<vmem_shared>>) offsets(%dma_start3A_326 : memref<64xi32, #tpu.memory_space<vmem>>) semaphore(%arg17 : memref<!tpu.dma_semaphore, #tpu.memory_space<semaphore_mem>>) {add = true}
        %add3A_330 = arith.constant 5 : i32
        %add3A_331 = arith.addi %add3A_291, %add3A_330 : i32
        %sub3A_332 = arith.constant 1 : i32
        %sub3A_333 = arith.subi %add3A_331, %sub3A_332 : i32
        %lt3A_334 = arith.cmpi slt, %sub3A_333, %sub3A_47 : i32
        %convert_element_type3A_335 = arith.extui %lt3A_334 : i1 to i32
        %cond3A_336 = arith.constant 0 : i32
        %cond3A_337 = arith.cmpi ne, %convert_element_type3A_335, %cond3A_336 : i32
        scf.if %cond3A_337 {
          %ge3A = arith.constant 1 : i32
          %ge3A_338 = arith.cmpi sge, %add3A_291, %ge3A : i32
          %convert_element_type3A_339 = arith.extui %ge3A_338 : i1 to i32
          %cond3A_340 = arith.constant 0 : i32
          %cond3A_341 = arith.cmpi ne, %convert_element_type3A_339, %cond3A_340 : i32
          scf.if %cond3A_341 {
            %sub3A_362 = arith.constant 1 : i32
            %sub3A_363 = arith.subi %add3A_291, %sub3A_362 : i32
            %mul3A_364 = arith.constant 64 : i32
            %mul3A_365 = arith.muli %sub3A_363, %mul3A_364 : i32
            %dma_wait3A_366 = arith.constant 2 : i32
            %dma_wait3A_367 = arith.constant 0 : i32
            %dma_wait3A_368 = arith.constant 0 : i32
            %dma_wait3A_369 = tpu.memref_slice %arg7[%dma_wait3A_366, %dma_wait3A_367, %dma_wait3A_368] : memref<5x64x128xf32, #tpu.memory_space<vmem>> -> memref<1x64x128xf32, #tpu.memory_space<vmem>>
            %dma_wait3A_370 = tpu.memref_squeeze %dma_wait3A_369 : memref<1x64x128xf32, #tpu.memory_space<vmem>> -> memref<64x128xf32, #tpu.memory_space<vmem>>
            %dma_wait3A_371 = tpu.memref_slice %arg6[%mul3A_365] : memref<3136xi32, #tpu.memory_space<vmem>> -> memref<64xi32, #tpu.memory_space<vmem>>
            %dma_wait3A_372 = arith.constant 0 : i32
            %dma_wait3A_373 = arith.constant 0 : i32
            %dma_wait3A_374 = tpu.memref_slice %arg8[%dma_wait3A_372, %dma_wait3A_373] : memref<10000x128xf32, #tpu.memory_space<vmem_shared>> -> memref<10000x128xf32, #tpu.memory_space<vmem_shared>>
            tpu.wait_indirect_dma semaphore(%arg16 : memref<!tpu.dma_semaphore, #tpu.memory_space<semaphore_mem>>) src(%dma_wait3A_370 : memref<64x128xf32, #tpu.memory_space<vmem>>) dst(%dma_wait3A_374 : memref<10000x128xf32, #tpu.memory_space<vmem_shared>>)
          } else {
          }
          %add3A_342 = arith.constant 5 : i32
          %add3A_343 = arith.addi %add3A_291, %add3A_342 : i32
          %sub3A_344 = arith.constant 1 : i32
          %sub3A_345 = arith.subi %add3A_343, %sub3A_344 : i32
          %add3A_346 = arith.addi %select_n3A, %sub3A_345 : i32
          %mul3A_347 = arith.constant 64 : i32
          %mul3A_348 = arith.muli %add3A_346, %mul3A_347 : i32
          %dma_start3A_349 = arith.constant 2 : i32
          %dma_start3A_350 = arith.constant 0 : i32
          %dma_start3A_351 = arith.constant 0 : i32
          %dma_start3A_352 = tpu.memref_slice %arg7[%dma_start3A_349, %dma_start3A_350, %dma_start3A_351] : memref<5x64x128xf32, #tpu.memory_space<vmem>> -> memref<1x64x128xf32, #tpu.memory_space<vmem>>
          %dma_start3A_353 = tpu.memref_squeeze %dma_start3A_352 : memref<1x64x128xf32, #tpu.memory_space<vmem>> -> memref<64x128xf32, #tpu.memory_space<vmem>>
          %dma_start3A_354 = arith.constant 0 : i32
          %dma_start3A_355 = tpu.memref_slice %arg2[%mul3A_348, %dma_start3A_354] : memref<100000x128xf32, #tpu.memory_space<hbm>> -> memref<64x128xf32, #tpu.memory_space<hbm>>
          %dma_start3A_356 = arith.constant 0 : i32
          %dma_start3A_357 = arith.constant 0 : i32
          %dma_start3A_358 = tpu.memref_slice %arg7[%dma_start3A_349, %dma_start3A_356, %dma_start3A_357] : memref<5x64x128xf32, #tpu.memory_space<vmem>> -> memref<1x64x128xf32, #tpu.memory_space<vmem>>
          %dma_start3A_359 = tpu.memref_squeeze %dma_start3A_358 : memref<1x64x128xf32, #tpu.memory_space<vmem>> -> memref<64x128xf32, #tpu.memory_space<vmem>>
          %dma_start3A_360 = arith.constant 0 : i32
          %dma_start3A_361 = tpu.memref_slice %arg2[%mul3A_348, %dma_start3A_360] : memref<100000x128xf32, #tpu.memory_space<hbm>> -> memref<64x128xf32, #tpu.memory_space<hbm>>
          tpu.enqueue_dma source(%dma_start3A_361 : memref<64x128xf32, #tpu.memory_space<hbm>>) target(%dma_start3A_359 : memref<64x128xf32, #tpu.memory_space<vmem>>) target_semaphore(%arg11 : memref<!tpu.dma_semaphore, #tpu.memory_space<semaphore_mem>>)
        } else {
        }
      } else {
      }
      %mul3A_296 = arith.constant 5 : i32
      %mul3A_297 = arith.muli %mul3A_296, %scan3A_263 : i32
      %add3A_298 = arith.constant 4 : i32
      %add3A_299 = arith.addi %mul3A_297, %add3A_298 : i32
      %lt3A_300 = arith.cmpi slt, %add3A_299, %sub3A_47 : i32
      %convert_element_type3A_301 = arith.extui %lt3A_300 : i1 to i32
      %cond3A_302 = arith.constant 0 : i32
      %cond3A_303 = arith.cmpi ne, %convert_element_type3A_301, %cond3A_302 : i32
      scf.if %cond3A_303 {
        %add3A_304 = arith.addi %select_n3A, %add3A_299 : i32
        %mul3A_305 = arith.constant 64 : i32
        %mul3A_306 = arith.muli %add3A_304, %mul3A_305 : i32
        %dma_wait3A_307 = arith.constant 4 : i32
        %dma_wait3A_308 = arith.constant 0 : i32
        %dma_wait3A_309 = arith.constant 0 : i32
        %dma_wait3A_310 = tpu.memref_slice %arg7[%dma_wait3A_307, %dma_wait3A_308, %dma_wait3A_309] : memref<5x64x128xf32, #tpu.memory_space<vmem>> -> memref<1x64x128xf32, #tpu.memory_space<vmem>>
        %dma_wait3A_311 = tpu.memref_squeeze %dma_wait3A_310 : memref<1x64x128xf32, #tpu.memory_space<vmem>> -> memref<64x128xf32, #tpu.memory_space<vmem>>
        %dma_wait3A_312 = arith.constant 0 : i32
        %dma_wait3A_313 = tpu.memref_slice %arg2[%mul3A_306, %dma_wait3A_312] : memref<100000x128xf32, #tpu.memory_space<hbm>> -> memref<64x128xf32, #tpu.memory_space<hbm>>
        %dma_wait3A_314 = arith.constant 0 : i32
        %dma_wait3A_315 = arith.constant 0 : i32
        %dma_wait3A_316 = tpu.memref_slice %arg7[%dma_wait3A_307, %dma_wait3A_314, %dma_wait3A_315] : memref<5x64x128xf32, #tpu.memory_space<vmem>> -> memref<1x64x128xf32, #tpu.memory_space<vmem>>
        %dma_wait3A_317 = tpu.memref_squeeze %dma_wait3A_316 : memref<1x64x128xf32, #tpu.memory_space<vmem>> -> memref<64x128xf32, #tpu.memory_space<vmem>>
        %dma_wait3A_318 = arith.constant 0 : i32
        %dma_wait3A_319 = tpu.memref_slice %arg2[%mul3A_306, %dma_wait3A_318] : memref<100000x128xf32, #tpu.memory_space<hbm>> -> memref<64x128xf32, #tpu.memory_space<hbm>>
        tpu.wait_dma2 semaphore(%arg13 : memref<!tpu.dma_semaphore, #tpu.memory_space<semaphore_mem>>) src(%dma_wait3A_319 : memref<64x128xf32, #tpu.memory_space<hbm>>) dst(%dma_wait3A_317 : memref<64x128xf32, #tpu.memory_space<vmem>>)
        %mul3A_320 = arith.constant 64 : i32
        %mul3A_321 = arith.muli %add3A_299, %mul3A_320 : i32
        %dma_start3A = arith.constant 4 : i32
        %dma_start3A_322 = arith.constant 0 : i32
        %dma_start3A_323 = arith.constant 0 : i32
        %dma_start3A_324 = tpu.memref_slice %arg7[%dma_start3A, %dma_start3A_322, %dma_start3A_323] : memref<5x64x128xf32, #tpu.memory_space<vmem>> -> memref<1x64x128xf32, #tpu.memory_space<vmem>>
        %dma_start3A_325 = tpu.memref_squeeze %dma_start3A_324 : memref<1x64x128xf32, #tpu.memory_space<vmem>> -> memref<64x128xf32, #tpu.memory_space<vmem>>
        %dma_start3A_326 = tpu.memref_slice %arg6[%mul3A_321] : memref<3136xi32, #tpu.memory_space<vmem>> -> memref<64xi32, #tpu.memory_space<vmem>>
        %dma_start3A_327 = arith.constant 0 : i32
        %dma_start3A_328 = arith.constant 0 : i32
        %dma_start3A_329 = tpu.memref_slice %arg8[%dma_start3A_327, %dma_start3A_328] : memref<10000x128xf32, #tpu.memory_space<vmem_shared>> -> memref<10000x128xf32, #tpu.memory_space<vmem_shared>>
        tpu.enqueue_indirect_dma source(%dma_start3A_325 : memref<64x128xf32, #tpu.memory_space<vmem>>) target(%dma_start3A_329 : memref<10000x128xf32, #tpu.memory_space<vmem_shared>>) offsets(%dma_start3A_326 : memref<64xi32, #tpu.memory_space<vmem>>) semaphore(%arg18 : memref<!tpu.dma_semaphore, #tpu.memory_space<semaphore_mem>>) {add = true}
        %add3A_330 = arith.constant 5 : i32
        %add3A_331 = arith.addi %add3A_299, %add3A_330 : i32
        %sub3A_332 = arith.constant 1 : i32
        %sub3A_333 = arith.subi %add3A_331, %sub3A_332 : i32
        %lt3A_334 = arith.cmpi slt, %sub3A_333, %sub3A_47 : i32
        %convert_element_type3A_335 = arith.extui %lt3A_334 : i1 to i32
        %cond3A_336 = arith.constant 0 : i32
        %cond3A_337 = arith.cmpi ne, %convert_element_type3A_335, %cond3A_336 : i32
        scf.if %cond3A_337 {
          %ge3A = arith.constant 1 : i32
          %ge3A_338 = arith.cmpi sge, %add3A_299, %ge3A : i32
          %convert_element_type3A_339 = arith.extui %ge3A_338 : i1 to i32
          %cond3A_340 = arith.constant 0 : i32
          %cond3A_341 = arith.cmpi ne, %convert_element_type3A_339, %cond3A_340 : i32
          scf.if %cond3A_341 {
            %sub3A_362 = arith.constant 1 : i32
            %sub3A_363 = arith.subi %add3A_299, %sub3A_362 : i32
            %mul3A_364 = arith.constant 64 : i32
            %mul3A_365 = arith.muli %sub3A_363, %mul3A_364 : i32
            %dma_wait3A_366 = arith.constant 3 : i32
            %dma_wait3A_367 = arith.constant 0 : i32
            %dma_wait3A_368 = arith.constant 0 : i32
            %dma_wait3A_369 = tpu.memref_slice %arg7[%dma_wait3A_366, %dma_wait3A_367, %dma_wait3A_368] : memref<5x64x128xf32, #tpu.memory_space<vmem>> -> memref<1x64x128xf32, #tpu.memory_space<vmem>>
            %dma_wait3A_370 = tpu.memref_squeeze %dma_wait3A_369 : memref<1x64x128xf32, #tpu.memory_space<vmem>> -> memref<64x128xf32, #tpu.memory_space<vmem>>
            %dma_wait3A_371 = tpu.memref_slice %arg6[%mul3A_365] : memref<3136xi32, #tpu.memory_space<vmem>> -> memref<64xi32, #tpu.memory_space<vmem>>
            %dma_wait3A_372 = arith.constant 0 : i32
            %dma_wait3A_373 = arith.constant 0 : i32
            %dma_wait3A_374 = tpu.memref_slice %arg8[%dma_wait3A_372, %dma_wait3A_373] : memref<10000x128xf32, #tpu.memory_space<vmem_shared>> -> memref<10000x128xf32, #tpu.memory_space<vmem_shared>>
            tpu.wait_indirect_dma semaphore(%arg17 : memref<!tpu.dma_semaphore, #tpu.memory_space<semaphore_mem>>) src(%dma_wait3A_370 : memref<64x128xf32, #tpu.memory_space<vmem>>) dst(%dma_wait3A_374 : memref<10000x128xf32, #tpu.memory_space<vmem_shared>>)
          } else {
          }
          %add3A_342 = arith.constant 5 : i32
          %add3A_343 = arith.addi %add3A_299, %add3A_342 : i32
          %sub3A_344 = arith.constant 1 : i32
          %sub3A_345 = arith.subi %add3A_343, %sub3A_344 : i32
          %add3A_346 = arith.addi %select_n3A, %sub3A_345 : i32
          %mul3A_347 = arith.constant 64 : i32
          %mul3A_348 = arith.muli %add3A_346, %mul3A_347 : i32
          %dma_start3A_349 = arith.constant 3 : i32
          %dma_start3A_350 = arith.constant 0 : i32
          %dma_start3A_351 = arith.constant 0 : i32
          %dma_start3A_352 = tpu.memref_slice %arg7[%dma_start3A_349, %dma_start3A_350, %dma_start3A_351] : memref<5x64x128xf32, #tpu.memory_space<vmem>> -> memref<1x64x128xf32, #tpu.memory_space<vmem>>
          %dma_start3A_353 = tpu.memref_squeeze %dma_start3A_352 : memref<1x64x128xf32, #tpu.memory_space<vmem>> -> memref<64x128xf32, #tpu.memory_space<vmem>>
          %dma_start3A_354 = arith.constant 0 : i32
          %dma_start3A_355 = tpu.memref_slice %arg2[%mul3A_348, %dma_start3A_354] : memref<100000x128xf32, #tpu.memory_space<hbm>> -> memref<64x128xf32, #tpu.memory_space<hbm>>
          %dma_start3A_356 = arith.constant 0 : i32
          %dma_start3A_357 = arith.constant 0 : i32
          %dma_start3A_358 = tpu.memref_slice %arg7[%dma_start3A_349, %dma_start3A_356, %dma_start3A_357] : memref<5x64x128xf32, #tpu.memory_space<vmem>> -> memref<1x64x128xf32, #tpu.memory_space<vmem>>
          %dma_start3A_359 = tpu.memref_squeeze %dma_start3A_358 : memref<1x64x128xf32, #tpu.memory_space<vmem>> -> memref<64x128xf32, #tpu.memory_space<vmem>>
          %dma_start3A_360 = arith.constant 0 : i32
          %dma_start3A_361 = tpu.memref_slice %arg2[%mul3A_348, %dma_start3A_360] : memref<100000x128xf32, #tpu.memory_space<hbm>> -> memref<64x128xf32, #tpu.memory_space<hbm>>
          tpu.enqueue_dma source(%dma_start3A_361 : memref<64x128xf32, #tpu.memory_space<hbm>>) target(%dma_start3A_359 : memref<64x128xf32, #tpu.memory_space<vmem>>) target_semaphore(%arg12 : memref<!tpu.dma_semaphore, #tpu.memory_space<semaphore_mem>>)
        } else {
        }
      } else {
      }
    }
    %scan3A_189 = arith.constant 10 : i32
    %dma_wait3A = arith.constant 0 : i32
    %dma_wait3A_190 = arith.constant 0 : i32
    %dma_wait3A_191 = arith.constant 0 : i32
    %dma_wait3A_192 = tpu.memref_slice %arg7[%dma_wait3A, %dma_wait3A_190, %dma_wait3A_191] : memref<5x64x128xf32, #tpu.memory_space<vmem>> -> memref<1x64x128xf32, #tpu.memory_space<vmem>>
    %dma_wait3A_193 = tpu.memref_squeeze %dma_wait3A_192 : memref<1x64x128xf32, #tpu.memory_space<vmem>> -> memref<64x128xf32, #tpu.memory_space<vmem>>
    %dma_wait3A_194 = arith.constant 0 : i32
    %dma_wait3A_195 = tpu.memref_slice %arg6[%dma_wait3A_194] : memref<3136xi32, #tpu.memory_space<vmem>> -> memref<64xi32, #tpu.memory_space<vmem>>
    %dma_wait3A_196 = arith.constant 0 : i32
    %dma_wait3A_197 = arith.constant 0 : i32
    %dma_wait3A_198 = tpu.memref_slice %arg8[%dma_wait3A_196, %dma_wait3A_197] : memref<10000x128xf32, #tpu.memory_space<vmem_shared>> -> memref<10000x128xf32, #tpu.memory_space<vmem_shared>>
    tpu.wait_indirect_dma semaphore(%arg14 : memref<!tpu.dma_semaphore, #tpu.memory_space<semaphore_mem>>) src(%dma_wait3A_193 : memref<64x128xf32, #tpu.memory_space<vmem>>) dst(%dma_wait3A_198 : memref<10000x128xf32, #tpu.memory_space<vmem_shared>>)
    %dma_wait3A_199 = arith.constant 1 : i32
    %dma_wait3A_200 = arith.constant 0 : i32
    %dma_wait3A_201 = arith.constant 0 : i32
    %dma_wait3A_202 = tpu.memref_slice %arg7[%dma_wait3A_199, %dma_wait3A_200, %dma_wait3A_201] : memref<5x64x128xf32, #tpu.memory_space<vmem>> -> memref<1x64x128xf32, #tpu.memory_space<vmem>>
    %dma_wait3A_203 = tpu.memref_squeeze %dma_wait3A_202 : memref<1x64x128xf32, #tpu.memory_space<vmem>> -> memref<64x128xf32, #tpu.memory_space<vmem>>
    %dma_wait3A_204 = arith.constant 64 : i32
    %dma_wait3A_205 = tpu.memref_slice %arg6[%dma_wait3A_204] : memref<3136xi32, #tpu.memory_space<vmem>> -> memref<64xi32, #tpu.memory_space<vmem>>
    %dma_wait3A_206 = arith.constant 0 : i32
    %dma_wait3A_207 = arith.constant 0 : i32
    %dma_wait3A_208 = tpu.memref_slice %arg8[%dma_wait3A_206, %dma_wait3A_207] : memref<10000x128xf32, #tpu.memory_space<vmem_shared>> -> memref<10000x128xf32, #tpu.memory_space<vmem_shared>>
    tpu.wait_indirect_dma semaphore(%arg15 : memref<!tpu.dma_semaphore, #tpu.memory_space<semaphore_mem>>) src(%dma_wait3A_203 : memref<64x128xf32, #tpu.memory_space<vmem>>) dst(%dma_wait3A_208 : memref<10000x128xf32, #tpu.memory_space<vmem_shared>>)
    %dma_wait3A_209 = arith.constant 2 : i32
    %dma_wait3A_210 = arith.constant 0 : i32
    %dma_wait3A_211 = arith.constant 0 : i32
    %dma_wait3A_212 = tpu.memref_slice %arg7[%dma_wait3A_209, %dma_wait3A_210, %dma_wait3A_211] : memref<5x64x128xf32, #tpu.memory_space<vmem>> -> memref<1x64x128xf32, #tpu.memory_space<vmem>>
    %dma_wait3A_213 = tpu.memref_squeeze %dma_wait3A_212 : memref<1x64x128xf32, #tpu.memory_space<vmem>> -> memref<64x128xf32, #tpu.memory_space<vmem>>
    %dma_wait3A_214 = arith.constant 128 : i32
    %dma_wait3A_215 = tpu.memref_slice %arg6[%dma_wait3A_214] : memref<3136xi32, #tpu.memory_space<vmem>> -> memref<64xi32, #tpu.memory_space<vmem>>
    %dma_wait3A_216 = arith.constant 0 : i32
    %dma_wait3A_217 = arith.constant 0 : i32
    %dma_wait3A_218 = tpu.memref_slice %arg8[%dma_wait3A_216, %dma_wait3A_217] : memref<10000x128xf32, #tpu.memory_space<vmem_shared>> -> memref<10000x128xf32, #tpu.memory_space<vmem_shared>>
    tpu.wait_indirect_dma semaphore(%arg16 : memref<!tpu.dma_semaphore, #tpu.memory_space<semaphore_mem>>) src(%dma_wait3A_213 : memref<64x128xf32, #tpu.memory_space<vmem>>) dst(%dma_wait3A_218 : memref<10000x128xf32, #tpu.memory_space<vmem_shared>>)
    %dma_wait3A_219 = arith.constant 3 : i32
    %dma_wait3A_220 = arith.constant 0 : i32
    %dma_wait3A_221 = arith.constant 0 : i32
    %dma_wait3A_222 = tpu.memref_slice %arg7[%dma_wait3A_219, %dma_wait3A_220, %dma_wait3A_221] : memref<5x64x128xf32, #tpu.memory_space<vmem>> -> memref<1x64x128xf32, #tpu.memory_space<vmem>>
    %dma_wait3A_223 = tpu.memref_squeeze %dma_wait3A_222 : memref<1x64x128xf32, #tpu.memory_space<vmem>> -> memref<64x128xf32, #tpu.memory_space<vmem>>
    %dma_wait3A_224 = arith.constant 192 : i32
    %dma_wait3A_225 = tpu.memref_slice %arg6[%dma_wait3A_224] : memref<3136xi32, #tpu.memory_space<vmem>> -> memref<64xi32, #tpu.memory_space<vmem>>
    %dma_wait3A_226 = arith.constant 0 : i32
    %dma_wait3A_227 = arith.constant 0 : i32
    %dma_wait3A_228 = tpu.memref_slice %arg8[%dma_wait3A_226, %dma_wait3A_227] : memref<10000x128xf32, #tpu.memory_space<vmem_shared>> -> memref<10000x128xf32, #tpu.memory_space<vmem_shared>>
    tpu.wait_indirect_dma semaphore(%arg17 : memref<!tpu.dma_semaphore, #tpu.memory_space<semaphore_mem>>) src(%dma_wait3A_223 : memref<64x128xf32, #tpu.memory_space<vmem>>) dst(%dma_wait3A_228 : memref<10000x128xf32, #tpu.memory_space<vmem_shared>>)
    %dma_wait3A_229 = arith.constant 4 : i32
    %dma_wait3A_230 = arith.constant 0 : i32
    %dma_wait3A_231 = arith.constant 0 : i32
    %dma_wait3A_232 = tpu.memref_slice %arg7[%dma_wait3A_229, %dma_wait3A_230, %dma_wait3A_231] : memref<5x64x128xf32, #tpu.memory_space<vmem>> -> memref<1x64x128xf32, #tpu.memory_space<vmem>>
    %dma_wait3A_233 = tpu.memref_squeeze %dma_wait3A_232 : memref<1x64x128xf32, #tpu.memory_space<vmem>> -> memref<64x128xf32, #tpu.memory_space<vmem>>
    %dma_wait3A_234 = arith.constant 256 : i32
    %dma_wait3A_235 = tpu.memref_slice %arg6[%dma_wait3A_234] : memref<3136xi32, #tpu.memory_space<vmem>> -> memref<64xi32, #tpu.memory_space<vmem>>
    %dma_wait3A_236 = arith.constant 0 : i32
    %dma_wait3A_237 = arith.constant 0 : i32
    %dma_wait3A_238 = tpu.memref_slice %arg8[%dma_wait3A_236, %dma_wait3A_237] : memref<10000x128xf32, #tpu.memory_space<vmem_shared>> -> memref<10000x128xf32, #tpu.memory_space<vmem_shared>>
    tpu.wait_indirect_dma semaphore(%arg18 : memref<!tpu.dma_semaphore, #tpu.memory_space<semaphore_mem>>) src(%dma_wait3A_233 : memref<64x128xf32, #tpu.memory_space<vmem>>) dst(%dma_wait3A_238 : memref<10000x128xf32, #tpu.memory_space<vmem_shared>>)
    %eq3A_239 = arith.constant 31 : i32
    %eq3A_240 = arith.cmpi eq, %add3A, %eq3A_239 : i32
    %convert_element_type3A_241 = arith.extui %eq3A_240 : i1 to i32
    %cond3A_242 = arith.constant 0 : i32
    %cond3A_243 = arith.cmpi ne, %convert_element_type3A_241, %cond3A_242 : i32
    scf.if %cond3A_243 {
      "tpu.region"() ({
        %run_scoped3A_265 = tpu.sem_alloc : memref<!tpu.dma_semaphore, #tpu.memory_space<semaphore_mem>>
        %dma_start3A = arith.constant 99968 : i32
        %dma_start3A_266 = tpu.memref_slice %arg3[%dma_start3A] : memref<100000xi32, #tpu.memory_space<hbm>> -> memref<32xi32, #tpu.memory_space<hbm>>
        %dma_start3A_267 = arith.constant 99968 : i32
        %dma_start3A_268 = tpu.memref_slice %arg3[%dma_start3A_267] : memref<100000xi32, #tpu.memory_space<hbm>> -> memref<32xi32, #tpu.memory_space<hbm>>
        tpu.enqueue_dma source(%dma_start3A_268 : memref<32xi32, #tpu.memory_space<hbm>>) target(%arg19 : memref<32xi32, #tpu.memory_space<vmem>>) target_semaphore(%run_scoped3A_265 : memref<!tpu.dma_semaphore, #tpu.memory_space<semaphore_mem>>)
        %dma_wait3A_269 = arith.constant 99968 : i32
        %dma_wait3A_270 = tpu.memref_slice %arg3[%dma_wait3A_269] : memref<100000xi32, #tpu.memory_space<hbm>> -> memref<32xi32, #tpu.memory_space<hbm>>
        %dma_wait3A_271 = arith.constant 99968 : i32
        %dma_wait3A_272 = tpu.memref_slice %arg3[%dma_wait3A_271] : memref<100000xi32, #tpu.memory_space<hbm>> -> memref<32xi32, #tpu.memory_space<hbm>>
        tpu.wait_dma2 semaphore(%run_scoped3A_265 : memref<!tpu.dma_semaphore, #tpu.memory_space<semaphore_mem>>) src(%dma_wait3A_272 : memref<32xi32, #tpu.memory_space<hbm>>) dst(%arg19 : memref<32xi32, #tpu.memory_space<vmem>>)
        tpu.yield
      }) : () -> ()
      %run_scoped3A_263 = arith.constant 0 : i32
      "tpu.region"() ({
        %run_scoped3A_265 = tpu.sem_alloc : memref<!tpu.dma_semaphore, #tpu.memory_space<semaphore_mem>>
        %dma_start3A = arith.constant 0 : i32
        %dma_start3A_266 = arith.constant 0 : i32
        %dma_start3A_267 = tpu.memref_slice %arg7[%run_scoped3A_263, %dma_start3A, %dma_start3A_266] : memref<5x64x128xf32, #tpu.memory_space<vmem>> -> memref<1x32x128xf32, #tpu.memory_space<vmem>>
        %dma_start3A_268 = tpu.memref_squeeze %dma_start3A_267 : memref<1x32x128xf32, #tpu.memory_space<vmem>> -> memref<32x128xf32, #tpu.memory_space<vmem>>
        %dma_start3A_269 = arith.constant 99968 : i32
        %dma_start3A_270 = arith.constant 0 : i32
        %dma_start3A_271 = tpu.memref_slice %arg2[%dma_start3A_269, %dma_start3A_270] : memref<100000x128xf32, #tpu.memory_space<hbm>> -> memref<32x128xf32, #tpu.memory_space<hbm>>
        %dma_start3A_272 = arith.constant 0 : i32
        %dma_start3A_273 = arith.constant 0 : i32
        %dma_start3A_274 = tpu.memref_slice %arg7[%run_scoped3A_263, %dma_start3A_272, %dma_start3A_273] : memref<5x64x128xf32, #tpu.memory_space<vmem>> -> memref<1x32x128xf32, #tpu.memory_space<vmem>>
        %dma_start3A_275 = tpu.memref_squeeze %dma_start3A_274 : memref<1x32x128xf32, #tpu.memory_space<vmem>> -> memref<32x128xf32, #tpu.memory_space<vmem>>
        %dma_start3A_276 = arith.constant 99968 : i32
        %dma_start3A_277 = arith.constant 0 : i32
        %dma_start3A_278 = tpu.memref_slice %arg2[%dma_start3A_276, %dma_start3A_277] : memref<100000x128xf32, #tpu.memory_space<hbm>> -> memref<32x128xf32, #tpu.memory_space<hbm>>
        tpu.enqueue_dma source(%dma_start3A_278 : memref<32x128xf32, #tpu.memory_space<hbm>>) target(%dma_start3A_275 : memref<32x128xf32, #tpu.memory_space<vmem>>) target_semaphore(%run_scoped3A_265 : memref<!tpu.dma_semaphore, #tpu.memory_space<semaphore_mem>>)
        %dma_wait3A_279 = arith.constant 0 : i32
        %dma_wait3A_280 = arith.constant 0 : i32
        %dma_wait3A_281 = tpu.memref_slice %arg7[%run_scoped3A_263, %dma_wait3A_279, %dma_wait3A_280] : memref<5x64x128xf32, #tpu.memory_space<vmem>> -> memref<1x32x128xf32, #tpu.memory_space<vmem>>
        %dma_wait3A_282 = tpu.memref_squeeze %dma_wait3A_281 : memref<1x32x128xf32, #tpu.memory_space<vmem>> -> memref<32x128xf32, #tpu.memory_space<vmem>>
        %dma_wait3A_283 = arith.constant 99968 : i32
        %dma_wait3A_284 = arith.constant 0 : i32
        %dma_wait3A_285 = tpu.memref_slice %arg2[%dma_wait3A_283, %dma_wait3A_284] : memref<100000x128xf32, #tpu.memory_space<hbm>> -> memref<32x128xf32, #tpu.memory_space<hbm>>
        %dma_wait3A_286 = arith.constant 0 : i32
        %dma_wait3A_287 = arith.constant 0 : i32
        %dma_wait3A_288 = tpu.memref_slice %arg7[%run_scoped3A_263, %dma_wait3A_286, %dma_wait3A_287] : memref<5x64x128xf32, #tpu.memory_space<vmem>> -> memref<1x32x128xf32, #tpu.memory_space<vmem>>
        %dma_wait3A_289 = tpu.memref_squeeze %dma_wait3A_288 : memref<1x32x128xf32, #tpu.memory_space<vmem>> -> memref<32x128xf32, #tpu.memory_space<vmem>>
        %dma_wait3A_290 = arith.constant 99968 : i32
        %dma_wait3A_291 = arith.constant 0 : i32
        %dma_wait3A_292 = tpu.memref_slice %arg2[%dma_wait3A_290, %dma_wait3A_291] : memref<100000x128xf32, #tpu.memory_space<hbm>> -> memref<32x128xf32, #tpu.memory_space<hbm>>
        tpu.wait_dma2 semaphore(%run_scoped3A_265 : memref<!tpu.dma_semaphore, #tpu.memory_space<semaphore_mem>>) src(%dma_wait3A_292 : memref<32x128xf32, #tpu.memory_space<hbm>>) dst(%dma_wait3A_289 : memref<32x128xf32, #tpu.memory_space<vmem>>)
        tpu.yield
      }) : () -> ()
      %run_scoped3A_264 = arith.constant 0 : i32
      "tpu.region"() ({
        %run_scoped3A_265 = tpu.sem_alloc : memref<!tpu.dma_semaphore, #tpu.memory_space<semaphore_mem>>
        %dma_start3A = arith.constant 0 : i32
        %dma_start3A_266 = arith.constant 0 : i32
        %dma_start3A_267 = tpu.memref_slice %arg7[%run_scoped3A_264, %dma_start3A, %dma_start3A_266] : memref<5x64x128xf32, #tpu.memory_space<vmem>> -> memref<1x32x128xf32, #tpu.memory_space<vmem>>
        %dma_start3A_268 = tpu.memref_squeeze %dma_start3A_267 : memref<1x32x128xf32, #tpu.memory_space<vmem>> -> memref<32x128xf32, #tpu.memory_space<vmem>>
        %dma_start3A_269 = arith.constant 0 : i32
        %dma_start3A_270 = arith.constant 0 : i32
        %dma_start3A_271 = tpu.memref_slice %arg8[%dma_start3A_269, %dma_start3A_270] : memref<10000x128xf32, #tpu.memory_space<vmem_shared>> -> memref<10000x128xf32, #tpu.memory_space<vmem_shared>>
        tpu.enqueue_indirect_dma source(%dma_start3A_268 : memref<32x128xf32, #tpu.memory_space<vmem>>) target(%dma_start3A_271 : memref<10000x128xf32, #tpu.memory_space<vmem_shared>>) offsets(%arg19 : memref<32xi32, #tpu.memory_space<vmem>>) semaphore(%run_scoped3A_265 : memref<!tpu.dma_semaphore, #tpu.memory_space<semaphore_mem>>) {add = true}
        %dma_wait3A_272 = arith.constant 0 : i32
        %dma_wait3A_273 = arith.constant 0 : i32
        %dma_wait3A_274 = tpu.memref_slice %arg7[%run_scoped3A_264, %dma_wait3A_272, %dma_wait3A_273] : memref<5x64x128xf32, #tpu.memory_space<vmem>> -> memref<1x32x128xf32, #tpu.memory_space<vmem>>
        %dma_wait3A_275 = tpu.memref_squeeze %dma_wait3A_274 : memref<1x32x128xf32, #tpu.memory_space<vmem>> -> memref<32x128xf32, #tpu.memory_space<vmem>>
        %dma_wait3A_276 = arith.constant 0 : i32
        %dma_wait3A_277 = arith.constant 0 : i32
        %dma_wait3A_278 = tpu.memref_slice %arg8[%dma_wait3A_276, %dma_wait3A_277] : memref<10000x128xf32, #tpu.memory_space<vmem_shared>> -> memref<10000x128xf32, #tpu.memory_space<vmem_shared>>
        tpu.wait_indirect_dma semaphore(%run_scoped3A_265 : memref<!tpu.dma_semaphore, #tpu.memory_space<semaphore_mem>>) src(%dma_wait3A_275 : memref<32x128xf32, #tpu.memory_space<vmem>>) dst(%dma_wait3A_278 : memref<10000x128xf32, #tpu.memory_space<vmem_shared>>)
        tpu.yield
      }) : () -> ()
    } else {
    }
    %barrier3A_244 = arith.constant 0 : index
    tpu.barrier barrier_id(%barrier3A_244)
    %mul3A_245 = arith.constant 2 : i32
    %mul3A_246 = arith.muli %arg1, %mul3A_245 : i32
    %add3A_247 = arith.constant 0 : i32
    %add3A_248 = arith.addi %mul3A_246, %add3A_247 : i32
    %lt3A_249 = arith.constant 25 : i32
    %lt3A_250 = arith.cmpi slt, %add3A_248, %lt3A_249 : i32
    %convert_element_type3A_251 = arith.extui %lt3A_250 : i1 to i32
    %cond3A_252 = arith.constant 0 : i32
    %cond3A_253 = arith.cmpi ne, %convert_element_type3A_251, %cond3A_252 : i32
    scf.if %cond3A_253 {
      %mul3A_263 = arith.constant 400 : i32
      %mul3A_264 = arith.muli %add3A_248, %mul3A_263 : i32
      %mul3A_265 = arith.constant 400 : i32
      %mul3A_266 = arith.muli %add3A_248, %mul3A_265 : i32
      "tpu.region"() ({
        %run_scoped3A_267 = tpu.sem_alloc : memref<!tpu.dma_semaphore, #tpu.memory_space<semaphore_mem>>
        %dma_start3A = arith.constant 0 : i32
        %dma_start3A_268 = tpu.memref_slice %arg5[%arg0, %mul3A_266, %dma_start3A] : memref<2x10000x128xf32, #tpu.memory_space<hbm>> -> memref<1x400x128xf32, #tpu.memory_space<hbm>>
        %dma_start3A_269 = tpu.memref_squeeze %dma_start3A_268 : memref<1x400x128xf32, #tpu.memory_space<hbm>> -> memref<400x128xf32, #tpu.memory_space<hbm>>
        %dma_start3A_270 = arith.constant 0 : i32
        %dma_start3A_271 = tpu.memref_slice %arg8[%mul3A_264, %dma_start3A_270] : memref<10000x128xf32, #tpu.memory_space<vmem_shared>> -> memref<400x128xf32, #tpu.memory_space<vmem_shared>>
        tpu.enqueue_dma source(%dma_start3A_271 : memref<400x128xf32, #tpu.memory_space<vmem_shared>>) target(%dma_start3A_269 : memref<400x128xf32, #tpu.memory_space<hbm>>) target_semaphore(%run_scoped3A_267 : memref<!tpu.dma_semaphore, #tpu.memory_space<semaphore_mem>>)
        %dma_wait3A_272 = arith.constant 0 : i32
        %dma_wait3A_273 = tpu.memref_slice %arg5[%arg0, %mul3A_266, %dma_wait3A_272] : memref<2x10000x128xf32, #tpu.memory_space<hbm>> -> memref<1x400x128xf32, #tpu.memory_space<hbm>>
        %dma_wait3A_274 = tpu.memref_squeeze %dma_wait3A_273 : memref<1x400x128xf32, #tpu.memory_space<hbm>> -> memref<400x128xf32, #tpu.memory_space<hbm>>
        %dma_wait3A_275 = arith.constant 0 : i32
        %dma_wait3A_276 = tpu.memref_slice %arg8[%mul3A_264, %dma_wait3A_275] : memref<10000x128xf32, #tpu.memory_space<vmem_shared>> -> memref<400x128xf32, #tpu.memory_space<vmem_shared>>
        tpu.wait_dma2 semaphore(%run_scoped3A_267 : memref<!tpu.dma_semaphore, #tpu.memory_space<semaphore_mem>>) src(%dma_wait3A_276 : memref<400x128xf32, #tpu.memory_space<vmem_shared>>) dst(%dma_wait3A_274 : memref<400x128xf32, #tpu.memory_space<hbm>>)
        tpu.yield
      }) : () -> ()
    } else {
    }
    %mul3A_254 = arith.constant 2 : i32
    %mul3A_255 = arith.muli %arg1, %mul3A_254 : i32
    %add3A_256 = arith.constant 1 : i32
    %add3A_257 = arith.addi %mul3A_255, %add3A_256 : i32
    %lt3A_258 = arith.constant 25 : i32
    %lt3A_259 = arith.cmpi slt, %add3A_257, %lt3A_258 : i32
    %convert_element_type3A_260 = arith.extui %lt3A_259 : i1 to i32
    %cond3A_261 = arith.constant 0 : i32
    %cond3A_262 = arith.cmpi ne, %convert_element_type3A_260, %cond3A_261 : i32
    scf.if %cond3A_262 {
      %mul3A_263 = arith.constant 400 : i32
      %mul3A_264 = arith.muli %add3A_257, %mul3A_263 : i32
      %mul3A_265 = arith.constant 400 : i32
      %mul3A_266 = arith.muli %add3A_257, %mul3A_265 : i32
      "tpu.region"() ({
        %run_scoped3A_267 = tpu.sem_alloc : memref<!tpu.dma_semaphore, #tpu.memory_space<semaphore_mem>>
        %dma_start3A = arith.constant 0 : i32
        %dma_start3A_268 = tpu.memref_slice %arg5[%arg0, %mul3A_266, %dma_start3A] : memref<2x10000x128xf32, #tpu.memory_space<hbm>> -> memref<1x400x128xf32, #tpu.memory_space<hbm>>
        %dma_start3A_269 = tpu.memref_squeeze %dma_start3A_268 : memref<1x400x128xf32, #tpu.memory_space<hbm>> -> memref<400x128xf32, #tpu.memory_space<hbm>>
        %dma_start3A_270 = arith.constant 0 : i32
        %dma_start3A_271 = tpu.memref_slice %arg8[%mul3A_264, %dma_start3A_270] : memref<10000x128xf32, #tpu.memory_space<vmem_shared>> -> memref<400x128xf32, #tpu.memory_space<vmem_shared>>
        tpu.enqueue_dma source(%dma_start3A_271 : memref<400x128xf32, #tpu.memory_space<vmem_shared>>) target(%dma_start3A_269 : memref<400x128xf32, #tpu.memory_space<hbm>>) target_semaphore(%run_scoped3A_267 : memref<!tpu.dma_semaphore, #tpu.memory_space<semaphore_mem>>)
        %dma_wait3A_272 = arith.constant 0 : i32
        %dma_wait3A_273 = tpu.memref_slice %arg5[%arg0, %mul3A_266, %dma_wait3A_272] : memref<2x10000x128xf32, #tpu.memory_space<hbm>> -> memref<1x400x128xf32, #tpu.memory_space<hbm>>
        %dma_wait3A_274 = tpu.memref_squeeze %dma_wait3A_273 : memref<1x400x128xf32, #tpu.memory_space<hbm>> -> memref<400x128xf32, #tpu.memory_space<hbm>>
        %dma_wait3A_275 = arith.constant 0 : i32
        %dma_wait3A_276 = tpu.memref_slice %arg8[%mul3A_264, %dma_wait3A_275] : memref<10000x128xf32, #tpu.memory_space<vmem_shared>> -> memref<400x128xf32, #tpu.memory_space<vmem_shared>>
        tpu.wait_dma2 semaphore(%run_scoped3A_267 : memref<!tpu.dma_semaphore, #tpu.memory_space<semaphore_mem>>) src(%dma_wait3A_276 : memref<400x128xf32, #tpu.memory_space<vmem_shared>>) dst(%dma_wait3A_274 : memref<400x128xf32, #tpu.memory_space<hbm>>)
        tpu.yield
      }) : () -> ()
    } else {
    }
    return
  }
}

module attributes {stable_mosaic.version = 14 : i64} {
  func.func @_stage2_body(%arg0: memref<2x1000x128xf32, #tpu.memory_space<vmem>>, %arg1: memref<128x128xf32, #tpu.memory_space<vmem>>, %arg2: memref<1x128xf32, #tpu.memory_space<vmem>>, %arg3: memref<1x128xf32, #tpu.memory_space<vmem>>, %arg4: memref<1x128xf32, #tpu.memory_space<vmem>>, %arg5: memref<128x128xf32, #tpu.memory_space<vmem>>, %arg6: memref<1x128xf32, #tpu.memory_space<vmem>>, %arg7: memref<1x128xf32, #tpu.memory_space<vmem>>, %arg8: memref<1x128xf32, #tpu.memory_space<vmem>>, %arg9: memref<128x128xf32, #tpu.memory_space<vmem>>, %arg10: memref<1x128xf32, #tpu.memory_space<vmem>>, %arg11: memref<128x128xf32, #tpu.memory_space<vmem>>, %arg12: memref<1x128xf32, #tpu.memory_space<vmem>>, %arg13: memref<128x128xf32, #tpu.memory_space<vmem>>, %arg14: memref<1x128xf32, #tpu.memory_space<vmem>>, %arg15: memref<1x128xf32, #tpu.memory_space<vmem>>, %arg16: memref<1x128xf32, #tpu.memory_space<vmem>>, %arg17: memref<1000x128xf32, #tpu.memory_space<vmem>>) attributes {dimension_semantics = [], scalar_prefetch = 0 : i64, scratch_operands = 0 : i64, tpu.core_type = #tpu.core_type<tc>} {
    %get3A = arith.constant 0 : index
    %get3A_0 = arith.constant 0 : index
    %get3A_1 = arith.constant 0 : index
    %get3A_2 = vector.load %arg0[%get3A, %get3A_0, %get3A_1] : memref<2x1000x128xf32, #tpu.memory_space<vmem>>, vector<1x1000x128xf32>
    %get3A_3 = vector.shape_cast %get3A_2 : vector<1x1000x128xf32> to vector<1000x128xf32>
    %get3A_4 = arith.constant 1 : index
    %get3A_5 = arith.constant 0 : index
    %get3A_6 = arith.constant 0 : index
    %get3A_7 = vector.load %arg0[%get3A_4, %get3A_5, %get3A_6] : memref<2x1000x128xf32, #tpu.memory_space<vmem>>, vector<1x1000x128xf32>
    %get3A_8 = vector.shape_cast %get3A_7 : vector<1x1000x128xf32> to vector<1000x128xf32>
    %add3A = arith.addf %get3A_3, %get3A_8 : vector<1000x128xf32>
    %get3A_9 = arith.constant 0 : index
    %get3A_10 = arith.constant 0 : index
    %get3A_11 = vector.load %arg1[%get3A_9, %get3A_10] : memref<128x128xf32, #tpu.memory_space<vmem>>, vector<128x128xf32>
    %get3A_12 = arith.constant 0 : index
    %get3A_13 = arith.constant 0 : index
    %get3A_14 = vector.load %arg2[%get3A_12, %get3A_13] : memref<1x128xf32, #tpu.memory_space<vmem>>, vector<1x128xf32>
    %get3A_15 = arith.constant 0 : index
    %get3A_16 = arith.constant 0 : index
    %get3A_17 = vector.load %arg3[%get3A_15, %get3A_16] : memref<1x128xf32, #tpu.memory_space<vmem>>, vector<1x128xf32>
    %get3A_18 = arith.constant 0 : index
    %get3A_19 = arith.constant 0 : index
    %get3A_20 = vector.load %arg4[%get3A_18, %get3A_19] : memref<1x128xf32, #tpu.memory_space<vmem>>, vector<1x128xf32>
    %get3A_21 = arith.constant 0 : index
    %get3A_22 = arith.constant 0 : index
    %get3A_23 = vector.load %arg5[%get3A_21, %get3A_22] : memref<128x128xf32, #tpu.memory_space<vmem>>, vector<128x128xf32>
    %get3A_24 = arith.constant 0 : index
    %get3A_25 = arith.constant 0 : index
    %get3A_26 = vector.load %arg6[%get3A_24, %get3A_25] : memref<1x128xf32, #tpu.memory_space<vmem>>, vector<1x128xf32>
    %get3A_27 = arith.constant 0 : index
    %get3A_28 = arith.constant 0 : index
    %get3A_29 = vector.load %arg7[%get3A_27, %get3A_28] : memref<1x128xf32, #tpu.memory_space<vmem>>, vector<1x128xf32>
    %get3A_30 = arith.constant 0 : index
    %get3A_31 = arith.constant 0 : index
    %get3A_32 = vector.load %arg8[%get3A_30, %get3A_31] : memref<1x128xf32, #tpu.memory_space<vmem>>, vector<1x128xf32>
    %dot_general3A = arith.constant dense<0.000000e+00> : vector<1000x128xf32>
    %dot_general3A_33 = tpu.matmul %add3A, %get3A_11, %dot_general3A {dimension_numbers = #tpu.dot_dimension_numbers<[1], [0], [0], [1], [0, 0, 1, 1], [], []>, transpose_lhs_hint = false} : vector<1000x128xf32>, vector<128x128xf32>, vector<1000x128xf32> -> vector<1000x128xf32>
    %add3A_34 = vector.broadcast %get3A_14 : vector<1x128xf32> to vector<1000x128xf32>
    %add3A_35 = arith.addf %dot_general3A_33, %add3A_34 : vector<1000x128xf32>
    %mul3A = arith.constant 0.999994993 : f32
    %mul3A_36 = vector.broadcast %mul3A : f32 to vector<1x128xf32>
    %mul3A_37 = arith.mulf %get3A_17, %mul3A_36 : vector<1x128xf32>
    %mul3A_38 = vector.broadcast %mul3A_37 : vector<1x128xf32> to vector<1000x128xf32>
    %mul3A_39 = arith.mulf %add3A_35, %mul3A_38 : vector<1000x128xf32>
    %add3A_40 = vector.broadcast %get3A_20 : vector<1x128xf32> to vector<1000x128xf32>
    %add3A_41 = arith.addf %mul3A_39, %add3A_40 : vector<1000x128xf32>
    %max3A = arith.constant 0.000000e+00 : f32
    %max3A_42 = vector.broadcast %max3A : f32 to vector<1000x128xf32>
    %max3A_43 = arith.maximumf %add3A_41, %max3A_42 : vector<1000x128xf32>
    %dot_general3A_44 = arith.constant dense<0.000000e+00> : vector<1000x128xf32>
    %dot_general3A_45 = tpu.matmul %max3A_43, %get3A_23, %dot_general3A_44 {dimension_numbers = #tpu.dot_dimension_numbers<[1], [0], [0], [1], [0, 0, 1, 1], [], []>, transpose_lhs_hint = false} : vector<1000x128xf32>, vector<128x128xf32>, vector<1000x128xf32> -> vector<1000x128xf32>
    %add3A_46 = vector.broadcast %get3A_26 : vector<1x128xf32> to vector<1000x128xf32>
    %add3A_47 = arith.addf %dot_general3A_45, %add3A_46 : vector<1000x128xf32>
    %mul3A_48 = arith.constant 0.999994993 : f32
    %mul3A_49 = vector.broadcast %mul3A_48 : f32 to vector<1x128xf32>
    %mul3A_50 = arith.mulf %get3A_29, %mul3A_49 : vector<1x128xf32>
    %mul3A_51 = vector.broadcast %mul3A_50 : vector<1x128xf32> to vector<1000x128xf32>
    %mul3A_52 = arith.mulf %add3A_47, %mul3A_51 : vector<1000x128xf32>
    %add3A_53 = vector.broadcast %get3A_32 : vector<1x128xf32> to vector<1000x128xf32>
    %add3A_54 = arith.addf %mul3A_52, %add3A_53 : vector<1000x128xf32>
    %max3A_55 = arith.constant 0.000000e+00 : f32
    %max3A_56 = vector.broadcast %max3A_55 : f32 to vector<1000x128xf32>
    %max3A_57 = arith.maximumf %add3A_54, %max3A_56 : vector<1000x128xf32>
    %get3A_58 = arith.constant 0 : index
    %get3A_59 = arith.constant 0 : index
    %get3A_60 = vector.load %arg15[%get3A_58, %get3A_59] : memref<1x128xf32, #tpu.memory_space<vmem>>, vector<1x128xf32>
    %get3A_61 = arith.constant 0 : index
    %get3A_62 = arith.constant 0 : index
    %get3A_63 = vector.load %arg9[%get3A_61, %get3A_62] : memref<128x128xf32, #tpu.memory_space<vmem>>, vector<128x128xf32>
    %dot_general3A_64 = arith.constant dense<0.000000e+00> : vector<1x128xf32>
    %dot_general3A_65 = tpu.matmul %get3A_60, %get3A_63, %dot_general3A_64 {dimension_numbers = #tpu.dot_dimension_numbers<[1], [0], [0], [1], [0, 0, 1, 1], [], []>, transpose_lhs_hint = false} : vector<1x128xf32>, vector<128x128xf32>, vector<1x128xf32> -> vector<1x128xf32>
    %get3A_66 = arith.constant 0 : index
    %get3A_67 = arith.constant 0 : index
    %get3A_68 = vector.load %arg10[%get3A_66, %get3A_67] : memref<1x128xf32, #tpu.memory_space<vmem>>, vector<1x128xf32>
    %add3A_69 = arith.addf %dot_general3A_65, %get3A_68 : vector<1x128xf32>
    %get3A_70 = arith.constant 0 : index
    %get3A_71 = arith.constant 0 : index
    %get3A_72 = vector.load %arg16[%get3A_70, %get3A_71] : memref<1x128xf32, #tpu.memory_space<vmem>>, vector<1x128xf32>
    %get3A_73 = arith.constant 0 : index
    %get3A_74 = arith.constant 0 : index
    %get3A_75 = vector.load %arg11[%get3A_73, %get3A_74] : memref<128x128xf32, #tpu.memory_space<vmem>>, vector<128x128xf32>
    %dot_general3A_76 = arith.constant dense<0.000000e+00> : vector<1x128xf32>
    %dot_general3A_77 = tpu.matmul %get3A_72, %get3A_75, %dot_general3A_76 {dimension_numbers = #tpu.dot_dimension_numbers<[1], [0], [0], [1], [0, 0, 1, 1], [], []>, transpose_lhs_hint = false} : vector<1x128xf32>, vector<128x128xf32>, vector<1x128xf32> -> vector<1x128xf32>
    %add3A_78 = arith.addf %add3A_69, %dot_general3A_77 : vector<1x128xf32>
    %get3A_79 = arith.constant 0 : index
    %get3A_80 = arith.constant 0 : index
    %get3A_81 = vector.load %arg12[%get3A_79, %get3A_80] : memref<1x128xf32, #tpu.memory_space<vmem>>, vector<1x128xf32>
    %add3A_82 = arith.addf %add3A_78, %get3A_81 : vector<1x128xf32>
    %get3A_83 = arith.constant 0 : index
    %get3A_84 = arith.constant 0 : index
    %get3A_85 = vector.load %arg13[%get3A_83, %get3A_84] : memref<128x128xf32, #tpu.memory_space<vmem>>, vector<128x128xf32>
    %dot_general3A_86 = arith.constant dense<0.000000e+00> : vector<1000x128xf32>
    %dot_general3A_87 = tpu.matmul %max3A_57, %get3A_85, %dot_general3A_86 {dimension_numbers = #tpu.dot_dimension_numbers<[1], [0], [0], [1], [0, 0, 1, 1], [], []>, transpose_lhs_hint = false} : vector<1000x128xf32>, vector<128x128xf32>, vector<1000x128xf32> -> vector<1000x128xf32>
    %get3A_88 = arith.constant 0 : index
    %get3A_89 = arith.constant 0 : index
    %get3A_90 = vector.load %arg14[%get3A_88, %get3A_89] : memref<1x128xf32, #tpu.memory_space<vmem>>, vector<1x128xf32>
    %add3A_91 = vector.broadcast %get3A_90 : vector<1x128xf32> to vector<1000x128xf32>
    %add3A_92 = arith.addf %dot_general3A_87, %add3A_91 : vector<1000x128xf32>
    %add3A_93 = vector.broadcast %add3A_82 : vector<1x128xf32> to vector<1000x128xf32>
    %add3A_94 = arith.addf %add3A_92, %add3A_93 : vector<1000x128xf32>
    %swap3A = arith.constant 0 : index
    %swap3A_95 = arith.constant 0 : index
    %swap3A_96 = vector.load %arg17[%swap3A, %swap3A_95] : memref<1000x128xf32, #tpu.memory_space<vmem>>, vector<1000x128xf32>
    tpu.vector_store %arg17[%swap3A, %swap3A_95], %add3A_94 {strides = array<i32>} : memref<1000x128xf32, #tpu.memory_space<vmem>>, vector<1000x128xf32>,
    return
  }
}

module attributes {stable_mosaic.version = 14 : i64} {
  func.func @_stage1_body(%arg0: i32, %arg1: memref<2x5000x128xf32, #tpu.memory_space<vmem>>, %arg2: memref<128x128xf32, #tpu.memory_space<vmem>>, %arg3: memref<1x128xf32, #tpu.memory_space<vmem>>, %arg4: memref<1x128xf32, #tpu.memory_space<vmem>>, %arg5: memref<1x128xf32, #tpu.memory_space<vmem>>, %arg6: memref<128x128xf32, #tpu.memory_space<vmem>>, %arg7: memref<1x128xf32, #tpu.memory_space<vmem>>, %arg8: memref<1x128xf32, #tpu.memory_space<vmem>>, %arg9: memref<1x128xf32, #tpu.memory_space<vmem>>, %arg10: memref<5000x128xf32, #tpu.memory_space<vmem>>, %arg11: memref<1x128xf32, #tpu.memory_space<vmem>>, %arg12: memref<1x128xf32, #tpu.memory_space<vmem>>) attributes {dimension_semantics = [#tpu.dimension_semantics<arbitrary>], iteration_bounds = array<i64: 2>, scalar_prefetch = 0 : i64, scratch_operands = 0 : i64, tpu.core_type = #tpu.core_type<tc>, window_params = [{transform_indices = @transform_0, window_bounds = array<i64: 2, 5000, 128>}, {pipeline_mode = #tpu.pipeline_mode<synchronous>, transform_indices = @transform_1, window_bounds = array<i64: 128, 128>}, {pipeline_mode = #tpu.pipeline_mode<synchronous>, transform_indices = @transform_2, window_bounds = array<i64: 1, 128>}, {pipeline_mode = #tpu.pipeline_mode<synchronous>, transform_indices = @transform_3, window_bounds = array<i64: 1, 128>}, {pipeline_mode = #tpu.pipeline_mode<synchronous>, transform_indices = @transform_4, window_bounds = array<i64: 1, 128>}, {pipeline_mode = #tpu.pipeline_mode<synchronous>, transform_indices = @transform_5, window_bounds = array<i64: 128, 128>}, {pipeline_mode = #tpu.pipeline_mode<synchronous>, transform_indices = @transform_6, window_bounds = array<i64: 1, 128>}, {pipeline_mode = #tpu.pipeline_mode<synchronous>, transform_indices = @transform_7, window_bounds = array<i64: 1, 128>}, {pipeline_mode = #tpu.pipeline_mode<synchronous>, transform_indices = @transform_8, window_bounds = array<i64: 1, 128>}, {transform_indices = @transform_9, window_bounds = array<i64: 5000, 128>}, {pipeline_mode = #tpu.pipeline_mode<synchronous>, transform_indices = @transform_10, window_bounds = array<i64: 1, 128>}, {pipeline_mode = #tpu.pipeline_mode<synchronous>, transform_indices = @transform_11, window_bounds = array<i64: 1, 128>}]} {
    %eq3A = arith.constant 0 : i32
    %eq3A_0 = arith.cmpi eq, %arg0, %eq3A : i32
    %convert_element_type3A = arith.extui %eq3A_0 : i1 to i32
    %cond3A = arith.constant 0 : i32
    %cond3A_1 = arith.cmpi ne, %convert_element_type3A, %cond3A : i32
    scf.if %cond3A_1 {
      %broadcast_in_dim3A_80 = arith.constant 0.000000e+00 : f32
      %broadcast_in_dim3A_81 = vector.broadcast %broadcast_in_dim3A_80 : f32 to vector<1x128xf32>
      %swap3A_82 = arith.constant 0 : index
      %swap3A_83 = arith.constant 0 : index
      %swap3A_84 = vector.load %arg11[%swap3A_82, %swap3A_83] : memref<1x128xf32, #tpu.memory_space<vmem>>, vector<1x128xf32>
      tpu.vector_store %arg11[%swap3A_82, %swap3A_83], %broadcast_in_dim3A_81 {strides = array<i32>} : memref<1x128xf32, #tpu.memory_space<vmem>>, vector<1x128xf32>,
      %broadcast_in_dim3A_85 = arith.constant 0.000000e+00 : f32
      %broadcast_in_dim3A_86 = vector.broadcast %broadcast_in_dim3A_85 : f32 to vector<1x128xf32>
      %swap3A_87 = arith.constant 0 : index
      %swap3A_88 = arith.constant 0 : index
      %swap3A_89 = vector.load %arg12[%swap3A_87, %swap3A_88] : memref<1x128xf32, #tpu.memory_space<vmem>>, vector<1x128xf32>
      tpu.vector_store %arg12[%swap3A_87, %swap3A_88], %broadcast_in_dim3A_86 {strides = array<i32>} : memref<1x128xf32, #tpu.memory_space<vmem>>, vector<1x128xf32>,
    } else {
    }
    %get3A = arith.constant 0 : index
    %get3A_2 = arith.constant 0 : index
    %get3A_3 = arith.constant 0 : index
    %get3A_4 = vector.load %arg1[%get3A, %get3A_2, %get3A_3] : memref<2x5000x128xf32, #tpu.memory_space<vmem>>, vector<1x5000x128xf32>
    %get3A_5 = vector.shape_cast %get3A_4 : vector<1x5000x128xf32> to vector<5000x128xf32>
    %get3A_6 = arith.constant 1 : index
    %get3A_7 = arith.constant 0 : index
    %get3A_8 = arith.constant 0 : index
    %get3A_9 = vector.load %arg1[%get3A_6, %get3A_7, %get3A_8] : memref<2x5000x128xf32, #tpu.memory_space<vmem>>, vector<1x5000x128xf32>
    %get3A_10 = vector.shape_cast %get3A_9 : vector<1x5000x128xf32> to vector<5000x128xf32>
    %add3A = arith.addf %get3A_5, %get3A_10 : vector<5000x128xf32>
    %get3A_11 = arith.constant 0 : index
    %get3A_12 = arith.constant 0 : index
    %get3A_13 = vector.load %arg11[%get3A_11, %get3A_12] : memref<1x128xf32, #tpu.memory_space<vmem>>, vector<1x128xf32>
    %reduce_sum3A = arith.constant dense<0.000000e+00> : vector<128xf32>
    %reduce_sum3A_14 = vector.multi_reduction <add>, %add3A, %reduce_sum3A [0] : vector<5000x128xf32> to vector<128xf32>
    %broadcast_in_dim3A = vector.shape_cast %reduce_sum3A_14 : vector<128xf32> to vector<1x128xf32>
    %add3A_15 = arith.addf %get3A_13, %broadcast_in_dim3A : vector<1x128xf32>
    %swap3A = arith.constant 0 : index
    %swap3A_16 = arith.constant 0 : index
    %swap3A_17 = vector.load %arg11[%swap3A, %swap3A_16] : memref<1x128xf32, #tpu.memory_space<vmem>>, vector<1x128xf32>
    tpu.vector_store %arg11[%swap3A, %swap3A_16], %add3A_15 {strides = array<i32>} : memref<1x128xf32, #tpu.memory_space<vmem>>, vector<1x128xf32>,
    %get3A_18 = arith.constant 0 : index
    %get3A_19 = arith.constant 0 : index
    %get3A_20 = vector.load %arg2[%get3A_18, %get3A_19] : memref<128x128xf32, #tpu.memory_space<vmem>>, vector<128x128xf32>
    %get3A_21 = arith.constant 0 : index
    %get3A_22 = arith.constant 0 : index
    %get3A_23 = vector.load %arg3[%get3A_21, %get3A_22] : memref<1x128xf32, #tpu.memory_space<vmem>>, vector<1x128xf32>
    %get3A_24 = arith.constant 0 : index
    %get3A_25 = arith.constant 0 : index
    %get3A_26 = vector.load %arg4[%get3A_24, %get3A_25] : memref<1x128xf32, #tpu.memory_space<vmem>>, vector<1x128xf32>
    %get3A_27 = arith.constant 0 : index
    %get3A_28 = arith.constant 0 : index
    %get3A_29 = vector.load %arg5[%get3A_27, %get3A_28] : memref<1x128xf32, #tpu.memory_space<vmem>>, vector<1x128xf32>
    %get3A_30 = arith.constant 0 : index
    %get3A_31 = arith.constant 0 : index
    %get3A_32 = vector.load %arg6[%get3A_30, %get3A_31] : memref<128x128xf32, #tpu.memory_space<vmem>>, vector<128x128xf32>
    %get3A_33 = arith.constant 0 : index
    %get3A_34 = arith.constant 0 : index
    %get3A_35 = vector.load %arg7[%get3A_33, %get3A_34] : memref<1x128xf32, #tpu.memory_space<vmem>>, vector<1x128xf32>
    %get3A_36 = arith.constant 0 : index
    %get3A_37 = arith.constant 0 : index
    %get3A_38 = vector.load %arg8[%get3A_36, %get3A_37] : memref<1x128xf32, #tpu.memory_space<vmem>>, vector<1x128xf32>
    %get3A_39 = arith.constant 0 : index
    %get3A_40 = arith.constant 0 : index
    %get3A_41 = vector.load %arg9[%get3A_39, %get3A_40] : memref<1x128xf32, #tpu.memory_space<vmem>>, vector<1x128xf32>
    %dot_general3A = arith.constant dense<0.000000e+00> : vector<5000x128xf32>
    %dot_general3A_42 = tpu.matmul %add3A, %get3A_20, %dot_general3A {dimension_numbers = #tpu.dot_dimension_numbers<[1], [0], [0], [1], [0, 0, 1, 1], [], []>, transpose_lhs_hint = false} : vector<5000x128xf32>, vector<128x128xf32>, vector<5000x128xf32> -> vector<5000x128xf32>
    %add3A_43 = vector.broadcast %get3A_23 : vector<1x128xf32> to vector<5000x128xf32>
    %add3A_44 = arith.addf %dot_general3A_42, %add3A_43 : vector<5000x128xf32>
    %mul3A = arith.constant 0.999994993 : f32
    %mul3A_45 = vector.broadcast %mul3A : f32 to vector<1x128xf32>
    %mul3A_46 = arith.mulf %get3A_26, %mul3A_45 : vector<1x128xf32>
    %mul3A_47 = vector.broadcast %mul3A_46 : vector<1x128xf32> to vector<5000x128xf32>
    %mul3A_48 = arith.mulf %add3A_44, %mul3A_47 : vector<5000x128xf32>
    %add3A_49 = vector.broadcast %get3A_29 : vector<1x128xf32> to vector<5000x128xf32>
    %add3A_50 = arith.addf %mul3A_48, %add3A_49 : vector<5000x128xf32>
    %max3A = arith.constant 0.000000e+00 : f32
    %max3A_51 = vector.broadcast %max3A : f32 to vector<5000x128xf32>
    %max3A_52 = arith.maximumf %add3A_50, %max3A_51 : vector<5000x128xf32>
    %dot_general3A_53 = arith.constant dense<0.000000e+00> : vector<5000x128xf32>
    %dot_general3A_54 = tpu.matmul %max3A_52, %get3A_32, %dot_general3A_53 {dimension_numbers = #tpu.dot_dimension_numbers<[1], [0], [0], [1], [0, 0, 1, 1], [], []>, transpose_lhs_hint = false} : vector<5000x128xf32>, vector<128x128xf32>, vector<5000x128xf32> -> vector<5000x128xf32>
    %add3A_55 = vector.broadcast %get3A_35 : vector<1x128xf32> to vector<5000x128xf32>
    %add3A_56 = arith.addf %dot_general3A_54, %add3A_55 : vector<5000x128xf32>
    %mul3A_57 = arith.constant 0.999994993 : f32
    %mul3A_58 = vector.broadcast %mul3A_57 : f32 to vector<1x128xf32>
    %mul3A_59 = arith.mulf %get3A_38, %mul3A_58 : vector<1x128xf32>
    %mul3A_60 = vector.broadcast %mul3A_59 : vector<1x128xf32> to vector<5000x128xf32>
    %mul3A_61 = arith.mulf %add3A_56, %mul3A_60 : vector<5000x128xf32>
    %add3A_62 = vector.broadcast %get3A_41 : vector<1x128xf32> to vector<5000x128xf32>
    %add3A_63 = arith.addf %mul3A_61, %add3A_62 : vector<5000x128xf32>
    %max3A_64 = arith.constant 0.000000e+00 : f32
    %max3A_65 = vector.broadcast %max3A_64 : f32 to vector<5000x128xf32>
    %max3A_66 = arith.maximumf %add3A_63, %max3A_65 : vector<5000x128xf32>
    %swap3A_67 = arith.constant 0 : index
    %swap3A_68 = arith.constant 0 : index
    %swap3A_69 = vector.load %arg10[%swap3A_67, %swap3A_68] : memref<5000x128xf32, #tpu.memory_space<vmem>>, vector<5000x128xf32>
    tpu.vector_store %arg10[%swap3A_67, %swap3A_68], %max3A_66 {strides = array<i32>} : memref<5000x128xf32, #tpu.memory_space<vmem>>, vector<5000x128xf32>,
    %get3A_70 = arith.constant 0 : index
    %get3A_71 = arith.constant 0 : index
    %get3A_72 = vector.load %arg12[%get3A_70, %get3A_71] : memref<1x128xf32, #tpu.memory_space<vmem>>, vector<1x128xf32>
    %reduce_sum3A_73 = arith.constant dense<0.000000e+00> : vector<128xf32>
    %reduce_sum3A_74 = vector.multi_reduction <add>, %max3A_66, %reduce_sum3A_73 [0] : vector<5000x128xf32> to vector<128xf32>
    %broadcast_in_dim3A_75 = vector.shape_cast %reduce_sum3A_74 : vector<128xf32> to vector<1x128xf32>
    %add3A_76 = arith.addf %get3A_72, %broadcast_in_dim3A_75 : vector<1x128xf32>
    %swap3A_77 = arith.constant 0 : index
    %swap3A_78 = arith.constant 0 : index
    %swap3A_79 = vector.load %arg12[%swap3A_77, %swap3A_78] : memref<1x128xf32, #tpu.memory_space<vmem>>, vector<1x128xf32>
    tpu.vector_store %arg12[%swap3A_77, %swap3A_78], %add3A_76 {strides = array<i32>} : memref<1x128xf32, #tpu.memory_space<vmem>>, vector<1x128xf32>,
    return
  }
  func.func @transform_0(%arg0: i32) -> (i32, i32, i32) {
    %c0_i32 = arith.constant 0 : i32
    %c0_i32_0 = arith.constant 0 : i32
    %c0_i32_1 = arith.constant 0 : i32
    return %c0_i32, %arg0, %c0_i32_0 : i32, i32, i32
  }
  func.func @transform_1(%arg0: i32) -> (i32, i32) {
    %c0_i32 = arith.constant 0 : i32
    %c0_i32_0 = arith.constant 0 : i32
    %c0_i32_1 = arith.constant 0 : i32
    return %c0_i32, %c0_i32_0 : i32, i32
  }
  func.func @transform_2(%arg0: i32) -> (i32, i32) {
    %c0_i32 = arith.constant 0 : i32
    %c0_i32_0 = arith.constant 0 : i32
    %c0_i32_1 = arith.constant 0 : i32
    return %c0_i32, %c0_i32_0 : i32, i32
  }
  func.func @transform_3(%arg0: i32) -> (i32, i32) {
    %c0_i32 = arith.constant 0 : i32
    %c0_i32_0 = arith.constant 0 : i32
    %c0_i32_1 = arith.constant 0 : i32
    return %c0_i32, %c0_i32_0 : i32, i32
  }
  func.func @transform_4(%arg0: i32) -> (i32, i32) {
    %c0_i32 = arith.constant 0 : i32
    %c0_i32_0 = arith.constant 0 : i32
    %c0_i32_1 = arith.constant 0 : i32
    return %c0_i32, %c0_i32_0 : i32, i32
  }
  func.func @transform_5(%arg0: i32) -> (i32, i32) {
    %c0_i32 = arith.constant 0 : i32
    %c0_i32_0 = arith.constant 0 : i32
    %c0_i32_1 = arith.constant 0 : i32
    return %c0_i32, %c0_i32_0 : i32, i32
  }
  func.func @transform_6(%arg0: i32) -> (i32, i32) {
    %c0_i32 = arith.constant 0 : i32
    %c0_i32_0 = arith.constant 0 : i32
    %c0_i32_1 = arith.constant 0 : i32
    return %c0_i32, %c0_i32_0 : i32, i32
  }
  func.func @transform_7(%arg0: i32) -> (i32, i32) {
    %c0_i32 = arith.constant 0 : i32
    %c0_i32_0 = arith.constant 0 : i32
    %c0_i32_1 = arith.constant 0 : i32
    return %c0_i32, %c0_i32_0 : i32, i32
  }
  func.func @transform_8(%arg0: i32) -> (i32, i32) {
    %c0_i32 = arith.constant 0 : i32
    %c0_i32_0 = arith.constant 0 : i32
    %c0_i32_1 = arith.constant 0 : i32
    return %c0_i32, %c0_i32_0 : i32, i32
  }
  func.func @transform_9(%arg0: i32) -> (i32, i32) {
    %c0_i32 = arith.constant 0 : i32
    %c0_i32_0 = arith.constant 0 : i32
    return %arg0, %c0_i32 : i32, i32
  }
  func.func @transform_10(%arg0: i32) -> (i32, i32) {
    %c0_i32 = arith.constant 0 : i32
    %c0_i32_0 = arith.constant 0 : i32
    %c0_i32_1 = arith.constant 0 : i32
    return %c0_i32, %c0_i32_0 : i32, i32
  }
  func.func @transform_11(%arg0: i32) -> (i32, i32) {
    %c0_i32 = arith.constant 0 : i32
    %c0_i32_0 = arith.constant 0 : i32
    %c0_i32_1 = arith.constant 0 : i32
    return %c0_i32, %c0_i32_0 : i32, i32
  }
}

</mosaic_0001>

<sc_bundles>
// kernel: kernel.6.cloned.1.call-start
scs
__scs_entry_jumppad:
0x0: {  	(pc) =	sbr.rel $0x88, $3  }
0x1: {  	(tag) =	ssettag $0x0;
	lr =	simm.s32 $0x1  }
0x2: {  	[smem:$0x3F88] =	sst lr;
	_ =	strace $0xD0000000  }
0x3: {  	_ = 	snop  }
0x4: {  	_ = 	snop  }
0x5: {  	_ = 	snop  }
0x6: {  	_ = 	snop  }
0x7: {  	_ = 	snop  }
__scs_overlays_trampoline_lowered:
0x8: {  	[smem:$0x3F97] =	sst s0  }
0x9: {  	[smem:$0x3F98] =	sst s1  }
0xa: {  	[smem:$0x3F99] =	sst s2  }
0xb: {  	[smem:$0x3F9A] =	sst s3  }
0xc: {  	[smem:$0x3F9B] =	sst s4  }
0xd: {  	[smem:$0x3F9C] =	sst s5  }
0xe: {  	[smem:$0x3F9D] =	sst s6  }
0xf: {  	[smem:$0x3F9E] =	sst s7  }
0x10: {  	[smem:$0x3F9F] =	sst s8  }
0x11: {  	[smem:$0x3FA0] =	sst s9;
	s0 =	simm.s32 @!p0 $0x0  }
0x12: {  	s1 =	sld [smem:$0x3F86];
	s0 =	simm.s32 @p0 $0x1  }
0x13: {  	[smem:$0x3FA1] =	sst s0;
	s0 =	simm.s32 @!p1 $0x0  }
0x14: {  	s2 =	sld [smem:$0x3F85];
	s0 =	simm.s32 @p1 $0x1  }
0x15: {  	[smem:$0x3FA2] =	sst s0;
	s0 =	simm.s32 @!p2 $0x0  }
0x16: {  	s3 =	sld [smem:$0x3FDB];
	s0 =	simm.s32 @p2 $0x1  }
0x17: {  	s4 =	simm.s32 $0x1BF5;
	[smem:$0x3FA4] =	sst s0  }
0x18: {  	s0 =	sld [smem:$0x3F87];
	_ =	swait.ge [sflag:s4], $0x0  }
0x19: {  	s7 =	sld [smem:$0x3F88]  }
0x1a: {  	s8 =	sadd.s32 $0xFFFFE003, lr  }
0x1b: {  	s9 =	sadd.s32 $0xFFFFFEF7, lr;
	s5 =	simm.s32 $0xFFFFFFFF;
	p2 =	slt.u32 s8, $0xFFFFF086  }
0x1c: {  	p1 =	slt.u32 s9, $0xF7A;
	s5 =	simm.s32 @!p2 $0x0  }
0x1d: {  	s5 =	simm.s32 @p1 $0x1;
	p0 =	seq.s32 s7, s2  }
0x1e: {  	s7 =	smul.u32 @!p0 $0xF7A, s2;
	p2 =	seq.s32 @!p0 s5, $0x0  }
0x1f: {  	s9 =	smul.u32 $0xF7A, s1;
	s8 =	simm.s32 @!p0 $0x1BF5;
	p2 =	por !p2, p0  }
0x20: {  	[sflag:s8] =	ssyncset.s32 @!p0 $0xFFFFF086;
	s6 =	sadd.s32 @!p0 s3, s7;
	s7 =	simm.s32 @!p0 $0x108  }
0x21: {  	s3 =	sadd.s32 s3, s9;
	s6 =	sadd.s32 @!p0 $0x88, s6;
	s7 =	simm.s32 @p2 $0x1082  }
0x22: {  	[simem:s7], [sflag:s8] =	dma.local @!p0 [hbm:s6], $0xF7A  }
0x23: {  	s9 =	sor.u32 $0xD0000000, s2;
	s6 =	simm.s32 $0x108;
	_ =	swait.ge @!p0 [sflag:s8], $0x0  }
0x24: {  	s3 =	sadd.s32 $0x88, s3;
	s6 =	simm.s32 @!p1 $0x1082;
	[sflag:s4] =	ssyncset.s32 $0xFFFFF086  }
0x25: {  	[simem:s6], [sflag:s4] =	dma.local [hbm:s3], $0xF7A  }
0x26: {  	[smem:$0x3F88] =	sst s1;
	(tag) =	ssettag s2;
	_ =	strace s9  }
0x27: {  	s1 =	sld [smem:$0x3F98]  }
0x28: {  	s2 =	sld [smem:$0x3F99]  }
0x29: {  	s4 =	sld [smem:$0x3F9B]  }
0x2a: {  	p0 =	seq.s32 s5, $0x0;
	s5 =	sld [smem:$0x3F9C]  }
0x2b: {  	s6 =	sld [smem:$0x3F9D]  }
0x2c: {  	s7 =	sld [smem:$0x3F9E]  }
0x2d: {  	s3 =	simm.s32 $0x108;
	s8 =	sld [smem:$0x3F9F]  }
0x2e: {  	s3 =	simm.s32 @!p0 $0x1082;
	s9 =	sld [smem:$0x3FA0]  }
0x2f: {  	lr =	sadd.s32 s0, s3;
	s0 =	sld [smem:$0x3F97]  }
0x30: {  	s3 =	sld [smem:$0x3F9A]  }
0x31: {  	[smem:$0x3FA3] =	sst s10  }
0x32: {  	s10 =	sld [smem:$0x3FA1];
	_ =	sdelay $0x3  }
0x33: {  	p0 =	seq.s32 s10, $0x1;
	s10 =	sld [smem:$0x3FA3];
	_ =	sdelay $0x3  }
0x34: {  	[smem:$0x3FA3] =	sst s10  }
0x35: {  	s10 =	sld [smem:$0x3FA2];
	_ =	sdelay $0x3  }
0x36: {  	p1 =	seq.s32 s10, $0x1;
	s10 =	sld [smem:$0x3FA3];
	_ =	sdelay $0x3  }
0x37: {  	[smem:$0x3FA3] =	sst s10  }
0x38: {  	s10 =	sld [smem:$0x3FA4]  }
0x39: {  	_ = 	snop;
	(pc) =	sbr.ind lr, $3  }
0x3a: {  	_ = 	snop  }
0x3b: {  	_ = 	snop  }
0x3c: {  	p2 =	seq.s32 s10, $0x1;
	s10 =	sld [smem:$0x3FA3]  }
0x3d: {  	_ =	shalt  }
0x3e: {  	_ =	shalt  }
0x3f: {  	_ =	shalt  }
0x40: {  	_ =	shalt  }
0x41: {  	_ =	shalt  }
0x42: {  	_ =	shalt  }
0x43: {  	_ =	shalt  }
0x44: {  	_ =	shalt  }
0x45: {  	_ =	shalt  }
0x46: {  	_ =	shalt  }
0x47: {  	_ =	shalt  }
0x48: {  	_ =	shalt  }
0x49: {  	_ =	shalt  }
0x4a: {  	_ =	shalt  }
0x4b: {  	_ =	shalt  }
0x4c: {  	_ =	shalt  }
0x4d: {  	_ =	shalt  }
0x4e: {  	_ =	shalt  }
0x4f: {  	_ =	shalt  }
0x50: {  	_ =	shalt  }
0x51: {  	_ =	shalt  }
0x52: {  	_ =	shalt  }
0x53: {  	_ =	shalt  }
0x54: {  	_ =	shalt  }
0x55: {  	_ =	shalt  }
0x56: {  	_ =	shalt  }
0x57: {  	_ =	shalt  }
0x58: {  	_ =	shalt  }
0x59: {  	_ =	shalt  }
0x5a: {  	_ =	shalt  }
0x5b: {  	_ =	shalt  }
0x5c: {  	_ =	shalt  }
0x5d: {  	_ =	shalt  }
0x5e: {  	_ =	shalt  }
0x5f: {  	_ =	shalt  }
0x60: {  	_ =	shalt  }
0x61: {  	_ =	shalt  }
0x62: {  	_ =	shalt  }
0x63: {  	_ =	shalt  }
0x64: {  	_ =	shalt  }
0x65: {  	_ =	shalt  }
0x66: {  	_ =	shalt  }
0x67: {  	_ =	shalt  }
0x68: {  	_ =	shalt  }
0x69: {  	_ =	shalt  }
0x6a: {  	_ =	shalt  }
0x6b: {  	_ =	shalt  }
0x6c: {  	_ =	shalt  }
0x6d: {  	_ =	shalt  }
0x6e: {  	_ =	shalt  }
0x6f: {  	_ =	shalt  }
0x70: {  	_ =	shalt  }
0x71: {  	_ =	shalt  }
0x72: {  	_ =	shalt  }
0x73: {  	_ =	shalt  }
0x74: {  	_ =	shalt  }
0x75: {  	_ =	shalt  }
0x76: {  	_ =	shalt  }
0x77: {  	_ =	shalt  }
0x78: {  	_ =	shalt  }
0x79: {  	_ =	shalt  }
0x7a: {  	_ =	shalt  }
0x7b: {  	_ =	shalt  }
0x7c: {  	_ =	shalt  }
0x7d: {  	_ =	shalt  }
0x7e: {  	_ =	shalt  }
0x7f: {  	_ =	shalt  }
0x80: {  	_ =	shalt  }
0x81: {  	_ =	shalt  }
0x82: {  	_ =	shalt  }
0x83: {  	_ =	shalt  }
0x84: {  	_ =	shalt  }
0x85: {  	_ =	shalt  }
0x86: {  	_ =	shalt  }
0x87: {  	_ =	shalt  }
.Lfunc_end0:
.L_simem_size_0:
called_computation_lowered:
.L_overlay_start_0:
0x88: {  	s2 =	sld [smem:$0x3FD9]  }
0x89: {  	s3 =	sld [smem:$0x3FFE];
	_ =	sdelay $0x1  }
0x8a: {  	s1 =	srdreg.scid  }
0x8b: {  	s0 =	sand.u32 $0x1, s1  }
0x8c: {  	s17 =	sshll.u32 s0, $0xA;
	s2 =	sadd.s32 s3, s2  }
0x8d: {  	s2 =	sadd.s32 s2, s17  }
0x8e: {  	[smem:$0x3FAF] =	sst s2  }
0x8f: {  	_ = 	snop  }
0x90: {  	s2 =	sld [smem:$0x3FC9]  }
0x91: {  	s18 =	sld [smem:$0x3FC8]  }
0x92: {  	s4 =	sld [smem:$0x3FD0];
	(tm) =	ssettm $0x1  }
0x93: {  	s5 =	sld [smem:$0x3FFB];
	_ =	sdelay $0x3  }
0x94: {  	_ =	strace s5  }
0x95: {  	s5 =	sld [smem:$0x3FFC];
	_ =	sdelay $0x3  }
0x96: {  	_ =	strace s5  }
0x97: {  	s5 =	sld [smem:$0x3FFD];
	_ =	sdelay $0x3  }
0x98: {  	_ =	strace s5  }
0x99: {  	_ =	strace $0x8FFFFFFF  }
0x9a: {  	s19 =	sld [smem:$0x3FDB];
	_ =	sdelay $0x1  }
0x9b: {  	s6 =	simm.s32 $_scs_section_size  }
0x9c: {  	s7 =	simm.s32 $_size__tile_overlayer_lowered;
	s8 =	simm.s32 $_tile_overlayer_lowered  }
0x9d: {  	s22 =	simm.s32 $0x1BFF;
	s21 =	sshll.u32 s8, $0x1;
	s5 =	sadd.s32 s6, s19  }
0x9e: {  	s9 =	simm.s32 $0x0;
	s20 =	sshll.u32 s7, $0x1;
	s7 =	sadd.s32 s21, s5  }
0x9f: {  	[timem:s9], [sflag:s22] =	dma.local [hbm:s7], s20  }
0xa0: {  	_ =	swait.ge [sflag:s22], s20  }
0xa1: {  	s6 =	ssub.s32 $0x0, s20;
	[sflag:s22] =	ssyncset.done $0x0  }
0xa2: {  	[sflag:s22] =	ssyncadd.s32 s6;
	_ =	sdelay $0x1  }
0xa3: {  	s23 =	simm.s32 $0x1B8B  }
0xa4: {  	_ =	swait.ge [sflag:s23], $0x1  }
0xa5: {  	[sflag:s23] =	ssyncset.done $0x0  }
0xa6: {  	s25 =	simm.s32 $0x1B8E;
	s24 =	sld [smem:$0x3FFE];
	[sflag:s23] =	ssyncadd.s32 $0xFFFFFFFF  }
0xa7: {  	s26 =	simm.s32 $execute0_lowered;
	[smem:$0x3FD2] =	sst s25  }
0xa8: {  	s7 =	sshll.u32 s26, $0x1;
	_ =	strace $0x80000046;
	[dreg:$0x1] =	wrdreg $0xFFFFFFFF  }
0xa9: {  	s28 =	simm.s32 $_size_execute0_lowered;
	s5 =	sadd.s32 s5, s7;
	[dreg:$0x0] =	wrdreg $0x0  }
0xaa: {  	s7 =	sshll.u32 s28, $0x1;
	[dreg:$0x2] =	wrdreg s5  }
0xab: {  	[dreg:$0x3] =	wrdreg s7  }
0xac: {  	[dreg:$0x4] =	wrdreg $0xC0  }
0xad: {  	_ =	task [dreg:s9], $0x5FFFF  }
0xae: {  	[dreg:$0x1] =	wrdreg $0xFFFFFFFF  }
0xaf: {  	[dreg:$0x0] =	wrdreg $0x60  }
0xb0: {  	[dreg:$0x2] =	wrdreg s2  }
0xb1: {  	[dreg:$0x3] =	wrdreg s18  }
0xb2: {  	[dreg:$0x4] =	wrdreg s4  }
0xb3: {  	[dreg:$0x5] =	wrdreg s24  }
0xb4: {  	[dreg:$0x6] =	wrdreg $0xAC800  }
0xb5: {  	[dreg:$0x7] =	wrdreg $0x9  }
0xb6: {  	_ =	task.clear_ibuf [dreg:s9], $0x8FFFF;
	_ =	strace $0x90000046  }
0xb7: {  	s29 =	simm.s32 $0x9;
	_ =	strace $0x80000048  }
0xb8: {  	_ =	swait.ge [sflag:s29], $0x1  }
0xb9: {  	[sflag:s29] =	ssyncadd.s32 $0xFFFFFFFF  }
0xba: {  	_ =	strace $0x90000048  }
0xbb: {  	_ =	sfence  }
0xbc: {  	s30 =	sld [smem:$0x0];
	_ =	sdelay $0x2  }
0xbd: {  	s31 =	sshll.u32 s1, $0xD;
	s1 =	sshrl.u32 s1, $0x2  }
0xbe: {  	s3 =	sand.u32 $0x4000, s31;
	s1 =	sadd.s32 s1, s30  }
0xbf: {  	s0 =	sor.u32 s3, s0;
	s1 =	sshll.u32 s1, $0x11  }
0xc0: {  	s0 =	sor.u32 s1, s0  }
0xc1: {  	s0 =	sadd.s32 $0x8F2B, s0  }
0xc2: {  	[sflag:s0] =	ssyncadd.remote.s32 $0x1  }
0xc3: {  	_ =	sfence.sel $0xFFFF  }
0xc4: {  	[dreg:$0x0] =	wrdreg $0xFFFFFFFF;
	(pc) =	sbr.abs _section_cstart, $3  }
0xc5: {  	[dreg:$0x1] =	wrdreg $0xFFFFFFFF  }
0xc6: {  	_ =	task.clear_ibuf [dreg:s9], $0x2FFFF;
	_ =	strace $0x9FFFFFFF  }
0xc7: {  	(tm) =	ssettm $0x7FFFFFFF  }
tec
execute0_lowered:
.L_overlay_start_1:
0x0: {  	(tag) =	ssettag $0x1  }
0x1: {  	s1 =	rddreg [dreg:$0x0]  }
0x2: {  	s2 =	rddreg [dreg:$0x1]  }
0x3: {  	s0 =	rddreg [dreg:$0x3];
	s4 =	srdreg.scid  }
0x4: {  	s15 =	stileid.u32;
	s3 =	rddreg [dreg:$0x4];
	s31 =	simm.s32 $0xB  }
0x5: {  	s7 =	sand.u32 $0x1, s4;
	s5 =	sshll.u32 s15, $0x1;
	s25 =	smul.u32 $0x19000, s15  }
0x6: {  	s4 =	simm.s32 $0x0;
	s0 =	sadd.s32 $0x3C00, s0;
	s17 =	smul.u32 $0xC34, s15  }
0x7: {  	s23 =	sshll.u32 s15, $0xD;
	s8 =	sor.u32 s7, s5;
	s12 =	smul.u32 $0x138800, s7  }
0x8: {  	[smem:$0x7FF] =	sst s4;
	s6 =	ssub.s32 $0x2, s7;
	s7 =	smul.u32 $0x61A, s7  }
0x9: {  	s29 =	sadd.s32 $0x138000, s3;
	s5 =	smul.u32 $0x61A, s8;
	_ =	strace $0x80000047  }
0xa: {  	s10 =	sshrl.u32 s6, $0x1;
	p5 =	sne.s32 s8, $0x1F;
	s8 =	simm.s32 $0x8  }
0xb: {  	s10 =	ssub.s32 s6, s10;
	s9 =	sshrl.u32 s5, $0x5;
	s5 =	sadd.s32 $0x61A, s5  }
0xc: {  	s20 =	sadd.s32 s7, s17;
	s5 =	sshrl.u32 s5, $0x5;
	s11 =	sshll.u32 s9, $0xA  }
0xd: {  	s7 =	simm.s32 $0x7;
	s5 =	ssub.s32 s5, s9;
	s21 =	sadd.s32 s1, s11  }
0xe: {  	s9 =	sshll.u32 s9, $0x3;
	s11 =	sadd.s32 $0x400, s21;
	[dreg:$0x6] =	wrdreg s21  }
0xf: {  	s22 =	sadd.s32 $0x800, s21;
	s6 =	sadd.s32 $0xC00, s21;
	[dreg:$0x7] =	wrdreg s11  }
0x10: {  	s24 =	sadd.s32 s2, s9;
	s9 =	sadd.s32 s25, s12;
	[dreg:$0x8] =	wrdreg s22  }
0x11: {  	p3 =	slt.s32 s5, $0x1;
	s21 =	smul.u32 $0x64000, s15;
	[dreg:$0x9] =	wrdreg s6  }
0x12: {  	s2 =	sadd.s32 $0x30D0, s2;
	[dreg:$0xa] =	wrdreg s24;
	s11 =	sadd.s32 s23, s3  }
0x13: {  	s9 =	sshrl.u32 s9, $0x3;
	p0 =	seq.s32 @!p3 s5, $0x1;
	s6 =	simm.s32 @!p5 $0x0  }
0x14: {  	[dreg:$0x13] =	wrdreg s2;
	s26 =	sadd.s32 $0x20000, s11;
	s13 =	sadd.s32 $0x40000, s11  }
0x15: {  	s14 =	sadd.s32 $0x60000, s11;
	s16 =	sadd.s32 $0x80000, s11;
	[dreg:$0xb] =	wrdreg s26  }
0x16: {  	p4 =	por p0, p3;
	s18 =	sadd.s32 s0, s9;
	[dreg:$0xc] =	wrdreg s13  }
0x17: {  	s19 =	sadd.s32 $0xA0000, s11;
	s6 =	simm.s32 @p5 $0x1;
	[dreg:$0xd] =	wrdreg s14  }
0x18: {  	s23 =	sadd.s32 $0xC0000, s11;
	s24 =	sshrl.u32 s21, $0x2;
	[dreg:$0xe] =	wrdreg s16  }
0x19: {  	s28 =	sadd.s32 $0x100000, s11;
	s13 =	sshllo.u32 s15, $0x1;
	[dreg:$0xf] =	wrdreg s18  }
0x1a: {  	s30 =	sadd.s32 $0x120000, s11;
	[dreg:$0x11] =	wrdreg s19;
	s14 =	smul.u32 $0xC800, s13  }
0x1b: {  	s9 =	simm.s32 $0x9;
	p1 =	slt.u32 @!p4 s5, $0x3;
	[smem:$0x7F5] =	sst s6  }
0x1c: {  	[dreg:$0x12] =	wrdreg s23;
	s26 =	smax.u32 s10, $0x1;
	s12 =	sadd.s32 s12, s14  }
0x1d: {  	s10 =	simm.s32 $0xA;
	p2 =	por @!p3 p1, p0;
	s12 =	sshrl.u32 s12, $0x3  }
0x1e: {  	s22 =	smul.u32 $0x32000, s13;
	p2 =	por p2, p3;
	s0 =	sadd.s32 s0, s12  }
0x1f: {  	s6 =	simm.s32 @!p2 $0x0;
	[dreg:$0x10] =	wrdreg s0;
	s0 =	sshll.u32 s20, $0x5  }
0x20: {  	s6 =	simm.s32 @p2 $0x1;
	p2 =	seq.s32 @!p2 s5, $0x3;
	s0 =	sand.u32 $0x3FFC00, s0  }
0x21: {  	[dreg:$0x15] =	wrdreg s26;
	p1 =	por @!p4 p2, p1;
	s0 =	sadd.s32 s0, s1  }
0x22: {  	p0 =	por @!p3 p1, p0;
	s18 =	sadd.s32 $0x1000, s0;
	s0 =	simm.s32 @!p3 $0x0  }
0x23: {  	s26 =	sadd.s32 $0xE0000, s11;
	p0 =	por p0, p3;
	s0 =	simm.s32 @p3 $0x1  }
0x24: {  	s25 =	sshrl.u32 s22, $0x2;
	[smem:$0x7F8] =	sst s0;
	s0 =	simm.s32 @!p0 $0x0  }
0x25: {  	s2 =	sadd.s32 s25, s3;
	p1 =	sgt.u32 s15, $0xB;
	s0 =	simm.s32 @p0 $0x1  }
0x26: {  	p0 =	sne.s32 @p1 s15, $0xC;
	[smem:$0x7F9] =	sst s0;
	s0 =	simm.s32 @!p1 $0x0  }
0x27: {  	[smem:$0x7F6] =	sst s6;
	p0 =	por p0, !p1;
	s0 =	simm.s32 @p1 $0x1  }
0x28: {  	s6 =	simm.s32 @!p4 $0x0;
	[smem:$0x7FA] =	sst s0;
	s0 =	simm.s32 @!p0 $0x0  }
0x29: {  	p2 =	sgt.u32 s13, $0x18;
	p3 =	sgt.u32 s15, $0xC;
	s0 =	simm.s32 @p0 $0x1  }
0x2a: {  	s1 =	sadd.s32 $0x186800, s1;
	[smem:$0x7FB] =	sst s0;
	s0 =	simm.s32 @!p3 $0x0  }
0x2b: {  	[dreg:$0x14] =	wrdreg s1;
	s1 =	sadd.s32 s24, s3;
	s0 =	simm.s32 @p3 $0x1  }
0x2c: {  	s12 =	simm.s32 $0x0;
	[smem:$0x7FC] =	sst s0;
	s0 =	sshrl.u32 @!p3 s1, $0x3  }
0x2d: {  	s6 =	simm.s32 @p4 $0x1;
	[dreg:$0x16] =	wrdreg s0;
	s0 =	simm.s32 @!p2 $0x0  }
0x2e: {  	s25 =	sshrl.u32 @!p2 s2, $0x3;
	[smem:$0x7F7] =	sst s6;
	s0 =	simm.s32 @p2 $0x1  }
0x2f: {  	s2 =	simm.s32 $0x8C80;
	s1 =	simm.s32 $0x6;
	[smem:$0x7FD] =	sst s0  }
.LBB2_1:
0x30: {  	s0 =	sld [smem:$0x7F8];
	_ =	sdelay $0x2  }
0x31: {  	s24 =	sld [smem:$0x7F7];
	p0 =	seq.s32 s0, $0x1  }
0x32: {  	s6 =	rddreg [dreg:$0x6];
	s0 =	simm.s32 @!p0 $0x0;
	s13 =	simm.s32 @!p0 $0xC80  }
0x33: {  	[tilespmem:s13], [sflag:$0x1] =	stream.linear.gather @!p0 [hbm4b:s6+s0], $0x2000, $0x38;
	[tilespmem:$0x1E580] =	vst v63  }
0x34: {  	p0 =	seq.s32 s24, $0x1  }
0x35: {  	s6 =	rddreg [dreg:$0x7];
	s0 =	simm.s32 @!p0 $0x0;
	s13 =	simm.s32 @!p0 $0x2C80  }
0x36: {  	[tilespmem:s13], [sflag:$0x2] =	stream.linear.gather @!p0 [hbm4b:s6+s0], $0x2000, $0x38;
	[tilespmem:$0x1E580] =	vst v63  }
0x37: {  	s6 =	sld [smem:$0x7F6];
	_ =	sdelay $0x2  }
0x38: {  	p0 =	seq.s32 s6, $0x1  }
0x39: {  	s6 =	rddreg [dreg:$0x8];
	s0 =	simm.s32 @!p0 $0x0;
	s13 =	simm.s32 @!p0 $0x4C80  }
0x3a: {  	[tilespmem:s13], [sflag:$0x3] =	stream.linear.gather @!p0 [hbm4b:s6+s0], $0x2000, $0x38;
	[tilespmem:$0x1E580] =	vst v63  }
0x3b: {  	s13 =	sld [smem:$0x7F9];
	_ =	sdelay $0x2  }
0x3c: {  	p0 =	seq.s32 s13, $0x1  }
0x3d: {  	s6 =	rddreg [dreg:$0x9];
	s0 =	simm.s32 @!p0 $0x0;
	s13 =	simm.s32 @!p0 $0x6C80  }
0x3e: {  	[tilespmem:s13], [sflag:$0x4] =	stream.linear.gather @!p0 [hbm4b:s6+s0], $0x2000, $0x38;
	[tilespmem:$0x1E580] =	vst v63  }
0x3f: {  	s14 =	rddreg [dreg:$0xa]  }
0x40: {  	[tilespmem:s4], [sflag:$0xB] =	stream.linear.gather [hbm4b:s14+s4], $0xC40, $0x38;
	[tilespmem:$0x1E580] =	vst v63  }
0x41: {  	_ =	swait.ge [sflag:s31], $0xC40  }
0x42: {  	[sflag:s31] =	ssyncset.done $0x0  }
0x43: {  	[sflag:s31] =	ssyncadd.s32 $0xFFFFF3C0  }
0x44: {  	s15 =	rddreg [dreg:$0x2]  }
0x45: {  	[tilespmem:s2], [sflag:$0xB] =	stream.linear.gather [hbm4b:s15+s4], $0x2000, $0x38;
	[tilespmem:$0x1E580] =	vst v63  }
0x46: {  	_ =	swait.ge [sflag:s31], $0x2000  }
0x47: {  	[sflag:s31] =	ssyncset.done $0x0  }
0x48: {  	[sflag:s31] =	ssyncadd.s32 $0xFFFFE000  }
0x49: {  	[spmem:s11] =	stream.linear.scatter [tilespmem:s2], [sflag:$0xB], $0x2000, $0x38;
	[tilespmem:$0x1E580] =	vst v63  }
0x4a: {  	_ =	swait.ge [sflag:s31], $0x2000  }
0x4b: {  	[sflag:s31] =	ssyncset.done $0x0  }
0x4c: {  	s16 =	rddreg [dreg:$0xb];
	[sflag:s31] =	ssyncadd.s32 $0xFFFFE000  }
0x4d: {  	[spmem:s16] =	stream.linear.scatter [tilespmem:s2], [sflag:$0xB], $0x2000, $0x38;
	[tilespmem:$0x1E580] =	vst v63  }
0x4e: {  	_ =	swait.ge [sflag:s31], $0x2000  }
0x4f: {  	[sflag:s31] =	ssyncset.done $0x0  }
0x50: {  	s17 =	rddreg [dreg:$0xc];
	[sflag:s31] =	ssyncadd.s32 $0xFFFFE000  }
0x51: {  	[spmem:s17] =	stream.linear.scatter [tilespmem:s2], [sflag:$0xB], $0x2000, $0x38;
	[tilespmem:$0x1E580] =	vst v63  }
0x52: {  	_ =	swait.ge [sflag:s31], $0x2000  }
0x53: {  	[sflag:s31] =	ssyncset.done $0x0  }
0x54: {  	s19 =	rddreg [dreg:$0xd];
	[sflag:s31] =	ssyncadd.s32 $0xFFFFE000  }
0x55: {  	[spmem:s19] =	stream.linear.scatter [tilespmem:s2], [sflag:$0xB], $0x2000, $0x38;
	[tilespmem:$0x1E580] =	vst v63  }
0x56: {  	_ =	swait.ge [sflag:s31], $0x2000  }
0x57: {  	[sflag:s31] =	ssyncset.done $0x0  }
0x58: {  	s20 =	rddreg [dreg:$0xe];
	[sflag:s31] =	ssyncadd.s32 $0xFFFFE000  }
0x59: {  	[spmem:s20] =	stream.linear.scatter [tilespmem:s2], [sflag:$0xB], $0x2000, $0x38;
	[tilespmem:$0x1E580] =	vst v63  }
0x5a: {  	_ =	swait.ge [sflag:s31], $0x2000  }
0x5b: {  	[sflag:s31] =	ssyncset.done $0x0  }
0x5c: {  	s21 =	rddreg [dreg:$0x11];
	[sflag:s31] =	ssyncadd.s32 $0xFFFFE000  }
0x5d: {  	[spmem:s21] =	stream.linear.scatter [tilespmem:s2], [sflag:$0xB], $0x2000, $0x38;
	[tilespmem:$0x1E580] =	vst v63  }
0x5e: {  	_ =	swait.ge [sflag:s31], $0x2000  }
0x5f: {  	[sflag:s31] =	ssyncset.done $0x0  }
0x60: {  	s22 =	rddreg [dreg:$0x12];
	[sflag:s31] =	ssyncadd.s32 $0xFFFFE000  }
0x61: {  	[spmem:s22] =	stream.linear.scatter [tilespmem:s2], [sflag:$0xB], $0x2000, $0x38;
	[tilespmem:$0x1E580] =	vst v63  }
0x62: {  	_ =	swait.ge [sflag:s31], $0x2000  }
0x63: {  	[sflag:s31] =	ssyncset.done $0x0  }
0x64: {  	[sflag:s31] =	ssyncadd.s32 $0xFFFFE000  }
0x65: {  	[spmem:s26] =	stream.linear.scatter [tilespmem:s2], [sflag:$0xB], $0x2000, $0x38;
	[tilespmem:$0x1E580] =	vst v63  }
0x66: {  	_ =	swait.ge [sflag:s31], $0x2000  }
0x67: {  	[sflag:s31] =	ssyncset.done $0x0  }
0x68: {  	[sflag:s31] =	ssyncadd.s32 $0xFFFFE000  }
0x69: {  	[spmem:s28] =	stream.linear.scatter [tilespmem:s2], [sflag:$0xB], $0x2000, $0x38;
	[tilespmem:$0x1E580] =	vst v63  }
0x6a: {  	_ =	swait.ge [sflag:s31], $0x2000  }
0x6b: {  	s23 =	sld [smem:$0x7FB];
	_ =	sdelay $0x2  }
0x6c: {  	[sflag:s31] =	ssyncset.done $0x0;
	p0 =	seq.s32 s23, $0x1  }
0x6d: {  	[sflag:s31] =	ssyncadd.s32 $0xFFFFE000;
	s0 =	simm.s32 @!p0 $0x8C80  }
0x6e: {  	[spmem:s29] =	stream.linear.scatter @!p0 [tilespmem:s0], [sflag:$0xB], $0x800, $0x38;
	[tilespmem:$0x1E580] =	vst v63  }
0x6f: {  	s0 =	simm.s32 @!p0 $0xB  }
0x70: {  	_ =	swait.ge @!p0 [sflag:s0], $0x800  }
0x71: {  	s24 =	sld [smem:$0x7FA];
	_ =	sdelay $0x1  }
0x72: {  	[sflag:s0] =	ssyncset.done @!p0 $0x0  }
0x73: {  	[sflag:s0] =	ssyncadd.s32 @!p0 $0xFFFFF800;
	p0 =	seq.s32 s24, $0x1  }
0x74: {  	s0 =	simm.s32 @!p0 $0x8C80  }
0x75: {  	[spmem:s30] =	stream.linear.scatter @!p0 [tilespmem:s0], [sflag:$0xB], $0x2000, $0x38;
	[tilespmem:$0x1E580] =	vst v63  }
0x76: {  	s0 =	simm.s32 @!p0 $0xB  }
0x77: {  	p1 =	sle.s32 s5, $0x0;
	_ =	swait.ge @!p0 [sflag:s0], $0x2000  }
0x78: {  	p2 =	sle.u32 @!p1 s5, $0x4;
	[sflag:s0] =	ssyncset.done @!p0 $0x0  }
0x79: {  	[sflag:s0] =	ssyncadd.s32 @!p0 $0xFFFFE000;
	p0 =	por p2, p1  }
0x7a: {  	s0 =	simm.s32 @!p1 $0x1;
	[bflag:$0x0] =	sbarrier.arrive $0xFFFF;
	p4 =	por @!p0 $0x1, $0x1  }
0x7b: {  	_ =	swait.ge @!p1 [sflag:s0], $0x2000;
	p2 =	por @!p1 p4, p2  }
0x7c: {  	s13 =	simm.s32 @!p1 $0xC80;
	[sflag:s0] =	ssyncset.done @!p1 $0x0;
	p2 =	por p2, p1  }
0x7d: {  	s14 =	simm.s32 @!p1 $0x40;
	[sflag:s0] =	ssyncadd.s32 @!p1 $0xFFFFE000;
	s0 =	simm.s32 @!p2 $0xA  }
0x7e: {  	[spmem:s3] =	stream.indirect.scatter.add.f32 @!p1 [tilespmem:s13], [sflag:$0x6], $0x80, s4, s14, $0xb8;
	[tilespmem:$0x1E580] =	vst v63  }
0x7f: {  	_ =	swait.ge @!p2 [sflag:s0], $0x2000  }
0x80: {  	[sflag:s0] =	ssyncset.done @!p2 $0x0  }
0x81: {  	[sflag:s0] =	ssyncadd.s32 @!p2 $0xFFFFE000;
	p2 =	sle.s32 s5, $0x1  }
0x82: {  	s14 =	simm.s32 @!p0 $0x8C80;
	s0 =	simm.s32 @!p0 $0x0;
	s13 =	simm.s32 @!p2 $0x2  }
0x83: {  	[tilespmem:s14], [sflag:$0x5] =	stream.linear.gather @!p0 [hbm4b:s18+s0], $0x2000, $0x38;
	[tilespmem:$0x1E580] =	vst v63  }
0x84: {  	p0 =	sle.u32 @!p2 s5, $0x5;
	s0 =	simm.s32 @!p2 $0x2C80;
	_ =	swait.ge @!p2 [sflag:s13], $0x2000  }
0x85: {  	s14 =	simm.s32 @!p2 $0x40;
	p1 =	por p0, p2;
	[sflag:s13] =	ssyncset.done @!p2 $0x0  }
0x86: {  	s15 =	simm.s32 @!p1 $0x6;
	[sflag:s13] =	ssyncadd.s32 @!p2 $0xFFFFE000;
	s13 =	simm.s32 @!p2 $0x40  }
0x87: {  	[spmem:s3] =	stream.indirect.scatter.add.f32 @!p2 [tilespmem:s0], [sflag:$0x7], $0x80, s14, s13, $0xb8;
	[tilespmem:$0x1E580] =	vst v63  }
0x88: {  	p6 =	sle.s32 s5, $0x4;
	p0 =	sle.s32 s5, $0x2;
	_ =	swait.ge @!p1 [sflag:s15], $0x2000  }
0x89: {  	s0 =	sadd.s32 @!p1 $0x400, s18;
	s13 =	simm.s32 @!p1 $0x0;
	[sflag:s15] =	ssyncset.done @!p1 $0x0  }
0x8a: {  	s14 =	simm.s32 @!p0 $0x3;
	[sflag:s15] =	ssyncadd.s32 @!p1 $0xFFFFE000;
	s15 =	simm.s32 @!p1 $0xC80  }
0x8b: {  	[tilespmem:s15], [sflag:$0x1] =	stream.linear.gather @!p1 [hbm4b:s0+s13], $0x2000, $0x38;
	[tilespmem:$0x1E580] =	vst v63  }
0x8c: {  	p1 =	sle.u32 @!p0 s5, $0x6;
	s0 =	simm.s32 @!p0 $0x80;
	_ =	swait.ge @!p0 [sflag:s14], $0x2000  }
0x8d: {  	s13 =	simm.s32 @!p0 $0x4C80;
	p1 =	por p1, p0;
	[sflag:s14] =	ssyncset.done @!p0 $0x0  }
0x8e: {  	s15 =	simm.s32 @!p1 $0x7;
	[sflag:s14] =	ssyncadd.s32 @!p0 $0xFFFFE000;
	s14 =	simm.s32 @!p0 $0x40  }
0x8f: {  	[spmem:s3] =	stream.indirect.scatter.add.f32 @!p0 [tilespmem:s13], [sflag:$0x8], $0x80, s0, s14, $0xb8;
	[tilespmem:$0x1E580] =	vst v63  }
0x90: {  	s17 =	simm.s32 $0x0;
	s0 =	sadd.s32 @!p1 $0x800, s18;
	_ =	swait.ge @!p1 [sflag:s15], $0x2000  }
0x91: {  	s13 =	simm.s32 @!p1 $0x0;
	p0 =	sle.s32 s5, $0x3;
	[sflag:s15] =	ssyncset.done @!p1 $0x0  }
0x92: {  	s14 =	simm.s32 @!p0 $0x4;
	[sflag:s15] =	ssyncadd.s32 @!p1 $0xFFFFE000;
	s15 =	simm.s32 @!p1 $0x2C80  }
0x93: {  	[tilespmem:s15], [sflag:$0x2] =	stream.linear.gather @!p1 [hbm4b:s0+s13], $0x2000, $0x38;
	[tilespmem:$0x1E580] =	vst v63  }
0x94: {  	p1 =	sle.u32 @!p0 s5, $0x7;
	s0 =	simm.s32 @!p0 $0x6C80;
	_ =	swait.ge @!p0 [sflag:s14], $0x2000  }
0x95: {  	s13 =	simm.s32 @!p0 $0x40;
	p1 =	por p1, p0;
	[sflag:s14] =	ssyncset.done @!p0 $0x0  }
0x96: {  	s15 =	simm.s32 @!p1 $0x8;
	[sflag:s14] =	ssyncadd.s32 @!p0 $0xFFFFE000;
	s14 =	simm.s32 @!p0 $0xC0  }
0x97: {  	[spmem:s3] =	stream.indirect.scatter.add.f32 @!p0 [tilespmem:s0], [sflag:$0x9], $0x80, s14, s13, $0xb8;
	[tilespmem:$0x1E580] =	vst v63  }
0x98: {  	s23 =	smov.u32 s18;
	p2 =	sle.u32 @!p6 s5, $0x8;
	_ =	swait.ge @!p1 [sflag:s15], $0x2000  }
0x99: {  	s0 =	simm.s32 @!p1 $0x0;
	s13 =	simm.s32 @!p1 $0x4C80;
	[sflag:s15] =	ssyncset.done @!p1 $0x0  }
0x9a: {  	s14 =	sadd.s32 @!p1 $0xC00, s18;
	[sflag:s15] =	ssyncadd.s32 @!p1 $0xFFFFE000;
	s15 =	smov.u32 s18  }
0x9b: {  	[tilespmem:s13], [sflag:$0x3] =	stream.linear.gather @!p1 [hbm4b:s14+s0], $0x2000, $0x38;
	[tilespmem:$0x1E580] =	vst v63  }
0x9c: {  	s13 =	simm.s32 $0xD;
	s0 =	simm.s32 @!p6 $0x5;
	s14 =	simm.s32 $0x0  }
.LBB2_2:
0x9d: {  	s14 =	sadd.s32 $0x140, s14  }
0x9e: {  	s23 =	sadd.s32 $0x1400, s23;
	s16 =	smov.u32 s13;
	s13 =	sadd.s32 $0x5, s13  }
0x9f: {  	s17 =	sadd.s32 @!p6 $0x100, s17;
	s19 =	simm.s32 @!p6 $0x8C80;
	s6 =	sadd.s32 $0xFFFFFFF8, s16  }
0xa0: {  	p5 =	sge.s32 s6, s5;
	_ =	swait.ge @!p6 [sflag:s0], $0x2000;
	s6 =	simm.s32 @!p6 $0x40  }
0xa1: {  	s20 =	simm.s32 @!p5 $0xC80;
	s21 =	sadd.s32 @!p5 $0xFFFFFFFC, s16;
	[sflag:s0] =	ssyncset.done @!p6 $0x0  }
0xa2: {  	p4 =	por p2, p6;
	p1 =	sge.u32 @!p5 s21, s5;
	[sflag:s0] =	ssyncadd.s32 @!p6 $0xFFFFE000  }
0xa3: {  	s0 =	simm.s32 @!p4 $0x9;
	s21 =	simm.s32 @!p4 $0x6C80;
	p2 =	por p1, p5  }
0xa4: {  	p0 =	sne.s32 s13, $0x3A;
	p3 =	seq.s32 @!p2 s16, $0x8;
	s22 =	simm.s32 @!p2 $0x0  }
0xa5: {  	[spmem:s3] =	stream.indirect.scatter.add.f32 @!p6 [tilespmem:s19], [sflag:$0xA], $0x80, s17, s6, $0xb8;
	[tilespmem:$0x1E580] =	vst v63  }
0xa6: {  	s6 =	simm.s32 @!p5 $0x40;
	p1 =	por @!p5 p3, p1;
	_ =	swait.ge @!p4 [sflag:s0], $0x2000  }
0xa7: {  	s15 =	sadd.s32 @!p4 $0x1000, s15;
	s17 =	simm.s32 @!p4 $0x0;
	[sflag:s0] =	ssyncset.done @!p4 $0x0  }
0xa8: {  	s24 =	sadd.s32 $0xFFFFFFF9, s16;
	s19 =	simm.s32 @!p5 $0x1;
	[sflag:s0] =	ssyncadd.s32 @!p4 $0xFFFFE000  }
0xa9: {  	[tilespmem:s21], [sflag:$0x4] =	stream.linear.gather @!p4 [hbm4b:s15+s17], $0x2000, $0x38;
	[tilespmem:$0x1E580] =	vst v63  }
0xaa: {  	p6 =	sge.s32 s24, s5;
	p4 =	por p1, p5;
	_ =	swait.ge @!p5 [sflag:s19], $0x2000  }
0xab: {  	s15 =	sadd.s32 @!p6 $0xFFFFFFFD, s16;
	s0 =	simm.s32 @!p4 $0xA;
	[sflag:s19] =	ssyncset.done @!p5 $0x0  }
0xac: {  	s17 =	smov.u32 s14;
	p1 =	sge.u32 @!p6 s15, s5;
	[sflag:s19] =	ssyncadd.s32 @!p5 $0xFFFFE000  }
0xad: {  	[spmem:s3] =	stream.indirect.scatter.add.f32 @!p5 [tilespmem:s20], [sflag:$0x6], $0x80, s14, s6, $0xb8;
	[tilespmem:$0x1E580] =	vst v63  }
0xae: {  	s6 =	simm.s32 @!p6 $0x2C80;
	p5 =	por p1, p6;
	_ =	swait.ge @!p4 [sflag:s0], $0x2000  }
0xaf: {  	s15 =	simm.s32 @!p6 $0x2;
	s19 =	sadd.s32 @!p6 $0x40, s14;
	[sflag:s0] =	ssyncset.done @!p4 $0x0  }
0xb0: {  	s20 =	sadd.s32 $0xFFFFFFFA, s16;
	[sflag:s0] =	ssyncadd.s32 @!p4 $0xFFFFE000;
	s0 =	simm.s32 @!p2 $0x8C80  }
0xb1: {  	[tilespmem:s0], [sflag:$0x5] =	stream.linear.gather @!p2 [hbm4b:s23+s22], $0x2000, $0x38;
	[tilespmem:$0x1E580] =	vst v63  }
0xb2: {  	s0 =	sadd.s32 @!p5 $0x400, s23;
	p2 =	sge.s32 s20, s5;
	_ =	swait.ge @!p6 [sflag:s15], $0x2000  }
0xb3: {  	s20 =	simm.s32 @!p5 $0x6;
	s21 =	sadd.s32 @!p2 $0xFFFFFFFE, s16;
	[sflag:s15] =	ssyncset.done @!p6 $0x0  }
0xb4: {  	p1 =	sge.u32 @!p2 s21, s5;
	[sflag:s15] =	ssyncadd.s32 @!p6 $0xFFFFE000;
	s15 =	simm.s32 @!p6 $0x40  }
0xb5: {  	[spmem:s3] =	stream.indirect.scatter.add.f32 @!p6 [tilespmem:s6], [sflag:$0x7], $0x80, s19, s15, $0xb8;
	[tilespmem:$0x1E580] =	vst v63  }
0xb6: {  	s6 =	sadd.s32 @!p2 $0x80, s14;
	p6 =	por p1, p2;
	_ =	swait.ge @!p5 [sflag:s20], $0x2000  }
0xb7: {  	s21 =	simm.s32 @!p2 $0x3;
	s19 =	simm.s32 @!p5 $0x0;
	[sflag:s20] =	ssyncset.done @!p5 $0x0  }
0xb8: {  	s15 =	smov.u32 s23;
	[sflag:s20] =	ssyncadd.s32 @!p5 $0xFFFFE000;
	s20 =	simm.s32 @!p5 $0xC80  }
0xb9: {  	[tilespmem:s20], [sflag:$0x1] =	stream.linear.gather @!p5 [hbm4b:s0+s19], $0x2000, $0x38;
	[tilespmem:$0x1E580] =	vst v63  }
0xba: {  	s0 =	sadd.s32 @!p6 $0x800, s23;
	s19 =	simm.s32 @!p6 $0x0;
	_ =	swait.ge @!p2 [sflag:s21], $0x2000  }
0xbb: {  	s22 =	sadd.s32 $0xFFFFFFFB, s16;
	s20 =	simm.s32 @!p2 $0x4C80;
	[sflag:s21] =	ssyncset.done @!p2 $0x0  }
0xbc: {  	s24 =	simm.s32 @!p6 $0x7;
	[sflag:s21] =	ssyncadd.s32 @!p2 $0xFFFFE000;
	s21 =	simm.s32 @!p2 $0x40  }
0xbd: {  	[spmem:s3] =	stream.indirect.scatter.add.f32 @!p2 [tilespmem:s20], [sflag:$0x8], $0x80, s6, s21, $0xb8;
	[tilespmem:$0x1E580] =	vst v63  }
0xbe: {  	p2 =	sge.s32 s22, s5;
	_ =	swait.ge @!p6 [sflag:s24], $0x2000  }
0xbf: {  	s6 =	simm.s32 @!p2 $0x4;
	s20 =	sadd.s32 @!p2 $0xFFFFFFFF, s16;
	[sflag:s24] =	ssyncset.done @!p6 $0x0  }
0xc0: {  	s21 =	simm.s32 @!p6 $0x2C80;
	p1 =	sge.u32 @!p2 s20, s5;
	[sflag:s24] =	ssyncadd.s32 @!p6 $0xFFFFE000  }
0xc1: {  	[tilespmem:s21], [sflag:$0x2] =	stream.linear.gather @!p6 [hbm4b:s0+s19], $0x2000, $0x38;
	[tilespmem:$0x1E580] =	vst v63  }
0xc2: {  	s0 =	simm.s32 @!p2 $0x6C80;
	_ =	swait.ge @!p2 [sflag:s6], $0x2000  }
0xc3: {  	p4 =	por p1, p2;
	s19 =	simm.s32 @!p2 $0x40;
	[sflag:s6] =	ssyncset.done @!p2 $0x0  }
0xc4: {  	s20 =	simm.s32 @!p4 $0x8;
	[sflag:s6] =	ssyncadd.s32 @!p2 $0xFFFFE000;
	s6 =	sadd.s32 @!p2 $0xC0, s14  }
0xc5: {  	[spmem:s3] =	stream.indirect.scatter.add.f32 @!p2 [tilespmem:s0], [sflag:$0x9], $0x80, s6, s19, $0xb8;
	[tilespmem:$0x1E580] =	vst v63  }
.Ltmp0:
0xc6: {  	s0 =	simm.s32 @!p4 $0x0;
	_ =	swait.ge @!p4 [sflag:s20], $0x2000;
	(pc) =	sbr.rel @p0 .LBB2_2-.Ltmp0, $4  }
0xc7: {  	s6 =	simm.s32 @!p4 $0x4C80;
	s19 =	sadd.s32 $0xFFFFFFFC, s16;
	[sflag:s20] =	ssyncset.done @!p4 $0x0  }
0xc8: {  	p6 =	sge.s32 s19, s5;
	[sflag:s20] =	ssyncadd.s32 @!p4 $0xFFFFE000;
	s20 =	sadd.s32 @!p4 $0xC00, s23  }
0xc9: {  	[tilespmem:s6], [sflag:$0x3] =	stream.linear.gather @!p4 [hbm4b:s20+s0], $0x2000, $0x38;
	[tilespmem:$0x1E580] =	vst v63  }
0xca: {  	p2 =	sge.u32 @!p6 s16, s5;
	s0 =	simm.s32 @!p6 $0x5  }
0xcb: {  	s6 =	sadd.s32 @!p6 $0x100, s17;
	_ =	swait.ge @!p6 [sflag:s0], $0x2000  }
0xcc: {  	s13 =	simm.s32 @!p6 $0x8C80;
	p0 =	por p2, p6;
	[sflag:s0] =	ssyncset.done @!p6 $0x0  }
0xcd: {  	s14 =	simm.s32 @!p6 $0x40;
	[sflag:s0] =	ssyncadd.s32 @!p6 $0xFFFFE000;
	s0 =	simm.s32 @!p0 $0x9  }
0xce: {  	[spmem:s3] =	stream.indirect.scatter.add.f32 @!p6 [tilespmem:s13], [sflag:$0xA], $0x80, s6, s14, $0xb8;
	[tilespmem:$0x1E580] =	vst v63  }
0xcf: {  	_ =	swait.ge @!p0 [sflag:s0], $0x2000  }
0xd0: {  	s6 =	simm.s32 @!p0 $0x6C80;
	[sflag:s0] =	ssyncset.done @!p0 $0x0  }
0xd1: {  	s13 =	sadd.s32 @!p0 $0x1000, s15;
	s14 =	simm.s32 @!p0 $0x0;
	[sflag:s0] =	ssyncadd.s32 @!p0 $0xFFFFE000  }
0xd2: {  	[tilespmem:s6], [sflag:$0x4] =	stream.linear.gather @!p0 [hbm4b:s13+s14], $0x2000, $0x38;
	[tilespmem:$0x1E580] =	vst v63  }
0xd3: {  	_ =	swait.ge [sflag:s1], $0x2000  }
0xd4: {  	[sflag:s1] =	ssyncset.done $0x0  }
0xd5: {  	[sflag:s1] =	ssyncadd.s32 $0xFFFFE000  }
0xd6: {  	_ =	swait.ge [sflag:s7], $0x2000  }
0xd7: {  	[sflag:s7] =	ssyncset.done $0x0  }
0xd8: {  	[sflag:s7] =	ssyncadd.s32 $0xFFFFE000  }
0xd9: {  	_ =	swait.ge [sflag:s8], $0x2000  }
0xda: {  	[sflag:s8] =	ssyncset.done $0x0  }
0xdb: {  	[sflag:s8] =	ssyncadd.s32 $0xFFFFE000  }
0xdc: {  	_ =	swait.ge [sflag:s9], $0x2000  }
0xdd: {  	[sflag:s9] =	ssyncset.done $0x0  }
0xde: {  	[sflag:s9] =	ssyncadd.s32 $0xFFFFE000  }
0xdf: {  	_ =	swait.ge [sflag:s10], $0x2000  }
0xe0: {  	s21 =	sld [smem:$0x7F5];
	_ =	sdelay $0x2  }
0xe1: {  	[sflag:s10] =	ssyncset.done $0x0;
	s13 =	rddreg [dreg:$0x13];
	p0 =	seq.s32 s21, $0x1  }
0xe2: {  	[sflag:s10] =	ssyncadd.s32 $0xFFFFE000;
	s0 =	simm.s32 @!p0 $0x0;
	s6 =	simm.s32 @!p0 $0x1E500  }
0xe3: {  	[tilespmem:s6], [sflag:$0xB] =	stream.linear.gather @!p0 [hbm4b:s13+s0], $0x20, $0x38;
	[tilespmem:$0x1E580] =	vst v63  }
0xe4: {  	s13 =	simm.s32 @!p0 $0xB  }
0xe5: {  	_ =	swait.ge @!p0 [sflag:s13], $0x20  }
0xe6: {  	[sflag:s13] =	ssyncset.done @!p0 $0x0  }
0xe7: {  	s14 =	simm.s32 @!p0 $0xC80;
	s15 =	rddreg [dreg:$0x14];
	[sflag:s13] =	ssyncadd.s32 @!p0 $0xFFFFFFE0  }
0xe8: {  	[tilespmem:s14], [sflag:$0xB] =	stream.linear.gather @!p0 [hbm4b:s15+s0], $0x1000, $0x38;
	[tilespmem:$0x1E580] =	vst v63  }
0xe9: {  	_ =	swait.ge @!p0 [sflag:s13], $0x1000  }
0xea: {  	[sflag:s13] =	ssyncset.done @!p0 $0x0  }
0xeb: {  	s0 =	simm.s32 @!p0 $0x20;
	[sflag:s13] =	ssyncadd.s32 @!p0 $0xFFFFF000  }
0xec: {  	[spmem:s3] =	stream.indirect.scatter.add.f32 @!p0 [tilespmem:s14], [sflag:$0xB], $0x80, s6, s0, $0xb8;
	[tilespmem:$0x1E580] =	vst v63  }
0xed: {  	_ =	swait.ge @!p0 [sflag:s13], $0x1000  }
0xee: {  	s22 =	sld [smem:$0x7FC]  }
0xef: {  	[sflag:s13] =	ssyncset.done @!p0 $0x0  }
0xf0: {  	[sflag:s13] =	ssyncadd.s32 @!p0 $0xFFFFF000  }
0xf1: {  	s6 =	stileid.u32;
	[bflag:$0x0] =	sbarrier.arrive $0xFFFF;
	p0 =	seq.s32 s22, $0x1  }
0xf2: {  	s13 =	rddreg [dreg:$0xf];
	s0 =	sshll.u32 @!p0 s6, $0x6  }
0xf3: {  	s14 =	rddreg [dreg:$0x16];
	s0 =	sor.u32 @!p0 $0x1C0B, s0  }
0xf4: {  	[hbm:s13], [sflag:s0] =	dma.local @!p0 [spmem:s14], $0x1900  }
0xf5: {  	s0 =	simm.s32 @!p0 $0xB  }
0xf6: {  	_ =	swait.ge @!p0 [sflag:s0], $0x1900  }
0xf7: {  	s23 =	sld [smem:$0x7FD];
	_ =	sdelay $0x2  }
0xf8: {  	p1 =	seq.s32 s23, $0x1  }
0xf9: {  	[sflag:s0] =	ssyncset.done @!p0 $0x0;
	s6 =	sshll.u32 @!p1 s6, $0x6  }
0xfa: {  	[sflag:s0] =	ssyncadd.s32 @!p0 $0xFFFFE700;
	s0 =	sor.u32 @!p1 $0x1C0B, s6;
	s6 =	rddreg [dreg:$0x10]  }
0xfb: {  	[hbm:s6], [sflag:s0] =	dma.local @!p1 [spmem:s25], $0x1900  }
0xfc: {  	s0 =	simm.s32 @!p1 $0xB  }
0xfd: {  	_ =	swait.ge @!p1 [sflag:s0], $0x1900  }
0xfe: {  	s12 =	sadd.s32 $0x1, s12;
	s24 =	rddreg [dreg:$0x15]  }
0xff: {  	p0 =	sne.s32 s12, s24  }
.Ltmp1:
0x100: {  	_ = 	snop;
	(pc) =	sbr.rel @p0 .LBB2_1-.Ltmp1, $3  }
0x101: {  	_ =	sdelay $0x1  }
0x102: {  	[sflag:s0] =	ssyncset.done @!p1 $0x0  }
0x103: {  	s13 =	stileid.u32;
	[sflag:s0] =	ssyncadd.s32 @!p1 $0xFFFFE700  }
0x104: {  	_ =	sfence.sel $0x180000  }
0x105: {  	[bflag:$0x0] =	sbarrier.arrive $0xFFFF  }
0x106: {  	_ =	strace $0x90000047  }
0x107: {  	[bflag:$0x2] =	sbarrier.arrive $0xFFFF  }
0x108: {  	p0 =	sne.s32 s13, $0x0;
	s0 =	rddreg [dreg:$0x5]  }
0x109: {  	s0 =	sadd.s32 @!p0 $0x100000, s0  }
0x10a: {  	[sflag:s0] =	ssyncadd.tile.s32 @!p0 $0x1;
	_ =	shalt  }
.Lfunc_end2:
_tile_overlayer_lowered:
.L_overlay_start_2:
0x10b: {  	(tag) =	ssettag $0x2  }
0x10c: {  	s0 =	rddreg [dreg:$0x0];
	s2 =	stileid.u32  }
0x10d: {  	s1 =	rddreg [dreg:$0x1];
	p0 =	sne.s32 s2, $0x0  }
0x10e: {  	s3 =	rddreg [dreg:$0x2];
	[bflag:$0x3] =	sbarrier.arrive $0xFFFF;
	s2 =	simm.s32 @!p0 $0x1C0B  }
0x10f: {  	[timem:s3], [sflag:s2] =	dma.local @!p0 [hbm:s0], s1  }
0x110: {  	s0 =	simm.s32 @!p0 $0xB  }
0x111: {  	_ =	swait.ge @!p0 [sflag:s0], s1  }
0x112: {  	s1 =	ssub.s32 @!p0 $0x0, s1;
	[sflag:s0] =	ssyncset.done @!p0 $0x0  }
0x113: {  	[sflag:s0] =	ssyncadd.s32 @!p0 s1  }
0x114: {  	[bflag:$0x3] =	sbarrier.arrive $0xFFFF  }
0x115: {  	_ =	shalt  }

// kernel: kernel.9.cloned.1.call-start
scs
__scs_entry_jumppad:
0x0: {  	(pc) =	sbr.rel $0x88, $3  }
0x1: {  	(tag) =	ssettag $0x0;
	lr =	simm.s32 $0x1  }
0x2: {  	[smem:$0x3F88] =	sst lr;
	_ =	strace $0xD0000000  }
0x3: {  	_ = 	snop  }
0x4: {  	_ = 	snop  }
0x5: {  	_ = 	snop  }
0x6: {  	_ = 	snop  }
0x7: {  	_ = 	snop  }
__scs_overlays_trampoline_lowered:
0x8: {  	[smem:$0x3F97] =	sst s0  }
0x9: {  	[smem:$0x3F98] =	sst s1  }
0xa: {  	[smem:$0x3F99] =	sst s2  }
0xb: {  	[smem:$0x3F9A] =	sst s3  }
0xc: {  	[smem:$0x3F9B] =	sst s4  }
0xd: {  	[smem:$0x3F9C] =	sst s5  }
0xe: {  	[smem:$0x3F9D] =	sst s6  }
0xf: {  	[smem:$0x3F9E] =	sst s7  }
0x10: {  	[smem:$0x3F9F] =	sst s8  }
0x11: {  	[smem:$0x3FA0] =	sst s9;
	s0 =	simm.s32 @!p0 $0x0  }
0x12: {  	s1 =	sld [smem:$0x3F86];
	s0 =	simm.s32 @p0 $0x1  }
0x13: {  	[smem:$0x3FA1] =	sst s0;
	s0 =	simm.s32 @!p1 $0x0  }
0x14: {  	s2 =	sld [smem:$0x3F85];
	s0 =	simm.s32 @p1 $0x1  }
0x15: {  	[smem:$0x3FA2] =	sst s0;
	s0 =	simm.s32 @!p2 $0x0  }
0x16: {  	s3 =	sld [smem:$0x3FDB];
	s0 =	simm.s32 @p2 $0x1  }
0x17: {  	s4 =	simm.s32 $0x1BF5;
	[smem:$0x3FA4] =	sst s0  }
0x18: {  	s0 =	sld [smem:$0x3F87];
	_ =	swait.ge [sflag:s4], $0x0  }
0x19: {  	s7 =	sld [smem:$0x3F88]  }
0x1a: {  	s8 =	sadd.s32 $0xFFFFE003, lr  }
0x1b: {  	s9 =	sadd.s32 $0xFFFFFEF7, lr;
	s5 =	simm.s32 $0xFFFFFFFF;
	p2 =	slt.u32 s8, $0xFFFFF086  }
0x1c: {  	p1 =	slt.u32 s9, $0xF7A;
	s5 =	simm.s32 @!p2 $0x0  }
0x1d: {  	s5 =	simm.s32 @p1 $0x1;
	p0 =	seq.s32 s7, s2  }
0x1e: {  	s7 =	smul.u32 @!p0 $0xF7A, s2;
	p2 =	seq.s32 @!p0 s5, $0x0  }
0x1f: {  	s9 =	smul.u32 $0xF7A, s1;
	s8 =	simm.s32 @!p0 $0x1BF5;
	p2 =	por !p2, p0  }
0x20: {  	[sflag:s8] =	ssyncset.s32 @!p0 $0xFFFFF086;
	s6 =	sadd.s32 @!p0 s3, s7;
	s7 =	simm.s32 @!p0 $0x108  }
0x21: {  	s3 =	sadd.s32 s3, s9;
	s6 =	sadd.s32 @!p0 $0x88, s6;
	s7 =	simm.s32 @p2 $0x1082  }
0x22: {  	[simem:s7], [sflag:s8] =	dma.local @!p0 [hbm:s6], $0xF7A  }
0x23: {  	s9 =	sor.u32 $0xD0000000, s2;
	s6 =	simm.s32 $0x108;
	_ =	swait.ge @!p0 [sflag:s8], $0x0  }
0x24: {  	s3 =	sadd.s32 $0x88, s3;
	s6 =	simm.s32 @!p1 $0x1082;
	[sflag:s4] =	ssyncset.s32 $0xFFFFF086  }
0x25: {  	[simem:s6], [sflag:s4] =	dma.local [hbm:s3], $0xF7A  }
0x26: {  	[smem:$0x3F88] =	sst s1;
	(tag) =	ssettag s2;
	_ =	strace s9  }
0x27: {  	s1 =	sld [smem:$0x3F98]  }
0x28: {  	s2 =	sld [smem:$0x3F99]  }
0x29: {  	s4 =	sld [smem:$0x3F9B]  }
0x2a: {  	p0 =	seq.s32 s5, $0x0;
	s5 =	sld [smem:$0x3F9C]  }
0x2b: {  	s6 =	sld [smem:$0x3F9D]  }
0x2c: {  	s7 =	sld [smem:$0x3F9E]  }
0x2d: {  	s3 =	simm.s32 $0x108;
	s8 =	sld [smem:$0x3F9F]  }
0x2e: {  	s3 =	simm.s32 @!p0 $0x1082;
	s9 =	sld [smem:$0x3FA0]  }
0x2f: {  	lr =	sadd.s32 s0, s3;
	s0 =	sld [smem:$0x3F97]  }
0x30: {  	s3 =	sld [smem:$0x3F9A]  }
0x31: {  	[smem:$0x3FA3] =	sst s10  }
0x32: {  	s10 =	sld [smem:$0x3FA1];
	_ =	sdelay $0x3  }
0x33: {  	p0 =	seq.s32 s10, $0x1;
	s10 =	sld [smem:$0x3FA3];
	_ =	sdelay $0x3  }
0x34: {  	[smem:$0x3FA3] =	sst s10  }
0x35: {  	s10 =	sld [smem:$0x3FA2];
	_ =	sdelay $0x3  }
0x36: {  	p1 =	seq.s32 s10, $0x1;
	s10 =	sld [smem:$0x3FA3];
	_ =	sdelay $0x3  }
0x37: {  	[smem:$0x3FA3] =	sst s10  }
0x38: {  	s10 =	sld [smem:$0x3FA4]  }
0x39: {  	_ = 	snop;
	(pc) =	sbr.ind lr, $3  }
0x3a: {  	_ = 	snop  }
0x3b: {  	_ = 	snop  }
0x3c: {  	p2 =	seq.s32 s10, $0x1;
	s10 =	sld [smem:$0x3FA3]  }
0x3d: {  	_ =	shalt  }
0x3e: {  	_ =	shalt  }
0x3f: {  	_ =	shalt  }
0x40: {  	_ =	shalt  }
0x41: {  	_ =	shalt  }
0x42: {  	_ =	shalt  }
0x43: {  	_ =	shalt  }
0x44: {  	_ =	shalt  }
0x45: {  	_ =	shalt  }
0x46: {  	_ =	shalt  }
0x47: {  	_ =	shalt  }
0x48: {  	_ =	shalt  }
0x49: {  	_ =	shalt  }
0x4a: {  	_ =	shalt  }
0x4b: {  	_ =	shalt  }
0x4c: {  	_ =	shalt  }
0x4d: {  	_ =	shalt  }
0x4e: {  	_ =	shalt  }
0x4f: {  	_ =	shalt  }
0x50: {  	_ =	shalt  }
0x51: {  	_ =	shalt  }
0x52: {  	_ =	shalt  }
0x53: {  	_ =	shalt  }
0x54: {  	_ =	shalt  }
0x55: {  	_ =	shalt  }
0x56: {  	_ =	shalt  }
0x57: {  	_ =	shalt  }
0x58: {  	_ =	shalt  }
0x59: {  	_ =	shalt  }
0x5a: {  	_ =	shalt  }
0x5b: {  	_ =	shalt  }
0x5c: {  	_ =	shalt  }
0x5d: {  	_ =	shalt  }
0x5e: {  	_ =	shalt  }
0x5f: {  	_ =	shalt  }
0x60: {  	_ =	shalt  }
0x61: {  	_ =	shalt  }
0x62: {  	_ =	shalt  }
0x63: {  	_ =	shalt  }
0x64: {  	_ =	shalt  }
0x65: {  	_ =	shalt  }
0x66: {  	_ =	shalt  }
0x67: {  	_ =	shalt  }
0x68: {  	_ =	shalt  }
0x69: {  	_ =	shalt  }
0x6a: {  	_ =	shalt  }
0x6b: {  	_ =	shalt  }
0x6c: {  	_ =	shalt  }
0x6d: {  	_ =	shalt  }
0x6e: {  	_ =	shalt  }
0x6f: {  	_ =	shalt  }
0x70: {  	_ =	shalt  }
0x71: {  	_ =	shalt  }
0x72: {  	_ =	shalt  }
0x73: {  	_ =	shalt  }
0x74: {  	_ =	shalt  }
0x75: {  	_ =	shalt  }
0x76: {  	_ =	shalt  }
0x77: {  	_ =	shalt  }
0x78: {  	_ =	shalt  }
0x79: {  	_ =	shalt  }
0x7a: {  	_ =	shalt  }
0x7b: {  	_ =	shalt  }
0x7c: {  	_ =	shalt  }
0x7d: {  	_ =	shalt  }
0x7e: {  	_ =	shalt  }
0x7f: {  	_ =	shalt  }
0x80: {  	_ =	shalt  }
0x81: {  	_ =	shalt  }
0x82: {  	_ =	shalt  }
0x83: {  	_ =	shalt  }
0x84: {  	_ =	shalt  }
0x85: {  	_ =	shalt  }
0x86: {  	_ =	shalt  }
0x87: {  	_ =	shalt  }
.Lfunc_end0:
.L_simem_size_0:
called_computation.1_lowered:
.L_overlay_start_0:
0x88: {  	s2 =	sld [smem:$0x3FD9]  }
0x89: {  	s3 =	sld [smem:$0x3FFE];
	_ =	sdelay $0x1  }
0x8a: {  	s1 =	srdreg.scid  }
0x8b: {  	s0 =	sand.u32 $0x1, s1  }
0x8c: {  	s17 =	sshll.u32 s0, $0xA;
	s2 =	sadd.s32 s3, s2  }
0x8d: {  	s2 =	sadd.s32 s2, s17  }
0x8e: {  	[smem:$0x3FAF] =	sst s2  }
0x8f: {  	_ = 	snop  }
0x90: {  	s2 =	sld [smem:$0x3FC7]  }
0x91: {  	s18 =	sld [smem:$0x3FD0];
	(tm) =	ssettm $0x1  }
0x92: {  	s4 =	sld [smem:$0x3FFB];
	_ =	sdelay $0x3  }
0x93: {  	_ =	strace s4  }
0x94: {  	s4 =	sld [smem:$0x3FFC];
	_ =	sdelay $0x3  }
0x95: {  	_ =	strace s4  }
0x96: {  	s4 =	sld [smem:$0x3FFD];
	_ =	sdelay $0x3  }
0x97: {  	_ =	strace s4  }
0x98: {  	_ =	strace $0x8FFFFFFF  }
0x99: {  	s19 =	sld [smem:$0x3FDB];
	_ =	sdelay $0x1  }
0x9a: {  	s5 =	simm.s32 $_scs_section_size  }
0x9b: {  	s6 =	simm.s32 $_size__tile_overlayer_lowered;
	s7 =	simm.s32 $_tile_overlayer_lowered  }
0x9c: {  	s22 =	simm.s32 $0x1BFF;
	s21 =	sshll.u32 s7, $0x1;
	s4 =	sadd.s32 s5, s19  }
0x9d: {  	s8 =	simm.s32 $0x0;
	s20 =	sshll.u32 s6, $0x1;
	s6 =	sadd.s32 s21, s4  }
0x9e: {  	[timem:s8], [sflag:s22] =	dma.local [hbm:s6], s20  }
0x9f: {  	_ =	swait.ge [sflag:s22], s20  }
0xa0: {  	s5 =	ssub.s32 $0x0, s20;
	[sflag:s22] =	ssyncset.done $0x0  }
0xa1: {  	[sflag:s22] =	ssyncadd.s32 s5;
	_ =	sdelay $0x1  }
0xa2: {  	s23 =	simm.s32 $0x1B8B  }
0xa3: {  	_ =	swait.ge [sflag:s23], $0x1  }
0xa4: {  	[sflag:s23] =	ssyncset.done $0x0  }
0xa5: {  	s25 =	simm.s32 $0x1B8E;
	s24 =	sld [smem:$0x3FFE];
	[sflag:s23] =	ssyncadd.s32 $0xFFFFFFFF  }
0xa6: {  	s26 =	simm.s32 $execute0_lowered;
	[smem:$0x3FD2] =	sst s25  }
0xa7: {  	s6 =	sshll.u32 s26, $0x1;
	_ =	strace $0x80000049;
	[dreg:$0x1] =	wrdreg $0xFFFFFFFF  }
0xa8: {  	s28 =	simm.s32 $_size_execute0_lowered;
	s4 =	sadd.s32 s4, s6;
	[dreg:$0x0] =	wrdreg $0x0  }
0xa9: {  	s6 =	sshll.u32 s28, $0x1;
	[dreg:$0x2] =	wrdreg s4  }
0xaa: {  	[dreg:$0x3] =	wrdreg s6  }
0xab: {  	[dreg:$0x4] =	wrdreg $0xC0  }
0xac: {  	_ =	task [dreg:s8], $0x5FFFF  }
0xad: {  	[dreg:$0x1] =	wrdreg $0xFFFFFFFF  }
0xae: {  	[dreg:$0x0] =	wrdreg $0x60  }
0xaf: {  	[dreg:$0x2] =	wrdreg s24  }
0xb0: {  	[dreg:$0x3] =	wrdreg s2  }
0xb1: {  	[dreg:$0x4] =	wrdreg s18  }
0xb2: {  	[dreg:$0x5] =	wrdreg $0x81800  }
0xb3: {  	[dreg:$0x6] =	wrdreg $0x9  }
0xb4: {  	_ =	task.clear_ibuf [dreg:s8], $0x7FFFF;
	_ =	strace $0x90000049  }
0xb5: {  	s29 =	simm.s32 $0x9;
	_ =	strace $0x8000004B  }
0xb6: {  	_ =	swait.ge [sflag:s29], $0x1  }
0xb7: {  	[sflag:s29] =	ssyncadd.s32 $0xFFFFFFFF  }
0xb8: {  	_ =	strace $0x9000004B  }
0xb9: {  	_ =	sfence  }
0xba: {  	s30 =	sld [smem:$0x0];
	_ =	sdelay $0x2  }
0xbb: {  	s31 =	sshll.u32 s1, $0xD;
	s1 =	sshrl.u32 s1, $0x2  }
0xbc: {  	s3 =	sand.u32 $0x4000, s31;
	s1 =	sadd.s32 s1, s30  }
0xbd: {  	s0 =	sor.u32 s3, s0;
	s1 =	sshll.u32 s1, $0x11  }
0xbe: {  	s0 =	sor.u32 s1, s0  }
0xbf: {  	s0 =	sadd.s32 $0x8F2B, s0  }
0xc0: {  	[sflag:s0] =	ssyncadd.remote.s32 $0x1  }
0xc1: {  	_ =	sfence.sel $0xFFFF  }
0xc2: {  	[dreg:$0x0] =	wrdreg $0xFFFFFFFF;
	(pc) =	sbr.abs _section_cstart, $3  }
0xc3: {  	[dreg:$0x1] =	wrdreg $0xFFFFFFFF  }
0xc4: {  	_ =	task.clear_ibuf [dreg:s8], $0x2FFFF;
	_ =	strace $0x9FFFFFFF  }
0xc5: {  	(tm) =	ssettm $0x7FFFFFFF  }
tec
execute0_lowered:
.L_overlay_start_1:
0x0: {  	(tag) =	ssettag $0x1  }
0x1: {  	s1 =	rddreg [dreg:$0x0];
	s2 =	srdreg.scid  }
0x2: {  	s0 =	stileid.u32;
	s11 =	rddreg [dreg:$0x1]  }
0x3: {  	s4 =	simm.s32 $0x0;
	s28 =	simm.s32 $0x40;
	s29 =	simm.s32 $0x180  }
0x4: {  	s30 =	simm.s32 $0x2;
	s31 =	simm.s32 $0x2180;
	s5 =	sand.u32 $0x1, s2  }
0x5: {  	s3 =	sshll.u32 s0, $0x1;
	[smem:$0x7FF] =	sst s4;
	s9 =	smul.u32 $0x6400, s0  }
0x6: {  	s12 =	sshll.u32 s0, $0xD;
	s15 =	smul.u32 $0x19000, s0;
	p5 =	sgt.u32 s0, $0x4  }
0x7: {  	p4 =	seq.s32 s0, $0xF;
	s17 =	sor.u32 s5, s3;
	s3 =	rddreg [dreg:$0x3]  }
0x8: {  	s7 =	smul.u32 $0x1F400, s5;
	_ =	strace $0x8000004A;
	s5 =	ssub.s32 $0x2, s5  }
0x9: {  	s6 =	smul.u32 $0x9C, s17;
	s2 =	sshrl.u32 s5, $0x1;
	s15 =	sshrl.u32 s15, $0x2  }
0xa: {  	p6 =	sne.s32 s17, $0x1F;
	s17 =	simm.s32 $0x7;
	s7 =	sadd.s32 s9, s7  }
0xb: {  	s14 =	ssub.s32 s5, s2;
	s9 =	sadd.s32 s12, s3;
	s12 =	sadd.s32 $0x2AC00, s1  }
0xc: {  	s8 =	sshrl.u32 s6, $0x5;
	s7 =	sshrl.u32 s7, $0x3;
	s6 =	sadd.s32 $0x9C, s6  }
0xd: {  	s14 =	smax.u32 s14, $0x1;
	s10 =	sshll.u32 s8, $0xA;
	s13 =	sadd.s32 s7, s1  }
0xe: {  	s18 =	sadd.s32 s10, s1;
	s10 =	sshrl.u32 s6, $0x5;
	s13 =	sadd.s32 $0x2AE00, s13  }
0xf: {  	s1 =	sadd.s32 s15, s3;
	s19 =	ssub.s32 s10, s8;
	s5 =	sadd.s32 $0x3C00, s18  }
0x10: {  	s6 =	sadd.s32 $0x4000, s18;
	s7 =	sadd.s32 $0x4400, s18;
	p0 =	slt.s32 s19, $0x1  }
0x11: {  	s8 =	sshll.u32 s8, $0x3;
	s10 =	sadd.s32 $0x1E000, s3;
	p2 =	seq.s32 @!p0 s19, $0x1  }
0x12: {  	s16 =	sadd.s32 $0x4800, s18;
	s20 =	sadd.s32 $0x4C00, s18;
	p1 =	por p2, p0  }
0x13: {  	s21 =	sadd.s32 $0x5000, s18;
	s22 =	sadd.s32 $0x5400, s18;
	p3 =	slt.u32 @!p1 s19, $0x3  }
0x14: {  	[dreg:$0x5] =	wrdreg s16;
	p2 =	por @!p0 p3, p2;
	p3 =	slt.u32 s19, $0x4  }
0x15: {  	s23 =	sadd.s32 $0x5800, s18;
	[dreg:$0x6] =	wrdreg s20;
	s2 =	simm.s32 @!p3 $0x0  }
0x16: {  	[dreg:$0x7] =	wrdreg s21;
	s2 =	simm.s32 @p3 $0x1;
	p3 =	slt.u32 s19, $0x5  }
0x17: {  	s24 =	sadd.s32 $0x5C00, s18;
	[smem:$0x7F4] =	sst s2;
	s2 =	simm.s32 @!p3 $0x0  }
0x18: {  	[dreg:$0x8] =	wrdreg s22;
	s2 =	simm.s32 @p3 $0x1;
	p3 =	slt.u32 s19, $0x6  }
0x19: {  	s25 =	sadd.s32 $0x6000, s18;
	[smem:$0x7F5] =	sst s2;
	s2 =	simm.s32 @!p3 $0x0  }
0x1a: {  	[dreg:$0x9] =	wrdreg s23;
	s2 =	simm.s32 @p3 $0x1;
	p3 =	slt.u32 s19, $0x7  }
0x1b: {  	s26 =	sadd.s32 $0x6400, s18;
	[smem:$0x7F6] =	sst s2;
	s2 =	simm.s32 @!p3 $0x0  }
0x1c: {  	[dreg:$0xa] =	wrdreg s24;
	s2 =	simm.s32 @p3 $0x1;
	p3 =	slt.u32 s19, $0x8  }
0x1d: {  	s18 =	simm.s32 $0x4;
	[smem:$0x7F7] =	sst s2;
	s2 =	simm.s32 @!p3 $0x0  }
0x1e: {  	[dreg:$0xb] =	wrdreg s25;
	s2 =	simm.s32 @p3 $0x1;
	p3 =	slt.u32 s19, $0x9  }
0x1f: {  	s8 =	sadd.s32 s11, s8;
	[smem:$0x7F8] =	sst s2;
	s2 =	simm.s32 @!p3 $0x0  }
0x20: {  	[dreg:$0xc] =	wrdreg s26;
	s2 =	simm.s32 @p3 $0x1;
	p3 =	slt.u32 s19, $0xA  }
0x21: {  	s11 =	sadd.s32 $0x4E0, s11;
	[smem:$0x7F9] =	sst s2;
	s2 =	simm.s32 @!p3 $0x0  }
0x22: {  	s23 =	simm.s32 $0x9;
	s2 =	simm.s32 @p3 $0x1;
	p3 =	slt.u32 s19, $0xB  }
0x23: {  	s24 =	simm.s32 $0x6180;
	[smem:$0x7FA] =	sst s2;
	s2 =	simm.s32 @!p3 $0x0  }
0x24: {  	s25 =	sshrl.u32 @!p5 s1, $0x3;
	s2 =	simm.s32 @p3 $0x1;
	p3 =	slt.u32 s19, $0x3  }
.Ltmp0:
0x25: {  	[smem:$0x7FB] =	sst s2;
	s2 =	simm.s32 @!p3 $0x0;
	(pc) =	sbr.rel .LBB2_1-.Ltmp0, $4  }
0x26: {  	s26 =	simm.s32 $0x1;
	s2 =	simm.s32 @p3 $0x1;
	p3 =	slt.s32 s19, $0x2  }
0x27: {  	s1 =	simm.s32 $0x5;
	[smem:$0x7FC] =	sst s2;
	s2 =	simm.s32 @!p3 $0x0  }
0x28: {  	s21 =	simm.s32 $0x3;
	s20 =	simm.s32 $0x8;
	s2 =	simm.s32 @p3 $0x1  }
0x29: {  	p2 =	por p2, p0;
	s19 =	simm.s32 $0x6;
	[smem:$0x7FD] =	sst s2  }
.LBB2_21:
0x2a: {  	_ =	swait.ge [sflag:s19], $0x2000  }
0x2b: {  	[sflag:s19] =	ssyncset.done $0x0  }
0x2c: {  	s2 =	rddreg [dreg:$0xb];
	[sflag:s19] =	ssyncadd.s32 $0xFFFFE000  }
0x2d: {  	[tilespmem:s31], [sflag:$0x2] =	stream.linear.gather [hbm4b:s2+s4], $0x2000, $0x38;
	[tilespmem:$0xA140] =	vst v63  }
.LBB2_23:
0x2e: {  	_ =	swait.ge [sflag:s18], $0x2000  }
0x2f: {  	[sflag:s18] =	ssyncset.done $0x0;
	s22 =	sld [smem:$0x7FB]  }
0x30: {  	s2 =	simm.s32 $0x1C0;
	[sflag:s18] =	ssyncadd.s32 $0xFFFFE000  }
0x31: {  	[spmem:s3] =	stream.indirect.scatter.add.f32 [tilespmem:s24], [sflag:$0x8], $0x80, s2, s28, $0xb8;
	[tilespmem:$0xA140] =	vst v63  }
0x32: {  	p3 =	seq.s32 s22, $0x1  }
0x33: {  	s15 =	simm.s32 @!p3 $0x7  }
0x34: {  	_ =	swait.ge @!p3 [sflag:s15], $0x2000  }
0x35: {  	s16 =	simm.s32 @!p3 $0x4180;
	[sflag:s15] =	ssyncset.done @!p3 $0x0  }
0x36: {  	s2 =	rddreg [dreg:$0xc];
	[sflag:s15] =	ssyncadd.s32 @!p3 $0xFFFFE000;
	s15 =	simm.s32 @!p3 $0x0  }
0x37: {  	[tilespmem:s16], [sflag:$0x3] =	stream.linear.gather @!p3 [hbm4b:s2+s15], $0x2000, $0x38;
	[tilespmem:$0xA140] =	vst v63  }
.LBB2_24:
0x38: {  	_ =	swait.ge [sflag:s1], $0x2000  }
0x39: {  	[sflag:s1] =	ssyncset.done $0x0  }
0x3a: {  	[sflag:s1] =	ssyncadd.s32 $0xFFFFE000  }
0x3b: {  	_ =	swait.ge [sflag:s19], $0x2000  }
0x3c: {  	[sflag:s19] =	ssyncset.done $0x0  }
0x3d: {  	[sflag:s19] =	ssyncadd.s32 $0xFFFFE000  }
0x3e: {  	_ =	swait.ge [sflag:s17], $0x2000  }
0x3f: {  	[sflag:s17] =	ssyncset.done $0x0  }
0x40: {  	[sflag:s17] =	ssyncadd.s32 $0xFFFFE000  }
0x41: {  	_ =	swait.ge [sflag:s20], $0x2000  }
0x42: {  	s15 =	simm.s32 @!p6 $0x0;
	[sflag:s20] =	ssyncset.done $0x0  }
0x43: {  	s16 =	simm.s32 @!p6 $0xA0C0;
	s22 =	simm.s32 @!p6 $0x9;
	[sflag:s20] =	ssyncadd.s32 $0xFFFFE000  }
0x44: {  	[tilespmem:s16], [sflag:$0x9] =	stream.linear.gather @!p6 [hbm4b:s11+s15], $0x10, $0x38;
	[tilespmem:$0xA140] =	vst v63  }
0x45: {  	_ =	swait.ge @!p6 [sflag:s22], $0x10  }
0x46: {  	[sflag:s22] =	ssyncset.done @!p6 $0x0  }
0x47: {  	s2 =	simm.s32 @!p6 $0x180;
	[sflag:s22] =	ssyncadd.s32 @!p6 $0xFFFFFFF0  }
0x48: {  	[tilespmem:s2], [sflag:$0x9] =	stream.linear.gather @!p6 [hbm4b:s12+s15], $0x800, $0x38;
	[tilespmem:$0xA140] =	vst v63  }
0x49: {  	_ =	swait.ge @!p6 [sflag:s22], $0x800  }
0x4a: {  	[sflag:s22] =	ssyncset.done @!p6 $0x0  }
0x4b: {  	s15 =	simm.s32 @!p6 $0x10;
	[sflag:s22] =	ssyncadd.s32 @!p6 $0xFFFFF800  }
0x4c: {  	[spmem:s3] =	stream.indirect.scatter.add.f32 @!p6 [tilespmem:s2], [sflag:$0x9], $0x80, s16, s15, $0xb8;
	[tilespmem:$0xA140] =	vst v63  }
0x4d: {  	_ =	swait.ge @!p6 [sflag:s22], $0x800  }
0x4e: {  	[sflag:s22] =	ssyncset.done @!p6 $0x0  }
0x4f: {  	s14 =	sadd.s32 $0xFFFFFFFF, s14;
	s2 =	sshll.u32 @!p5 s0, $0x6;
	[sflag:s22] =	ssyncadd.s32 @!p6 $0xFFFFF800  }
0x50: {  	p3 =	sne.s32 s14, $0x0;
	s2 =	sor.u32 @!p5 $0x1C09, s2;
	[bflag:$0x0] =	sbarrier.arrive $0xFFFF  }
0x51: {  	[hbm:s13], [sflag:s2] =	dma.local @!p5 [spmem:s25], $0xC80  }
.Ltmp1:
0x52: {  	_ = 	snop;
	(pc) =	sbr.rel @!p3 .LBB2_25-.Ltmp1, $4  }
0x53: {  	s2 =	simm.s32 @!p5 $0x9  }
0x54: {  	_ =	swait.ge @!p5 [sflag:s2], $0xC80  }
0x55: {  	[sflag:s2] =	ssyncset.done @!p5 $0x0  }
0x56: {  	[sflag:s2] =	ssyncadd.s32 @!p5 $0xFFFFF380  }
.LBB2_1:
0x57: {  	s16 =	simm.s32 @!p0 $0x0;
	s15 =	simm.s32 @!p0 $0x180  }
0x58: {  	[tilespmem:s15], [sflag:$0x1] =	stream.linear.gather @!p0 [hbm4b:s5+s16], $0x2000, $0x38;
	[tilespmem:$0xA140] =	vst v63  }
0x59: {  	s15 =	simm.s32 @!p1 $0x0;
	s16 =	simm.s32 @!p1 $0x2180  }
0x5a: {  	[tilespmem:s16], [sflag:$0x2] =	stream.linear.gather @!p1 [hbm4b:s6+s15], $0x2000, $0x38;
	[tilespmem:$0xA140] =	vst v63  }
0x5b: {  	s15 =	simm.s32 @!p2 $0x0;
	s16 =	simm.s32 @!p2 $0x4180  }
0x5c: {  	[tilespmem:s16], [sflag:$0x3] =	stream.linear.gather @!p2 [hbm4b:s7+s15], $0x2000, $0x38;
	[tilespmem:$0xA140] =	vst v63  }
0x5d: {  	_ = 	snop  }
0x5e: {  	[tilespmem:s4], [sflag:$0x9] =	stream.linear.gather [hbm4b:s8+s4], $0x140, $0x38;
	[tilespmem:$0xA140] =	vst v63  }
0x5f: {  	_ =	swait.ge [sflag:s23], $0x140  }
0x60: {  	[sflag:s23] =	ssyncset.done $0x0  }
0x61: {  	[sflag:s23] =	ssyncadd.s32 $0xFFFFFEC0  }
0x62: {  	s2 =	rddreg [dreg:$0x2]  }
0x63: {  	[tilespmem:s24], [sflag:$0x9] =	stream.linear.gather [hbm4b:s2+s4], $0x2000, $0x38;
	[tilespmem:$0xA140] =	vst v63  }
0x64: {  	_ =	swait.ge [sflag:s23], $0x2000  }
0x65: {  	[sflag:s23] =	ssyncset.done $0x0  }
0x66: {  	s15 =	simm.s32 @p4 $0x6180;
	[sflag:s23] =	ssyncadd.s32 $0xFFFFE000  }
0x67: {  	[spmem:s10] =	stream.linear.scatter @p4 [tilespmem:s15], [sflag:$0x9], $0x1400, $0x38;
	[tilespmem:$0xA140] =	vst v63  }
0x68: {  	s15 =	simm.s32 @p4 $0x9  }
0x69: {  	_ =	swait.ge @p4 [sflag:s15], $0x1400  }
0x6a: {  	[sflag:s15] =	ssyncset.done @p4 $0x0  }
0x6b: {  	[sflag:s15] =	ssyncadd.s32 @p4 $0xFFFFEC00;
	s15 =	simm.s32 @!p4 $0x6180  }
0x6c: {  	[spmem:s9] =	stream.linear.scatter @!p4 [tilespmem:s15], [sflag:$0x9], $0x2000, $0x38;
	[tilespmem:$0xA140] =	vst v63  }
0x6d: {  	s15 =	simm.s32 @!p4 $0x9  }
.Ltmp2:
0x6e: {  	_ =	swait.ge @!p4 [sflag:s15], $0x2000;
	(pc) =	sbr.rel @p0 .LBB2_24-.Ltmp2, $3  }
0x6f: {  	[sflag:s15] =	ssyncset.done @!p4 $0x0  }
0x70: {  	[sflag:s15] =	ssyncadd.s32 @!p4 $0xFFFFE000  }
0x71: {  	[bflag:$0x0] =	sbarrier.arrive $0xFFFF;
	_ =	sdelay $0x1  }
0x72: {  	_ =	swait.ge [sflag:s26], $0x2000  }
0x73: {  	s2 =	sld [smem:$0x7F4];
	_ =	sdelay $0x2  }
0x74: {  	p3 =	seq.s32 s2, $0x1  }
.Ltmp3:
0x75: {  	_ = 	snop;
	(pc) =	sbr.rel @p3 .LBB2_4-.Ltmp3, $4  }
0x76: {  	_ = 	snop  }
0x77: {  	[sflag:s26] =	ssyncset.done $0x0  }
0x78: {  	[sflag:s26] =	ssyncadd.s32 $0xFFFFE000  }
0x79: {  	[spmem:s3] =	stream.indirect.scatter.add.f32 [tilespmem:s29], [sflag:$0x5], $0x80, s4, s28, $0xb8;
	[tilespmem:$0xA140] =	vst v63  }
.Ltmp4:
0x7a: {  	(pc) =	sbr.rel .LBB2_5-.Ltmp4, $3  }
0x7b: {  	_ =	sdelay $0x1  }
0x7c: {  	s2 =	rddreg [dreg:$0x5]  }
0x7d: {  	[tilespmem:s24], [sflag:$0x4] =	stream.linear.gather [hbm4b:s2+s4], $0x2000, $0x38;
	[tilespmem:$0xA140] =	vst v63  }
.LBB2_4:
0x7e: {  	s2 =	sld [smem:$0x7FD];
	_ =	sdelay $0x2  }
0x7f: {  	p3 =	seq.s32 s2, $0x1  }
.Ltmp5:
0x80: {  	_ = 	snop;
	(pc) =	sbr.rel @p3 .LBB2_24-.Ltmp5, $1  }
0x81: {  	_ =	sdelay $0x3  }
.LBB2_5:
0x82: {  	_ =	swait.ge [sflag:s30], $0x2000  }
0x83: {  	s2 =	sld [smem:$0x7F5];
	_ =	sdelay $0x2  }
0x84: {  	p3 =	seq.s32 s2, $0x1  }
.Ltmp6:
0x85: {  	_ = 	snop;
	(pc) =	sbr.rel @p3 .LBB2_7-.Ltmp6, $4  }
0x86: {  	_ = 	snop  }
0x87: {  	[sflag:s30] =	ssyncset.done $0x0  }
0x88: {  	[sflag:s30] =	ssyncadd.s32 $0xFFFFE000  }
0x89: {  	[spmem:s3] =	stream.indirect.scatter.add.f32 [tilespmem:s31], [sflag:$0x6], $0x80, s28, s28, $0xb8;
	[tilespmem:$0xA140] =	vst v63  }
.Ltmp7:
0x8a: {  	(pc) =	sbr.rel .LBB2_8-.Ltmp7, $4  }
0x8b: {  	_ =	swait.ge [sflag:s1], $0x2000  }
0x8c: {  	[sflag:s1] =	ssyncset.done $0x0  }
0x8d: {  	s2 =	rddreg [dreg:$0x6];
	[sflag:s1] =	ssyncadd.s32 $0xFFFFE000  }
0x8e: {  	[tilespmem:s29], [sflag:$0x1] =	stream.linear.gather [hbm4b:s2+s4], $0x2000, $0x38;
	[tilespmem:$0xA140] =	vst v63  }
.LBB2_7:
0x8f: {  	s2 =	sld [smem:$0x7FC];
	_ =	sdelay $0x2  }
0x90: {  	p3 =	seq.s32 s2, $0x1  }
.Ltmp8:
0x91: {  	_ = 	snop;
	(pc) =	sbr.rel @p3 .LBB2_24-.Ltmp8, $1  }
0x92: {  	_ =	sdelay $0x3  }
.LBB2_8:
0x93: {  	_ =	swait.ge [sflag:s21], $0x2000  }
0x94: {  	s22 =	sld [smem:$0x7F6];
	_ =	sdelay $0x2  }
0x95: {  	p3 =	seq.s32 s22, $0x1  }
.Ltmp9:
0x96: {  	_ = 	snop;
	(pc) =	sbr.rel @p3 .LBB2_10-.Ltmp9, $4  }
0x97: {  	_ = 	snop  }
0x98: {  	[sflag:s21] =	ssyncset.done $0x0  }
0x99: {  	s2 =	simm.s32 $0x80;
	s15 =	simm.s32 $0x4180;
	[sflag:s21] =	ssyncadd.s32 $0xFFFFE000  }
0x9a: {  	[spmem:s3] =	stream.indirect.scatter.add.f32 [tilespmem:s15], [sflag:$0x7], $0x80, s2, s28, $0xb8;
	[tilespmem:$0xA140] =	vst v63  }
.Ltmp10:
0x9b: {  	(pc) =	sbr.rel .LBB2_11-.Ltmp10, $4  }
0x9c: {  	_ =	swait.ge [sflag:s19], $0x2000  }
0x9d: {  	[sflag:s19] =	ssyncset.done $0x0  }
0x9e: {  	s2 =	rddreg [dreg:$0x7];
	[sflag:s19] =	ssyncadd.s32 $0xFFFFE000  }
0x9f: {  	[tilespmem:s31], [sflag:$0x2] =	stream.linear.gather [hbm4b:s2+s4], $0x2000, $0x38;
	[tilespmem:$0xA140] =	vst v63  }
.LBB2_10:
0xa0: {  	s2 =	sld [smem:$0x7F4];
	_ =	sdelay $0x2  }
0xa1: {  	p3 =	seq.s32 s2, $0x1  }
.Ltmp11:
0xa2: {  	_ = 	snop;
	(pc) =	sbr.rel @p3 .LBB2_24-.Ltmp11, $1  }
0xa3: {  	_ =	sdelay $0x3  }
.LBB2_11:
0xa4: {  	_ =	swait.ge [sflag:s18], $0x2000  }
0xa5: {  	s22 =	sld [smem:$0x7F7];
	_ =	sdelay $0x2  }
0xa6: {  	p3 =	seq.s32 s22, $0x1  }
.Ltmp12:
0xa7: {  	_ = 	snop;
	(pc) =	sbr.rel @p3 .LBB2_13-.Ltmp12, $4  }
0xa8: {  	_ = 	snop  }
0xa9: {  	[sflag:s18] =	ssyncset.done $0x0  }
0xaa: {  	s2 =	simm.s32 $0xC0;
	[sflag:s18] =	ssyncadd.s32 $0xFFFFE000  }
0xab: {  	[spmem:s3] =	stream.indirect.scatter.add.f32 [tilespmem:s24], [sflag:$0x8], $0x80, s2, s28, $0xb8;
	[tilespmem:$0xA140] =	vst v63  }
.Ltmp13:
0xac: {  	(pc) =	sbr.rel .LBB2_14-.Ltmp13, $4  }
0xad: {  	_ =	swait.ge [sflag:s17], $0x2000  }
0xae: {  	[sflag:s17] =	ssyncset.done $0x0  }
0xaf: {  	s15 =	simm.s32 $0x4180;
	s2 =	rddreg [dreg:$0x8];
	[sflag:s17] =	ssyncadd.s32 $0xFFFFE000  }
0xb0: {  	[tilespmem:s15], [sflag:$0x3] =	stream.linear.gather [hbm4b:s2+s4], $0x2000, $0x38;
	[tilespmem:$0xA140] =	vst v63  }
.LBB2_13:
0xb1: {  	s2 =	sld [smem:$0x7F5];
	_ =	sdelay $0x2  }
0xb2: {  	p3 =	seq.s32 s2, $0x1  }
.Ltmp14:
0xb3: {  	_ = 	snop;
	(pc) =	sbr.rel @p3 .LBB2_24-.Ltmp14, $1  }
0xb4: {  	_ =	sdelay $0x3  }
.LBB2_14:
0xb5: {  	_ =	swait.ge [sflag:s26], $0x2000  }
0xb6: {  	s22 =	sld [smem:$0x7F8];
	_ =	sdelay $0x2  }
0xb7: {  	p3 =	seq.s32 s22, $0x1  }
.Ltmp15:
0xb8: {  	_ = 	snop;
	(pc) =	sbr.rel @p3 .LBB2_16-.Ltmp15, $4  }
0xb9: {  	_ = 	snop  }
0xba: {  	[sflag:s26] =	ssyncset.done $0x0  }
0xbb: {  	s2 =	simm.s32 $0x100;
	[sflag:s26] =	ssyncadd.s32 $0xFFFFE000  }
0xbc: {  	[spmem:s3] =	stream.indirect.scatter.add.f32 [tilespmem:s29], [sflag:$0x5], $0x80, s2, s28, $0xb8;
	[tilespmem:$0xA140] =	vst v63  }
.Ltmp16:
0xbd: {  	(pc) =	sbr.rel .LBB2_17-.Ltmp16, $4  }
0xbe: {  	_ =	swait.ge [sflag:s20], $0x2000  }
0xbf: {  	[sflag:s20] =	ssyncset.done $0x0  }
0xc0: {  	s2 =	rddreg [dreg:$0x9];
	[sflag:s20] =	ssyncadd.s32 $0xFFFFE000  }
0xc1: {  	[tilespmem:s24], [sflag:$0x4] =	stream.linear.gather [hbm4b:s2+s4], $0x2000, $0x38;
	[tilespmem:$0xA140] =	vst v63  }
.LBB2_16:
0xc2: {  	s2 =	sld [smem:$0x7F6];
	_ =	sdelay $0x2  }
0xc3: {  	p3 =	seq.s32 s2, $0x1  }
.Ltmp17:
0xc4: {  	_ = 	snop;
	(pc) =	sbr.rel @p3 .LBB2_24-.Ltmp17, $1  }
0xc5: {  	_ =	sdelay $0x3  }
.LBB2_17:
0xc6: {  	_ =	swait.ge [sflag:s30], $0x2000  }
0xc7: {  	s22 =	sld [smem:$0x7F9];
	_ =	sdelay $0x2  }
0xc8: {  	p3 =	seq.s32 s22, $0x1  }
.Ltmp18:
0xc9: {  	_ = 	snop;
	(pc) =	sbr.rel @p3 .LBB2_19-.Ltmp18, $4  }
0xca: {  	_ = 	snop  }
0xcb: {  	[sflag:s30] =	ssyncset.done $0x0  }
0xcc: {  	s2 =	simm.s32 $0x140;
	[sflag:s30] =	ssyncadd.s32 $0xFFFFE000  }
0xcd: {  	[spmem:s3] =	stream.indirect.scatter.add.f32 [tilespmem:s31], [sflag:$0x6], $0x80, s2, s28, $0xb8;
	[tilespmem:$0xA140] =	vst v63  }
.Ltmp19:
0xce: {  	(pc) =	sbr.rel .LBB2_20-.Ltmp19, $4  }
0xcf: {  	_ =	swait.ge [sflag:s1], $0x2000  }
0xd0: {  	[sflag:s1] =	ssyncset.done $0x0  }
0xd1: {  	s2 =	rddreg [dreg:$0xa];
	[sflag:s1] =	ssyncadd.s32 $0xFFFFE000  }
0xd2: {  	[tilespmem:s29], [sflag:$0x1] =	stream.linear.gather [hbm4b:s2+s4], $0x2000, $0x38;
	[tilespmem:$0xA140] =	vst v63  }
.LBB2_19:
0xd3: {  	s2 =	sld [smem:$0x7F7];
	_ =	sdelay $0x2  }
0xd4: {  	p3 =	seq.s32 s2, $0x1  }
.Ltmp20:
0xd5: {  	_ = 	snop;
	(pc) =	sbr.rel @p3 .LBB2_24-.Ltmp20, $1  }
0xd6: {  	_ =	sdelay $0x3  }
.LBB2_20:
0xd7: {  	_ =	swait.ge [sflag:s21], $0x2000  }
0xd8: {  	s22 =	sld [smem:$0x7FA];
	_ =	sdelay $0x2  }
0xd9: {  	p3 =	seq.s32 s22, $0x1  }
.Ltmp21:
0xda: {  	_ = 	snop;
	(pc) =	sbr.rel @!p3 .LBB2_21-.Ltmp21, $4  }
0xdb: {  	_ = 	snop  }
0xdc: {  	[sflag:s21] =	ssyncset.done $0x0  }
0xdd: {  	s2 =	simm.s32 $0x4180;
	[sflag:s21] =	ssyncadd.s32 $0xFFFFE000  }
0xde: {  	[spmem:s3] =	stream.indirect.scatter.add.f32 [tilespmem:s2], [sflag:$0x7], $0x80, s29, s28, $0xb8;
	[tilespmem:$0xA140] =	vst v63  }
0xdf: {  	s2 =	sld [smem:$0x7F8];
	_ =	sdelay $0x2  }
0xe0: {  	p3 =	seq.s32 s2, $0x1  }
.Ltmp22:
0xe1: {  	_ = 	snop;
	(pc) =	sbr.rel @p3 .LBB2_24-.Ltmp22, $4  }
.Ltmp23:
0xe2: {  	_ = 	snop;
	(pc) =	sbr.rel @!p3 .LBB2_23-.Ltmp23, $4  }
0xe3: {  	_ = 	snop  }
0xe4: {  	_ = 	snop  }
0xe5: {  	_ = 	snop  }
0xe6: {  	_ = 	snop  }
.LBB2_25:
0xe7: {  	_ =	sfence.sel $0x180000  }
0xe8: {  	[bflag:$0x0] =	sbarrier.arrive $0xFFFF  }
0xe9: {  	_ =	strace $0x9000004A  }
0xea: {  	[bflag:$0x2] =	sbarrier.arrive $0xFFFF  }
0xeb: {  	p0 =	sne.s32 s0, $0x0;
	s0 =	rddreg [dreg:$0x4]  }
0xec: {  	s0 =	sadd.s32 @!p0 $0x100000, s0  }
0xed: {  	[sflag:s0] =	ssyncadd.tile.s32 @!p0 $0x1;
	_ =	shalt  }
.Lfunc_end2:
_tile_overlayer_lowered:
.L_overlay_start_2:
0xee: {  	(tag) =	ssettag $0x2  }
0xef: {  	s0 =	rddreg [dreg:$0x0];
	s2 =	stileid.u32  }
0xf0: {  	s1 =	rddreg [dreg:$0x1];
	p0 =	sne.s32 s2, $0x0  }
0xf1: {  	s3 =	rddreg [dreg:$0x2];
	[bflag:$0x3] =	sbarrier.arrive $0xFFFF;
	s2 =	simm.s32 @!p0 $0x1C09  }
0xf2: {  	[timem:s3], [sflag:s2] =	dma.local @!p0 [hbm:s0], s1  }
0xf3: {  	s0 =	simm.s32 @!p0 $0x9  }
0xf4: {  	_ =	swait.ge @!p0 [sflag:s0], s1  }
0xf5: {  	s1 =	ssub.s32 @!p0 $0x0, s1;
	[sflag:s0] =	ssyncset.done @!p0 $0x0  }
0xf6: {  	[sflag:s0] =	ssyncadd.s32 @!p0 s1  }
0xf7: {  	[bflag:$0x3] =	sbarrier.arrive $0xFFFF  }
0xf8: {  	_ =	shalt  }

</sc_bundles>
